<compile_context>
chip_gen: v7x
topology: tpu7x:2x2x1
jax: 0.10.2.dev20260603
libtpu: 0.0.44.dev20260713+nightly
codegen_flags: <defaults>
</compile_context>

<pallas_src>
import functools

import jax
import jax.numpy as jnp
import numpy as np
from jax import lax
from jax.experimental import pallas as pl
from jax.experimental.pallas import tpu as pltpu
from jax.experimental.pallas import tpu_sc as plsc

N = 10000
E = 320000
NC = 2
NS = 16
C = 128
EW = -(-E // (NS * 2 * C)) * 2 * C
NCH = EW // C
NP = 10240
ROWS_PER_TILE = NP // NS
ZROWS = 128

_PERM32 = np.empty(32, dtype=np.int32)
_PERM32[0::2] = np.arange(16)
_PERM32[1::2] = np.arange(16) + 16


def _packed_perm(d):
    return (np.arange(0, d, 32)[:, None] + _PERM32[None, :]).reshape(d)


def _spmm_sc(dense2w, colp, rowp, valp, d2):
    d2b = d2 // 2
    mesh = plsc.VectorSubcoreMesh(core_axis_name="c", subcore_axis_name="s")

    @functools.partial(
        pl.kernel,
        out_type=jax.ShapeDtypeStruct((NC, NP, d2), jnp.float32),
        mesh=mesh,
        scratch_types=[
            pltpu.VMEM((NCH, C), jnp.int32),
            pltpu.VMEM((NCH, C), jnp.int32),
            pltpu.VMEM((NCH, C), jnp.float32),
            pltpu.VMEM((C, d2), jnp.bfloat16),
            pltpu.VMEM((C, d2), jnp.bfloat16),
            pltpu.VMEM((C, d2), jnp.float32),
            pltpu.VMEM((C, d2), jnp.float32),
            pltpu.VMEM_SHARED((NP, d2), jnp.float32),
            pltpu.SemaphoreType.DMA,
            pltpu.SemaphoreType.DMA,
            pltpu.SemaphoreType.DMA,
            pltpu.SemaphoreType.DMA,
        ],
        compiler_params=pltpu.CompilerParams(use_tc_tiling_on_sc=False, needs_layout_passes=False),
    )
    def k(dense_hbm, col_hbm, row_hbm, val_hbm, out_hbm,
          colv, rowv, valv, gbuf0, gbuf1, fbuf0, fbuf1, acc,
          gsem0, gsem1, ssem0, ssem1):
        cid = lax.axis_index("c")
        sid = lax.axis_index("s")
        gbufs = (gbuf0, gbuf1)
        fbufs = (fbuf0, fbuf1)
        gsems = (gsem0, gsem1)
        ssems = (ssem0, ssem1)

        pltpu.sync_copy(col_hbm.at[sid], colv)
        pltpu.sync_copy(row_hbm.at[sid], rowv)
        pltpu.sync_copy(val_hbm.at[sid], valv)

        off = cid * N

        def shift(j, c2):
            for kk in range(C // 16):
                sl = pl.ds(kk * 16, 16)
                colv[j, sl] = colv[j, sl] + off
            return c2

        lax.fori_loop(0, NCH, shift, 0)

        zero = jnp.zeros((16,), jnp.float32)

        def zrow(i, carry):
            for kk in range(d2 // 16):
                fbuf0[i, pl.ds(kk * 16, 16)] = zero
            return carry

        lax.fori_loop(0, C, zrow, 0)
        for b in range(ROWS_PER_TILE // C):
            pltpu.sync_copy(
                fbuf0, acc.at[pl.ds(sid * ROWS_PER_TILE + b * C, C)])
        plsc.subcore_barrier()

        hi_mask = jnp.full((16,), -65536, jnp.int32)

        def scale(gb, fb, j):
            def grp(t, c2):
                v16 = valv[j, pl.ds(t * 16, 16)]
                for e16 in range(16):
                    v = v16[e16]
                    e = t * 16 + e16
                    for kk in range(d2b // 16):
                        w = plsc.bitcast(gb[e, pl.ds(kk * 32, 32)], jnp.int32)
                        lo = plsc.bitcast(w << 16, jnp.float32)
                        hi = plsc.bitcast(w & hi_mask, jnp.float32)
                        fb[e, pl.ds(kk * 32, 16)] = lo * v
                        fb[e, pl.ds(kk * 32 + 16, 16)] = hi * v
                return c2

            lax.fori_loop(0, C // 16, grp, 0)

        pltpu.async_copy(dense_hbm.at[colv.at[0]], gbuf0, gsem0)
        pltpu.async_copy(dense_hbm.at[colv.at[1]], gbuf1, gsem1)

        def body(jj, carry):
            for s in range(2):
                j = 2 * jj + s
                pltpu.make_async_copy(
                    dense_hbm.at[colv.at[j]], gbufs[s], gsems[s]).wait()

                @pl.when(jj >= 1)
                def _wait_scatter():
                    pltpu.make_async_copy(
                        fbufs[s], acc.at[rowv.at[j - 2]], ssems[s]).wait()

                scale(gbufs[s], fbufs[s], j)

                @pl.when(jj < NCH // 2 - 1)
                def _next_gather():
                    pltpu.async_copy(
                        dense_hbm.at[colv.at[j + 2]], gbufs[s], gsems[s])

                pltpu.async_copy(
                    fbufs[s], acc.at[rowv.at[j]], ssems[s], add=True)
            return carry

        lax.fori_loop(0, NCH // 2, body, 0)
        pltpu.make_async_copy(fbuf0, acc.at[rowv.at[NCH - 2]], ssem0).wait()
        pltpu.make_async_copy(fbuf1, acc.at[rowv.at[NCH - 1]], ssem1).wait()

        plsc.subcore_barrier()
        pltpu.sync_copy(acc.at[pl.ds(sid * ROWS_PER_TILE, ROWS_PER_TILE)],
                        out_hbm.at[cid, pl.ds(sid * ROWS_PER_TILE, ROWS_PER_TILE)])

    return k(dense2w, colp, rowp, valp)


_BN = 1000


def _mm_body(x_ref, w_ref, o_ref):
    o_ref[...] = jnp.dot(x_ref[...], w_ref[0],
                         preferred_element_type=jnp.float32
                         ).astype(jnp.bfloat16)


def _matmul_split_tc(x, ws):
    n, kd = x.shape
    m2 = ws.shape[2]
    return pl.pallas_call(
        _mm_body,
        grid=(NC, n // _BN),
        in_specs=[
            pl.BlockSpec((_BN, kd), lambda c, i: (i, 0)),
            pl.BlockSpec((1, kd, m2), lambda c, i: (c, 0, 0)),
        ],
        out_specs=pl.BlockSpec(
            (_BN, m2), lambda c, i: (c * (n // _BN) + i, 0)),
        out_shape=jax.ShapeDtypeStruct((NC * n, m2), jnp.bfloat16),
    )(x, ws)


def _fuse2_body(p_ref, w_ref, o_ref):
    h0 = jnp.maximum(p_ref[0], 0.0)
    h1 = jnp.maximum(p_ref[1], 0.0)
    w = w_ref[0]
    kd2 = p_ref.shape[2]
    o_ref[...] = (
        jnp.dot(h0, w[:kd2], preferred_element_type=jnp.float32)
        + jnp.dot(h1, w[kd2:], preferred_element_type=jnp.float32)
    ).astype(jnp.bfloat16)


def _fuse2_tc(p, ws):
    _, _, kd2 = p.shape
    m2 = ws.shape[2]
    n = N
    return pl.pallas_call(
        _fuse2_body,
        grid=(NC, n // _BN),
        in_specs=[
            pl.BlockSpec((NC, _BN, kd2), lambda c, i: (0, i, 0)),
            pl.BlockSpec((1, 2 * kd2, m2), lambda c, i: (c, 0, 0)),
        ],
        out_specs=pl.BlockSpec(
            (_BN, m2), lambda c, i: (c * (n // _BN) + i, 0)),
        out_shape=jax.ShapeDtypeStruct((NC * n, m2), jnp.bfloat16),
    )(p, ws)


def _lsm_body(q_ref, o_ref):
    q0 = q_ref[0]
    q1 = q_ref[1]
    m = jnp.maximum(jnp.max(q0, axis=1, keepdims=True),
                    jnp.max(q1, axis=1, keepdims=True))
    ssum = (jnp.sum(jnp.exp(q0 - m), axis=1, keepdims=True)
            + jnp.sum(jnp.exp(q1 - m), axis=1, keepdims=True))
    lse = jnp.log(ssum) + m
    m2 = q0.shape[1]
    o_ref[:, :m2] = q0 - lse
    o_ref[:, m2:] = q1 - lse


def _lsm_tc(q):
    _, _, m2 = q.shape
    n = N
    return pl.pallas_call(
        _lsm_body,
        grid=(n // _BN,),
        in_specs=[pl.BlockSpec((NC, _BN, m2), lambda i: (0, i, 0))],
        out_specs=pl.BlockSpec((_BN, NC * m2), lambda i: (i, 0)),
        out_shape=jax.ShapeDtypeStruct((n, NC * m2), jnp.float32),
    )(q)


def kernel(x, adj_indices, adj_values, W1, W2):
    row = adj_indices[0]
    col = adj_indices[1]

    pad = NS * EW - E
    colp = jnp.concatenate([col, jnp.zeros((pad,), jnp.int32)]).reshape(NS, NCH, C)
    rowp = jnp.concatenate([row, jnp.zeros((pad,), jnp.int32)]).reshape(NS, NCH, C)
    valp = jnp.concatenate(
        [adj_values, jnp.zeros((pad,), jnp.float32)]).reshape(NS, NCH, C)

    p1c = _packed_perm(64)
    w1s = jnp.stack([W1[:, :64][:, p1c], W1[:, 64:][:, p1c]])
    p2c = _packed_perm(32)
    w2s = jnp.stack([W2[:, :32][:, p2c], W2[:, 32:][:, p2c]])

    support1 = _matmul_split_tc(x, w1s)
    p1 = _spmm_sc(support1, colp, rowp, valp, 64)
    support2 = _fuse2_tc(p1, w2s)
    p2 = _spmm_sc(support2, colp, rowp, valp, 32)
    return _lsm_tc(p2)

# --- scband reference (transcript-rebuilt; emitter-appended) ---
"""Pipeline reference for scband-gcn-58720792870991 (READ-ONLY COPY).

The authoritative reference and input builder live on the scoring server;
editing this copy changes nothing except your own understanding.
"""

import jax, jax.numpy as jnp
import numpy as np

N = 10000
E = 320000
D_IN = 128
D_H = 128
D_OUT = 64


def _xavier_uniform(key, fan_in, fan_out):
    limit = float(np.sqrt(6.0 / (fan_in + fan_out)))
    return jax.random.uniform(key, (fan_in, fan_out), dtype=jnp.float32, minval=-limit, maxval=limit)


def setup_inputs(seed: int = 0) -> dict:
    key = jax.random.key(seed)
    k1, k2, k3, k4, k5 = jax.random.split(key, 5)
    x = jax.random.normal(k1, (N, D_IN), dtype=jnp.float32)
    adj_indices = jax.random.randint(k2, (2, E), 0, N, dtype=jnp.int32)
    adj_values = jax.random.uniform(k3, (E,), dtype=jnp.float32)
    W1 = _xavier_uniform(k4, D_IN, D_H)
    W2 = _xavier_uniform(k5, D_H, D_OUT)
    return {"x": x, "adj_indices": adj_indices, "adj_values": adj_values, "W1": W1, "W2": W2}


def _spmm(adj_indices, adj_values, dense):
    # sparse COO matmul: out[row] += val * dense[col]
    row = adj_indices[0]
    col = adj_indices[1]
    msg = adj_values[:, None] * jnp.take(dense, col, axis=0)
    return jax.ops.segment_sum(msg, row, num_segments=N)


def reference(x, adj_indices, adj_values, W1, W2):
    # layer 1: support = x @ W1; out = spmm(adj, support); relu
    support1 = x @ W1
    h = jax.nn.relu(_spmm(adj_indices, adj_values, support1))
    # dropout is identity in eval mode (training=False)
    # layer 2: no activation
    support2 = h @ W2
    out = _spmm(adj_indices, adj_values, support2)
    return jax.nn.log_softmax(out, axis=1)

if __name__ == "__main__":
    import jax
    _d = setup_inputs()
    print(jax.jit(kernel)(*tuple(_d.values())))

</pallas_src>

<mosaic_0001>
#map = affine_map<(d0, d1) -> (0, 0)>
#map1 = affine_map<(d0, d1) -> (0, 0, 0)>
module attributes {stable_mosaic.version = 14 : i64} {
  func.func @k(%arg0: i32, %arg1: i32, %arg2: memref<20000x32xbf16, #tpu.memory_space<hbm>>, %arg3: memref<16x158x128xi32, #tpu.memory_space<hbm>>, %arg4: memref<16x158x128xi32, #tpu.memory_space<hbm>>, %arg5: memref<16x158x128xf32, #tpu.memory_space<hbm>>, %arg6: memref<2x10240x32xf32, #tpu.memory_space<hbm>>, %arg7: memref<158x128xi32, #tpu.memory_space<vmem>>, %arg8: memref<158x128xi32, #tpu.memory_space<vmem>>, %arg9: memref<158x128xf32, #tpu.memory_space<vmem>>, %arg10: memref<128x32xbf16, #tpu.memory_space<vmem>>, %arg11: memref<128x32xbf16, #tpu.memory_space<vmem>>, %arg12: memref<128x32xf32, #tpu.memory_space<vmem>>, %arg13: memref<128x32xf32, #tpu.memory_space<vmem>>, %arg14: memref<10240x32xf32, #tpu.memory_space<vmem_shared>>, %arg15: memref<!tpu.dma_semaphore, #tpu.memory_space<semaphore_mem>>, %arg16: memref<!tpu.dma_semaphore, #tpu.memory_space<semaphore_mem>>, %arg17: memref<!tpu.dma_semaphore, #tpu.memory_space<semaphore_mem>>, %arg18: memref<!tpu.dma_semaphore, #tpu.memory_space<semaphore_mem>>) attributes {dimension_semantics = [#tpu.dimension_semantics<core_parallel>, #tpu.dimension_semantics<subcore_parallel>], iteration_bounds = array<i64: 2, 16>, scalar_prefetch = 0 : i64, scratch_operands = 12 : i64, tpu.core_type = #tpu.core_type<sc_vector_subcore>, window_params = [{transform_indices = #map}, {transform_indices = #map1}, {transform_indices = #map1}, {transform_indices = #map1}, {transform_indices = #map1}]} {
    "tpu.region"() ({
      %run_scoped3A = tpu.sem_alloc : memref<!tpu.dma_semaphore, #tpu.memory_space<semaphore_mem>>
      %dma_start3A_71 = arith.constant 0 : i32
      %dma_start3A_72 = arith.constant 0 : i32
      %dma_start3A_73 = tpu.memref_slice %arg3[%arg1, %dma_start3A_71, %dma_start3A_72] : memref<16x158x128xi32, #tpu.memory_space<hbm>> -> memref<1x158x128xi32, #tpu.memory_space<hbm>>
      %dma_start3A_74 = tpu.memref_squeeze %dma_start3A_73 : memref<1x158x128xi32, #tpu.memory_space<hbm>> -> memref<158x128xi32, #tpu.memory_space<hbm>>
      %dma_start3A_75 = arith.constant 0 : i32
      %dma_start3A_76 = arith.constant 0 : i32
      %dma_start3A_77 = tpu.memref_slice %arg3[%arg1, %dma_start3A_75, %dma_start3A_76] : memref<16x158x128xi32, #tpu.memory_space<hbm>> -> memref<1x158x128xi32, #tpu.memory_space<hbm>>
      %dma_start3A_78 = tpu.memref_squeeze %dma_start3A_77 : memref<1x158x128xi32, #tpu.memory_space<hbm>> -> memref<158x128xi32, #tpu.memory_space<hbm>>
      tpu.enqueue_dma source(%dma_start3A_78 : memref<158x128xi32, #tpu.memory_space<hbm>>) target(%arg7 : memref<158x128xi32, #tpu.memory_space<vmem>>) target_semaphore(%run_scoped3A : memref<!tpu.dma_semaphore, #tpu.memory_space<semaphore_mem>>)
      %dma_wait3A_79 = arith.constant 0 : i32
      %dma_wait3A_80 = arith.constant 0 : i32
      %dma_wait3A_81 = tpu.memref_slice %arg3[%arg1, %dma_wait3A_79, %dma_wait3A_80] : memref<16x158x128xi32, #tpu.memory_space<hbm>> -> memref<1x158x128xi32, #tpu.memory_space<hbm>>
      %dma_wait3A_82 = tpu.memref_squeeze %dma_wait3A_81 : memref<1x158x128xi32, #tpu.memory_space<hbm>> -> memref<158x128xi32, #tpu.memory_space<hbm>>
      %dma_wait3A_83 = arith.constant 0 : i32
      %dma_wait3A_84 = arith.constant 0 : i32
      %dma_wait3A_85 = tpu.memref_slice %arg3[%arg1, %dma_wait3A_83, %dma_wait3A_84] : memref<16x158x128xi32, #tpu.memory_space<hbm>> -> memref<1x158x128xi32, #tpu.memory_space<hbm>>
      %dma_wait3A_86 = tpu.memref_squeeze %dma_wait3A_85 : memref<1x158x128xi32, #tpu.memory_space<hbm>> -> memref<158x128xi32, #tpu.memory_space<hbm>>
      tpu.wait_dma2 semaphore(%run_scoped3A : memref<!tpu.dma_semaphore, #tpu.memory_space<semaphore_mem>>) src(%dma_wait3A_86 : memref<158x128xi32, #tpu.memory_space<hbm>>) dst(%arg7 : memref<158x128xi32, #tpu.memory_space<vmem>>)
      tpu.yield
    }) : () -> ()
    "tpu.region"() ({
      %run_scoped3A = tpu.sem_alloc : memref<!tpu.dma_semaphore, #tpu.memory_space<semaphore_mem>>
      %dma_start3A_71 = arith.constant 0 : i32
      %dma_start3A_72 = arith.constant 0 : i32
      %dma_start3A_73 = tpu.memref_slice %arg4[%arg1, %dma_start3A_71, %dma_start3A_72] : memref<16x158x128xi32, #tpu.memory_space<hbm>> -> memref<1x158x128xi32, #tpu.memory_space<hbm>>
      %dma_start3A_74 = tpu.memref_squeeze %dma_start3A_73 : memref<1x158x128xi32, #tpu.memory_space<hbm>> -> memref<158x128xi32, #tpu.memory_space<hbm>>
      %dma_start3A_75 = arith.constant 0 : i32
      %dma_start3A_76 = arith.constant 0 : i32
      %dma_start3A_77 = tpu.memref_slice %arg4[%arg1, %dma_start3A_75, %dma_start3A_76] : memref<16x158x128xi32, #tpu.memory_space<hbm>> -> memref<1x158x128xi32, #tpu.memory_space<hbm>>
      %dma_start3A_78 = tpu.memref_squeeze %dma_start3A_77 : memref<1x158x128xi32, #tpu.memory_space<hbm>> -> memref<158x128xi32, #tpu.memory_space<hbm>>
      tpu.enqueue_dma source(%dma_start3A_78 : memref<158x128xi32, #tpu.memory_space<hbm>>) target(%arg8 : memref<158x128xi32, #tpu.memory_space<vmem>>) target_semaphore(%run_scoped3A : memref<!tpu.dma_semaphore, #tpu.memory_space<semaphore_mem>>)
      %dma_wait3A_79 = arith.constant 0 : i32
      %dma_wait3A_80 = arith.constant 0 : i32
      %dma_wait3A_81 = tpu.memref_slice %arg4[%arg1, %dma_wait3A_79, %dma_wait3A_80] : memref<16x158x128xi32, #tpu.memory_space<hbm>> -> memref<1x158x128xi32, #tpu.memory_space<hbm>>
      %dma_wait3A_82 = tpu.memref_squeeze %dma_wait3A_81 : memref<1x158x128xi32, #tpu.memory_space<hbm>> -> memref<158x128xi32, #tpu.memory_space<hbm>>
      %dma_wait3A_83 = arith.constant 0 : i32
      %dma_wait3A_84 = arith.constant 0 : i32
      %dma_wait3A_85 = tpu.memref_slice %arg4[%arg1, %dma_wait3A_83, %dma_wait3A_84] : memref<16x158x128xi32, #tpu.memory_space<hbm>> -> memref<1x158x128xi32, #tpu.memory_space<hbm>>
      %dma_wait3A_86 = tpu.memref_squeeze %dma_wait3A_85 : memref<1x158x128xi32, #tpu.memory_space<hbm>> -> memref<158x128xi32, #tpu.memory_space<hbm>>
      tpu.wait_dma2 semaphore(%run_scoped3A : memref<!tpu.dma_semaphore, #tpu.memory_space<semaphore_mem>>) src(%dma_wait3A_86 : memref<158x128xi32, #tpu.memory_space<hbm>>) dst(%arg8 : memref<158x128xi32, #tpu.memory_space<vmem>>)
      tpu.yield
    }) : () -> ()
    "tpu.region"() ({
      %run_scoped3A = tpu.sem_alloc : memref<!tpu.dma_semaphore, #tpu.memory_space<semaphore_mem>>
      %dma_start3A_71 = arith.constant 0 : i32
      %dma_start3A_72 = arith.constant 0 : i32
      %dma_start3A_73 = tpu.memref_slice %arg5[%arg1, %dma_start3A_71, %dma_start3A_72] : memref<16x158x128xf32, #tpu.memory_space<hbm>> -> memref<1x158x128xf32, #tpu.memory_space<hbm>>
      %dma_start3A_74 = tpu.memref_squeeze %dma_start3A_73 : memref<1x158x128xf32, #tpu.memory_space<hbm>> -> memref<158x128xf32, #tpu.memory_space<hbm>>
      %dma_start3A_75 = arith.constant 0 : i32
      %dma_start3A_76 = arith.constant 0 : i32
      %dma_start3A_77 = tpu.memref_slice %arg5[%arg1, %dma_start3A_75, %dma_start3A_76] : memref<16x158x128xf32, #tpu.memory_space<hbm>> -> memref<1x158x128xf32, #tpu.memory_space<hbm>>
      %dma_start3A_78 = tpu.memref_squeeze %dma_start3A_77 : memref<1x158x128xf32, #tpu.memory_space<hbm>> -> memref<158x128xf32, #tpu.memory_space<hbm>>
      tpu.enqueue_dma source(%dma_start3A_78 : memref<158x128xf32, #tpu.memory_space<hbm>>) target(%arg9 : memref<158x128xf32, #tpu.memory_space<vmem>>) target_semaphore(%run_scoped3A : memref<!tpu.dma_semaphore, #tpu.memory_space<semaphore_mem>>)
      %dma_wait3A_79 = arith.constant 0 : i32
      %dma_wait3A_80 = arith.constant 0 : i32
      %dma_wait3A_81 = tpu.memref_slice %arg5[%arg1, %dma_wait3A_79, %dma_wait3A_80] : memref<16x158x128xf32, #tpu.memory_space<hbm>> -> memref<1x158x128xf32, #tpu.memory_space<hbm>>
      %dma_wait3A_82 = tpu.memref_squeeze %dma_wait3A_81 : memref<1x158x128xf32, #tpu.memory_space<hbm>> -> memref<158x128xf32, #tpu.memory_space<hbm>>
      %dma_wait3A_83 = arith.constant 0 : i32
      %dma_wait3A_84 = arith.constant 0 : i32
      %dma_wait3A_85 = tpu.memref_slice %arg5[%arg1, %dma_wait3A_83, %dma_wait3A_84] : memref<16x158x128xf32, #tpu.memory_space<hbm>> -> memref<1x158x128xf32, #tpu.memory_space<hbm>>
      %dma_wait3A_86 = tpu.memref_squeeze %dma_wait3A_85 : memref<1x158x128xf32, #tpu.memory_space<hbm>> -> memref<158x128xf32, #tpu.memory_space<hbm>>
      tpu.wait_dma2 semaphore(%run_scoped3A : memref<!tpu.dma_semaphore, #tpu.memory_space<semaphore_mem>>) src(%dma_wait3A_86 : memref<158x128xf32, #tpu.memory_space<hbm>>) dst(%arg9 : memref<158x128xf32, #tpu.memory_space<vmem>>)
      tpu.yield
    }) : () -> ()
    %mul3A = arith.constant 10000 : i32
    %mul3A_0 = arith.muli %arg0, %mul3A : i32
    %scan3A = arith.constant 0 : i32
    %scan3A_1 = arith.constant 0 : i32
    %scan3A_2 = arith.constant 158 : i32
    %scan3A_3 = arith.addi %scan3A_1, %scan3A_2 : i32
    %scan3A_4 = arith.constant 1 : i32
    scf.for %scan3A_71 = %scan3A_1 to %scan3A_3 step %scan3A_4  : i32 {
      %get3A = arith.index_cast %scan3A_71 : i32 to index
      %get3A_72 = arith.constant 0 : index
      %get3A_73 = tpu.vector_load %arg7[%get3A, %get3A_72] {strides = array<i32>} : memref<158x128xi32, #tpu.memory_space<vmem>>, vector<16xi32>,
      %add3A_74 = vector.broadcast %mul3A_0 : i32 to vector<16xi32>
      %add3A_75 = arith.addi %get3A_73, %add3A_74 : vector<16xi32>
      %swap3A = arith.index_cast %scan3A_71 : i32 to index
      %swap3A_76 = arith.constant 0 : index
      %swap3A_77 = tpu.vector_load %arg7[%swap3A, %swap3A_76] {strides = array<i32>} : memref<158x128xi32, #tpu.memory_space<vmem>>, vector<16xi32>,
      tpu.vector_store %arg7[%swap3A, %swap3A_76], %add3A_75 {strides = array<i32>} : memref<158x128xi32, #tpu.memory_space<vmem>>, vector<16xi32>,
      %get3A_78 = arith.index_cast %scan3A_71 : i32 to index
      %get3A_79 = arith.constant 16 : index
      %get3A_80 = tpu.vector_load %arg7[%get3A_78, %get3A_79] {strides = array<i32>} : memref<158x128xi32, #tpu.memory_space<vmem>>, vector<16xi32>,
      %add3A_81 = vector.broadcast %mul3A_0 : i32 to vector<16xi32>
      %add3A_82 = arith.addi %get3A_80, %add3A_81 : vector<16xi32>
      %swap3A_83 = arith.index_cast %scan3A_71 : i32 to index
      %swap3A_84 = arith.constant 16 : index
      %swap3A_85 = tpu.vector_load %arg7[%swap3A_83, %swap3A_84] {strides = array<i32>} : memref<158x128xi32, #tpu.memory_space<vmem>>, vector<16xi32>,
      tpu.vector_store %arg7[%swap3A_83, %swap3A_84], %add3A_82 {strides = array<i32>} : memref<158x128xi32, #tpu.memory_space<vmem>>, vector<16xi32>,
      %get3A_86 = arith.index_cast %scan3A_71 : i32 to index
      %get3A_87 = arith.constant 32 : index
      %get3A_88 = tpu.vector_load %arg7[%get3A_86, %get3A_87] {strides = array<i32>} : memref<158x128xi32, #tpu.memory_space<vmem>>, vector<16xi32>,
      %add3A_89 = vector.broadcast %mul3A_0 : i32 to vector<16xi32>
      %add3A_90 = arith.addi %get3A_88, %add3A_89 : vector<16xi32>
      %swap3A_91 = arith.index_cast %scan3A_71 : i32 to index
      %swap3A_92 = arith.constant 32 : index
      %swap3A_93 = tpu.vector_load %arg7[%swap3A_91, %swap3A_92] {strides = array<i32>} : memref<158x128xi32, #tpu.memory_space<vmem>>, vector<16xi32>,
      tpu.vector_store %arg7[%swap3A_91, %swap3A_92], %add3A_90 {strides = array<i32>} : memref<158x128xi32, #tpu.memory_space<vmem>>, vector<16xi32>,
      %get3A_94 = arith.index_cast %scan3A_71 : i32 to index
      %get3A_95 = arith.constant 48 : index
      %get3A_96 = tpu.vector_load %arg7[%get3A_94, %get3A_95] {strides = array<i32>} : memref<158x128xi32, #tpu.memory_space<vmem>>, vector<16xi32>,
      %add3A_97 = vector.broadcast %mul3A_0 : i32 to vector<16xi32>
      %add3A_98 = arith.addi %get3A_96, %add3A_97 : vector<16xi32>
      %swap3A_99 = arith.index_cast %scan3A_71 : i32 to index
      %swap3A_100 = arith.constant 48 : index
      %swap3A_101 = tpu.vector_load %arg7[%swap3A_99, %swap3A_100] {strides = array<i32>} : memref<158x128xi32, #tpu.memory_space<vmem>>, vector<16xi32>,
      tpu.vector_store %arg7[%swap3A_99, %swap3A_100], %add3A_98 {strides = array<i32>} : memref<158x128xi32, #tpu.memory_space<vmem>>, vector<16xi32>,
      %get3A_102 = arith.index_cast %scan3A_71 : i32 to index
      %get3A_103 = arith.constant 64 : index
      %get3A_104 = tpu.vector_load %arg7[%get3A_102, %get3A_103] {strides = array<i32>} : memref<158x128xi32, #tpu.memory_space<vmem>>, vector<16xi32>,
      %add3A_105 = vector.broadcast %mul3A_0 : i32 to vector<16xi32>
      %add3A_106 = arith.addi %get3A_104, %add3A_105 : vector<16xi32>
      %swap3A_107 = arith.index_cast %scan3A_71 : i32 to index
      %swap3A_108 = arith.constant 64 : index
      %swap3A_109 = tpu.vector_load %arg7[%swap3A_107, %swap3A_108] {strides = array<i32>} : memref<158x128xi32, #tpu.memory_space<vmem>>, vector<16xi32>,
      tpu.vector_store %arg7[%swap3A_107, %swap3A_108], %add3A_106 {strides = array<i32>} : memref<158x128xi32, #tpu.memory_space<vmem>>, vector<16xi32>,
      %get3A_110 = arith.index_cast %scan3A_71 : i32 to index
      %get3A_111 = arith.constant 80 : index
      %get3A_112 = tpu.vector_load %arg7[%get3A_110, %get3A_111] {strides = array<i32>} : memref<158x128xi32, #tpu.memory_space<vmem>>, vector<16xi32>,
      %add3A_113 = vector.broadcast %mul3A_0 : i32 to vector<16xi32>
      %add3A_114 = arith.addi %get3A_112, %add3A_113 : vector<16xi32>
      %swap3A_115 = arith.index_cast %scan3A_71 : i32 to index
      %swap3A_116 = arith.constant 80 : index
      %swap3A_117 = tpu.vector_load %arg7[%swap3A_115, %swap3A_116] {strides = array<i32>} : memref<158x128xi32, #tpu.memory_space<vmem>>, vector<16xi32>,
      tpu.vector_store %arg7[%swap3A_115, %swap3A_116], %add3A_114 {strides = array<i32>} : memref<158x128xi32, #tpu.memory_space<vmem>>, vector<16xi32>,
      %get3A_118 = arith.index_cast %scan3A_71 : i32 to index
      %get3A_119 = arith.constant 96 : index
      %get3A_120 = tpu.vector_load %arg7[%get3A_118, %get3A_119] {strides = array<i32>} : memref<158x128xi32, #tpu.memory_space<vmem>>, vector<16xi32>,
      %add3A_121 = vector.broadcast %mul3A_0 : i32 to vector<16xi32>
      %add3A_122 = arith.addi %get3A_120, %add3A_121 : vector<16xi32>
      %swap3A_123 = arith.index_cast %scan3A_71 : i32 to index
      %swap3A_124 = arith.constant 96 : index
      %swap3A_125 = tpu.vector_load %arg7[%swap3A_123, %swap3A_124] {strides = array<i32>} : memref<158x128xi32, #tpu.memory_space<vmem>>, vector<16xi32>,
      tpu.vector_store %arg7[%swap3A_123, %swap3A_124], %add3A_122 {strides = array<i32>} : memref<158x128xi32, #tpu.memory_space<vmem>>, vector<16xi32>,
      %get3A_126 = arith.index_cast %scan3A_71 : i32 to index
      %get3A_127 = arith.constant 112 : index
      %get3A_128 = tpu.vector_load %arg7[%get3A_126, %get3A_127] {strides = array<i32>} : memref<158x128xi32, #tpu.memory_space<vmem>>, vector<16xi32>,
      %add3A_129 = vector.broadcast %mul3A_0 : i32 to vector<16xi32>
      %add3A_130 = arith.addi %get3A_128, %add3A_129 : vector<16xi32>
      %swap3A_131 = arith.index_cast %scan3A_71 : i32 to index
      %swap3A_132 = arith.constant 112 : index
      %swap3A_133 = tpu.vector_load %arg7[%swap3A_131, %swap3A_132] {strides = array<i32>} : memref<158x128xi32, #tpu.memory_space<vmem>>, vector<16xi32>,
      tpu.vector_store %arg7[%swap3A_131, %swap3A_132], %add3A_130 {strides = array<i32>} : memref<158x128xi32, #tpu.memory_space<vmem>>, vector<16xi32>,
    }
    %scan3A_5 = arith.constant 158 : i32
    %broadcast_in_dim3A = arith.constant 0.000000e+00 : f32
    %broadcast_in_dim3A_6 = vector.broadcast %broadcast_in_dim3A : f32 to vector<16xf32>
    %scan3A_7 = arith.constant 0 : i32
    %scan3A_8 = arith.constant 0 : i32
    %scan3A_9 = arith.constant 128 : i32
    %scan3A_10 = arith.addi %scan3A_8, %scan3A_9 : i32
    %scan3A_11 = arith.constant 1 : i32
    scf.for %scan3A_71 = %scan3A_8 to %scan3A_10 step %scan3A_11  : i32 {
      %swap3A = arith.index_cast %scan3A_71 : i32 to index
      %swap3A_72 = arith.constant 0 : index
      %swap3A_73 = tpu.vector_load %arg12[%swap3A, %swap3A_72] {strides = array<i32>} : memref<128x32xf32, #tpu.memory_space<vmem>>, vector<16xf32>,
      tpu.vector_store %arg12[%swap3A, %swap3A_72], %broadcast_in_dim3A_6 {strides = array<i32>} : memref<128x32xf32, #tpu.memory_space<vmem>>, vector<16xf32>,
      %swap3A_74 = arith.index_cast %scan3A_71 : i32 to index
      %swap3A_75 = arith.constant 16 : index
      %swap3A_76 = tpu.vector_load %arg12[%swap3A_74, %swap3A_75] {strides = array<i32>} : memref<128x32xf32, #tpu.memory_space<vmem>>, vector<16xf32>,
      tpu.vector_store %arg12[%swap3A_74, %swap3A_75], %broadcast_in_dim3A_6 {strides = array<i32>} : memref<128x32xf32, #tpu.memory_space<vmem>>, vector<16xf32>,
    }
    %scan3A_12 = arith.constant 128 : i32
    %mul3A_13 = arith.constant 640 : i32
    %mul3A_14 = arith.muli %arg1, %mul3A_13 : i32
    %add3A = arith.constant 0 : i32
    %add3A_15 = arith.addi %mul3A_14, %add3A : i32
    "tpu.region"() ({
      %run_scoped3A = tpu.sem_alloc : memref<!tpu.dma_semaphore, #tpu.memory_space<semaphore_mem>>
      %dma_start3A_71 = arith.constant 0 : i32
      %dma_start3A_72 = tpu.memref_slice %arg14[%add3A_15, %dma_start3A_71] : memref<10240x32xf32, #tpu.memory_space<vmem_shared>> -> memref<128x32xf32, #tpu.memory_space<vmem_shared>>
      %dma_start3A_73 = arith.constant 0 : i32
      %dma_start3A_74 = tpu.memref_slice %arg14[%add3A_15, %dma_start3A_73] : memref<10240x32xf32, #tpu.memory_space<vmem_shared>> -> memref<128x32xf32, #tpu.memory_space<vmem_shared>>
      tpu.enqueue_dma source(%arg12 : memref<128x32xf32, #tpu.memory_space<vmem>>) target(%dma_start3A_74 : memref<128x32xf32, #tpu.memory_space<vmem_shared>>) target_semaphore(%run_scoped3A : memref<!tpu.dma_semaphore, #tpu.memory_space<semaphore_mem>>)
      %dma_wait3A_75 = arith.constant 0 : i32
      %dma_wait3A_76 = tpu.memref_slice %arg14[%add3A_15, %dma_wait3A_75] : memref<10240x32xf32, #tpu.memory_space<vmem_shared>> -> memref<128x32xf32, #tpu.memory_space<vmem_shared>>
      %dma_wait3A_77 = arith.constant 0 : i32
      %dma_wait3A_78 = tpu.memref_slice %arg14[%add3A_15, %dma_wait3A_77] : memref<10240x32xf32, #tpu.memory_space<vmem_shared>> -> memref<128x32xf32, #tpu.memory_space<vmem_shared>>
      tpu.wait_dma2 semaphore(%run_scoped3A : memref<!tpu.dma_semaphore, #tpu.memory_space<semaphore_mem>>) src(%arg12 : memref<128x32xf32, #tpu.memory_space<vmem>>) dst(%dma_wait3A_78 : memref<128x32xf32, #tpu.memory_space<vmem_shared>>)
      tpu.yield
    }) : () -> ()
    %mul3A_16 = arith.constant 640 : i32
    %mul3A_17 = arith.muli %arg1, %mul3A_16 : i32
    %add3A_18 = arith.constant 128 : i32
    %add3A_19 = arith.addi %mul3A_17, %add3A_18 : i32
    "tpu.region"() ({
      %run_scoped3A = tpu.sem_alloc : memref<!tpu.dma_semaphore, #tpu.memory_space<semaphore_mem>>
      %dma_start3A_71 = arith.constant 0 : i32
      %dma_start3A_72 = tpu.memref_slice %arg14[%add3A_19, %dma_start3A_71] : memref<10240x32xf32, #tpu.memory_space<vmem_shared>> -> memref<128x32xf32, #tpu.memory_space<vmem_shared>>
      %dma_start3A_73 = arith.constant 0 : i32
      %dma_start3A_74 = tpu.memref_slice %arg14[%add3A_19, %dma_start3A_73] : memref<10240x32xf32, #tpu.memory_space<vmem_shared>> -> memref<128x32xf32, #tpu.memory_space<vmem_shared>>
      tpu.enqueue_dma source(%arg12 : memref<128x32xf32, #tpu.memory_space<vmem>>) target(%dma_start3A_74 : memref<128x32xf32, #tpu.memory_space<vmem_shared>>) target_semaphore(%run_scoped3A : memref<!tpu.dma_semaphore, #tpu.memory_space<semaphore_mem>>)
      %dma_wait3A_75 = arith.constant 0 : i32
      %dma_wait3A_76 = tpu.memref_slice %arg14[%add3A_19, %dma_wait3A_75] : memref<10240x32xf32, #tpu.memory_space<vmem_shared>> -> memref<128x32xf32, #tpu.memory_space<vmem_shared>>
      %dma_wait3A_77 = arith.constant 0 : i32
      %dma_wait3A_78 = tpu.memref_slice %arg14[%add3A_19, %dma_wait3A_77] : memref<10240x32xf32, #tpu.memory_space<vmem_shared>> -> memref<128x32xf32, #tpu.memory_space<vmem_shared>>
      tpu.wait_dma2 semaphore(%run_scoped3A : memref<!tpu.dma_semaphore, #tpu.memory_space<semaphore_mem>>) src(%arg12 : memref<128x32xf32, #tpu.memory_space<vmem>>) dst(%dma_wait3A_78 : memref<128x32xf32, #tpu.memory_space<vmem_shared>>)
      tpu.yield
    }) : () -> ()
    %mul3A_20 = arith.constant 640 : i32
    %mul3A_21 = arith.muli %arg1, %mul3A_20 : i32
    %add3A_22 = arith.constant 256 : i32
    %add3A_23 = arith.addi %mul3A_21, %add3A_22 : i32
    "tpu.region"() ({
      %run_scoped3A = tpu.sem_alloc : memref<!tpu.dma_semaphore, #tpu.memory_space<semaphore_mem>>
      %dma_start3A_71 = arith.constant 0 : i32
      %dma_start3A_72 = tpu.memref_slice %arg14[%add3A_23, %dma_start3A_71] : memref<10240x32xf32, #tpu.memory_space<vmem_shared>> -> memref<128x32xf32, #tpu.memory_space<vmem_shared>>
      %dma_start3A_73 = arith.constant 0 : i32
      %dma_start3A_74 = tpu.memref_slice %arg14[%add3A_23, %dma_start3A_73] : memref<10240x32xf32, #tpu.memory_space<vmem_shared>> -> memref<128x32xf32, #tpu.memory_space<vmem_shared>>
      tpu.enqueue_dma source(%arg12 : memref<128x32xf32, #tpu.memory_space<vmem>>) target(%dma_start3A_74 : memref<128x32xf32, #tpu.memory_space<vmem_shared>>) target_semaphore(%run_scoped3A : memref<!tpu.dma_semaphore, #tpu.memory_space<semaphore_mem>>)
      %dma_wait3A_75 = arith.constant 0 : i32
      %dma_wait3A_76 = tpu.memref_slice %arg14[%add3A_23, %dma_wait3A_75] : memref<10240x32xf32, #tpu.memory_space<vmem_shared>> -> memref<128x32xf32, #tpu.memory_space<vmem_shared>>
      %dma_wait3A_77 = arith.constant 0 : i32
      %dma_wait3A_78 = tpu.memref_slice %arg14[%add3A_23, %dma_wait3A_77] : memref<10240x32xf32, #tpu.memory_space<vmem_shared>> -> memref<128x32xf32, #tpu.memory_space<vmem_shared>>
      tpu.wait_dma2 semaphore(%run_scoped3A : memref<!tpu.dma_semaphore, #tpu.memory_space<semaphore_mem>>) src(%arg12 : memref<128x32xf32, #tpu.memory_space<vmem>>) dst(%dma_wait3A_78 : memref<128x32xf32, #tpu.memory_space<vmem_shared>>)
      tpu.yield
    }) : () -> ()
    %mul3A_24 = arith.constant 640 : i32
    %mul3A_25 = arith.muli %arg1, %mul3A_24 : i32
    %add3A_26 = arith.constant 384 : i32
    %add3A_27 = arith.addi %mul3A_25, %add3A_26 : i32
    "tpu.region"() ({
      %run_scoped3A = tpu.sem_alloc : memref<!tpu.dma_semaphore, #tpu.memory_space<semaphore_mem>>
      %dma_start3A_71 = arith.constant 0 : i32
      %dma_start3A_72 = tpu.memref_slice %arg14[%add3A_27, %dma_start3A_71] : memref<10240x32xf32, #tpu.memory_space<vmem_shared>> -> memref<128x32xf32, #tpu.memory_space<vmem_shared>>
      %dma_start3A_73 = arith.constant 0 : i32
      %dma_start3A_74 = tpu.memref_slice %arg14[%add3A_27, %dma_start3A_73] : memref<10240x32xf32, #tpu.memory_space<vmem_shared>> -> memref<128x32xf32, #tpu.memory_space<vmem_shared>>
      tpu.enqueue_dma source(%arg12 : memref<128x32xf32, #tpu.memory_space<vmem>>) target(%dma_start3A_74 : memref<128x32xf32, #tpu.memory_space<vmem_shared>>) target_semaphore(%run_scoped3A : memref<!tpu.dma_semaphore, #tpu.memory_space<semaphore_mem>>)
      %dma_wait3A_75 = arith.constant 0 : i32
      %dma_wait3A_76 = tpu.memref_slice %arg14[%add3A_27, %dma_wait3A_75] : memref<10240x32xf32, #tpu.memory_space<vmem_shared>> -> memref<128x32xf32, #tpu.memory_space<vmem_shared>>
      %dma_wait3A_77 = arith.constant 0 : i32
      %dma_wait3A_78 = tpu.memref_slice %arg14[%add3A_27, %dma_wait3A_77] : memref<10240x32xf32, #tpu.memory_space<vmem_shared>> -> memref<128x32xf32, #tpu.memory_space<vmem_shared>>
      tpu.wait_dma2 semaphore(%run_scoped3A : memref<!tpu.dma_semaphore, #tpu.memory_space<semaphore_mem>>) src(%arg12 : memref<128x32xf32, #tpu.memory_space<vmem>>) dst(%dma_wait3A_78 : memref<128x32xf32, #tpu.memory_space<vmem_shared>>)
      tpu.yield
    }) : () -> ()
    %mul3A_28 = arith.constant 640 : i32
    %mul3A_29 = arith.muli %arg1, %mul3A_28 : i32
    %add3A_30 = arith.constant 512 : i32
    %add3A_31 = arith.addi %mul3A_29, %add3A_30 : i32
    "tpu.region"() ({
      %run_scoped3A = tpu.sem_alloc : memref<!tpu.dma_semaphore, #tpu.memory_space<semaphore_mem>>
      %dma_start3A_71 = arith.constant 0 : i32
      %dma_start3A_72 = tpu.memref_slice %arg14[%add3A_31, %dma_start3A_71] : memref<10240x32xf32, #tpu.memory_space<vmem_shared>> -> memref<128x32xf32, #tpu.memory_space<vmem_shared>>
      %dma_start3A_73 = arith.constant 0 : i32
      %dma_start3A_74 = tpu.memref_slice %arg14[%add3A_31, %dma_start3A_73] : memref<10240x32xf32, #tpu.memory_space<vmem_shared>> -> memref<128x32xf32, #tpu.memory_space<vmem_shared>>
      tpu.enqueue_dma source(%arg12 : memref<128x32xf32, #tpu.memory_space<vmem>>) target(%dma_start3A_74 : memref<128x32xf32, #tpu.memory_space<vmem_shared>>) target_semaphore(%run_scoped3A : memref<!tpu.dma_semaphore, #tpu.memory_space<semaphore_mem>>)
      %dma_wait3A_75 = arith.constant 0 : i32
      %dma_wait3A_76 = tpu.memref_slice %arg14[%add3A_31, %dma_wait3A_75] : memref<10240x32xf32, #tpu.memory_space<vmem_shared>> -> memref<128x32xf32, #tpu.memory_space<vmem_shared>>
      %dma_wait3A_77 = arith.constant 0 : i32
      %dma_wait3A_78 = tpu.memref_slice %arg14[%add3A_31, %dma_wait3A_77] : memref<10240x32xf32, #tpu.memory_space<vmem_shared>> -> memref<128x32xf32, #tpu.memory_space<vmem_shared>>
      tpu.wait_dma2 semaphore(%run_scoped3A : memref<!tpu.dma_semaphore, #tpu.memory_space<semaphore_mem>>) src(%arg12 : memref<128x32xf32, #tpu.memory_space<vmem>>) dst(%dma_wait3A_78 : memref<128x32xf32, #tpu.memory_space<vmem_shared>>)
      tpu.yield
    }) : () -> ()
    %barrier3A = arith.constant 0 : index
    tpu.barrier barrier_id(%barrier3A)
    %broadcast_in_dim3A_32 = arith.constant -65536 : i32
    %broadcast_in_dim3A_33 = vector.broadcast %broadcast_in_dim3A_32 : i32 to vector<16xi32>
    %dma_start3A = arith.constant 0 : i32
    %dma_start3A_34 = arith.constant 0 : i32
    %dma_start3A_35 = tpu.memref_slice %arg7[%dma_start3A, %dma_start3A_34] : memref<158x128xi32, #tpu.memory_space<vmem>> -> memref<1x128xi32, #tpu.memory_space<vmem>>
    %dma_start3A_36 = tpu.memref_squeeze %dma_start3A_35 : memref<1x128xi32, #tpu.memory_space<vmem>> -> memref<128xi32, #tpu.memory_space<vmem>>
    %dma_start3A_37 = arith.constant 0 : i32
    %dma_start3A_38 = arith.constant 0 : i32
    %dma_start3A_39 = tpu.memref_slice %arg2[%dma_start3A_37, %dma_start3A_38] : memref<20000x32xbf16, #tpu.memory_space<hbm>> -> memref<20000x32xbf16, #tpu.memory_space<hbm>>
    tpu.enqueue_indirect_dma source(%dma_start3A_39 : memref<20000x32xbf16, #tpu.memory_space<hbm>>) target(%arg10 : memref<128x32xbf16, #tpu.memory_space<vmem>>) offsets(%dma_start3A_36 : memref<128xi32, #tpu.memory_space<vmem>>) semaphore(%arg15 : memref<!tpu.dma_semaphore, #tpu.memory_space<semaphore_mem>>)
    %dma_start3A_40 = arith.constant 1 : i32
    %dma_start3A_41 = arith.constant 0 : i32
    %dma_start3A_42 = tpu.memref_slice %arg7[%dma_start3A_40, %dma_start3A_41] : memref<158x128xi32, #tpu.memory_space<vmem>> -> memref<1x128xi32, #tpu.memory_space<vmem>>
    %dma_start3A_43 = tpu.memref_squeeze %dma_start3A_42 : memref<1x128xi32, #tpu.memory_space<vmem>> -> memref<128xi32, #tpu.memory_space<vmem>>
    %dma_start3A_44 = arith.constant 0 : i32
    %dma_start3A_45 = arith.constant 0 : i32
    %dma_start3A_46 = tpu.memref_slice %arg2[%dma_start3A_44, %dma_start3A_45] : memref<20000x32xbf16, #tpu.memory_space<hbm>> -> memref<20000x32xbf16, #tpu.memory_space<hbm>>
    tpu.enqueue_indirect_dma source(%dma_start3A_46 : memref<20000x32xbf16, #tpu.memory_space<hbm>>) target(%arg11 : memref<128x32xbf16, #tpu.memory_space<vmem>>) offsets(%dma_start3A_43 : memref<128xi32, #tpu.memory_space<vmem>>) semaphore(%arg16 : memref<!tpu.dma_semaphore, #tpu.memory_space<semaphore_mem>>)
    %scan3A_47 = arith.constant 0 : i32
    %scan3A_48 = arith.constant 0 : i32
    %scan3A_49 = arith.constant 79 : i32
    %scan3A_50 = arith.addi %scan3A_48, %scan3A_49 : i32
    %scan3A_51 = arith.constant 1 : i32
    scf.for %scan3A_71 = %scan3A_48 to %scan3A_50 step %scan3A_51  : i32 {
      %mul3A_72 = arith.constant 2 : i32
      %mul3A_73 = arith.muli %mul3A_72, %scan3A_71 : i32
      %add3A_74 = arith.constant 0 : i32
      %add3A_75 = arith.addi %mul3A_73, %add3A_74 : i32
      %dma_wait3A_76 = arith.constant 0 : i32
      %dma_wait3A_77 = tpu.memref_slice %arg7[%add3A_75, %dma_wait3A_76] : memref<158x128xi32, #tpu.memory_space<vmem>> -> memref<1x128xi32, #tpu.memory_space<vmem>>
      %dma_wait3A_78 = tpu.memref_squeeze %dma_wait3A_77 : memref<1x128xi32, #tpu.memory_space<vmem>> -> memref<128xi32, #tpu.memory_space<vmem>>
      %dma_wait3A_79 = arith.constant 0 : i32
      %dma_wait3A_80 = arith.constant 0 : i32
      %dma_wait3A_81 = tpu.memref_slice %arg2[%dma_wait3A_79, %dma_wait3A_80] : memref<20000x32xbf16, #tpu.memory_space<hbm>> -> memref<20000x32xbf16, #tpu.memory_space<hbm>>
      tpu.wait_indirect_dma semaphore(%arg15 : memref<!tpu.dma_semaphore, #tpu.memory_space<semaphore_mem>>) src(%dma_wait3A_81 : memref<20000x32xbf16, #tpu.memory_space<hbm>>) dst(%arg10 : memref<128x32xbf16, #tpu.memory_space<vmem>>)
      %ge3A = arith.constant 1 : i32
      %ge3A_82 = arith.cmpi sge, %scan3A_71, %ge3A : i32
      %convert_element_type3A = arith.extui %ge3A_82 : i1 to i32
      %cond3A = arith.constant 0 : i32
      %cond3A_83 = arith.cmpi ne, %convert_element_type3A, %cond3A : i32
      scf.if %cond3A_83 {
        %sub3A = arith.constant 2 : i32
        %sub3A_132 = arith.subi %add3A_75, %sub3A : i32
        %dma_wait3A_133 = arith.constant 0 : i32
        %dma_wait3A_134 = tpu.memref_slice %arg8[%sub3A_132, %dma_wait3A_133] : memref<158x128xi32, #tpu.memory_space<vmem>> -> memref<1x128xi32, #tpu.memory_space<vmem>>
        %dma_wait3A_135 = tpu.memref_squeeze %dma_wait3A_134 : memref<1x128xi32, #tpu.memory_space<vmem>> -> memref<128xi32, #tpu.memory_space<vmem>>
        %dma_wait3A_136 = arith.constant 0 : i32
        %dma_wait3A_137 = arith.constant 0 : i32
        %dma_wait3A_138 = tpu.memref_slice %arg14[%dma_wait3A_136, %dma_wait3A_137] : memref<10240x32xf32, #tpu.memory_space<vmem_shared>> -> memref<10240x32xf32, #tpu.memory_space<vmem_shared>>
        tpu.wait_indirect_dma semaphore(%arg17 : memref<!tpu.dma_semaphore, #tpu.memory_space<semaphore_mem>>) src(%arg12 : memref<128x32xf32, #tpu.memory_space<vmem>>) dst(%dma_wait3A_138 : memref<10240x32xf32, #tpu.memory_space<vmem_shared>>)
      } else {
      }
      %scan3A_84 = arith.constant 0 : i32
      %scan3A_85 = arith.constant 0 : i32
      %scan3A_86 = arith.constant 8 : i32
      %scan3A_87 = arith.addi %scan3A_85, %scan3A_86 : i32
      %scan3A_88 = arith.constant 1 : i32
      scf.for %scan3A_132 = %scan3A_85 to %scan3A_87 step %scan3A_88  : i32 {
        %mul3A_133 = arith.constant 16 : i32
        %mul3A_134 = arith.muli %scan3A_132, %mul3A_133 : i32
        %get3A = arith.index_cast %add3A_75 : i32 to index
        %get3A_135 = arith.index_cast %mul3A_134 : i32 to index
        %get3A_136 = tpu.vector_load %arg9[%get3A, %get3A_135] {strides = array<i32>} : memref<158x128xf32, #tpu.memory_space<vmem>>, vector<16xf32>,
        %slice3A = vector.extract_strided_slice %get3A_136 {offsets = [0], sizes = [1], strides = [1]} : vector<16xf32> to vector<1xf32>
        %squeeze3A = vector.extract %slice3A[0] : f32 from vector<1xf32>
        %mul3A_137 = arith.constant 16 : i32
        %mul3A_138 = arith.muli %scan3A_132, %mul3A_137 : i32
        %add3A_139 = arith.constant 0 : i32
        %add3A_140 = arith.addi %mul3A_138, %add3A_139 : i32
        %get3A_141 = arith.index_cast %add3A_140 : i32 to index
        %get3A_142 = arith.constant 0 : index
        %get3A_143 = tpu.vector_load %arg10[%get3A_141, %get3A_142] {strides = array<i32>} : memref<128x32xbf16, #tpu.memory_space<vmem>>, vector<32xbf16>,
        %bitcast3A = vector.bitcast %get3A_143 : vector<32xbf16> to vector<16xi32>
        %shift_left3A = arith.constant 16 : i32
        %shift_left3A_144 = vector.broadcast %shift_left3A : i32 to vector<16xi32>
        %shift_left3A_145 = arith.shli %bitcast3A, %shift_left3A_144 : vector<16xi32>
        %bitcast3A_146 = vector.bitcast %shift_left3A_145 : vector<16xi32> to vector<16xf32>
        %and3A = arith.andi %bitcast3A, %broadcast_in_dim3A_33 : vector<16xi32>
        %bitcast3A_147 = vector.bitcast %and3A : vector<16xi32> to vector<16xf32>
        %mul3A_148 = vector.broadcast %squeeze3A : f32 to vector<16xf32>
        %mul3A_149 = arith.mulf %bitcast3A_146, %mul3A_148 : vector<16xf32>
        %swap3A = arith.index_cast %add3A_140 : i32 to index
        %swap3A_150 = arith.constant 0 : index
        %swap3A_151 = tpu.vector_load %arg12[%swap3A, %swap3A_150] {strides = array<i32>} : memref<128x32xf32, #tpu.memory_space<vmem>>, vector<16xf32>,
        tpu.vector_store %arg12[%swap3A, %swap3A_150], %mul3A_149 {strides = array<i32>} : memref<128x32xf32, #tpu.memory_space<vmem>>, vector<16xf32>,
        %mul3A_152 = vector.broadcast %squeeze3A : f32 to vector<16xf32>
        %mul3A_153 = arith.mulf %bitcast3A_147, %mul3A_152 : vector<16xf32>
        %swap3A_154 = arith.index_cast %add3A_140 : i32 to index
        %swap3A_155 = arith.constant 16 : index
        %swap3A_156 = tpu.vector_load %arg12[%swap3A_154, %swap3A_155] {strides = array<i32>} : memref<128x32xf32, #tpu.memory_space<vmem>>, vector<16xf32>,
        tpu.vector_store %arg12[%swap3A_154, %swap3A_155], %mul3A_153 {strides = array<i32>} : memref<128x32xf32, #tpu.memory_space<vmem>>, vector<16xf32>,
        %slice3A_157 = vector.extract_strided_slice %get3A_136 {offsets = [1], sizes = [1], strides = [1]} : vector<16xf32> to vector<1xf32>
        %squeeze3A_158 = vector.extract %slice3A_157[0] : f32 from vector<1xf32>
        %mul3A_159 = arith.constant 16 : i32
        %mul3A_160 = arith.muli %scan3A_132, %mul3A_159 : i32
        %add3A_161 = arith.constant 1 : i32
        %add3A_162 = arith.addi %mul3A_160, %add3A_161 : i32
        %get3A_163 = arith.index_cast %add3A_162 : i32 to index
        %get3A_164 = arith.constant 0 : index
        %get3A_165 = tpu.vector_load %arg10[%get3A_163, %get3A_164] {strides = array<i32>} : memref<128x32xbf16, #tpu.memory_space<vmem>>, vector<32xbf16>,
        %bitcast3A_166 = vector.bitcast %get3A_165 : vector<32xbf16> to vector<16xi32>
        %shift_left3A_167 = arith.constant 16 : i32
        %shift_left3A_168 = vector.broadcast %shift_left3A_167 : i32 to vector<16xi32>
        %shift_left3A_169 = arith.shli %bitcast3A_166, %shift_left3A_168 : vector<16xi32>
        %bitcast3A_170 = vector.bitcast %shift_left3A_169 : vector<16xi32> to vector<16xf32>
        %and3A_171 = arith.andi %bitcast3A_166, %broadcast_in_dim3A_33 : vector<16xi32>
        %bitcast3A_172 = vector.bitcast %and3A_171 : vector<16xi32> to vector<16xf32>
        %mul3A_173 = vector.broadcast %squeeze3A_158 : f32 to vector<16xf32>
        %mul3A_174 = arith.mulf %bitcast3A_170, %mul3A_173 : vector<16xf32>
        %swap3A_175 = arith.index_cast %add3A_162 : i32 to index
        %swap3A_176 = arith.constant 0 : index
        %swap3A_177 = tpu.vector_load %arg12[%swap3A_175, %swap3A_176] {strides = array<i32>} : memref<128x32xf32, #tpu.memory_space<vmem>>, vector<16xf32>,
        tpu.vector_store %arg12[%swap3A_175, %swap3A_176], %mul3A_174 {strides = array<i32>} : memref<128x32xf32, #tpu.memory_space<vmem>>, vector<16xf32>,
        %mul3A_178 = vector.broadcast %squeeze3A_158 : f32 to vector<16xf32>
        %mul3A_179 = arith.mulf %bitcast3A_172, %mul3A_178 : vector<16xf32>
        %swap3A_180 = arith.index_cast %add3A_162 : i32 to index
        %swap3A_181 = arith.constant 16 : index
        %swap3A_182 = tpu.vector_load %arg12[%swap3A_180, %swap3A_181] {strides = array<i32>} : memref<128x32xf32, #tpu.memory_space<vmem>>, vector<16xf32>,
        tpu.vector_store %arg12[%swap3A_180, %swap3A_181], %mul3A_179 {strides = array<i32>} : memref<128x32xf32, #tpu.memory_space<vmem>>, vector<16xf32>,
        %slice3A_183 = vector.extract_strided_slice %get3A_136 {offsets = [2], sizes = [1], strides = [1]} : vector<16xf32> to vector<1xf32>
        %squeeze3A_184 = vector.extract %slice3A_183[0] : f32 from vector<1xf32>
        %mul3A_185 = arith.constant 16 : i32
        %mul3A_186 = arith.muli %scan3A_132, %mul3A_185 : i32
        %add3A_187 = arith.constant 2 : i32
        %add3A_188 = arith.addi %mul3A_186, %add3A_187 : i32
        %get3A_189 = arith.index_cast %add3A_188 : i32 to index
        %get3A_190 = arith.constant 0 : index
        %get3A_191 = tpu.vector_load %arg10[%get3A_189, %get3A_190] {strides = array<i32>} : memref<128x32xbf16, #tpu.memory_space<vmem>>, vector<32xbf16>,
        %bitcast3A_192 = vector.bitcast %get3A_191 : vector<32xbf16> to vector<16xi32>
        %shift_left3A_193 = arith.constant 16 : i32
        %shift_left3A_194 = vector.broadcast %shift_left3A_193 : i32 to vector<16xi32>
        %shift_left3A_195 = arith.shli %bitcast3A_192, %shift_left3A_194 : vector<16xi32>
        %bitcast3A_196 = vector.bitcast %shift_left3A_195 : vector<16xi32> to vector<16xf32>
        %and3A_197 = arith.andi %bitcast3A_192, %broadcast_in_dim3A_33 : vector<16xi32>
        %bitcast3A_198 = vector.bitcast %and3A_197 : vector<16xi32> to vector<16xf32>
        %mul3A_199 = vector.broadcast %squeeze3A_184 : f32 to vector<16xf32>
        %mul3A_200 = arith.mulf %bitcast3A_196, %mul3A_199 : vector<16xf32>
        %swap3A_201 = arith.index_cast %add3A_188 : i32 to index
        %swap3A_202 = arith.constant 0 : index
        %swap3A_203 = tpu.vector_load %arg12[%swap3A_201, %swap3A_202] {strides = array<i32>} : memref<128x32xf32, #tpu.memory_space<vmem>>, vector<16xf32>,
        tpu.vector_store %arg12[%swap3A_201, %swap3A_202], %mul3A_200 {strides = array<i32>} : memref<128x32xf32, #tpu.memory_space<vmem>>, vector<16xf32>,
        %mul3A_204 = vector.broadcast %squeeze3A_184 : f32 to vector<16xf32>
        %mul3A_205 = arith.mulf %bitcast3A_198, %mul3A_204 : vector<16xf32>
        %swap3A_206 = arith.index_cast %add3A_188 : i32 to index
        %swap3A_207 = arith.constant 16 : index
        %swap3A_208 = tpu.vector_load %arg12[%swap3A_206, %swap3A_207] {strides = array<i32>} : memref<128x32xf32, #tpu.memory_space<vmem>>, vector<16xf32>,
        tpu.vector_store %arg12[%swap3A_206, %swap3A_207], %mul3A_205 {strides = array<i32>} : memref<128x32xf32, #tpu.memory_space<vmem>>, vector<16xf32>,
        %slice3A_209 = vector.extract_strided_slice %get3A_136 {offsets = [3], sizes = [1], strides = [1]} : vector<16xf32> to vector<1xf32>
        %squeeze3A_210 = vector.extract %slice3A_209[0] : f32 from vector<1xf32>
        %mul3A_211 = arith.constant 16 : i32
        %mul3A_212 = arith.muli %scan3A_132, %mul3A_211 : i32
        %add3A_213 = arith.constant 3 : i32
        %add3A_214 = arith.addi %mul3A_212, %add3A_213 : i32
        %get3A_215 = arith.index_cast %add3A_214 : i32 to index
        %get3A_216 = arith.constant 0 : index
        %get3A_217 = tpu.vector_load %arg10[%get3A_215, %get3A_216] {strides = array<i32>} : memref<128x32xbf16, #tpu.memory_space<vmem>>, vector<32xbf16>,
        %bitcast3A_218 = vector.bitcast %get3A_217 : vector<32xbf16> to vector<16xi32>
        %shift_left3A_219 = arith.constant 16 : i32
        %shift_left3A_220 = vector.broadcast %shift_left3A_219 : i32 to vector<16xi32>
        %shift_left3A_221 = arith.shli %bitcast3A_218, %shift_left3A_220 : vector<16xi32>
        %bitcast3A_222 = vector.bitcast %shift_left3A_221 : vector<16xi32> to vector<16xf32>
        %and3A_223 = arith.andi %bitcast3A_218, %broadcast_in_dim3A_33 : vector<16xi32>
        %bitcast3A_224 = vector.bitcast %and3A_223 : vector<16xi32> to vector<16xf32>
        %mul3A_225 = vector.broadcast %squeeze3A_210 : f32 to vector<16xf32>
        %mul3A_226 = arith.mulf %bitcast3A_222, %mul3A_225 : vector<16xf32>
        %swap3A_227 = arith.index_cast %add3A_214 : i32 to index
        %swap3A_228 = arith.constant 0 : index
        %swap3A_229 = tpu.vector_load %arg12[%swap3A_227, %swap3A_228] {strides = array<i32>} : memref<128x32xf32, #tpu.memory_space<vmem>>, vector<16xf32>,
        tpu.vector_store %arg12[%swap3A_227, %swap3A_228], %mul3A_226 {strides = array<i32>} : memref<128x32xf32, #tpu.memory_space<vmem>>, vector<16xf32>,
        %mul3A_230 = vector.broadcast %squeeze3A_210 : f32 to vector<16xf32>
        %mul3A_231 = arith.mulf %bitcast3A_224, %mul3A_230 : vector<16xf32>
        %swap3A_232 = arith.index_cast %add3A_214 : i32 to index
        %swap3A_233 = arith.constant 16 : index
        %swap3A_234 = tpu.vector_load %arg12[%swap3A_232, %swap3A_233] {strides = array<i32>} : memref<128x32xf32, #tpu.memory_space<vmem>>, vector<16xf32>,
        tpu.vector_store %arg12[%swap3A_232, %swap3A_233], %mul3A_231 {strides = array<i32>} : memref<128x32xf32, #tpu.memory_space<vmem>>, vector<16xf32>,
        %slice3A_235 = vector.extract_strided_slice %get3A_136 {offsets = [4], sizes = [1], strides = [1]} : vector<16xf32> to vector<1xf32>
        %squeeze3A_236 = vector.extract %slice3A_235[0] : f32 from vector<1xf32>
        %mul3A_237 = arith.constant 16 : i32
        %mul3A_238 = arith.muli %scan3A_132, %mul3A_237 : i32
        %add3A_239 = arith.constant 4 : i32
        %add3A_240 = arith.addi %mul3A_238, %add3A_239 : i32
        %get3A_241 = arith.index_cast %add3A_240 : i32 to index
        %get3A_242 = arith.constant 0 : index
        %get3A_243 = tpu.vector_load %arg10[%get3A_241, %get3A_242] {strides = array<i32>} : memref<128x32xbf16, #tpu.memory_space<vmem>>, vector<32xbf16>,
        %bitcast3A_244 = vector.bitcast %get3A_243 : vector<32xbf16> to vector<16xi32>
        %shift_left3A_245 = arith.constant 16 : i32
        %shift_left3A_246 = vector.broadcast %shift_left3A_245 : i32 to vector<16xi32>
        %shift_left3A_247 = arith.shli %bitcast3A_244, %shift_left3A_246 : vector<16xi32>
        %bitcast3A_248 = vector.bitcast %shift_left3A_247 : vector<16xi32> to vector<16xf32>
        %and3A_249 = arith.andi %bitcast3A_244, %broadcast_in_dim3A_33 : vector<16xi32>
        %bitcast3A_250 = vector.bitcast %and3A_249 : vector<16xi32> to vector<16xf32>
        %mul3A_251 = vector.broadcast %squeeze3A_236 : f32 to vector<16xf32>
        %mul3A_252 = arith.mulf %bitcast3A_248, %mul3A_251 : vector<16xf32>
        %swap3A_253 = arith.index_cast %add3A_240 : i32 to index
        %swap3A_254 = arith.constant 0 : index
        %swap3A_255 = tpu.vector_load %arg12[%swap3A_253, %swap3A_254] {strides = array<i32>} : memref<128x32xf32, #tpu.memory_space<vmem>>, vector<16xf32>,
        tpu.vector_store %arg12[%swap3A_253, %swap3A_254], %mul3A_252 {strides = array<i32>} : memref<128x32xf32, #tpu.memory_space<vmem>>, vector<16xf32>,
        %mul3A_256 = vector.broadcast %squeeze3A_236 : f32 to vector<16xf32>
        %mul3A_257 = arith.mulf %bitcast3A_250, %mul3A_256 : vector<16xf32>
        %swap3A_258 = arith.index_cast %add3A_240 : i32 to index
        %swap3A_259 = arith.constant 16 : index
        %swap3A_260 = tpu.vector_load %arg12[%swap3A_258, %swap3A_259] {strides = array<i32>} : memref<128x32xf32, #tpu.memory_space<vmem>>, vector<16xf32>,
        tpu.vector_store %arg12[%swap3A_258, %swap3A_259], %mul3A_257 {strides = array<i32>} : memref<128x32xf32, #tpu.memory_space<vmem>>, vector<16xf32>,
        %slice3A_261 = vector.extract_strided_slice %get3A_136 {offsets = [5], sizes = [1], strides = [1]} : vector<16xf32> to vector<1xf32>
        %squeeze3A_262 = vector.extract %slice3A_261[0] : f32 from vector<1xf32>
        %mul3A_263 = arith.constant 16 : i32
        %mul3A_264 = arith.muli %scan3A_132, %mul3A_263 : i32
        %add3A_265 = arith.constant 5 : i32
        %add3A_266 = arith.addi %mul3A_264, %add3A_265 : i32
        %get3A_267 = arith.index_cast %add3A_266 : i32 to index
        %get3A_268 = arith.constant 0 : index
        %get3A_269 = tpu.vector_load %arg10[%get3A_267, %get3A_268] {strides = array<i32>} : memref<128x32xbf16, #tpu.memory_space<vmem>>, vector<32xbf16>,
        %bitcast3A_270 = vector.bitcast %get3A_269 : vector<32xbf16> to vector<16xi32>
        %shift_left3A_271 = arith.constant 16 : i32
        %shift_left3A_272 = vector.broadcast %shift_left3A_271 : i32 to vector<16xi32>
        %shift_left3A_273 = arith.shli %bitcast3A_270, %shift_left3A_272 : vector<16xi32>
        %bitcast3A_274 = vector.bitcast %shift_left3A_273 : vector<16xi32> to vector<16xf32>
        %and3A_275 = arith.andi %bitcast3A_270, %broadcast_in_dim3A_33 : vector<16xi32>
        %bitcast3A_276 = vector.bitcast %and3A_275 : vector<16xi32> to vector<16xf32>
        %mul3A_277 = vector.broadcast %squeeze3A_262 : f32 to vector<16xf32>
        %mul3A_278 = arith.mulf %bitcast3A_274, %mul3A_277 : vector<16xf32>
        %swap3A_279 = arith.index_cast %add3A_266 : i32 to index
        %swap3A_280 = arith.constant 0 : index
        %swap3A_281 = tpu.vector_load %arg12[%swap3A_279, %swap3A_280] {strides = array<i32>} : memref<128x32xf32, #tpu.memory_space<vmem>>, vector<16xf32>,
        tpu.vector_store %arg12[%swap3A_279, %swap3A_280], %mul3A_278 {strides = array<i32>} : memref<128x32xf32, #tpu.memory_space<vmem>>, vector<16xf32>,
        %mul3A_282 = vector.broadcast %squeeze3A_262 : f32 to vector<16xf32>
        %mul3A_283 = arith.mulf %bitcast3A_276, %mul3A_282 : vector<16xf32>
        %swap3A_284 = arith.index_cast %add3A_266 : i32 to index
        %swap3A_285 = arith.constant 16 : index
        %swap3A_286 = tpu.vector_load %arg12[%swap3A_284, %swap3A_285] {strides = array<i32>} : memref<128x32xf32, #tpu.memory_space<vmem>>, vector<16xf32>,
        tpu.vector_store %arg12[%swap3A_284, %swap3A_285], %mul3A_283 {strides = array<i32>} : memref<128x32xf32, #tpu.memory_space<vmem>>, vector<16xf32>,
        %slice3A_287 = vector.extract_strided_slice %get3A_136 {offsets = [6], sizes = [1], strides = [1]} : vector<16xf32> to vector<1xf32>
        %squeeze3A_288 = vector.extract %slice3A_287[0] : f32 from vector<1xf32>
        %mul3A_289 = arith.constant 16 : i32
        %mul3A_290 = arith.muli %scan3A_132, %mul3A_289 : i32
        %add3A_291 = arith.constant 6 : i32
        %add3A_292 = arith.addi %mul3A_290, %add3A_291 : i32
        %get3A_293 = arith.index_cast %add3A_292 : i32 to index
        %get3A_294 = arith.constant 0 : index
        %get3A_295 = tpu.vector_load %arg10[%get3A_293, %get3A_294] {strides = array<i32>} : memref<128x32xbf16, #tpu.memory_space<vmem>>, vector<32xbf16>,
        %bitcast3A_296 = vector.bitcast %get3A_295 : vector<32xbf16> to vector<16xi32>
        %shift_left3A_297 = arith.constant 16 : i32
        %shift_left3A_298 = vector.broadcast %shift_left3A_297 : i32 to vector<16xi32>
        %shift_left3A_299 = arith.shli %bitcast3A_296, %shift_left3A_298 : vector<16xi32>
        %bitcast3A_300 = vector.bitcast %shift_left3A_299 : vector<16xi32> to vector<16xf32>
        %and3A_301 = arith.andi %bitcast3A_296, %broadcast_in_dim3A_33 : vector<16xi32>
        %bitcast3A_302 = vector.bitcast %and3A_301 : vector<16xi32> to vector<16xf32>
        %mul3A_303 = vector.broadcast %squeeze3A_288 : f32 to vector<16xf32>
        %mul3A_304 = arith.mulf %bitcast3A_300, %mul3A_303 : vector<16xf32>
        %swap3A_305 = arith.index_cast %add3A_292 : i32 to index
        %swap3A_306 = arith.constant 0 : index
        %swap3A_307 = tpu.vector_load %arg12[%swap3A_305, %swap3A_306] {strides = array<i32>} : memref<128x32xf32, #tpu.memory_space<vmem>>, vector<16xf32>,
        tpu.vector_store %arg12[%swap3A_305, %swap3A_306], %mul3A_304 {strides = array<i32>} : memref<128x32xf32, #tpu.memory_space<vmem>>, vector<16xf32>,
        %mul3A_308 = vector.broadcast %squeeze3A_288 : f32 to vector<16xf32>
        %mul3A_309 = arith.mulf %bitcast3A_302, %mul3A_308 : vector<16xf32>
        %swap3A_310 = arith.index_cast %add3A_292 : i32 to index
        %swap3A_311 = arith.constant 16 : index
        %swap3A_312 = tpu.vector_load %arg12[%swap3A_310, %swap3A_311] {strides = array<i32>} : memref<128x32xf32, #tpu.memory_space<vmem>>, vector<16xf32>,
        tpu.vector_store %arg12[%swap3A_310, %swap3A_311], %mul3A_309 {strides = array<i32>} : memref<128x32xf32, #tpu.memory_space<vmem>>, vector<16xf32>,
        %slice3A_313 = vector.extract_strided_slice %get3A_136 {offsets = [7], sizes = [1], strides = [1]} : vector<16xf32> to vector<1xf32>
        %squeeze3A_314 = vector.extract %slice3A_313[0] : f32 from vector<1xf32>
        %mul3A_315 = arith.constant 16 : i32
        %mul3A_316 = arith.muli %scan3A_132, %mul3A_315 : i32
        %add3A_317 = arith.constant 7 : i32
        %add3A_318 = arith.addi %mul3A_316, %add3A_317 : i32
        %get3A_319 = arith.index_cast %add3A_318 : i32 to index
        %get3A_320 = arith.constant 0 : index
        %get3A_321 = tpu.vector_load %arg10[%get3A_319, %get3A_320] {strides = array<i32>} : memref<128x32xbf16, #tpu.memory_space<vmem>>, vector<32xbf16>,
        %bitcast3A_322 = vector.bitcast %get3A_321 : vector<32xbf16> to vector<16xi32>
        %shift_left3A_323 = arith.constant 16 : i32
        %shift_left3A_324 = vector.broadcast %shift_left3A_323 : i32 to vector<16xi32>
        %shift_left3A_325 = arith.shli %bitcast3A_322, %shift_left3A_324 : vector<16xi32>
        %bitcast3A_326 = vector.bitcast %shift_left3A_325 : vector<16xi32> to vector<16xf32>
        %and3A_327 = arith.andi %bitcast3A_322, %broadcast_in_dim3A_33 : vector<16xi32>
        %bitcast3A_328 = vector.bitcast %and3A_327 : vector<16xi32> to vector<16xf32>
        %mul3A_329 = vector.broadcast %squeeze3A_314 : f32 to vector<16xf32>
        %mul3A_330 = arith.mulf %bitcast3A_326, %mul3A_329 : vector<16xf32>
        %swap3A_331 = arith.index_cast %add3A_318 : i32 to index
        %swap3A_332 = arith.constant 0 : index
        %swap3A_333 = tpu.vector_load %arg12[%swap3A_331, %swap3A_332] {strides = array<i32>} : memref<128x32xf32, #tpu.memory_space<vmem>>, vector<16xf32>,
        tpu.vector_store %arg12[%swap3A_331, %swap3A_332], %mul3A_330 {strides = array<i32>} : memref<128x32xf32, #tpu.memory_space<vmem>>, vector<16xf32>,
        %mul3A_334 = vector.broadcast %squeeze3A_314 : f32 to vector<16xf32>
        %mul3A_335 = arith.mulf %bitcast3A_328, %mul3A_334 : vector<16xf32>
        %swap3A_336 = arith.index_cast %add3A_318 : i32 to index
        %swap3A_337 = arith.constant 16 : index
        %swap3A_338 = tpu.vector_load %arg12[%swap3A_336, %swap3A_337] {strides = array<i32>} : memref<128x32xf32, #tpu.memory_space<vmem>>, vector<16xf32>,
        tpu.vector_store %arg12[%swap3A_336, %swap3A_337], %mul3A_335 {strides = array<i32>} : memref<128x32xf32, #tpu.memory_space<vmem>>, vector<16xf32>,
        %slice3A_339 = vector.extract_strided_slice %get3A_136 {offsets = [8], sizes = [1], strides = [1]} : vector<16xf32> to vector<1xf32>
        %squeeze3A_340 = vector.extract %slice3A_339[0] : f32 from vector<1xf32>
        %mul3A_341 = arith.constant 16 : i32
        %mul3A_342 = arith.muli %scan3A_132, %mul3A_341 : i32
        %add3A_343 = arith.constant 8 : i32
        %add3A_344 = arith.addi %mul3A_342, %add3A_343 : i32
        %get3A_345 = arith.index_cast %add3A_344 : i32 to index
        %get3A_346 = arith.constant 0 : index
        %get3A_347 = tpu.vector_load %arg10[%get3A_345, %get3A_346] {strides = array<i32>} : memref<128x32xbf16, #tpu.memory_space<vmem>>, vector<32xbf16>,
        %bitcast3A_348 = vector.bitcast %get3A_347 : vector<32xbf16> to vector<16xi32>
        %shift_left3A_349 = arith.constant 16 : i32
        %shift_left3A_350 = vector.broadcast %shift_left3A_349 : i32 to vector<16xi32>
        %shift_left3A_351 = arith.shli %bitcast3A_348, %shift_left3A_350 : vector<16xi32>
        %bitcast3A_352 = vector.bitcast %shift_left3A_351 : vector<16xi32> to vector<16xf32>
        %and3A_353 = arith.andi %bitcast3A_348, %broadcast_in_dim3A_33 : vector<16xi32>
        %bitcast3A_354 = vector.bitcast %and3A_353 : vector<16xi32> to vector<16xf32>
        %mul3A_355 = vector.broadcast %squeeze3A_340 : f32 to vector<16xf32>
        %mul3A_356 = arith.mulf %bitcast3A_352, %mul3A_355 : vector<16xf32>
        %swap3A_357 = arith.index_cast %add3A_344 : i32 to index
        %swap3A_358 = arith.constant 0 : index
        %swap3A_359 = tpu.vector_load %arg12[%swap3A_357, %swap3A_358] {strides = array<i32>} : memref<128x32xf32, #tpu.memory_space<vmem>>, vector<16xf32>,
        tpu.vector_store %arg12[%swap3A_357, %swap3A_358], %mul3A_356 {strides = array<i32>} : memref<128x32xf32, #tpu.memory_space<vmem>>, vector<16xf32>,
        %mul3A_360 = vector.broadcast %squeeze3A_340 : f32 to vector<16xf32>
        %mul3A_361 = arith.mulf %bitcast3A_354, %mul3A_360 : vector<16xf32>
        %swap3A_362 = arith.index_cast %add3A_344 : i32 to index
        %swap3A_363 = arith.constant 16 : index
        %swap3A_364 = tpu.vector_load %arg12[%swap3A_362, %swap3A_363] {strides = array<i32>} : memref<128x32xf32, #tpu.memory_space<vmem>>, vector<16xf32>,
        tpu.vector_store %arg12[%swap3A_362, %swap3A_363], %mul3A_361 {strides = array<i32>} : memref<128x32xf32, #tpu.memory_space<vmem>>, vector<16xf32>,
        %slice3A_365 = vector.extract_strided_slice %get3A_136 {offsets = [9], sizes = [1], strides = [1]} : vector<16xf32> to vector<1xf32>
        %squeeze3A_366 = vector.extract %slice3A_365[0] : f32 from vector<1xf32>
        %mul3A_367 = arith.constant 16 : i32
        %mul3A_368 = arith.muli %scan3A_132, %mul3A_367 : i32
        %add3A_369 = arith.constant 9 : i32
        %add3A_370 = arith.addi %mul3A_368, %add3A_369 : i32
        %get3A_371 = arith.index_cast %add3A_370 : i32 to index
        %get3A_372 = arith.constant 0 : index
        %get3A_373 = tpu.vector_load %arg10[%get3A_371, %get3A_372] {strides = array<i32>} : memref<128x32xbf16, #tpu.memory_space<vmem>>, vector<32xbf16>,
        %bitcast3A_374 = vector.bitcast %get3A_373 : vector<32xbf16> to vector<16xi32>
        %shift_left3A_375 = arith.constant 16 : i32
        %shift_left3A_376 = vector.broadcast %shift_left3A_375 : i32 to vector<16xi32>
        %shift_left3A_377 = arith.shli %bitcast3A_374, %shift_left3A_376 : vector<16xi32>
        %bitcast3A_378 = vector.bitcast %shift_left3A_377 : vector<16xi32> to vector<16xf32>
        %and3A_379 = arith.andi %bitcast3A_374, %broadcast_in_dim3A_33 : vector<16xi32>
        %bitcast3A_380 = vector.bitcast %and3A_379 : vector<16xi32> to vector<16xf32>
        %mul3A_381 = vector.broadcast %squeeze3A_366 : f32 to vector<16xf32>
        %mul3A_382 = arith.mulf %bitcast3A_378, %mul3A_381 : vector<16xf32>
        %swap3A_383 = arith.index_cast %add3A_370 : i32 to index
        %swap3A_384 = arith.constant 0 : index
        %swap3A_385 = tpu.vector_load %arg12[%swap3A_383, %swap3A_384] {strides = array<i32>} : memref<128x32xf32, #tpu.memory_space<vmem>>, vector<16xf32>,
        tpu.vector_store %arg12[%swap3A_383, %swap3A_384], %mul3A_382 {strides = array<i32>} : memref<128x32xf32, #tpu.memory_space<vmem>>, vector<16xf32>,
        %mul3A_386 = vector.broadcast %squeeze3A_366 : f32 to vector<16xf32>
        %mul3A_387 = arith.mulf %bitcast3A_380, %mul3A_386 : vector<16xf32>
        %swap3A_388 = arith.index_cast %add3A_370 : i32 to index
        %swap3A_389 = arith.constant 16 : index
        %swap3A_390 = tpu.vector_load %arg12[%swap3A_388, %swap3A_389] {strides = array<i32>} : memref<128x32xf32, #tpu.memory_space<vmem>>, vector<16xf32>,
        tpu.vector_store %arg12[%swap3A_388, %swap3A_389], %mul3A_387 {strides = array<i32>} : memref<128x32xf32, #tpu.memory_space<vmem>>, vector<16xf32>,
        %slice3A_391 = vector.extract_strided_slice %get3A_136 {offsets = [10], sizes = [1], strides = [1]} : vector<16xf32> to vector<1xf32>
        %squeeze3A_392 = vector.extract %slice3A_391[0] : f32 from vector<1xf32>
        %mul3A_393 = arith.constant 16 : i32
        %mul3A_394 = arith.muli %scan3A_132, %mul3A_393 : i32
        %add3A_395 = arith.constant 10 : i32
        %add3A_396 = arith.addi %mul3A_394, %add3A_395 : i32
        %get3A_397 = arith.index_cast %add3A_396 : i32 to index
        %get3A_398 = arith.constant 0 : index
        %get3A_399 = tpu.vector_load %arg10[%get3A_397, %get3A_398] {strides = array<i32>} : memref<128x32xbf16, #tpu.memory_space<vmem>>, vector<32xbf16>,
        %bitcast3A_400 = vector.bitcast %get3A_399 : vector<32xbf16> to vector<16xi32>
        %shift_left3A_401 = arith.constant 16 : i32
        %shift_left3A_402 = vector.broadcast %shift_left3A_401 : i32 to vector<16xi32>
        %shift_left3A_403 = arith.shli %bitcast3A_400, %shift_left3A_402 : vector<16xi32>
        %bitcast3A_404 = vector.bitcast %shift_left3A_403 : vector<16xi32> to vector<16xf32>
        %and3A_405 = arith.andi %bitcast3A_400, %broadcast_in_dim3A_33 : vector<16xi32>
        %bitcast3A_406 = vector.bitcast %and3A_405 : vector<16xi32> to vector<16xf32>
        %mul3A_407 = vector.broadcast %squeeze3A_392 : f32 to vector<16xf32>
        %mul3A_408 = arith.mulf %bitcast3A_404, %mul3A_407 : vector<16xf32>
        %swap3A_409 = arith.index_cast %add3A_396 : i32 to index
        %swap3A_410 = arith.constant 0 : index
        %swap3A_411 = tpu.vector_load %arg12[%swap3A_409, %swap3A_410] {strides = array<i32>} : memref<128x32xf32, #tpu.memory_space<vmem>>, vector<16xf32>,
        tpu.vector_store %arg12[%swap3A_409, %swap3A_410], %mul3A_408 {strides = array<i32>} : memref<128x32xf32, #tpu.memory_space<vmem>>, vector<16xf32>,
        %mul3A_412 = vector.broadcast %squeeze3A_392 : f32 to vector<16xf32>
        %mul3A_413 = arith.mulf %bitcast3A_406, %mul3A_412 : vector<16xf32>
        %swap3A_414 = arith.index_cast %add3A_396 : i32 to index
        %swap3A_415 = arith.constant 16 : index
        %swap3A_416 = tpu.vector_load %arg12[%swap3A_414, %swap3A_415] {strides = array<i32>} : memref<128x32xf32, #tpu.memory_space<vmem>>, vector<16xf32>,
        tpu.vector_store %arg12[%swap3A_414, %swap3A_415], %mul3A_413 {strides = array<i32>} : memref<128x32xf32, #tpu.memory_space<vmem>>, vector<16xf32>,
        %slice3A_417 = vector.extract_strided_slice %get3A_136 {offsets = [11], sizes = [1], strides = [1]} : vector<16xf32> to vector<1xf32>
        %squeeze3A_418 = vector.extract %slice3A_417[0] : f32 from vector<1xf32>
        %mul3A_419 = arith.constant 16 : i32
        %mul3A_420 = arith.muli %scan3A_132, %mul3A_419 : i32
        %add3A_421 = arith.constant 11 : i32
        %add3A_422 = arith.addi %mul3A_420, %add3A_421 : i32
        %get3A_423 = arith.index_cast %add3A_422 : i32 to index
        %get3A_424 = arith.constant 0 : index
        %get3A_425 = tpu.vector_load %arg10[%get3A_423, %get3A_424] {strides = array<i32>} : memref<128x32xbf16, #tpu.memory_space<vmem>>, vector<32xbf16>,
        %bitcast3A_426 = vector.bitcast %get3A_425 : vector<32xbf16> to vector<16xi32>
        %shift_left3A_427 = arith.constant 16 : i32
        %shift_left3A_428 = vector.broadcast %shift_left3A_427 : i32 to vector<16xi32>
        %shift_left3A_429 = arith.shli %bitcast3A_426, %shift_left3A_428 : vector<16xi32>
        %bitcast3A_430 = vector.bitcast %shift_left3A_429 : vector<16xi32> to vector<16xf32>
        %and3A_431 = arith.andi %bitcast3A_426, %broadcast_in_dim3A_33 : vector<16xi32>
        %bitcast3A_432 = vector.bitcast %and3A_431 : vector<16xi32> to vector<16xf32>
        %mul3A_433 = vector.broadcast %squeeze3A_418 : f32 to vector<16xf32>
        %mul3A_434 = arith.mulf %bitcast3A_430, %mul3A_433 : vector<16xf32>
        %swap3A_435 = arith.index_cast %add3A_422 : i32 to index
        %swap3A_436 = arith.constant 0 : index
        %swap3A_437 = tpu.vector_load %arg12[%swap3A_435, %swap3A_436] {strides = array<i32>} : memref<128x32xf32, #tpu.memory_space<vmem>>, vector<16xf32>,
        tpu.vector_store %arg12[%swap3A_435, %swap3A_436], %mul3A_434 {strides = array<i32>} : memref<128x32xf32, #tpu.memory_space<vmem>>, vector<16xf32>,
        %mul3A_438 = vector.broadcast %squeeze3A_418 : f32 to vector<16xf32>
        %mul3A_439 = arith.mulf %bitcast3A_432, %mul3A_438 : vector<16xf32>
        %swap3A_440 = arith.index_cast %add3A_422 : i32 to index
        %swap3A_441 = arith.constant 16 : index
        %swap3A_442 = tpu.vector_load %arg12[%swap3A_440, %swap3A_441] {strides = array<i32>} : memref<128x32xf32, #tpu.memory_space<vmem>>, vector<16xf32>,
        tpu.vector_store %arg12[%swap3A_440, %swap3A_441], %mul3A_439 {strides = array<i32>} : memref<128x32xf32, #tpu.memory_space<vmem>>, vector<16xf32>,
        %slice3A_443 = vector.extract_strided_slice %get3A_136 {offsets = [12], sizes = [1], strides = [1]} : vector<16xf32> to vector<1xf32>
        %squeeze3A_444 = vector.extract %slice3A_443[0] : f32 from vector<1xf32>
        %mul3A_445 = arith.constant 16 : i32
        %mul3A_446 = arith.muli %scan3A_132, %mul3A_445 : i32
        %add3A_447 = arith.constant 12 : i32
        %add3A_448 = arith.addi %mul3A_446, %add3A_447 : i32
        %get3A_449 = arith.index_cast %add3A_448 : i32 to index
        %get3A_450 = arith.constant 0 : index
        %get3A_451 = tpu.vector_load %arg10[%get3A_449, %get3A_450] {strides = array<i32>} : memref<128x32xbf16, #tpu.memory_space<vmem>>, vector<32xbf16>,
        %bitcast3A_452 = vector.bitcast %get3A_451 : vector<32xbf16> to vector<16xi32>
        %shift_left3A_453 = arith.constant 16 : i32
        %shift_left3A_454 = vector.broadcast %shift_left3A_453 : i32 to vector<16xi32>
        %shift_left3A_455 = arith.shli %bitcast3A_452, %shift_left3A_454 : vector<16xi32>
        %bitcast3A_456 = vector.bitcast %shift_left3A_455 : vector<16xi32> to vector<16xf32>
        %and3A_457 = arith.andi %bitcast3A_452, %broadcast_in_dim3A_33 : vector<16xi32>
        %bitcast3A_458 = vector.bitcast %and3A_457 : vector<16xi32> to vector<16xf32>
        %mul3A_459 = vector.broadcast %squeeze3A_444 : f32 to vector<16xf32>
        %mul3A_460 = arith.mulf %bitcast3A_456, %mul3A_459 : vector<16xf32>
        %swap3A_461 = arith.index_cast %add3A_448 : i32 to index
        %swap3A_462 = arith.constant 0 : index
        %swap3A_463 = tpu.vector_load %arg12[%swap3A_461, %swap3A_462] {strides = array<i32>} : memref<128x32xf32, #tpu.memory_space<vmem>>, vector<16xf32>,
        tpu.vector_store %arg12[%swap3A_461, %swap3A_462], %mul3A_460 {strides = array<i32>} : memref<128x32xf32, #tpu.memory_space<vmem>>, vector<16xf32>,
        %mul3A_464 = vector.broadcast %squeeze3A_444 : f32 to vector<16xf32>
        %mul3A_465 = arith.mulf %bitcast3A_458, %mul3A_464 : vector<16xf32>
        %swap3A_466 = arith.index_cast %add3A_448 : i32 to index
        %swap3A_467 = arith.constant 16 : index
        %swap3A_468 = tpu.vector_load %arg12[%swap3A_466, %swap3A_467] {strides = array<i32>} : memref<128x32xf32, #tpu.memory_space<vmem>>, vector<16xf32>,
        tpu.vector_store %arg12[%swap3A_466, %swap3A_467], %mul3A_465 {strides = array<i32>} : memref<128x32xf32, #tpu.memory_space<vmem>>, vector<16xf32>,
        %slice3A_469 = vector.extract_strided_slice %get3A_136 {offsets = [13], sizes = [1], strides = [1]} : vector<16xf32> to vector<1xf32>
        %squeeze3A_470 = vector.extract %slice3A_469[0] : f32 from vector<1xf32>
        %mul3A_471 = arith.constant 16 : i32
        %mul3A_472 = arith.muli %scan3A_132, %mul3A_471 : i32
        %add3A_473 = arith.constant 13 : i32
        %add3A_474 = arith.addi %mul3A_472, %add3A_473 : i32
        %get3A_475 = arith.index_cast %add3A_474 : i32 to index
        %get3A_476 = arith.constant 0 : index
        %get3A_477 = tpu.vector_load %arg10[%get3A_475, %get3A_476] {strides = array<i32>} : memref<128x32xbf16, #tpu.memory_space<vmem>>, vector<32xbf16>,
        %bitcast3A_478 = vector.bitcast %get3A_477 : vector<32xbf16> to vector<16xi32>
        %shift_left3A_479 = arith.constant 16 : i32
        %shift_left3A_480 = vector.broadcast %shift_left3A_479 : i32 to vector<16xi32>
        %shift_left3A_481 = arith.shli %bitcast3A_478, %shift_left3A_480 : vector<16xi32>
        %bitcast3A_482 = vector.bitcast %shift_left3A_481 : vector<16xi32> to vector<16xf32>
        %and3A_483 = arith.andi %bitcast3A_478, %broadcast_in_dim3A_33 : vector<16xi32>
        %bitcast3A_484 = vector.bitcast %and3A_483 : vector<16xi32> to vector<16xf32>
        %mul3A_485 = vector.broadcast %squeeze3A_470 : f32 to vector<16xf32>
        %mul3A_486 = arith.mulf %bitcast3A_482, %mul3A_485 : vector<16xf32>
        %swap3A_487 = arith.index_cast %add3A_474 : i32 to index
        %swap3A_488 = arith.constant 0 : index
        %swap3A_489 = tpu.vector_load %arg12[%swap3A_487, %swap3A_488] {strides = array<i32>} : memref<128x32xf32, #tpu.memory_space<vmem>>, vector<16xf32>,
        tpu.vector_store %arg12[%swap3A_487, %swap3A_488], %mul3A_486 {strides = array<i32>} : memref<128x32xf32, #tpu.memory_space<vmem>>, vector<16xf32>,
        %mul3A_490 = vector.broadcast %squeeze3A_470 : f32 to vector<16xf32>
        %mul3A_491 = arith.mulf %bitcast3A_484, %mul3A_490 : vector<16xf32>
        %swap3A_492 = arith.index_cast %add3A_474 : i32 to index
        %swap3A_493 = arith.constant 16 : index
        %swap3A_494 = tpu.vector_load %arg12[%swap3A_492, %swap3A_493] {strides = array<i32>} : memref<128x32xf32, #tpu.memory_space<vmem>>, vector<16xf32>,
        tpu.vector_store %arg12[%swap3A_492, %swap3A_493], %mul3A_491 {strides = array<i32>} : memref<128x32xf32, #tpu.memory_space<vmem>>, vector<16xf32>,
        %slice3A_495 = vector.extract_strided_slice %get3A_136 {offsets = [14], sizes = [1], strides = [1]} : vector<16xf32> to vector<1xf32>
        %squeeze3A_496 = vector.extract %slice3A_495[0] : f32 from vector<1xf32>
        %mul3A_497 = arith.constant 16 : i32
        %mul3A_498 = arith.muli %scan3A_132, %mul3A_497 : i32
        %add3A_499 = arith.constant 14 : i32
        %add3A_500 = arith.addi %mul3A_498, %add3A_499 : i32
        %get3A_501 = arith.index_cast %add3A_500 : i32 to index
        %get3A_502 = arith.constant 0 : index
        %get3A_503 = tpu.vector_load %arg10[%get3A_501, %get3A_502] {strides = array<i32>} : memref<128x32xbf16, #tpu.memory_space<vmem>>, vector<32xbf16>,
        %bitcast3A_504 = vector.bitcast %get3A_503 : vector<32xbf16> to vector<16xi32>
        %shift_left3A_505 = arith.constant 16 : i32
        %shift_left3A_506 = vector.broadcast %shift_left3A_505 : i32 to vector<16xi32>
        %shift_left3A_507 = arith.shli %bitcast3A_504, %shift_left3A_506 : vector<16xi32>
        %bitcast3A_508 = vector.bitcast %shift_left3A_507 : vector<16xi32> to vector<16xf32>
        %and3A_509 = arith.andi %bitcast3A_504, %broadcast_in_dim3A_33 : vector<16xi32>
        %bitcast3A_510 = vector.bitcast %and3A_509 : vector<16xi32> to vector<16xf32>
        %mul3A_511 = vector.broadcast %squeeze3A_496 : f32 to vector<16xf32>
        %mul3A_512 = arith.mulf %bitcast3A_508, %mul3A_511 : vector<16xf32>
        %swap3A_513 = arith.index_cast %add3A_500 : i32 to index
        %swap3A_514 = arith.constant 0 : index
        %swap3A_515 = tpu.vector_load %arg12[%swap3A_513, %swap3A_514] {strides = array<i32>} : memref<128x32xf32, #tpu.memory_space<vmem>>, vector<16xf32>,
        tpu.vector_store %arg12[%swap3A_513, %swap3A_514], %mul3A_512 {strides = array<i32>} : memref<128x32xf32, #tpu.memory_space<vmem>>, vector<16xf32>,
        %mul3A_516 = vector.broadcast %squeeze3A_496 : f32 to vector<16xf32>
        %mul3A_517 = arith.mulf %bitcast3A_510, %mul3A_516 : vector<16xf32>
        %swap3A_518 = arith.index_cast %add3A_500 : i32 to index
        %swap3A_519 = arith.constant 16 : index
        %swap3A_520 = tpu.vector_load %arg12[%swap3A_518, %swap3A_519] {strides = array<i32>} : memref<128x32xf32, #tpu.memory_space<vmem>>, vector<16xf32>,
        tpu.vector_store %arg12[%swap3A_518, %swap3A_519], %mul3A_517 {strides = array<i32>} : memref<128x32xf32, #tpu.memory_space<vmem>>, vector<16xf32>,
        %slice3A_521 = vector.extract_strided_slice %get3A_136 {offsets = [15], sizes = [1], strides = [1]} : vector<16xf32> to vector<1xf32>
        %squeeze3A_522 = vector.extract %slice3A_521[0] : f32 from vector<1xf32>
        %mul3A_523 = arith.constant 16 : i32
        %mul3A_524 = arith.muli %scan3A_132, %mul3A_523 : i32
        %add3A_525 = arith.constant 15 : i32
        %add3A_526 = arith.addi %mul3A_524, %add3A_525 : i32
        %get3A_527 = arith.index_cast %add3A_526 : i32 to index
        %get3A_528 = arith.constant 0 : index
        %get3A_529 = tpu.vector_load %arg10[%get3A_527, %get3A_528] {strides = array<i32>} : memref<128x32xbf16, #tpu.memory_space<vmem>>, vector<32xbf16>,
        %bitcast3A_530 = vector.bitcast %get3A_529 : vector<32xbf16> to vector<16xi32>
        %shift_left3A_531 = arith.constant 16 : i32
        %shift_left3A_532 = vector.broadcast %shift_left3A_531 : i32 to vector<16xi32>
        %shift_left3A_533 = arith.shli %bitcast3A_530, %shift_left3A_532 : vector<16xi32>
        %bitcast3A_534 = vector.bitcast %shift_left3A_533 : vector<16xi32> to vector<16xf32>
        %and3A_535 = arith.andi %bitcast3A_530, %broadcast_in_dim3A_33 : vector<16xi32>
        %bitcast3A_536 = vector.bitcast %and3A_535 : vector<16xi32> to vector<16xf32>
        %mul3A_537 = vector.broadcast %squeeze3A_522 : f32 to vector<16xf32>
        %mul3A_538 = arith.mulf %bitcast3A_534, %mul3A_537 : vector<16xf32>
        %swap3A_539 = arith.index_cast %add3A_526 : i32 to index
        %swap3A_540 = arith.constant 0 : index
        %swap3A_541 = tpu.vector_load %arg12[%swap3A_539, %swap3A_540] {strides = array<i32>} : memref<128x32xf32, #tpu.memory_space<vmem>>, vector<16xf32>,
        tpu.vector_store %arg12[%swap3A_539, %swap3A_540], %mul3A_538 {strides = array<i32>} : memref<128x32xf32, #tpu.memory_space<vmem>>, vector<16xf32>,
        %mul3A_542 = vector.broadcast %squeeze3A_522 : f32 to vector<16xf32>
        %mul3A_543 = arith.mulf %bitcast3A_536, %mul3A_542 : vector<16xf32>
        %swap3A_544 = arith.index_cast %add3A_526 : i32 to index
        %swap3A_545 = arith.constant 16 : index
        %swap3A_546 = tpu.vector_load %arg12[%swap3A_544, %swap3A_545] {strides = array<i32>} : memref<128x32xf32, #tpu.memory_space<vmem>>, vector<16xf32>,
        tpu.vector_store %arg12[%swap3A_544, %swap3A_545], %mul3A_543 {strides = array<i32>} : memref<128x32xf32, #tpu.memory_space<vmem>>, vector<16xf32>,
      }
      %scan3A_89 = arith.constant 8 : i32
      %lt3A = arith.constant 78 : i32
      %lt3A_90 = arith.cmpi slt, %scan3A_71, %lt3A : i32
      %convert_element_type3A_91 = arith.extui %lt3A_90 : i1 to i32
      %cond3A_92 = arith.constant 0 : i32
      %cond3A_93 = arith.cmpi ne, %convert_element_type3A_91, %cond3A_92 : i32
      scf.if %cond3A_93 {
        %add3A_132 = arith.constant 2 : i32
        %add3A_133 = arith.addi %add3A_75, %add3A_132 : i32
        %dma_start3A_134 = arith.constant 0 : i32
        %dma_start3A_135 = tpu.memref_slice %arg7[%add3A_133, %dma_start3A_134] : memref<158x128xi32, #tpu.memory_space<vmem>> -> memref<1x128xi32, #tpu.memory_space<vmem>>
        %dma_start3A_136 = tpu.memref_squeeze %dma_start3A_135 : memref<1x128xi32, #tpu.memory_space<vmem>> -> memref<128xi32, #tpu.memory_space<vmem>>
        %dma_start3A_137 = arith.constant 0 : i32
        %dma_start3A_138 = arith.constant 0 : i32
        %dma_start3A_139 = tpu.memref_slice %arg2[%dma_start3A_137, %dma_start3A_138] : memref<20000x32xbf16, #tpu.memory_space<hbm>> -> memref<20000x32xbf16, #tpu.memory_space<hbm>>
        tpu.enqueue_indirect_dma source(%dma_start3A_139 : memref<20000x32xbf16, #tpu.memory_space<hbm>>) target(%arg10 : memref<128x32xbf16, #tpu.memory_space<vmem>>) offsets(%dma_start3A_136 : memref<128xi32, #tpu.memory_space<vmem>>) semaphore(%arg15 : memref<!tpu.dma_semaphore, #tpu.memory_space<semaphore_mem>>)
      } else {
      }
      %dma_start3A_94 = arith.constant 0 : i32
      %dma_start3A_95 = tpu.memref_slice %arg8[%add3A_75, %dma_start3A_94] : memref<158x128xi32, #tpu.memory_space<vmem>> -> memref<1x128xi32, #tpu.memory_space<vmem>>
      %dma_start3A_96 = tpu.memref_squeeze %dma_start3A_95 : memref<1x128xi32, #tpu.memory_space<vmem>> -> memref<128xi32, #tpu.memory_space<vmem>>
      %dma_start3A_97 = arith.constant 0 : i32
      %dma_start3A_98 = arith.constant 0 : i32
      %dma_start3A_99 = tpu.memref_slice %arg14[%dma_start3A_97, %dma_start3A_98] : memref<10240x32xf32, #tpu.memory_space<vmem_shared>> -> memref<10240x32xf32, #tpu.memory_space<vmem_shared>>
      tpu.enqueue_indirect_dma source(%arg12 : memref<128x32xf32, #tpu.memory_space<vmem>>) target(%dma_start3A_99 : memref<10240x32xf32, #tpu.memory_space<vmem_shared>>) offsets(%dma_start3A_96 : memref<128xi32, #tpu.memory_space<vmem>>) semaphore(%arg17 : memref<!tpu.dma_semaphore, #tpu.memory_space<semaphore_mem>>) {add = true}
      %mul3A_100 = arith.constant 2 : i32
      %mul3A_101 = arith.muli %mul3A_100, %scan3A_71 : i32
      %add3A_102 = arith.constant 1 : i32
      %add3A_103 = arith.addi %mul3A_101, %add3A_102 : i32
      %dma_wait3A_104 = arith.constant 0 : i32
      %dma_wait3A_105 = tpu.memref_slice %arg7[%add3A_103, %dma_wait3A_104] : memref<158x128xi32, #tpu.memory_space<vmem>> -> memref<1x128xi32, #tpu.memory_space<vmem>>
      %dma_wait3A_106 = tpu.memref_squeeze %dma_wait3A_105 : memref<1x128xi32, #tpu.memory_space<vmem>> -> memref<128xi32, #tpu.memory_space<vmem>>
      %dma_wait3A_107 = arith.constant 0 : i32
      %dma_wait3A_108 = arith.constant 0 : i32
      %dma_wait3A_109 = tpu.memref_slice %arg2[%dma_wait3A_107, %dma_wait3A_108] : memref<20000x32xbf16, #tpu.memory_space<hbm>> -> memref<20000x32xbf16, #tpu.memory_space<hbm>>
      tpu.wait_indirect_dma semaphore(%arg16 : memref<!tpu.dma_semaphore, #tpu.memory_space<semaphore_mem>>) src(%dma_wait3A_109 : memref<20000x32xbf16, #tpu.memory_space<hbm>>) dst(%arg11 : memref<128x32xbf16, #tpu.memory_space<vmem>>)
      %ge3A_110 = arith.constant 1 : i32
      %ge3A_111 = arith.cmpi sge, %scan3A_71, %ge3A_110 : i32
      %convert_element_type3A_112 = arith.extui %ge3A_111 : i1 to i32
      %cond3A_113 = arith.constant 0 : i32
      %cond3A_114 = arith.cmpi ne, %convert_element_type3A_112, %cond3A_113 : i32
      scf.if %cond3A_114 {
        %sub3A = arith.constant 2 : i32
        %sub3A_132 = arith.subi %add3A_103, %sub3A : i32
        %dma_wait3A_133 = arith.constant 0 : i32
        %dma_wait3A_134 = tpu.memref_slice %arg8[%sub3A_132, %dma_wait3A_133] : memref<158x128xi32, #tpu.memory_space<vmem>> -> memref<1x128xi32, #tpu.memory_space<vmem>>
        %dma_wait3A_135 = tpu.memref_squeeze %dma_wait3A_134 : memref<1x128xi32, #tpu.memory_space<vmem>> -> memref<128xi32, #tpu.memory_space<vmem>>
        %dma_wait3A_136 = arith.constant 0 : i32
        %dma_wait3A_137 = arith.constant 0 : i32
        %dma_wait3A_138 = tpu.memref_slice %arg14[%dma_wait3A_136, %dma_wait3A_137] : memref<10240x32xf32, #tpu.memory_space<vmem_shared>> -> memref<10240x32xf32, #tpu.memory_space<vmem_shared>>
        tpu.wait_indirect_dma semaphore(%arg18 : memref<!tpu.dma_semaphore, #tpu.memory_space<semaphore_mem>>) src(%arg13 : memref<128x32xf32, #tpu.memory_space<vmem>>) dst(%dma_wait3A_138 : memref<10240x32xf32, #tpu.memory_space<vmem_shared>>)
      } else {
      }
      %scan3A_115 = arith.constant 0 : i32
      %scan3A_116 = arith.constant 0 : i32
      %scan3A_117 = arith.constant 8 : i32
      %scan3A_118 = arith.addi %scan3A_116, %scan3A_117 : i32
      %scan3A_119 = arith.constant 1 : i32
      scf.for %scan3A_132 = %scan3A_116 to %scan3A_118 step %scan3A_119  : i32 {
        %mul3A_133 = arith.constant 16 : i32
        %mul3A_134 = arith.muli %scan3A_132, %mul3A_133 : i32
        %get3A = arith.index_cast %add3A_103 : i32 to index
        %get3A_135 = arith.index_cast %mul3A_134 : i32 to index
        %get3A_136 = tpu.vector_load %arg9[%get3A, %get3A_135] {strides = array<i32>} : memref<158x128xf32, #tpu.memory_space<vmem>>, vector<16xf32>,
        %slice3A = vector.extract_strided_slice %get3A_136 {offsets = [0], sizes = [1], strides = [1]} : vector<16xf32> to vector<1xf32>
        %squeeze3A = vector.extract %slice3A[0] : f32 from vector<1xf32>
        %mul3A_137 = arith.constant 16 : i32
        %mul3A_138 = arith.muli %scan3A_132, %mul3A_137 : i32
        %add3A_139 = arith.constant 0 : i32
        %add3A_140 = arith.addi %mul3A_138, %add3A_139 : i32
        %get3A_141 = arith.index_cast %add3A_140 : i32 to index
        %get3A_142 = arith.constant 0 : index
        %get3A_143 = tpu.vector_load %arg11[%get3A_141, %get3A_142] {strides = array<i32>} : memref<128x32xbf16, #tpu.memory_space<vmem>>, vector<32xbf16>,
        %bitcast3A = vector.bitcast %get3A_143 : vector<32xbf16> to vector<16xi32>
        %shift_left3A = arith.constant 16 : i32
        %shift_left3A_144 = vector.broadcast %shift_left3A : i32 to vector<16xi32>
        %shift_left3A_145 = arith.shli %bitcast3A, %shift_left3A_144 : vector<16xi32>
        %bitcast3A_146 = vector.bitcast %shift_left3A_145 : vector<16xi32> to vector<16xf32>
        %and3A = arith.andi %bitcast3A, %broadcast_in_dim3A_33 : vector<16xi32>
        %bitcast3A_147 = vector.bitcast %and3A : vector<16xi32> to vector<16xf32>
        %mul3A_148 = vector.broadcast %squeeze3A : f32 to vector<16xf32>
        %mul3A_149 = arith.mulf %bitcast3A_146, %mul3A_148 : vector<16xf32>
        %swap3A = arith.index_cast %add3A_140 : i32 to index
        %swap3A_150 = arith.constant 0 : index
        %swap3A_151 = tpu.vector_load %arg13[%swap3A, %swap3A_150] {strides = array<i32>} : memref<128x32xf32, #tpu.memory_space<vmem>>, vector<16xf32>,
        tpu.vector_store %arg13[%swap3A, %swap3A_150], %mul3A_149 {strides = array<i32>} : memref<128x32xf32, #tpu.memory_space<vmem>>, vector<16xf32>,
        %mul3A_152 = vector.broadcast %squeeze3A : f32 to vector<16xf32>
        %mul3A_153 = arith.mulf %bitcast3A_147, %mul3A_152 : vector<16xf32>
        %swap3A_154 = arith.index_cast %add3A_140 : i32 to index
        %swap3A_155 = arith.constant 16 : index
        %swap3A_156 = tpu.vector_load %arg13[%swap3A_154, %swap3A_155] {strides = array<i32>} : memref<128x32xf32, #tpu.memory_space<vmem>>, vector<16xf32>,
        tpu.vector_store %arg13[%swap3A_154, %swap3A_155], %mul3A_153 {strides = array<i32>} : memref<128x32xf32, #tpu.memory_space<vmem>>, vector<16xf32>,
        %slice3A_157 = vector.extract_strided_slice %get3A_136 {offsets = [1], sizes = [1], strides = [1]} : vector<16xf32> to vector<1xf32>
        %squeeze3A_158 = vector.extract %slice3A_157[0] : f32 from vector<1xf32>
        %mul3A_159 = arith.constant 16 : i32
        %mul3A_160 = arith.muli %scan3A_132, %mul3A_159 : i32
        %add3A_161 = arith.constant 1 : i32
        %add3A_162 = arith.addi %mul3A_160, %add3A_161 : i32
        %get3A_163 = arith.index_cast %add3A_162 : i32 to index
        %get3A_164 = arith.constant 0 : index
        %get3A_165 = tpu.vector_load %arg11[%get3A_163, %get3A_164] {strides = array<i32>} : memref<128x32xbf16, #tpu.memory_space<vmem>>, vector<32xbf16>,
        %bitcast3A_166 = vector.bitcast %get3A_165 : vector<32xbf16> to vector<16xi32>
        %shift_left3A_167 = arith.constant 16 : i32
        %shift_left3A_168 = vector.broadcast %shift_left3A_167 : i32 to vector<16xi32>
        %shift_left3A_169 = arith.shli %bitcast3A_166, %shift_left3A_168 : vector<16xi32>
        %bitcast3A_170 = vector.bitcast %shift_left3A_169 : vector<16xi32> to vector<16xf32>
        %and3A_171 = arith.andi %bitcast3A_166, %broadcast_in_dim3A_33 : vector<16xi32>
        %bitcast3A_172 = vector.bitcast %and3A_171 : vector<16xi32> to vector<16xf32>
        %mul3A_173 = vector.broadcast %squeeze3A_158 : f32 to vector<16xf32>
        %mul3A_174 = arith.mulf %bitcast3A_170, %mul3A_173 : vector<16xf32>
        %swap3A_175 = arith.index_cast %add3A_162 : i32 to index
        %swap3A_176 = arith.constant 0 : index
        %swap3A_177 = tpu.vector_load %arg13[%swap3A_175, %swap3A_176] {strides = array<i32>} : memref<128x32xf32, #tpu.memory_space<vmem>>, vector<16xf32>,
        tpu.vector_store %arg13[%swap3A_175, %swap3A_176], %mul3A_174 {strides = array<i32>} : memref<128x32xf32, #tpu.memory_space<vmem>>, vector<16xf32>,
        %mul3A_178 = vector.broadcast %squeeze3A_158 : f32 to vector<16xf32>
        %mul3A_179 = arith.mulf %bitcast3A_172, %mul3A_178 : vector<16xf32>
        %swap3A_180 = arith.index_cast %add3A_162 : i32 to index
        %swap3A_181 = arith.constant 16 : index
        %swap3A_182 = tpu.vector_load %arg13[%swap3A_180, %swap3A_181] {strides = array<i32>} : memref<128x32xf32, #tpu.memory_space<vmem>>, vector<16xf32>,
        tpu.vector_store %arg13[%swap3A_180, %swap3A_181], %mul3A_179 {strides = array<i32>} : memref<128x32xf32, #tpu.memory_space<vmem>>, vector<16xf32>,
        %slice3A_183 = vector.extract_strided_slice %get3A_136 {offsets = [2], sizes = [1], strides = [1]} : vector<16xf32> to vector<1xf32>
        %squeeze3A_184 = vector.extract %slice3A_183[0] : f32 from vector<1xf32>
        %mul3A_185 = arith.constant 16 : i32
        %mul3A_186 = arith.muli %scan3A_132, %mul3A_185 : i32
        %add3A_187 = arith.constant 2 : i32
        %add3A_188 = arith.addi %mul3A_186, %add3A_187 : i32
        %get3A_189 = arith.index_cast %add3A_188 : i32 to index
        %get3A_190 = arith.constant 0 : index
        %get3A_191 = tpu.vector_load %arg11[%get3A_189, %get3A_190] {strides = array<i32>} : memref<128x32xbf16, #tpu.memory_space<vmem>>, vector<32xbf16>,
        %bitcast3A_192 = vector.bitcast %get3A_191 : vector<32xbf16> to vector<16xi32>
        %shift_left3A_193 = arith.constant 16 : i32
        %shift_left3A_194 = vector.broadcast %shift_left3A_193 : i32 to vector<16xi32>
        %shift_left3A_195 = arith.shli %bitcast3A_192, %shift_left3A_194 : vector<16xi32>
        %bitcast3A_196 = vector.bitcast %shift_left3A_195 : vector<16xi32> to vector<16xf32>
        %and3A_197 = arith.andi %bitcast3A_192, %broadcast_in_dim3A_33 : vector<16xi32>
        %bitcast3A_198 = vector.bitcast %and3A_197 : vector<16xi32> to vector<16xf32>
        %mul3A_199 = vector.broadcast %squeeze3A_184 : f32 to vector<16xf32>
        %mul3A_200 = arith.mulf %bitcast3A_196, %mul3A_199 : vector<16xf32>
        %swap3A_201 = arith.index_cast %add3A_188 : i32 to index
        %swap3A_202 = arith.constant 0 : index
        %swap3A_203 = tpu.vector_load %arg13[%swap3A_201, %swap3A_202] {strides = array<i32>} : memref<128x32xf32, #tpu.memory_space<vmem>>, vector<16xf32>,
        tpu.vector_store %arg13[%swap3A_201, %swap3A_202], %mul3A_200 {strides = array<i32>} : memref<128x32xf32, #tpu.memory_space<vmem>>, vector<16xf32>,
        %mul3A_204 = vector.broadcast %squeeze3A_184 : f32 to vector<16xf32>
        %mul3A_205 = arith.mulf %bitcast3A_198, %mul3A_204 : vector<16xf32>
        %swap3A_206 = arith.index_cast %add3A_188 : i32 to index
        %swap3A_207 = arith.constant 16 : index
        %swap3A_208 = tpu.vector_load %arg13[%swap3A_206, %swap3A_207] {strides = array<i32>} : memref<128x32xf32, #tpu.memory_space<vmem>>, vector<16xf32>,
        tpu.vector_store %arg13[%swap3A_206, %swap3A_207], %mul3A_205 {strides = array<i32>} : memref<128x32xf32, #tpu.memory_space<vmem>>, vector<16xf32>,
        %slice3A_209 = vector.extract_strided_slice %get3A_136 {offsets = [3], sizes = [1], strides = [1]} : vector<16xf32> to vector<1xf32>
        %squeeze3A_210 = vector.extract %slice3A_209[0] : f32 from vector<1xf32>
        %mul3A_211 = arith.constant 16 : i32
        %mul3A_212 = arith.muli %scan3A_132, %mul3A_211 : i32
        %add3A_213 = arith.constant 3 : i32
        %add3A_214 = arith.addi %mul3A_212, %add3A_213 : i32
        %get3A_215 = arith.index_cast %add3A_214 : i32 to index
        %get3A_216 = arith.constant 0 : index
        %get3A_217 = tpu.vector_load %arg11[%get3A_215, %get3A_216] {strides = array<i32>} : memref<128x32xbf16, #tpu.memory_space<vmem>>, vector<32xbf16>,
        %bitcast3A_218 = vector.bitcast %get3A_217 : vector<32xbf16> to vector<16xi32>
        %shift_left3A_219 = arith.constant 16 : i32
        %shift_left3A_220 = vector.broadcast %shift_left3A_219 : i32 to vector<16xi32>
        %shift_left3A_221 = arith.shli %bitcast3A_218, %shift_left3A_220 : vector<16xi32>
        %bitcast3A_222 = vector.bitcast %shift_left3A_221 : vector<16xi32> to vector<16xf32>
        %and3A_223 = arith.andi %bitcast3A_218, %broadcast_in_dim3A_33 : vector<16xi32>
        %bitcast3A_224 = vector.bitcast %and3A_223 : vector<16xi32> to vector<16xf32>
        %mul3A_225 = vector.broadcast %squeeze3A_210 : f32 to vector<16xf32>
        %mul3A_226 = arith.mulf %bitcast3A_222, %mul3A_225 : vector<16xf32>
        %swap3A_227 = arith.index_cast %add3A_214 : i32 to index
        %swap3A_228 = arith.constant 0 : index
        %swap3A_229 = tpu.vector_load %arg13[%swap3A_227, %swap3A_228] {strides = array<i32>} : memref<128x32xf32, #tpu.memory_space<vmem>>, vector<16xf32>,
        tpu.vector_store %arg13[%swap3A_227, %swap3A_228], %mul3A_226 {strides = array<i32>} : memref<128x32xf32, #tpu.memory_space<vmem>>, vector<16xf32>,
        %mul3A_230 = vector.broadcast %squeeze3A_210 : f32 to vector<16xf32>
        %mul3A_231 = arith.mulf %bitcast3A_224, %mul3A_230 : vector<16xf32>
        %swap3A_232 = arith.index_cast %add3A_214 : i32 to index
        %swap3A_233 = arith.constant 16 : index
        %swap3A_234 = tpu.vector_load %arg13[%swap3A_232, %swap3A_233] {strides = array<i32>} : memref<128x32xf32, #tpu.memory_space<vmem>>, vector<16xf32>,
        tpu.vector_store %arg13[%swap3A_232, %swap3A_233], %mul3A_231 {strides = array<i32>} : memref<128x32xf32, #tpu.memory_space<vmem>>, vector<16xf32>,
        %slice3A_235 = vector.extract_strided_slice %get3A_136 {offsets = [4], sizes = [1], strides = [1]} : vector<16xf32> to vector<1xf32>
        %squeeze3A_236 = vector.extract %slice3A_235[0] : f32 from vector<1xf32>
        %mul3A_237 = arith.constant 16 : i32
        %mul3A_238 = arith.muli %scan3A_132, %mul3A_237 : i32
        %add3A_239 = arith.constant 4 : i32
        %add3A_240 = arith.addi %mul3A_238, %add3A_239 : i32
        %get3A_241 = arith.index_cast %add3A_240 : i32 to index
        %get3A_242 = arith.constant 0 : index
        %get3A_243 = tpu.vector_load %arg11[%get3A_241, %get3A_242] {strides = array<i32>} : memref<128x32xbf16, #tpu.memory_space<vmem>>, vector<32xbf16>,
        %bitcast3A_244 = vector.bitcast %get3A_243 : vector<32xbf16> to vector<16xi32>
        %shift_left3A_245 = arith.constant 16 : i32
        %shift_left3A_246 = vector.broadcast %shift_left3A_245 : i32 to vector<16xi32>
        %shift_left3A_247 = arith.shli %bitcast3A_244, %shift_left3A_246 : vector<16xi32>
        %bitcast3A_248 = vector.bitcast %shift_left3A_247 : vector<16xi32> to vector<16xf32>
        %and3A_249 = arith.andi %bitcast3A_244, %broadcast_in_dim3A_33 : vector<16xi32>
        %bitcast3A_250 = vector.bitcast %and3A_249 : vector<16xi32> to vector<16xf32>
        %mul3A_251 = vector.broadcast %squeeze3A_236 : f32 to vector<16xf32>
        %mul3A_252 = arith.mulf %bitcast3A_248, %mul3A_251 : vector<16xf32>
        %swap3A_253 = arith.index_cast %add3A_240 : i32 to index
        %swap3A_254 = arith.constant 0 : index
        %swap3A_255 = tpu.vector_load %arg13[%swap3A_253, %swap3A_254] {strides = array<i32>} : memref<128x32xf32, #tpu.memory_space<vmem>>, vector<16xf32>,
        tpu.vector_store %arg13[%swap3A_253, %swap3A_254], %mul3A_252 {strides = array<i32>} : memref<128x32xf32, #tpu.memory_space<vmem>>, vector<16xf32>,
        %mul3A_256 = vector.broadcast %squeeze3A_236 : f32 to vector<16xf32>
        %mul3A_257 = arith.mulf %bitcast3A_250, %mul3A_256 : vector<16xf32>
        %swap3A_258 = arith.index_cast %add3A_240 : i32 to index
        %swap3A_259 = arith.constant 16 : index
        %swap3A_260 = tpu.vector_load %arg13[%swap3A_258, %swap3A_259] {strides = array<i32>} : memref<128x32xf32, #tpu.memory_space<vmem>>, vector<16xf32>,
        tpu.vector_store %arg13[%swap3A_258, %swap3A_259], %mul3A_257 {strides = array<i32>} : memref<128x32xf32, #tpu.memory_space<vmem>>, vector<16xf32>,
        %slice3A_261 = vector.extract_strided_slice %get3A_136 {offsets = [5], sizes = [1], strides = [1]} : vector<16xf32> to vector<1xf32>
        %squeeze3A_262 = vector.extract %slice3A_261[0] : f32 from vector<1xf32>
        %mul3A_263 = arith.constant 16 : i32
        %mul3A_264 = arith.muli %scan3A_132, %mul3A_263 : i32
        %add3A_265 = arith.constant 5 : i32
        %add3A_266 = arith.addi %mul3A_264, %add3A_265 : i32
        %get3A_267 = arith.index_cast %add3A_266 : i32 to index
        %get3A_268 = arith.constant 0 : index
        %get3A_269 = tpu.vector_load %arg11[%get3A_267, %get3A_268] {strides = array<i32>} : memref<128x32xbf16, #tpu.memory_space<vmem>>, vector<32xbf16>,
        %bitcast3A_270 = vector.bitcast %get3A_269 : vector<32xbf16> to vector<16xi32>
        %shift_left3A_271 = arith.constant 16 : i32
        %shift_left3A_272 = vector.broadcast %shift_left3A_271 : i32 to vector<16xi32>
        %shift_left3A_273 = arith.shli %bitcast3A_270, %shift_left3A_272 : vector<16xi32>
        %bitcast3A_274 = vector.bitcast %shift_left3A_273 : vector<16xi32> to vector<16xf32>
        %and3A_275 = arith.andi %bitcast3A_270, %broadcast_in_dim3A_33 : vector<16xi32>
        %bitcast3A_276 = vector.bitcast %and3A_275 : vector<16xi32> to vector<16xf32>
        %mul3A_277 = vector.broadcast %squeeze3A_262 : f32 to vector<16xf32>
        %mul3A_278 = arith.mulf %bitcast3A_274, %mul3A_277 : vector<16xf32>
        %swap3A_279 = arith.index_cast %add3A_266 : i32 to index
        %swap3A_280 = arith.constant 0 : index
        %swap3A_281 = tpu.vector_load %arg13[%swap3A_279, %swap3A_280] {strides = array<i32>} : memref<128x32xf32, #tpu.memory_space<vmem>>, vector<16xf32>,
        tpu.vector_store %arg13[%swap3A_279, %swap3A_280], %mul3A_278 {strides = array<i32>} : memref<128x32xf32, #tpu.memory_space<vmem>>, vector<16xf32>,
        %mul3A_282 = vector.broadcast %squeeze3A_262 : f32 to vector<16xf32>
        %mul3A_283 = arith.mulf %bitcast3A_276, %mul3A_282 : vector<16xf32>
        %swap3A_284 = arith.index_cast %add3A_266 : i32 to index
        %swap3A_285 = arith.constant 16 : index
        %swap3A_286 = tpu.vector_load %arg13[%swap3A_284, %swap3A_285] {strides = array<i32>} : memref<128x32xf32, #tpu.memory_space<vmem>>, vector<16xf32>,
        tpu.vector_store %arg13[%swap3A_284, %swap3A_285], %mul3A_283 {strides = array<i32>} : memref<128x32xf32, #tpu.memory_space<vmem>>, vector<16xf32>,
        %slice3A_287 = vector.extract_strided_slice %get3A_136 {offsets = [6], sizes = [1], strides = [1]} : vector<16xf32> to vector<1xf32>
        %squeeze3A_288 = vector.extract %slice3A_287[0] : f32 from vector<1xf32>
        %mul3A_289 = arith.constant 16 : i32
        %mul3A_290 = arith.muli %scan3A_132, %mul3A_289 : i32
        %add3A_291 = arith.constant 6 : i32
        %add3A_292 = arith.addi %mul3A_290, %add3A_291 : i32
        %get3A_293 = arith.index_cast %add3A_292 : i32 to index
        %get3A_294 = arith.constant 0 : index
        %get3A_295 = tpu.vector_load %arg11[%get3A_293, %get3A_294] {strides = array<i32>} : memref<128x32xbf16, #tpu.memory_space<vmem>>, vector<32xbf16>,
        %bitcast3A_296 = vector.bitcast %get3A_295 : vector<32xbf16> to vector<16xi32>
        %shift_left3A_297 = arith.constant 16 : i32
        %shift_left3A_298 = vector.broadcast %shift_left3A_297 : i32 to vector<16xi32>
        %shift_left3A_299 = arith.shli %bitcast3A_296, %shift_left3A_298 : vector<16xi32>
        %bitcast3A_300 = vector.bitcast %shift_left3A_299 : vector<16xi32> to vector<16xf32>
        %and3A_301 = arith.andi %bitcast3A_296, %broadcast_in_dim3A_33 : vector<16xi32>
        %bitcast3A_302 = vector.bitcast %and3A_301 : vector<16xi32> to vector<16xf32>
        %mul3A_303 = vector.broadcast %squeeze3A_288 : f32 to vector<16xf32>
        %mul3A_304 = arith.mulf %bitcast3A_300, %mul3A_303 : vector<16xf32>
        %swap3A_305 = arith.index_cast %add3A_292 : i32 to index
        %swap3A_306 = arith.constant 0 : index
        %swap3A_307 = tpu.vector_load %arg13[%swap3A_305, %swap3A_306] {strides = array<i32>} : memref<128x32xf32, #tpu.memory_space<vmem>>, vector<16xf32>,
        tpu.vector_store %arg13[%swap3A_305, %swap3A_306], %mul3A_304 {strides = array<i32>} : memref<128x32xf32, #tpu.memory_space<vmem>>, vector<16xf32>,
        %mul3A_308 = vector.broadcast %squeeze3A_288 : f32 to vector<16xf32>
        %mul3A_309 = arith.mulf %bitcast3A_302, %mul3A_308 : vector<16xf32>
        %swap3A_310 = arith.index_cast %add3A_292 : i32 to index
        %swap3A_311 = arith.constant 16 : index
        %swap3A_312 = tpu.vector_load %arg13[%swap3A_310, %swap3A_311] {strides = array<i32>} : memref<128x32xf32, #tpu.memory_space<vmem>>, vector<16xf32>,
        tpu.vector_store %arg13[%swap3A_310, %swap3A_311], %mul3A_309 {strides = array<i32>} : memref<128x32xf32, #tpu.memory_space<vmem>>, vector<16xf32>,
        %slice3A_313 = vector.extract_strided_slice %get3A_136 {offsets = [7], sizes = [1], strides = [1]} : vector<16xf32> to vector<1xf32>
        %squeeze3A_314 = vector.extract %slice3A_313[0] : f32 from vector<1xf32>
        %mul3A_315 = arith.constant 16 : i32
        %mul3A_316 = arith.muli %scan3A_132, %mul3A_315 : i32
        %add3A_317 = arith.constant 7 : i32
        %add3A_318 = arith.addi %mul3A_316, %add3A_317 : i32
        %get3A_319 = arith.index_cast %add3A_318 : i32 to index
        %get3A_320 = arith.constant 0 : index
        %get3A_321 = tpu.vector_load %arg11[%get3A_319, %get3A_320] {strides = array<i32>} : memref<128x32xbf16, #tpu.memory_space<vmem>>, vector<32xbf16>,
        %bitcast3A_322 = vector.bitcast %get3A_321 : vector<32xbf16> to vector<16xi32>
        %shift_left3A_323 = arith.constant 16 : i32
        %shift_left3A_324 = vector.broadcast %shift_left3A_323 : i32 to vector<16xi32>
        %shift_left3A_325 = arith.shli %bitcast3A_322, %shift_left3A_324 : vector<16xi32>
        %bitcast3A_326 = vector.bitcast %shift_left3A_325 : vector<16xi32> to vector<16xf32>
        %and3A_327 = arith.andi %bitcast3A_322, %broadcast_in_dim3A_33 : vector<16xi32>
        %bitcast3A_328 = vector.bitcast %and3A_327 : vector<16xi32> to vector<16xf32>
        %mul3A_329 = vector.broadcast %squeeze3A_314 : f32 to vector<16xf32>
        %mul3A_330 = arith.mulf %bitcast3A_326, %mul3A_329 : vector<16xf32>
        %swap3A_331 = arith.index_cast %add3A_318 : i32 to index
        %swap3A_332 = arith.constant 0 : index
        %swap3A_333 = tpu.vector_load %arg13[%swap3A_331, %swap3A_332] {strides = array<i32>} : memref<128x32xf32, #tpu.memory_space<vmem>>, vector<16xf32>,
        tpu.vector_store %arg13[%swap3A_331, %swap3A_332], %mul3A_330 {strides = array<i32>} : memref<128x32xf32, #tpu.memory_space<vmem>>, vector<16xf32>,
        %mul3A_334 = vector.broadcast %squeeze3A_314 : f32 to vector<16xf32>
        %mul3A_335 = arith.mulf %bitcast3A_328, %mul3A_334 : vector<16xf32>
        %swap3A_336 = arith.index_cast %add3A_318 : i32 to index
        %swap3A_337 = arith.constant 16 : index
        %swap3A_338 = tpu.vector_load %arg13[%swap3A_336, %swap3A_337] {strides = array<i32>} : memref<128x32xf32, #tpu.memory_space<vmem>>, vector<16xf32>,
        tpu.vector_store %arg13[%swap3A_336, %swap3A_337], %mul3A_335 {strides = array<i32>} : memref<128x32xf32, #tpu.memory_space<vmem>>, vector<16xf32>,
        %slice3A_339 = vector.extract_strided_slice %get3A_136 {offsets = [8], sizes = [1], strides = [1]} : vector<16xf32> to vector<1xf32>
        %squeeze3A_340 = vector.extract %slice3A_339[0] : f32 from vector<1xf32>
        %mul3A_341 = arith.constant 16 : i32
        %mul3A_342 = arith.muli %scan3A_132, %mul3A_341 : i32
        %add3A_343 = arith.constant 8 : i32
        %add3A_344 = arith.addi %mul3A_342, %add3A_343 : i32
        %get3A_345 = arith.index_cast %add3A_344 : i32 to index
        %get3A_346 = arith.constant 0 : index
        %get3A_347 = tpu.vector_load %arg11[%get3A_345, %get3A_346] {strides = array<i32>} : memref<128x32xbf16, #tpu.memory_space<vmem>>, vector<32xbf16>,
        %bitcast3A_348 = vector.bitcast %get3A_347 : vector<32xbf16> to vector<16xi32>
        %shift_left3A_349 = arith.constant 16 : i32
        %shift_left3A_350 = vector.broadcast %shift_left3A_349 : i32 to vector<16xi32>
        %shift_left3A_351 = arith.shli %bitcast3A_348, %shift_left3A_350 : vector<16xi32>
        %bitcast3A_352 = vector.bitcast %shift_left3A_351 : vector<16xi32> to vector<16xf32>
        %and3A_353 = arith.andi %bitcast3A_348, %broadcast_in_dim3A_33 : vector<16xi32>
        %bitcast3A_354 = vector.bitcast %and3A_353 : vector<16xi32> to vector<16xf32>
        %mul3A_355 = vector.broadcast %squeeze3A_340 : f32 to vector<16xf32>
        %mul3A_356 = arith.mulf %bitcast3A_352, %mul3A_355 : vector<16xf32>
        %swap3A_357 = arith.index_cast %add3A_344 : i32 to index
        %swap3A_358 = arith.constant 0 : index
        %swap3A_359 = tpu.vector_load %arg13[%swap3A_357, %swap3A_358] {strides = array<i32>} : memref<128x32xf32, #tpu.memory_space<vmem>>, vector<16xf32>,
        tpu.vector_store %arg13[%swap3A_357, %swap3A_358], %mul3A_356 {strides = array<i32>} : memref<128x32xf32, #tpu.memory_space<vmem>>, vector<16xf32>,
        %mul3A_360 = vector.broadcast %squeeze3A_340 : f32 to vector<16xf32>
        %mul3A_361 = arith.mulf %bitcast3A_354, %mul3A_360 : vector<16xf32>
        %swap3A_362 = arith.index_cast %add3A_344 : i32 to index
        %swap3A_363 = arith.constant 16 : index
        %swap3A_364 = tpu.vector_load %arg13[%swap3A_362, %swap3A_363] {strides = array<i32>} : memref<128x32xf32, #tpu.memory_space<vmem>>, vector<16xf32>,
        tpu.vector_store %arg13[%swap3A_362, %swap3A_363], %mul3A_361 {strides = array<i32>} : memref<128x32xf32, #tpu.memory_space<vmem>>, vector<16xf32>,
        %slice3A_365 = vector.extract_strided_slice %get3A_136 {offsets = [9], sizes = [1], strides = [1]} : vector<16xf32> to vector<1xf32>
        %squeeze3A_366 = vector.extract %slice3A_365[0] : f32 from vector<1xf32>
        %mul3A_367 = arith.constant 16 : i32
        %mul3A_368 = arith.muli %scan3A_132, %mul3A_367 : i32
        %add3A_369 = arith.constant 9 : i32
        %add3A_370 = arith.addi %mul3A_368, %add3A_369 : i32
        %get3A_371 = arith.index_cast %add3A_370 : i32 to index
        %get3A_372 = arith.constant 0 : index
        %get3A_373 = tpu.vector_load %arg11[%get3A_371, %get3A_372] {strides = array<i32>} : memref<128x32xbf16, #tpu.memory_space<vmem>>, vector<32xbf16>,
        %bitcast3A_374 = vector.bitcast %get3A_373 : vector<32xbf16> to vector<16xi32>
        %shift_left3A_375 = arith.constant 16 : i32
        %shift_left3A_376 = vector.broadcast %shift_left3A_375 : i32 to vector<16xi32>
        %shift_left3A_377 = arith.shli %bitcast3A_374, %shift_left3A_376 : vector<16xi32>
        %bitcast3A_378 = vector.bitcast %shift_left3A_377 : vector<16xi32> to vector<16xf32>
        %and3A_379 = arith.andi %bitcast3A_374, %broadcast_in_dim3A_33 : vector<16xi32>
        %bitcast3A_380 = vector.bitcast %and3A_379 : vector<16xi32> to vector<16xf32>
        %mul3A_381 = vector.broadcast %squeeze3A_366 : f32 to vector<16xf32>
        %mul3A_382 = arith.mulf %bitcast3A_378, %mul3A_381 : vector<16xf32>
        %swap3A_383 = arith.index_cast %add3A_370 : i32 to index
        %swap3A_384 = arith.constant 0 : index
        %swap3A_385 = tpu.vector_load %arg13[%swap3A_383, %swap3A_384] {strides = array<i32>} : memref<128x32xf32, #tpu.memory_space<vmem>>, vector<16xf32>,
        tpu.vector_store %arg13[%swap3A_383, %swap3A_384], %mul3A_382 {strides = array<i32>} : memref<128x32xf32, #tpu.memory_space<vmem>>, vector<16xf32>,
        %mul3A_386 = vector.broadcast %squeeze3A_366 : f32 to vector<16xf32>
        %mul3A_387 = arith.mulf %bitcast3A_380, %mul3A_386 : vector<16xf32>
        %swap3A_388 = arith.index_cast %add3A_370 : i32 to index
        %swap3A_389 = arith.constant 16 : index
        %swap3A_390 = tpu.vector_load %arg13[%swap3A_388, %swap3A_389] {strides = array<i32>} : memref<128x32xf32, #tpu.memory_space<vmem>>, vector<16xf32>,
        tpu.vector_store %arg13[%swap3A_388, %swap3A_389], %mul3A_387 {strides = array<i32>} : memref<128x32xf32, #tpu.memory_space<vmem>>, vector<16xf32>,
        %slice3A_391 = vector.extract_strided_slice %get3A_136 {offsets = [10], sizes = [1], strides = [1]} : vector<16xf32> to vector<1xf32>
        %squeeze3A_392 = vector.extract %slice3A_391[0] : f32 from vector<1xf32>
        %mul3A_393 = arith.constant 16 : i32
        %mul3A_394 = arith.muli %scan3A_132, %mul3A_393 : i32
        %add3A_395 = arith.constant 10 : i32
        %add3A_396 = arith.addi %mul3A_394, %add3A_395 : i32
        %get3A_397 = arith.index_cast %add3A_396 : i32 to index
        %get3A_398 = arith.constant 0 : index
        %get3A_399 = tpu.vector_load %arg11[%get3A_397, %get3A_398] {strides = array<i32>} : memref<128x32xbf16, #tpu.memory_space<vmem>>, vector<32xbf16>,
        %bitcast3A_400 = vector.bitcast %get3A_399 : vector<32xbf16> to vector<16xi32>
        %shift_left3A_401 = arith.constant 16 : i32
        %shift_left3A_402 = vector.broadcast %shift_left3A_401 : i32 to vector<16xi32>
        %shift_left3A_403 = arith.shli %bitcast3A_400, %shift_left3A_402 : vector<16xi32>
        %bitcast3A_404 = vector.bitcast %shift_left3A_403 : vector<16xi32> to vector<16xf32>
        %and3A_405 = arith.andi %bitcast3A_400, %broadcast_in_dim3A_33 : vector<16xi32>
        %bitcast3A_406 = vector.bitcast %and3A_405 : vector<16xi32> to vector<16xf32>
        %mul3A_407 = vector.broadcast %squeeze3A_392 : f32 to vector<16xf32>
        %mul3A_408 = arith.mulf %bitcast3A_404, %mul3A_407 : vector<16xf32>
        %swap3A_409 = arith.index_cast %add3A_396 : i32 to index
        %swap3A_410 = arith.constant 0 : index
        %swap3A_411 = tpu.vector_load %arg13[%swap3A_409, %swap3A_410] {strides = array<i32>} : memref<128x32xf32, #tpu.memory_space<vmem>>, vector<16xf32>,
        tpu.vector_store %arg13[%swap3A_409, %swap3A_410], %mul3A_408 {strides = array<i32>} : memref<128x32xf32, #tpu.memory_space<vmem>>, vector<16xf32>,
        %mul3A_412 = vector.broadcast %squeeze3A_392 : f32 to vector<16xf32>
        %mul3A_413 = arith.mulf %bitcast3A_406, %mul3A_412 : vector<16xf32>
        %swap3A_414 = arith.index_cast %add3A_396 : i32 to index
        %swap3A_415 = arith.constant 16 : index
        %swap3A_416 = tpu.vector_load %arg13[%swap3A_414, %swap3A_415] {strides = array<i32>} : memref<128x32xf32, #tpu.memory_space<vmem>>, vector<16xf32>,
        tpu.vector_store %arg13[%swap3A_414, %swap3A_415], %mul3A_413 {strides = array<i32>} : memref<128x32xf32, #tpu.memory_space<vmem>>, vector<16xf32>,
        %slice3A_417 = vector.extract_strided_slice %get3A_136 {offsets = [11], sizes = [1], strides = [1]} : vector<16xf32> to vector<1xf32>
        %squeeze3A_418 = vector.extract %slice3A_417[0] : f32 from vector<1xf32>
        %mul3A_419 = arith.constant 16 : i32
        %mul3A_420 = arith.muli %scan3A_132, %mul3A_419 : i32
        %add3A_421 = arith.constant 11 : i32
        %add3A_422 = arith.addi %mul3A_420, %add3A_421 : i32
        %get3A_423 = arith.index_cast %add3A_422 : i32 to index
        %get3A_424 = arith.constant 0 : index
        %get3A_425 = tpu.vector_load %arg11[%get3A_423, %get3A_424] {strides = array<i32>} : memref<128x32xbf16, #tpu.memory_space<vmem>>, vector<32xbf16>,
        %bitcast3A_426 = vector.bitcast %get3A_425 : vector<32xbf16> to vector<16xi32>
        %shift_left3A_427 = arith.constant 16 : i32
        %shift_left3A_428 = vector.broadcast %shift_left3A_427 : i32 to vector<16xi32>
        %shift_left3A_429 = arith.shli %bitcast3A_426, %shift_left3A_428 : vector<16xi32>
        %bitcast3A_430 = vector.bitcast %shift_left3A_429 : vector<16xi32> to vector<16xf32>
        %and3A_431 = arith.andi %bitcast3A_426, %broadcast_in_dim3A_33 : vector<16xi32>
        %bitcast3A_432 = vector.bitcast %and3A_431 : vector<16xi32> to vector<16xf32>
        %mul3A_433 = vector.broadcast %squeeze3A_418 : f32 to vector<16xf32>
        %mul3A_434 = arith.mulf %bitcast3A_430, %mul3A_433 : vector<16xf32>
        %swap3A_435 = arith.index_cast %add3A_422 : i32 to index
        %swap3A_436 = arith.constant 0 : index
        %swap3A_437 = tpu.vector_load %arg13[%swap3A_435, %swap3A_436] {strides = array<i32>} : memref<128x32xf32, #tpu.memory_space<vmem>>, vector<16xf32>,
        tpu.vector_store %arg13[%swap3A_435, %swap3A_436], %mul3A_434 {strides = array<i32>} : memref<128x32xf32, #tpu.memory_space<vmem>>, vector<16xf32>,
        %mul3A_438 = vector.broadcast %squeeze3A_418 : f32 to vector<16xf32>
        %mul3A_439 = arith.mulf %bitcast3A_432, %mul3A_438 : vector<16xf32>
        %swap3A_440 = arith.index_cast %add3A_422 : i32 to index
        %swap3A_441 = arith.constant 16 : index
        %swap3A_442 = tpu.vector_load %arg13[%swap3A_440, %swap3A_441] {strides = array<i32>} : memref<128x32xf32, #tpu.memory_space<vmem>>, vector<16xf32>,
        tpu.vector_store %arg13[%swap3A_440, %swap3A_441], %mul3A_439 {strides = array<i32>} : memref<128x32xf32, #tpu.memory_space<vmem>>, vector<16xf32>,
        %slice3A_443 = vector.extract_strided_slice %get3A_136 {offsets = [12], sizes = [1], strides = [1]} : vector<16xf32> to vector<1xf32>
        %squeeze3A_444 = vector.extract %slice3A_443[0] : f32 from vector<1xf32>
        %mul3A_445 = arith.constant 16 : i32
        %mul3A_446 = arith.muli %scan3A_132, %mul3A_445 : i32
        %add3A_447 = arith.constant 12 : i32
        %add3A_448 = arith.addi %mul3A_446, %add3A_447 : i32
        %get3A_449 = arith.index_cast %add3A_448 : i32 to index
        %get3A_450 = arith.constant 0 : index
        %get3A_451 = tpu.vector_load %arg11[%get3A_449, %get3A_450] {strides = array<i32>} : memref<128x32xbf16, #tpu.memory_space<vmem>>, vector<32xbf16>,
        %bitcast3A_452 = vector.bitcast %get3A_451 : vector<32xbf16> to vector<16xi32>
        %shift_left3A_453 = arith.constant 16 : i32
        %shift_left3A_454 = vector.broadcast %shift_left3A_453 : i32 to vector<16xi32>
        %shift_left3A_455 = arith.shli %bitcast3A_452, %shift_left3A_454 : vector<16xi32>
        %bitcast3A_456 = vector.bitcast %shift_left3A_455 : vector<16xi32> to vector<16xf32>
        %and3A_457 = arith.andi %bitcast3A_452, %broadcast_in_dim3A_33 : vector<16xi32>
        %bitcast3A_458 = vector.bitcast %and3A_457 : vector<16xi32> to vector<16xf32>
        %mul3A_459 = vector.broadcast %squeeze3A_444 : f32 to vector<16xf32>
        %mul3A_460 = arith.mulf %bitcast3A_456, %mul3A_459 : vector<16xf32>
        %swap3A_461 = arith.index_cast %add3A_448 : i32 to index
        %swap3A_462 = arith.constant 0 : index
        %swap3A_463 = tpu.vector_load %arg13[%swap3A_461, %swap3A_462] {strides = array<i32>} : memref<128x32xf32, #tpu.memory_space<vmem>>, vector<16xf32>,
        tpu.vector_store %arg13[%swap3A_461, %swap3A_462], %mul3A_460 {strides = array<i32>} : memref<128x32xf32, #tpu.memory_space<vmem>>, vector<16xf32>,
        %mul3A_464 = vector.broadcast %squeeze3A_444 : f32 to vector<16xf32>
        %mul3A_465 = arith.mulf %bitcast3A_458, %mul3A_464 : vector<16xf32>
        %swap3A_466 = arith.index_cast %add3A_448 : i32 to index
        %swap3A_467 = arith.constant 16 : index
        %swap3A_468 = tpu.vector_load %arg13[%swap3A_466, %swap3A_467] {strides = array<i32>} : memref<128x32xf32, #tpu.memory_space<vmem>>, vector<16xf32>,
        tpu.vector_store %arg13[%swap3A_466, %swap3A_467], %mul3A_465 {strides = array<i32>} : memref<128x32xf32, #tpu.memory_space<vmem>>, vector<16xf32>,
        %slice3A_469 = vector.extract_strided_slice %get3A_136 {offsets = [13], sizes = [1], strides = [1]} : vector<16xf32> to vector<1xf32>
        %squeeze3A_470 = vector.extract %slice3A_469[0] : f32 from vector<1xf32>
        %mul3A_471 = arith.constant 16 : i32
        %mul3A_472 = arith.muli %scan3A_132, %mul3A_471 : i32
        %add3A_473 = arith.constant 13 : i32
        %add3A_474 = arith.addi %mul3A_472, %add3A_473 : i32
        %get3A_475 = arith.index_cast %add3A_474 : i32 to index
        %get3A_476 = arith.constant 0 : index
        %get3A_477 = tpu.vector_load %arg11[%get3A_475, %get3A_476] {strides = array<i32>} : memref<128x32xbf16, #tpu.memory_space<vmem>>, vector<32xbf16>,
        %bitcast3A_478 = vector.bitcast %get3A_477 : vector<32xbf16> to vector<16xi32>
        %shift_left3A_479 = arith.constant 16 : i32
        %shift_left3A_480 = vector.broadcast %shift_left3A_479 : i32 to vector<16xi32>
        %shift_left3A_481 = arith.shli %bitcast3A_478, %shift_left3A_480 : vector<16xi32>
        %bitcast3A_482 = vector.bitcast %shift_left3A_481 : vector<16xi32> to vector<16xf32>
        %and3A_483 = arith.andi %bitcast3A_478, %broadcast_in_dim3A_33 : vector<16xi32>
        %bitcast3A_484 = vector.bitcast %and3A_483 : vector<16xi32> to vector<16xf32>
        %mul3A_485 = vector.broadcast %squeeze3A_470 : f32 to vector<16xf32>
        %mul3A_486 = arith.mulf %bitcast3A_482, %mul3A_485 : vector<16xf32>
        %swap3A_487 = arith.index_cast %add3A_474 : i32 to index
        %swap3A_488 = arith.constant 0 : index
        %swap3A_489 = tpu.vector_load %arg13[%swap3A_487, %swap3A_488] {strides = array<i32>} : memref<128x32xf32, #tpu.memory_space<vmem>>, vector<16xf32>,
        tpu.vector_store %arg13[%swap3A_487, %swap3A_488], %mul3A_486 {strides = array<i32>} : memref<128x32xf32, #tpu.memory_space<vmem>>, vector<16xf32>,
        %mul3A_490 = vector.broadcast %squeeze3A_470 : f32 to vector<16xf32>
        %mul3A_491 = arith.mulf %bitcast3A_484, %mul3A_490 : vector<16xf32>
        %swap3A_492 = arith.index_cast %add3A_474 : i32 to index
        %swap3A_493 = arith.constant 16 : index
        %swap3A_494 = tpu.vector_load %arg13[%swap3A_492, %swap3A_493] {strides = array<i32>} : memref<128x32xf32, #tpu.memory_space<vmem>>, vector<16xf32>,
        tpu.vector_store %arg13[%swap3A_492, %swap3A_493], %mul3A_491 {strides = array<i32>} : memref<128x32xf32, #tpu.memory_space<vmem>>, vector<16xf32>,
        %slice3A_495 = vector.extract_strided_slice %get3A_136 {offsets = [14], sizes = [1], strides = [1]} : vector<16xf32> to vector<1xf32>
        %squeeze3A_496 = vector.extract %slice3A_495[0] : f32 from vector<1xf32>
        %mul3A_497 = arith.constant 16 : i32
        %mul3A_498 = arith.muli %scan3A_132, %mul3A_497 : i32
        %add3A_499 = arith.constant 14 : i32
        %add3A_500 = arith.addi %mul3A_498, %add3A_499 : i32
        %get3A_501 = arith.index_cast %add3A_500 : i32 to index
        %get3A_502 = arith.constant 0 : index
        %get3A_503 = tpu.vector_load %arg11[%get3A_501, %get3A_502] {strides = array<i32>} : memref<128x32xbf16, #tpu.memory_space<vmem>>, vector<32xbf16>,
        %bitcast3A_504 = vector.bitcast %get3A_503 : vector<32xbf16> to vector<16xi32>
        %shift_left3A_505 = arith.constant 16 : i32
        %shift_left3A_506 = vector.broadcast %shift_left3A_505 : i32 to vector<16xi32>
        %shift_left3A_507 = arith.shli %bitcast3A_504, %shift_left3A_506 : vector<16xi32>
        %bitcast3A_508 = vector.bitcast %shift_left3A_507 : vector<16xi32> to vector<16xf32>
        %and3A_509 = arith.andi %bitcast3A_504, %broadcast_in_dim3A_33 : vector<16xi32>
        %bitcast3A_510 = vector.bitcast %and3A_509 : vector<16xi32> to vector<16xf32>
        %mul3A_511 = vector.broadcast %squeeze3A_496 : f32 to vector<16xf32>
        %mul3A_512 = arith.mulf %bitcast3A_508, %mul3A_511 : vector<16xf32>
        %swap3A_513 = arith.index_cast %add3A_500 : i32 to index
        %swap3A_514 = arith.constant 0 : index
        %swap3A_515 = tpu.vector_load %arg13[%swap3A_513, %swap3A_514] {strides = array<i32>} : memref<128x32xf32, #tpu.memory_space<vmem>>, vector<16xf32>,
        tpu.vector_store %arg13[%swap3A_513, %swap3A_514], %mul3A_512 {strides = array<i32>} : memref<128x32xf32, #tpu.memory_space<vmem>>, vector<16xf32>,
        %mul3A_516 = vector.broadcast %squeeze3A_496 : f32 to vector<16xf32>
        %mul3A_517 = arith.mulf %bitcast3A_510, %mul3A_516 : vector<16xf32>
        %swap3A_518 = arith.index_cast %add3A_500 : i32 to index
        %swap3A_519 = arith.constant 16 : index
        %swap3A_520 = tpu.vector_load %arg13[%swap3A_518, %swap3A_519] {strides = array<i32>} : memref<128x32xf32, #tpu.memory_space<vmem>>, vector<16xf32>,
        tpu.vector_store %arg13[%swap3A_518, %swap3A_519], %mul3A_517 {strides = array<i32>} : memref<128x32xf32, #tpu.memory_space<vmem>>, vector<16xf32>,
        %slice3A_521 = vector.extract_strided_slice %get3A_136 {offsets = [15], sizes = [1], strides = [1]} : vector<16xf32> to vector<1xf32>
        %squeeze3A_522 = vector.extract %slice3A_521[0] : f32 from vector<1xf32>
        %mul3A_523 = arith.constant 16 : i32
        %mul3A_524 = arith.muli %scan3A_132, %mul3A_523 : i32
        %add3A_525 = arith.constant 15 : i32
        %add3A_526 = arith.addi %mul3A_524, %add3A_525 : i32
        %get3A_527 = arith.index_cast %add3A_526 : i32 to index
        %get3A_528 = arith.constant 0 : index
        %get3A_529 = tpu.vector_load %arg11[%get3A_527, %get3A_528] {strides = array<i32>} : memref<128x32xbf16, #tpu.memory_space<vmem>>, vector<32xbf16>,
        %bitcast3A_530 = vector.bitcast %get3A_529 : vector<32xbf16> to vector<16xi32>
        %shift_left3A_531 = arith.constant 16 : i32
        %shift_left3A_532 = vector.broadcast %shift_left3A_531 : i32 to vector<16xi32>
        %shift_left3A_533 = arith.shli %bitcast3A_530, %shift_left3A_532 : vector<16xi32>
        %bitcast3A_534 = vector.bitcast %shift_left3A_533 : vector<16xi32> to vector<16xf32>
        %and3A_535 = arith.andi %bitcast3A_530, %broadcast_in_dim3A_33 : vector<16xi32>
        %bitcast3A_536 = vector.bitcast %and3A_535 : vector<16xi32> to vector<16xf32>
        %mul3A_537 = vector.broadcast %squeeze3A_522 : f32 to vector<16xf32>
        %mul3A_538 = arith.mulf %bitcast3A_534, %mul3A_537 : vector<16xf32>
        %swap3A_539 = arith.index_cast %add3A_526 : i32 to index
        %swap3A_540 = arith.constant 0 : index
        %swap3A_541 = tpu.vector_load %arg13[%swap3A_539, %swap3A_540] {strides = array<i32>} : memref<128x32xf32, #tpu.memory_space<vmem>>, vector<16xf32>,
        tpu.vector_store %arg13[%swap3A_539, %swap3A_540], %mul3A_538 {strides = array<i32>} : memref<128x32xf32, #tpu.memory_space<vmem>>, vector<16xf32>,
        %mul3A_542 = vector.broadcast %squeeze3A_522 : f32 to vector<16xf32>
        %mul3A_543 = arith.mulf %bitcast3A_536, %mul3A_542 : vector<16xf32>
        %swap3A_544 = arith.index_cast %add3A_526 : i32 to index
        %swap3A_545 = arith.constant 16 : index
        %swap3A_546 = tpu.vector_load %arg13[%swap3A_544, %swap3A_545] {strides = array<i32>} : memref<128x32xf32, #tpu.memory_space<vmem>>, vector<16xf32>,
        tpu.vector_store %arg13[%swap3A_544, %swap3A_545], %mul3A_543 {strides = array<i32>} : memref<128x32xf32, #tpu.memory_space<vmem>>, vector<16xf32>,
      }
      %scan3A_120 = arith.constant 8 : i32
      %lt3A_121 = arith.constant 78 : i32
      %lt3A_122 = arith.cmpi slt, %scan3A_71, %lt3A_121 : i32
      %convert_element_type3A_123 = arith.extui %lt3A_122 : i1 to i32
      %cond3A_124 = arith.constant 0 : i32
      %cond3A_125 = arith.cmpi ne, %convert_element_type3A_123, %cond3A_124 : i32
      scf.if %cond3A_125 {
        %add3A_132 = arith.constant 2 : i32
        %add3A_133 = arith.addi %add3A_103, %add3A_132 : i32
        %dma_start3A_134 = arith.constant 0 : i32
        %dma_start3A_135 = tpu.memref_slice %arg7[%add3A_133, %dma_start3A_134] : memref<158x128xi32, #tpu.memory_space<vmem>> -> memref<1x128xi32, #tpu.memory_space<vmem>>
        %dma_start3A_136 = tpu.memref_squeeze %dma_start3A_135 : memref<1x128xi32, #tpu.memory_space<vmem>> -> memref<128xi32, #tpu.memory_space<vmem>>
        %dma_start3A_137 = arith.constant 0 : i32
        %dma_start3A_138 = arith.constant 0 : i32
        %dma_start3A_139 = tpu.memref_slice %arg2[%dma_start3A_137, %dma_start3A_138] : memref<20000x32xbf16, #tpu.memory_space<hbm>> -> memref<20000x32xbf16, #tpu.memory_space<hbm>>
        tpu.enqueue_indirect_dma source(%dma_start3A_139 : memref<20000x32xbf16, #tpu.memory_space<hbm>>) target(%arg11 : memref<128x32xbf16, #tpu.memory_space<vmem>>) offsets(%dma_start3A_136 : memref<128xi32, #tpu.memory_space<vmem>>) semaphore(%arg16 : memref<!tpu.dma_semaphore, #tpu.memory_space<semaphore_mem>>)
      } else {
      }
      %dma_start3A_126 = arith.constant 0 : i32
      %dma_start3A_127 = tpu.memref_slice %arg8[%add3A_103, %dma_start3A_126] : memref<158x128xi32, #tpu.memory_space<vmem>> -> memref<1x128xi32, #tpu.memory_space<vmem>>
      %dma_start3A_128 = tpu.memref_squeeze %dma_start3A_127 : memref<1x128xi32, #tpu.memory_space<vmem>> -> memref<128xi32, #tpu.memory_space<vmem>>
      %dma_start3A_129 = arith.constant 0 : i32
      %dma_start3A_130 = arith.constant 0 : i32
      %dma_start3A_131 = tpu.memref_slice %arg14[%dma_start3A_129, %dma_start3A_130] : memref<10240x32xf32, #tpu.memory_space<vmem_shared>> -> memref<10240x32xf32, #tpu.memory_space<vmem_shared>>
      tpu.enqueue_indirect_dma source(%arg13 : memref<128x32xf32, #tpu.memory_space<vmem>>) target(%dma_start3A_131 : memref<10240x32xf32, #tpu.memory_space<vmem_shared>>) offsets(%dma_start3A_128 : memref<128xi32, #tpu.memory_space<vmem>>) semaphore(%arg18 : memref<!tpu.dma_semaphore, #tpu.memory_space<semaphore_mem>>) {add = true}
    }
    %scan3A_52 = arith.constant 79 : i32
    %dma_wait3A = arith.constant 156 : i32
    %dma_wait3A_53 = arith.constant 0 : i32
    %dma_wait3A_54 = tpu.memref_slice %arg8[%dma_wait3A, %dma_wait3A_53] : memref<158x128xi32, #tpu.memory_space<vmem>> -> memref<1x128xi32, #tpu.memory_space<vmem>>
    %dma_wait3A_55 = tpu.memref_squeeze %dma_wait3A_54 : memref<1x128xi32, #tpu.memory_space<vmem>> -> memref<128xi32, #tpu.memory_space<vmem>>
    %dma_wait3A_56 = arith.constant 0 : i32
    %dma_wait3A_57 = arith.constant 0 : i32
    %dma_wait3A_58 = tpu.memref_slice %arg14[%dma_wait3A_56, %dma_wait3A_57] : memref<10240x32xf32, #tpu.memory_space<vmem_shared>> -> memref<10240x32xf32, #tpu.memory_space<vmem_shared>>
    tpu.wait_indirect_dma semaphore(%arg17 : memref<!tpu.dma_semaphore, #tpu.memory_space<semaphore_mem>>) src(%arg12 : memref<128x32xf32, #tpu.memory_space<vmem>>) dst(%dma_wait3A_58 : memref<10240x32xf32, #tpu.memory_space<vmem_shared>>)
    %dma_wait3A_59 = arith.constant 157 : i32
    %dma_wait3A_60 = arith.constant 0 : i32
    %dma_wait3A_61 = tpu.memref_slice %arg8[%dma_wait3A_59, %dma_wait3A_60] : memref<158x128xi32, #tpu.memory_space<vmem>> -> memref<1x128xi32, #tpu.memory_space<vmem>>
    %dma_wait3A_62 = tpu.memref_squeeze %dma_wait3A_61 : memref<1x128xi32, #tpu.memory_space<vmem>> -> memref<128xi32, #tpu.memory_space<vmem>>
    %dma_wait3A_63 = arith.constant 0 : i32
    %dma_wait3A_64 = arith.constant 0 : i32
    %dma_wait3A_65 = tpu.memref_slice %arg14[%dma_wait3A_63, %dma_wait3A_64] : memref<10240x32xf32, #tpu.memory_space<vmem_shared>> -> memref<10240x32xf32, #tpu.memory_space<vmem_shared>>
    tpu.wait_indirect_dma semaphore(%arg18 : memref<!tpu.dma_semaphore, #tpu.memory_space<semaphore_mem>>) src(%arg13 : memref<128x32xf32, #tpu.memory_space<vmem>>) dst(%dma_wait3A_65 : memref<10240x32xf32, #tpu.memory_space<vmem_shared>>)
    %barrier3A_66 = arith.constant 0 : index
    tpu.barrier barrier_id(%barrier3A_66)
    %mul3A_67 = arith.constant 640 : i32
    %mul3A_68 = arith.muli %arg1, %mul3A_67 : i32
    %mul3A_69 = arith.constant 640 : i32
    %mul3A_70 = arith.muli %arg1, %mul3A_69 : i32
    "tpu.region"() ({
      %run_scoped3A = tpu.sem_alloc : memref<!tpu.dma_semaphore, #tpu.memory_space<semaphore_mem>>
      %dma_start3A_71 = arith.constant 0 : i32
      %dma_start3A_72 = tpu.memref_slice %arg6[%arg0, %mul3A_70, %dma_start3A_71] : memref<2x10240x32xf32, #tpu.memory_space<hbm>> -> memref<1x640x32xf32, #tpu.memory_space<hbm>>
      %dma_start3A_73 = tpu.memref_squeeze %dma_start3A_72 : memref<1x640x32xf32, #tpu.memory_space<hbm>> -> memref<640x32xf32, #tpu.memory_space<hbm>>
      %dma_start3A_74 = arith.constant 0 : i32
      %dma_start3A_75 = tpu.memref_slice %arg14[%mul3A_68, %dma_start3A_74] : memref<10240x32xf32, #tpu.memory_space<vmem_shared>> -> memref<640x32xf32, #tpu.memory_space<vmem_shared>>
      tpu.enqueue_dma source(%dma_start3A_75 : memref<640x32xf32, #tpu.memory_space<vmem_shared>>) target(%dma_start3A_73 : memref<640x32xf32, #tpu.memory_space<hbm>>) target_semaphore(%run_scoped3A : memref<!tpu.dma_semaphore, #tpu.memory_space<semaphore_mem>>)
      %dma_wait3A_76 = arith.constant 0 : i32
      %dma_wait3A_77 = tpu.memref_slice %arg6[%arg0, %mul3A_70, %dma_wait3A_76] : memref<2x10240x32xf32, #tpu.memory_space<hbm>> -> memref<1x640x32xf32, #tpu.memory_space<hbm>>
      %dma_wait3A_78 = tpu.memref_squeeze %dma_wait3A_77 : memref<1x640x32xf32, #tpu.memory_space<hbm>> -> memref<640x32xf32, #tpu.memory_space<hbm>>
      %dma_wait3A_79 = arith.constant 0 : i32
      %dma_wait3A_80 = tpu.memref_slice %arg14[%mul3A_68, %dma_wait3A_79] : memref<10240x32xf32, #tpu.memory_space<vmem_shared>> -> memref<640x32xf32, #tpu.memory_space<vmem_shared>>
      tpu.wait_dma2 semaphore(%run_scoped3A : memref<!tpu.dma_semaphore, #tpu.memory_space<semaphore_mem>>) src(%dma_wait3A_80 : memref<640x32xf32, #tpu.memory_space<vmem_shared>>) dst(%dma_wait3A_78 : memref<640x32xf32, #tpu.memory_space<hbm>>)
      tpu.yield
    }) : () -> ()
    return
  }
}

#map = affine_map<(d0, d1) -> (0, 0)>
#map1 = affine_map<(d0, d1) -> (0, 0, 0)>
module attributes {stable_mosaic.version = 14 : i64} {
  func.func @k(%arg0: i32, %arg1: i32, %arg2: memref<20000x64xbf16, #tpu.memory_space<hbm>>, %arg3: memref<16x158x128xi32, #tpu.memory_space<hbm>>, %arg4: memref<16x158x128xi32, #tpu.memory_space<hbm>>, %arg5: memref<16x158x128xf32, #tpu.memory_space<hbm>>, %arg6: memref<2x10240x64xf32, #tpu.memory_space<hbm>>, %arg7: memref<158x128xi32, #tpu.memory_space<vmem>>, %arg8: memref<158x128xi32, #tpu.memory_space<vmem>>, %arg9: memref<158x128xf32, #tpu.memory_space<vmem>>, %arg10: memref<128x64xbf16, #tpu.memory_space<vmem>>, %arg11: memref<128x64xbf16, #tpu.memory_space<vmem>>, %arg12: memref<128x64xf32, #tpu.memory_space<vmem>>, %arg13: memref<128x64xf32, #tpu.memory_space<vmem>>, %arg14: memref<10240x64xf32, #tpu.memory_space<vmem_shared>>, %arg15: memref<!tpu.dma_semaphore, #tpu.memory_space<semaphore_mem>>, %arg16: memref<!tpu.dma_semaphore, #tpu.memory_space<semaphore_mem>>, %arg17: memref<!tpu.dma_semaphore, #tpu.memory_space<semaphore_mem>>, %arg18: memref<!tpu.dma_semaphore, #tpu.memory_space<semaphore_mem>>) attributes {dimension_semantics = [#tpu.dimension_semantics<core_parallel>, #tpu.dimension_semantics<subcore_parallel>], iteration_bounds = array<i64: 2, 16>, scalar_prefetch = 0 : i64, scratch_operands = 12 : i64, tpu.core_type = #tpu.core_type<sc_vector_subcore>, window_params = [{transform_indices = #map}, {transform_indices = #map1}, {transform_indices = #map1}, {transform_indices = #map1}, {transform_indices = #map1}]} {
    "tpu.region"() ({
      %run_scoped3A = tpu.sem_alloc : memref<!tpu.dma_semaphore, #tpu.memory_space<semaphore_mem>>
      %dma_start3A_71 = arith.constant 0 : i32
      %dma_start3A_72 = arith.constant 0 : i32
      %dma_start3A_73 = tpu.memref_slice %arg3[%arg1, %dma_start3A_71, %dma_start3A_72] : memref<16x158x128xi32, #tpu.memory_space<hbm>> -> memref<1x158x128xi32, #tpu.memory_space<hbm>>
      %dma_start3A_74 = tpu.memref_squeeze %dma_start3A_73 : memref<1x158x128xi32, #tpu.memory_space<hbm>> -> memref<158x128xi32, #tpu.memory_space<hbm>>
      %dma_start3A_75 = arith.constant 0 : i32
      %dma_start3A_76 = arith.constant 0 : i32
      %dma_start3A_77 = tpu.memref_slice %arg3[%arg1, %dma_start3A_75, %dma_start3A_76] : memref<16x158x128xi32, #tpu.memory_space<hbm>> -> memref<1x158x128xi32, #tpu.memory_space<hbm>>
      %dma_start3A_78 = tpu.memref_squeeze %dma_start3A_77 : memref<1x158x128xi32, #tpu.memory_space<hbm>> -> memref<158x128xi32, #tpu.memory_space<hbm>>
      tpu.enqueue_dma source(%dma_start3A_78 : memref<158x128xi32, #tpu.memory_space<hbm>>) target(%arg7 : memref<158x128xi32, #tpu.memory_space<vmem>>) target_semaphore(%run_scoped3A : memref<!tpu.dma_semaphore, #tpu.memory_space<semaphore_mem>>)
      %dma_wait3A_79 = arith.constant 0 : i32
      %dma_wait3A_80 = arith.constant 0 : i32
      %dma_wait3A_81 = tpu.memref_slice %arg3[%arg1, %dma_wait3A_79, %dma_wait3A_80] : memref<16x158x128xi32, #tpu.memory_space<hbm>> -> memref<1x158x128xi32, #tpu.memory_space<hbm>>
      %dma_wait3A_82 = tpu.memref_squeeze %dma_wait3A_81 : memref<1x158x128xi32, #tpu.memory_space<hbm>> -> memref<158x128xi32, #tpu.memory_space<hbm>>
      %dma_wait3A_83 = arith.constant 0 : i32
      %dma_wait3A_84 = arith.constant 0 : i32
      %dma_wait3A_85 = tpu.memref_slice %arg3[%arg1, %dma_wait3A_83, %dma_wait3A_84] : memref<16x158x128xi32, #tpu.memory_space<hbm>> -> memref<1x158x128xi32, #tpu.memory_space<hbm>>
      %dma_wait3A_86 = tpu.memref_squeeze %dma_wait3A_85 : memref<1x158x128xi32, #tpu.memory_space<hbm>> -> memref<158x128xi32, #tpu.memory_space<hbm>>
      tpu.wait_dma2 semaphore(%run_scoped3A : memref<!tpu.dma_semaphore, #tpu.memory_space<semaphore_mem>>) src(%dma_wait3A_86 : memref<158x128xi32, #tpu.memory_space<hbm>>) dst(%arg7 : memref<158x128xi32, #tpu.memory_space<vmem>>)
      tpu.yield
    }) : () -> ()
    "tpu.region"() ({
      %run_scoped3A = tpu.sem_alloc : memref<!tpu.dma_semaphore, #tpu.memory_space<semaphore_mem>>
      %dma_start3A_71 = arith.constant 0 : i32
      %dma_start3A_72 = arith.constant 0 : i32
      %dma_start3A_73 = tpu.memref_slice %arg4[%arg1, %dma_start3A_71, %dma_start3A_72] : memref<16x158x128xi32, #tpu.memory_space<hbm>> -> memref<1x158x128xi32, #tpu.memory_space<hbm>>
      %dma_start3A_74 = tpu.memref_squeeze %dma_start3A_73 : memref<1x158x128xi32, #tpu.memory_space<hbm>> -> memref<158x128xi32, #tpu.memory_space<hbm>>
      %dma_start3A_75 = arith.constant 0 : i32
      %dma_start3A_76 = arith.constant 0 : i32
      %dma_start3A_77 = tpu.memref_slice %arg4[%arg1, %dma_start3A_75, %dma_start3A_76] : memref<16x158x128xi32, #tpu.memory_space<hbm>> -> memref<1x158x128xi32, #tpu.memory_space<hbm>>
      %dma_start3A_78 = tpu.memref_squeeze %dma_start3A_77 : memref<1x158x128xi32, #tpu.memory_space<hbm>> -> memref<158x128xi32, #tpu.memory_space<hbm>>
      tpu.enqueue_dma source(%dma_start3A_78 : memref<158x128xi32, #tpu.memory_space<hbm>>) target(%arg8 : memref<158x128xi32, #tpu.memory_space<vmem>>) target_semaphore(%run_scoped3A : memref<!tpu.dma_semaphore, #tpu.memory_space<semaphore_mem>>)
      %dma_wait3A_79 = arith.constant 0 : i32
      %dma_wait3A_80 = arith.constant 0 : i32
      %dma_wait3A_81 = tpu.memref_slice %arg4[%arg1, %dma_wait3A_79, %dma_wait3A_80] : memref<16x158x128xi32, #tpu.memory_space<hbm>> -> memref<1x158x128xi32, #tpu.memory_space<hbm>>
      %dma_wait3A_82 = tpu.memref_squeeze %dma_wait3A_81 : memref<1x158x128xi32, #tpu.memory_space<hbm>> -> memref<158x128xi32, #tpu.memory_space<hbm>>
      %dma_wait3A_83 = arith.constant 0 : i32
      %dma_wait3A_84 = arith.constant 0 : i32
      %dma_wait3A_85 = tpu.memref_slice %arg4[%arg1, %dma_wait3A_83, %dma_wait3A_84] : memref<16x158x128xi32, #tpu.memory_space<hbm>> -> memref<1x158x128xi32, #tpu.memory_space<hbm>>
      %dma_wait3A_86 = tpu.memref_squeeze %dma_wait3A_85 : memref<1x158x128xi32, #tpu.memory_space<hbm>> -> memref<158x128xi32, #tpu.memory_space<hbm>>
      tpu.wait_dma2 semaphore(%run_scoped3A : memref<!tpu.dma_semaphore, #tpu.memory_space<semaphore_mem>>) src(%dma_wait3A_86 : memref<158x128xi32, #tpu.memory_space<hbm>>) dst(%arg8 : memref<158x128xi32, #tpu.memory_space<vmem>>)
      tpu.yield
    }) : () -> ()
    "tpu.region"() ({
      %run_scoped3A = tpu.sem_alloc : memref<!tpu.dma_semaphore, #tpu.memory_space<semaphore_mem>>
      %dma_start3A_71 = arith.constant 0 : i32
      %dma_start3A_72 = arith.constant 0 : i32
      %dma_start3A_73 = tpu.memref_slice %arg5[%arg1, %dma_start3A_71, %dma_start3A_72] : memref<16x158x128xf32, #tpu.memory_space<hbm>> -> memref<1x158x128xf32, #tpu.memory_space<hbm>>
      %dma_start3A_74 = tpu.memref_squeeze %dma_start3A_73 : memref<1x158x128xf32, #tpu.memory_space<hbm>> -> memref<158x128xf32, #tpu.memory_space<hbm>>
      %dma_start3A_75 = arith.constant 0 : i32
      %dma_start3A_76 = arith.constant 0 : i32
      %dma_start3A_77 = tpu.memref_slice %arg5[%arg1, %dma_start3A_75, %dma_start3A_76] : memref<16x158x128xf32, #tpu.memory_space<hbm>> -> memref<1x158x128xf32, #tpu.memory_space<hbm>>
      %dma_start3A_78 = tpu.memref_squeeze %dma_start3A_77 : memref<1x158x128xf32, #tpu.memory_space<hbm>> -> memref<158x128xf32, #tpu.memory_space<hbm>>
      tpu.enqueue_dma source(%dma_start3A_78 : memref<158x128xf32, #tpu.memory_space<hbm>>) target(%arg9 : memref<158x128xf32, #tpu.memory_space<vmem>>) target_semaphore(%run_scoped3A : memref<!tpu.dma_semaphore, #tpu.memory_space<semaphore_mem>>)
      %dma_wait3A_79 = arith.constant 0 : i32
      %dma_wait3A_80 = arith.constant 0 : i32
      %dma_wait3A_81 = tpu.memref_slice %arg5[%arg1, %dma_wait3A_79, %dma_wait3A_80] : memref<16x158x128xf32, #tpu.memory_space<hbm>> -> memref<1x158x128xf32, #tpu.memory_space<hbm>>
      %dma_wait3A_82 = tpu.memref_squeeze %dma_wait3A_81 : memref<1x158x128xf32, #tpu.memory_space<hbm>> -> memref<158x128xf32, #tpu.memory_space<hbm>>
      %dma_wait3A_83 = arith.constant 0 : i32
      %dma_wait3A_84 = arith.constant 0 : i32
      %dma_wait3A_85 = tpu.memref_slice %arg5[%arg1, %dma_wait3A_83, %dma_wait3A_84] : memref<16x158x128xf32, #tpu.memory_space<hbm>> -> memref<1x158x128xf32, #tpu.memory_space<hbm>>
      %dma_wait3A_86 = tpu.memref_squeeze %dma_wait3A_85 : memref<1x158x128xf32, #tpu.memory_space<hbm>> -> memref<158x128xf32, #tpu.memory_space<hbm>>
      tpu.wait_dma2 semaphore(%run_scoped3A : memref<!tpu.dma_semaphore, #tpu.memory_space<semaphore_mem>>) src(%dma_wait3A_86 : memref<158x128xf32, #tpu.memory_space<hbm>>) dst(%arg9 : memref<158x128xf32, #tpu.memory_space<vmem>>)
      tpu.yield
    }) : () -> ()
    %mul3A = arith.constant 10000 : i32
    %mul3A_0 = arith.muli %arg0, %mul3A : i32
    %scan3A = arith.constant 0 : i32
    %scan3A_1 = arith.constant 0 : i32
    %scan3A_2 = arith.constant 158 : i32
    %scan3A_3 = arith.addi %scan3A_1, %scan3A_2 : i32
    %scan3A_4 = arith.constant 1 : i32
    scf.for %scan3A_71 = %scan3A_1 to %scan3A_3 step %scan3A_4  : i32 {
      %get3A = arith.index_cast %scan3A_71 : i32 to index
      %get3A_72 = arith.constant 0 : index
      %get3A_73 = tpu.vector_load %arg7[%get3A, %get3A_72] {strides = array<i32>} : memref<158x128xi32, #tpu.memory_space<vmem>>, vector<16xi32>,
      %add3A_74 = vector.broadcast %mul3A_0 : i32 to vector<16xi32>
      %add3A_75 = arith.addi %get3A_73, %add3A_74 : vector<16xi32>
      %swap3A = arith.index_cast %scan3A_71 : i32 to index
      %swap3A_76 = arith.constant 0 : index
      %swap3A_77 = tpu.vector_load %arg7[%swap3A, %swap3A_76] {strides = array<i32>} : memref<158x128xi32, #tpu.memory_space<vmem>>, vector<16xi32>,
      tpu.vector_store %arg7[%swap3A, %swap3A_76], %add3A_75 {strides = array<i32>} : memref<158x128xi32, #tpu.memory_space<vmem>>, vector<16xi32>,
      %get3A_78 = arith.index_cast %scan3A_71 : i32 to index
      %get3A_79 = arith.constant 16 : index
      %get3A_80 = tpu.vector_load %arg7[%get3A_78, %get3A_79] {strides = array<i32>} : memref<158x128xi32, #tpu.memory_space<vmem>>, vector<16xi32>,
      %add3A_81 = vector.broadcast %mul3A_0 : i32 to vector<16xi32>
      %add3A_82 = arith.addi %get3A_80, %add3A_81 : vector<16xi32>
      %swap3A_83 = arith.index_cast %scan3A_71 : i32 to index
      %swap3A_84 = arith.constant 16 : index
      %swap3A_85 = tpu.vector_load %arg7[%swap3A_83, %swap3A_84] {strides = array<i32>} : memref<158x128xi32, #tpu.memory_space<vmem>>, vector<16xi32>,
      tpu.vector_store %arg7[%swap3A_83, %swap3A_84], %add3A_82 {strides = array<i32>} : memref<158x128xi32, #tpu.memory_space<vmem>>, vector<16xi32>,
      %get3A_86 = arith.index_cast %scan3A_71 : i32 to index
      %get3A_87 = arith.constant 32 : index
      %get3A_88 = tpu.vector_load %arg7[%get3A_86, %get3A_87] {strides = array<i32>} : memref<158x128xi32, #tpu.memory_space<vmem>>, vector<16xi32>,
      %add3A_89 = vector.broadcast %mul3A_0 : i32 to vector<16xi32>
      %add3A_90 = arith.addi %get3A_88, %add3A_89 : vector<16xi32>
      %swap3A_91 = arith.index_cast %scan3A_71 : i32 to index
      %swap3A_92 = arith.constant 32 : index
      %swap3A_93 = tpu.vector_load %arg7[%swap3A_91, %swap3A_92] {strides = array<i32>} : memref<158x128xi32, #tpu.memory_space<vmem>>, vector<16xi32>,
      tpu.vector_store %arg7[%swap3A_91, %swap3A_92], %add3A_90 {strides = array<i32>} : memref<158x128xi32, #tpu.memory_space<vmem>>, vector<16xi32>,
      %get3A_94 = arith.index_cast %scan3A_71 : i32 to index
      %get3A_95 = arith.constant 48 : index
      %get3A_96 = tpu.vector_load %arg7[%get3A_94, %get3A_95] {strides = array<i32>} : memref<158x128xi32, #tpu.memory_space<vmem>>, vector<16xi32>,
      %add3A_97 = vector.broadcast %mul3A_0 : i32 to vector<16xi32>
      %add3A_98 = arith.addi %get3A_96, %add3A_97 : vector<16xi32>
      %swap3A_99 = arith.index_cast %scan3A_71 : i32 to index
      %swap3A_100 = arith.constant 48 : index
      %swap3A_101 = tpu.vector_load %arg7[%swap3A_99, %swap3A_100] {strides = array<i32>} : memref<158x128xi32, #tpu.memory_space<vmem>>, vector<16xi32>,
      tpu.vector_store %arg7[%swap3A_99, %swap3A_100], %add3A_98 {strides = array<i32>} : memref<158x128xi32, #tpu.memory_space<vmem>>, vector<16xi32>,
      %get3A_102 = arith.index_cast %scan3A_71 : i32 to index
      %get3A_103 = arith.constant 64 : index
      %get3A_104 = tpu.vector_load %arg7[%get3A_102, %get3A_103] {strides = array<i32>} : memref<158x128xi32, #tpu.memory_space<vmem>>, vector<16xi32>,
      %add3A_105 = vector.broadcast %mul3A_0 : i32 to vector<16xi32>
      %add3A_106 = arith.addi %get3A_104, %add3A_105 : vector<16xi32>
      %swap3A_107 = arith.index_cast %scan3A_71 : i32 to index
      %swap3A_108 = arith.constant 64 : index
      %swap3A_109 = tpu.vector_load %arg7[%swap3A_107, %swap3A_108] {strides = array<i32>} : memref<158x128xi32, #tpu.memory_space<vmem>>, vector<16xi32>,
      tpu.vector_store %arg7[%swap3A_107, %swap3A_108], %add3A_106 {strides = array<i32>} : memref<158x128xi32, #tpu.memory_space<vmem>>, vector<16xi32>,
      %get3A_110 = arith.index_cast %scan3A_71 : i32 to index
      %get3A_111 = arith.constant 80 : index
      %get3A_112 = tpu.vector_load %arg7[%get3A_110, %get3A_111] {strides = array<i32>} : memref<158x128xi32, #tpu.memory_space<vmem>>, vector<16xi32>,
      %add3A_113 = vector.broadcast %mul3A_0 : i32 to vector<16xi32>
      %add3A_114 = arith.addi %get3A_112, %add3A_113 : vector<16xi32>
      %swap3A_115 = arith.index_cast %scan3A_71 : i32 to index
      %swap3A_116 = arith.constant 80 : index
      %swap3A_117 = tpu.vector_load %arg7[%swap3A_115, %swap3A_116] {strides = array<i32>} : memref<158x128xi32, #tpu.memory_space<vmem>>, vector<16xi32>,
      tpu.vector_store %arg7[%swap3A_115, %swap3A_116], %add3A_114 {strides = array<i32>} : memref<158x128xi32, #tpu.memory_space<vmem>>, vector<16xi32>,
      %get3A_118 = arith.index_cast %scan3A_71 : i32 to index
      %get3A_119 = arith.constant 96 : index
      %get3A_120 = tpu.vector_load %arg7[%get3A_118, %get3A_119] {strides = array<i32>} : memref<158x128xi32, #tpu.memory_space<vmem>>, vector<16xi32>,
      %add3A_121 = vector.broadcast %mul3A_0 : i32 to vector<16xi32>
      %add3A_122 = arith.addi %get3A_120, %add3A_121 : vector<16xi32>
      %swap3A_123 = arith.index_cast %scan3A_71 : i32 to index
      %swap3A_124 = arith.constant 96 : index
      %swap3A_125 = tpu.vector_load %arg7[%swap3A_123, %swap3A_124] {strides = array<i32>} : memref<158x128xi32, #tpu.memory_space<vmem>>, vector<16xi32>,
      tpu.vector_store %arg7[%swap3A_123, %swap3A_124], %add3A_122 {strides = array<i32>} : memref<158x128xi32, #tpu.memory_space<vmem>>, vector<16xi32>,
      %get3A_126 = arith.index_cast %scan3A_71 : i32 to index
      %get3A_127 = arith.constant 112 : index
      %get3A_128 = tpu.vector_load %arg7[%get3A_126, %get3A_127] {strides = array<i32>} : memref<158x128xi32, #tpu.memory_space<vmem>>, vector<16xi32>,
      %add3A_129 = vector.broadcast %mul3A_0 : i32 to vector<16xi32>
      %add3A_130 = arith.addi %get3A_128, %add3A_129 : vector<16xi32>
      %swap3A_131 = arith.index_cast %scan3A_71 : i32 to index
      %swap3A_132 = arith.constant 112 : index
      %swap3A_133 = tpu.vector_load %arg7[%swap3A_131, %swap3A_132] {strides = array<i32>} : memref<158x128xi32, #tpu.memory_space<vmem>>, vector<16xi32>,
      tpu.vector_store %arg7[%swap3A_131, %swap3A_132], %add3A_130 {strides = array<i32>} : memref<158x128xi32, #tpu.memory_space<vmem>>, vector<16xi32>,
    }
    %scan3A_5 = arith.constant 158 : i32
    %broadcast_in_dim3A = arith.constant 0.000000e+00 : f32
    %broadcast_in_dim3A_6 = vector.broadcast %broadcast_in_dim3A : f32 to vector<16xf32>
    %scan3A_7 = arith.constant 0 : i32
    %scan3A_8 = arith.constant 0 : i32
    %scan3A_9 = arith.constant 128 : i32
    %scan3A_10 = arith.addi %scan3A_8, %scan3A_9 : i32
    %scan3A_11 = arith.constant 1 : i32
    scf.for %scan3A_71 = %scan3A_8 to %scan3A_10 step %scan3A_11  : i32 {
      %swap3A = arith.index_cast %scan3A_71 : i32 to index
      %swap3A_72 = arith.constant 0 : index
      %swap3A_73 = tpu.vector_load %arg12[%swap3A, %swap3A_72] {strides = array<i32>} : memref<128x64xf32, #tpu.memory_space<vmem>>, vector<16xf32>,
      tpu.vector_store %arg12[%swap3A, %swap3A_72], %broadcast_in_dim3A_6 {strides = array<i32>} : memref<128x64xf32, #tpu.memory_space<vmem>>, vector<16xf32>,
      %swap3A_74 = arith.index_cast %scan3A_71 : i32 to index
      %swap3A_75 = arith.constant 16 : index
      %swap3A_76 = tpu.vector_load %arg12[%swap3A_74, %swap3A_75] {strides = array<i32>} : memref<128x64xf32, #tpu.memory_space<vmem>>, vector<16xf32>,
      tpu.vector_store %arg12[%swap3A_74, %swap3A_75], %broadcast_in_dim3A_6 {strides = array<i32>} : memref<128x64xf32, #tpu.memory_space<vmem>>, vector<16xf32>,
      %swap3A_77 = arith.index_cast %scan3A_71 : i32 to index
      %swap3A_78 = arith.constant 32 : index
      %swap3A_79 = tpu.vector_load %arg12[%swap3A_77, %swap3A_78] {strides = array<i32>} : memref<128x64xf32, #tpu.memory_space<vmem>>, vector<16xf32>,
      tpu.vector_store %arg12[%swap3A_77, %swap3A_78], %broadcast_in_dim3A_6 {strides = array<i32>} : memref<128x64xf32, #tpu.memory_space<vmem>>, vector<16xf32>,
      %swap3A_80 = arith.index_cast %scan3A_71 : i32 to index
      %swap3A_81 = arith.constant 48 : index
      %swap3A_82 = tpu.vector_load %arg12[%swap3A_80, %swap3A_81] {strides = array<i32>} : memref<128x64xf32, #tpu.memory_space<vmem>>, vector<16xf32>,
      tpu.vector_store %arg12[%swap3A_80, %swap3A_81], %broadcast_in_dim3A_6 {strides = array<i32>} : memref<128x64xf32, #tpu.memory_space<vmem>>, vector<16xf32>,
    }
    %scan3A_12 = arith.constant 128 : i32
    %mul3A_13 = arith.constant 640 : i32
    %mul3A_14 = arith.muli %arg1, %mul3A_13 : i32
    %add3A = arith.constant 0 : i32
    %add3A_15 = arith.addi %mul3A_14, %add3A : i32
    "tpu.region"() ({
      %run_scoped3A = tpu.sem_alloc : memref<!tpu.dma_semaphore, #tpu.memory_space<semaphore_mem>>
      %dma_start3A_71 = arith.constant 0 : i32
      %dma_start3A_72 = tpu.memref_slice %arg14[%add3A_15, %dma_start3A_71] : memref<10240x64xf32, #tpu.memory_space<vmem_shared>> -> memref<128x64xf32, #tpu.memory_space<vmem_shared>>
      %dma_start3A_73 = arith.constant 0 : i32
      %dma_start3A_74 = tpu.memref_slice %arg14[%add3A_15, %dma_start3A_73] : memref<10240x64xf32, #tpu.memory_space<vmem_shared>> -> memref<128x64xf32, #tpu.memory_space<vmem_shared>>
      tpu.enqueue_dma source(%arg12 : memref<128x64xf32, #tpu.memory_space<vmem>>) target(%dma_start3A_74 : memref<128x64xf32, #tpu.memory_space<vmem_shared>>) target_semaphore(%run_scoped3A : memref<!tpu.dma_semaphore, #tpu.memory_space<semaphore_mem>>)
      %dma_wait3A_75 = arith.constant 0 : i32
      %dma_wait3A_76 = tpu.memref_slice %arg14[%add3A_15, %dma_wait3A_75] : memref<10240x64xf32, #tpu.memory_space<vmem_shared>> -> memref<128x64xf32, #tpu.memory_space<vmem_shared>>
      %dma_wait3A_77 = arith.constant 0 : i32
      %dma_wait3A_78 = tpu.memref_slice %arg14[%add3A_15, %dma_wait3A_77] : memref<10240x64xf32, #tpu.memory_space<vmem_shared>> -> memref<128x64xf32, #tpu.memory_space<vmem_shared>>
      tpu.wait_dma2 semaphore(%run_scoped3A : memref<!tpu.dma_semaphore, #tpu.memory_space<semaphore_mem>>) src(%arg12 : memref<128x64xf32, #tpu.memory_space<vmem>>) dst(%dma_wait3A_78 : memref<128x64xf32, #tpu.memory_space<vmem_shared>>)
      tpu.yield
    }) : () -> ()
    %mul3A_16 = arith.constant 640 : i32
    %mul3A_17 = arith.muli %arg1, %mul3A_16 : i32
    %add3A_18 = arith.constant 128 : i32
    %add3A_19 = arith.addi %mul3A_17, %add3A_18 : i32
    "tpu.region"() ({
      %run_scoped3A = tpu.sem_alloc : memref<!tpu.dma_semaphore, #tpu.memory_space<semaphore_mem>>
      %dma_start3A_71 = arith.constant 0 : i32
      %dma_start3A_72 = tpu.memref_slice %arg14[%add3A_19, %dma_start3A_71] : memref<10240x64xf32, #tpu.memory_space<vmem_shared>> -> memref<128x64xf32, #tpu.memory_space<vmem_shared>>
      %dma_start3A_73 = arith.constant 0 : i32
      %dma_start3A_74 = tpu.memref_slice %arg14[%add3A_19, %dma_start3A_73] : memref<10240x64xf32, #tpu.memory_space<vmem_shared>> -> memref<128x64xf32, #tpu.memory_space<vmem_shared>>
      tpu.enqueue_dma source(%arg12 : memref<128x64xf32, #tpu.memory_space<vmem>>) target(%dma_start3A_74 : memref<128x64xf32, #tpu.memory_space<vmem_shared>>) target_semaphore(%run_scoped3A : memref<!tpu.dma_semaphore, #tpu.memory_space<semaphore_mem>>)
      %dma_wait3A_75 = arith.constant 0 : i32
      %dma_wait3A_76 = tpu.memref_slice %arg14[%add3A_19, %dma_wait3A_75] : memref<10240x64xf32, #tpu.memory_space<vmem_shared>> -> memref<128x64xf32, #tpu.memory_space<vmem_shared>>
      %dma_wait3A_77 = arith.constant 0 : i32
      %dma_wait3A_78 = tpu.memref_slice %arg14[%add3A_19, %dma_wait3A_77] : memref<10240x64xf32, #tpu.memory_space<vmem_shared>> -> memref<128x64xf32, #tpu.memory_space<vmem_shared>>
      tpu.wait_dma2 semaphore(%run_scoped3A : memref<!tpu.dma_semaphore, #tpu.memory_space<semaphore_mem>>) src(%arg12 : memref<128x64xf32, #tpu.memory_space<vmem>>) dst(%dma_wait3A_78 : memref<128x64xf32, #tpu.memory_space<vmem_shared>>)
      tpu.yield
    }) : () -> ()
    %mul3A_20 = arith.constant 640 : i32
    %mul3A_21 = arith.muli %arg1, %mul3A_20 : i32
    %add3A_22 = arith.constant 256 : i32
    %add3A_23 = arith.addi %mul3A_21, %add3A_22 : i32
    "tpu.region"() ({
      %run_scoped3A = tpu.sem_alloc : memref<!tpu.dma_semaphore, #tpu.memory_space<semaphore_mem>>
      %dma_start3A_71 = arith.constant 0 : i32
      %dma_start3A_72 = tpu.memref_slice %arg14[%add3A_23, %dma_start3A_71] : memref<10240x64xf32, #tpu.memory_space<vmem_shared>> -> memref<128x64xf32, #tpu.memory_space<vmem_shared>>
      %dma_start3A_73 = arith.constant 0 : i32
      %dma_start3A_74 = tpu.memref_slice %arg14[%add3A_23, %dma_start3A_73] : memref<10240x64xf32, #tpu.memory_space<vmem_shared>> -> memref<128x64xf32, #tpu.memory_space<vmem_shared>>
      tpu.enqueue_dma source(%arg12 : memref<128x64xf32, #tpu.memory_space<vmem>>) target(%dma_start3A_74 : memref<128x64xf32, #tpu.memory_space<vmem_shared>>) target_semaphore(%run_scoped3A : memref<!tpu.dma_semaphore, #tpu.memory_space<semaphore_mem>>)
      %dma_wait3A_75 = arith.constant 0 : i32
      %dma_wait3A_76 = tpu.memref_slice %arg14[%add3A_23, %dma_wait3A_75] : memref<10240x64xf32, #tpu.memory_space<vmem_shared>> -> memref<128x64xf32, #tpu.memory_space<vmem_shared>>
      %dma_wait3A_77 = arith.constant 0 : i32
      %dma_wait3A_78 = tpu.memref_slice %arg14[%add3A_23, %dma_wait3A_77] : memref<10240x64xf32, #tpu.memory_space<vmem_shared>> -> memref<128x64xf32, #tpu.memory_space<vmem_shared>>
      tpu.wait_dma2 semaphore(%run_scoped3A : memref<!tpu.dma_semaphore, #tpu.memory_space<semaphore_mem>>) src(%arg12 : memref<128x64xf32, #tpu.memory_space<vmem>>) dst(%dma_wait3A_78 : memref<128x64xf32, #tpu.memory_space<vmem_shared>>)
      tpu.yield
    }) : () -> ()
    %mul3A_24 = arith.constant 640 : i32
    %mul3A_25 = arith.muli %arg1, %mul3A_24 : i32
    %add3A_26 = arith.constant 384 : i32
    %add3A_27 = arith.addi %mul3A_25, %add3A_26 : i32
    "tpu.region"() ({
      %run_scoped3A = tpu.sem_alloc : memref<!tpu.dma_semaphore, #tpu.memory_space<semaphore_mem>>
      %dma_start3A_71 = arith.constant 0 : i32
      %dma_start3A_72 = tpu.memref_slice %arg14[%add3A_27, %dma_start3A_71] : memref<10240x64xf32, #tpu.memory_space<vmem_shared>> -> memref<128x64xf32, #tpu.memory_space<vmem_shared>>
      %dma_start3A_73 = arith.constant 0 : i32
      %dma_start3A_74 = tpu.memref_slice %arg14[%add3A_27, %dma_start3A_73] : memref<10240x64xf32, #tpu.memory_space<vmem_shared>> -> memref<128x64xf32, #tpu.memory_space<vmem_shared>>
      tpu.enqueue_dma source(%arg12 : memref<128x64xf32, #tpu.memory_space<vmem>>) target(%dma_start3A_74 : memref<128x64xf32, #tpu.memory_space<vmem_shared>>) target_semaphore(%run_scoped3A : memref<!tpu.dma_semaphore, #tpu.memory_space<semaphore_mem>>)
      %dma_wait3A_75 = arith.constant 0 : i32
      %dma_wait3A_76 = tpu.memref_slice %arg14[%add3A_27, %dma_wait3A_75] : memref<10240x64xf32, #tpu.memory_space<vmem_shared>> -> memref<128x64xf32, #tpu.memory_space<vmem_shared>>
      %dma_wait3A_77 = arith.constant 0 : i32
      %dma_wait3A_78 = tpu.memref_slice %arg14[%add3A_27, %dma_wait3A_77] : memref<10240x64xf32, #tpu.memory_space<vmem_shared>> -> memref<128x64xf32, #tpu.memory_space<vmem_shared>>
      tpu.wait_dma2 semaphore(%run_scoped3A : memref<!tpu.dma_semaphore, #tpu.memory_space<semaphore_mem>>) src(%arg12 : memref<128x64xf32, #tpu.memory_space<vmem>>) dst(%dma_wait3A_78 : memref<128x64xf32, #tpu.memory_space<vmem_shared>>)
      tpu.yield
    }) : () -> ()
    %mul3A_28 = arith.constant 640 : i32
    %mul3A_29 = arith.muli %arg1, %mul3A_28 : i32
    %add3A_30 = arith.constant 512 : i32
    %add3A_31 = arith.addi %mul3A_29, %add3A_30 : i32
    "tpu.region"() ({
      %run_scoped3A = tpu.sem_alloc : memref<!tpu.dma_semaphore, #tpu.memory_space<semaphore_mem>>
      %dma_start3A_71 = arith.constant 0 : i32
      %dma_start3A_72 = tpu.memref_slice %arg14[%add3A_31, %dma_start3A_71] : memref<10240x64xf32, #tpu.memory_space<vmem_shared>> -> memref<128x64xf32, #tpu.memory_space<vmem_shared>>
      %dma_start3A_73 = arith.constant 0 : i32
      %dma_start3A_74 = tpu.memref_slice %arg14[%add3A_31, %dma_start3A_73] : memref<10240x64xf32, #tpu.memory_space<vmem_shared>> -> memref<128x64xf32, #tpu.memory_space<vmem_shared>>
      tpu.enqueue_dma source(%arg12 : memref<128x64xf32, #tpu.memory_space<vmem>>) target(%dma_start3A_74 : memref<128x64xf32, #tpu.memory_space<vmem_shared>>) target_semaphore(%run_scoped3A : memref<!tpu.dma_semaphore, #tpu.memory_space<semaphore_mem>>)
      %dma_wait3A_75 = arith.constant 0 : i32
      %dma_wait3A_76 = tpu.memref_slice %arg14[%add3A_31, %dma_wait3A_75] : memref<10240x64xf32, #tpu.memory_space<vmem_shared>> -> memref<128x64xf32, #tpu.memory_space<vmem_shared>>
      %dma_wait3A_77 = arith.constant 0 : i32
      %dma_wait3A_78 = tpu.memref_slice %arg14[%add3A_31, %dma_wait3A_77] : memref<10240x64xf32, #tpu.memory_space<vmem_shared>> -> memref<128x64xf32, #tpu.memory_space<vmem_shared>>
      tpu.wait_dma2 semaphore(%run_scoped3A : memref<!tpu.dma_semaphore, #tpu.memory_space<semaphore_mem>>) src(%arg12 : memref<128x64xf32, #tpu.memory_space<vmem>>) dst(%dma_wait3A_78 : memref<128x64xf32, #tpu.memory_space<vmem_shared>>)
      tpu.yield
    }) : () -> ()
    %barrier3A = arith.constant 0 : index
    tpu.barrier barrier_id(%barrier3A)
    %broadcast_in_dim3A_32 = arith.constant -65536 : i32
    %broadcast_in_dim3A_33 = vector.broadcast %broadcast_in_dim3A_32 : i32 to vector<16xi32>
    %dma_start3A = arith.constant 0 : i32
    %dma_start3A_34 = arith.constant 0 : i32
    %dma_start3A_35 = tpu.memref_slice %arg7[%dma_start3A, %dma_start3A_34] : memref<158x128xi32, #tpu.memory_space<vmem>> -> memref<1x128xi32, #tpu.memory_space<vmem>>
    %dma_start3A_36 = tpu.memref_squeeze %dma_start3A_35 : memref<1x128xi32, #tpu.memory_space<vmem>> -> memref<128xi32, #tpu.memory_space<vmem>>
    %dma_start3A_37 = arith.constant 0 : i32
    %dma_start3A_38 = arith.constant 0 : i32
    %dma_start3A_39 = tpu.memref_slice %arg2[%dma_start3A_37, %dma_start3A_38] : memref<20000x64xbf16, #tpu.memory_space<hbm>> -> memref<20000x64xbf16, #tpu.memory_space<hbm>>
    tpu.enqueue_indirect_dma source(%dma_start3A_39 : memref<20000x64xbf16, #tpu.memory_space<hbm>>) target(%arg10 : memref<128x64xbf16, #tpu.memory_space<vmem>>) offsets(%dma_start3A_36 : memref<128xi32, #tpu.memory_space<vmem>>) semaphore(%arg15 : memref<!tpu.dma_semaphore, #tpu.memory_space<semaphore_mem>>)
    %dma_start3A_40 = arith.constant 1 : i32
    %dma_start3A_41 = arith.constant 0 : i32
    %dma_start3A_42 = tpu.memref_slice %arg7[%dma_start3A_40, %dma_start3A_41] : memref<158x128xi32, #tpu.memory_space<vmem>> -> memref<1x128xi32, #tpu.memory_space<vmem>>
    %dma_start3A_43 = tpu.memref_squeeze %dma_start3A_42 : memref<1x128xi32, #tpu.memory_space<vmem>> -> memref<128xi32, #tpu.memory_space<vmem>>
    %dma_start3A_44 = arith.constant 0 : i32
    %dma_start3A_45 = arith.constant 0 : i32
    %dma_start3A_46 = tpu.memref_slice %arg2[%dma_start3A_44, %dma_start3A_45] : memref<20000x64xbf16, #tpu.memory_space<hbm>> -> memref<20000x64xbf16, #tpu.memory_space<hbm>>
    tpu.enqueue_indirect_dma source(%dma_start3A_46 : memref<20000x64xbf16, #tpu.memory_space<hbm>>) target(%arg11 : memref<128x64xbf16, #tpu.memory_space<vmem>>) offsets(%dma_start3A_43 : memref<128xi32, #tpu.memory_space<vmem>>) semaphore(%arg16 : memref<!tpu.dma_semaphore, #tpu.memory_space<semaphore_mem>>)
    %scan3A_47 = arith.constant 0 : i32
    %scan3A_48 = arith.constant 0 : i32
    %scan3A_49 = arith.constant 79 : i32
    %scan3A_50 = arith.addi %scan3A_48, %scan3A_49 : i32
    %scan3A_51 = arith.constant 1 : i32
    scf.for %scan3A_71 = %scan3A_48 to %scan3A_50 step %scan3A_51  : i32 {
      %mul3A_72 = arith.constant 2 : i32
      %mul3A_73 = arith.muli %mul3A_72, %scan3A_71 : i32
      %add3A_74 = arith.constant 0 : i32
      %add3A_75 = arith.addi %mul3A_73, %add3A_74 : i32
      %dma_wait3A_76 = arith.constant 0 : i32
      %dma_wait3A_77 = tpu.memref_slice %arg7[%add3A_75, %dma_wait3A_76] : memref<158x128xi32, #tpu.memory_space<vmem>> -> memref<1x128xi32, #tpu.memory_space<vmem>>
      %dma_wait3A_78 = tpu.memref_squeeze %dma_wait3A_77 : memref<1x128xi32, #tpu.memory_space<vmem>> -> memref<128xi32, #tpu.memory_space<vmem>>
      %dma_wait3A_79 = arith.constant 0 : i32
      %dma_wait3A_80 = arith.constant 0 : i32
      %dma_wait3A_81 = tpu.memref_slice %arg2[%dma_wait3A_79, %dma_wait3A_80] : memref<20000x64xbf16, #tpu.memory_space<hbm>> -> memref<20000x64xbf16, #tpu.memory_space<hbm>>
      tpu.wait_indirect_dma semaphore(%arg15 : memref<!tpu.dma_semaphore, #tpu.memory_space<semaphore_mem>>) src(%dma_wait3A_81 : memref<20000x64xbf16, #tpu.memory_space<hbm>>) dst(%arg10 : memref<128x64xbf16, #tpu.memory_space<vmem>>)
      %ge3A = arith.constant 1 : i32
      %ge3A_82 = arith.cmpi sge, %scan3A_71, %ge3A : i32
      %convert_element_type3A = arith.extui %ge3A_82 : i1 to i32
      %cond3A = arith.constant 0 : i32
      %cond3A_83 = arith.cmpi ne, %convert_element_type3A, %cond3A : i32
      scf.if %cond3A_83 {
        %sub3A = arith.constant 2 : i32
        %sub3A_132 = arith.subi %add3A_75, %sub3A : i32
        %dma_wait3A_133 = arith.constant 0 : i32
        %dma_wait3A_134 = tpu.memref_slice %arg8[%sub3A_132, %dma_wait3A_133] : memref<158x128xi32, #tpu.memory_space<vmem>> -> memref<1x128xi32, #tpu.memory_space<vmem>>
        %dma_wait3A_135 = tpu.memref_squeeze %dma_wait3A_134 : memref<1x128xi32, #tpu.memory_space<vmem>> -> memref<128xi32, #tpu.memory_space<vmem>>
        %dma_wait3A_136 = arith.constant 0 : i32
        %dma_wait3A_137 = arith.constant 0 : i32
        %dma_wait3A_138 = tpu.memref_slice %arg14[%dma_wait3A_136, %dma_wait3A_137] : memref<10240x64xf32, #tpu.memory_space<vmem_shared>> -> memref<10240x64xf32, #tpu.memory_space<vmem_shared>>
        tpu.wait_indirect_dma semaphore(%arg17 : memref<!tpu.dma_semaphore, #tpu.memory_space<semaphore_mem>>) src(%arg12 : memref<128x64xf32, #tpu.memory_space<vmem>>) dst(%dma_wait3A_138 : memref<10240x64xf32, #tpu.memory_space<vmem_shared>>)
      } else {
      }
      %scan3A_84 = arith.constant 0 : i32
      %scan3A_85 = arith.constant 0 : i32
      %scan3A_86 = arith.constant 8 : i32
      %scan3A_87 = arith.addi %scan3A_85, %scan3A_86 : i32
      %scan3A_88 = arith.constant 1 : i32
      scf.for %scan3A_132 = %scan3A_85 to %scan3A_87 step %scan3A_88  : i32 {
        %mul3A_133 = arith.constant 16 : i32
        %mul3A_134 = arith.muli %scan3A_132, %mul3A_133 : i32
        %get3A = arith.index_cast %add3A_75 : i32 to index
        %get3A_135 = arith.index_cast %mul3A_134 : i32 to index
        %get3A_136 = tpu.vector_load %arg9[%get3A, %get3A_135] {strides = array<i32>} : memref<158x128xf32, #tpu.memory_space<vmem>>, vector<16xf32>,
        %slice3A = vector.extract_strided_slice %get3A_136 {offsets = [0], sizes = [1], strides = [1]} : vector<16xf32> to vector<1xf32>
        %squeeze3A = vector.extract %slice3A[0] : f32 from vector<1xf32>
        %mul3A_137 = arith.constant 16 : i32
        %mul3A_138 = arith.muli %scan3A_132, %mul3A_137 : i32
        %add3A_139 = arith.constant 0 : i32
        %add3A_140 = arith.addi %mul3A_138, %add3A_139 : i32
        %get3A_141 = arith.index_cast %add3A_140 : i32 to index
        %get3A_142 = arith.constant 0 : index
        %get3A_143 = tpu.vector_load %arg10[%get3A_141, %get3A_142] {strides = array<i32>} : memref<128x64xbf16, #tpu.memory_space<vmem>>, vector<32xbf16>,
        %bitcast3A = vector.bitcast %get3A_143 : vector<32xbf16> to vector<16xi32>
        %shift_left3A = arith.constant 16 : i32
        %shift_left3A_144 = vector.broadcast %shift_left3A : i32 to vector<16xi32>
        %shift_left3A_145 = arith.shli %bitcast3A, %shift_left3A_144 : vector<16xi32>
        %bitcast3A_146 = vector.bitcast %shift_left3A_145 : vector<16xi32> to vector<16xf32>
        %and3A = arith.andi %bitcast3A, %broadcast_in_dim3A_33 : vector<16xi32>
        %bitcast3A_147 = vector.bitcast %and3A : vector<16xi32> to vector<16xf32>
        %mul3A_148 = vector.broadcast %squeeze3A : f32 to vector<16xf32>
        %mul3A_149 = arith.mulf %bitcast3A_146, %mul3A_148 : vector<16xf32>
        %swap3A = arith.index_cast %add3A_140 : i32 to index
        %swap3A_150 = arith.constant 0 : index
        %swap3A_151 = tpu.vector_load %arg12[%swap3A, %swap3A_150] {strides = array<i32>} : memref<128x64xf32, #tpu.memory_space<vmem>>, vector<16xf32>,
        tpu.vector_store %arg12[%swap3A, %swap3A_150], %mul3A_149 {strides = array<i32>} : memref<128x64xf32, #tpu.memory_space<vmem>>, vector<16xf32>,
        %mul3A_152 = vector.broadcast %squeeze3A : f32 to vector<16xf32>
        %mul3A_153 = arith.mulf %bitcast3A_147, %mul3A_152 : vector<16xf32>
        %swap3A_154 = arith.index_cast %add3A_140 : i32 to index
        %swap3A_155 = arith.constant 16 : index
        %swap3A_156 = tpu.vector_load %arg12[%swap3A_154, %swap3A_155] {strides = array<i32>} : memref<128x64xf32, #tpu.memory_space<vmem>>, vector<16xf32>,
        tpu.vector_store %arg12[%swap3A_154, %swap3A_155], %mul3A_153 {strides = array<i32>} : memref<128x64xf32, #tpu.memory_space<vmem>>, vector<16xf32>,
        %get3A_157 = arith.index_cast %add3A_140 : i32 to index
        %get3A_158 = arith.constant 32 : index
        %get3A_159 = tpu.vector_load %arg10[%get3A_157, %get3A_158] {strides = array<i32>} : memref<128x64xbf16, #tpu.memory_space<vmem>>, vector<32xbf16>,
        %bitcast3A_160 = vector.bitcast %get3A_159 : vector<32xbf16> to vector<16xi32>
        %shift_left3A_161 = arith.constant 16 : i32
        %shift_left3A_162 = vector.broadcast %shift_left3A_161 : i32 to vector<16xi32>
        %shift_left3A_163 = arith.shli %bitcast3A_160, %shift_left3A_162 : vector<16xi32>
        %bitcast3A_164 = vector.bitcast %shift_left3A_163 : vector<16xi32> to vector<16xf32>
        %and3A_165 = arith.andi %bitcast3A_160, %broadcast_in_dim3A_33 : vector<16xi32>
        %bitcast3A_166 = vector.bitcast %and3A_165 : vector<16xi32> to vector<16xf32>
        %mul3A_167 = vector.broadcast %squeeze3A : f32 to vector<16xf32>
        %mul3A_168 = arith.mulf %bitcast3A_164, %mul3A_167 : vector<16xf32>
        %swap3A_169 = arith.index_cast %add3A_140 : i32 to index
        %swap3A_170 = arith.constant 32 : index
        %swap3A_171 = tpu.vector_load %arg12[%swap3A_169, %swap3A_170] {strides = array<i32>} : memref<128x64xf32, #tpu.memory_space<vmem>>, vector<16xf32>,
        tpu.vector_store %arg12[%swap3A_169, %swap3A_170], %mul3A_168 {strides = array<i32>} : memref<128x64xf32, #tpu.memory_space<vmem>>, vector<16xf32>,
        %mul3A_172 = vector.broadcast %squeeze3A : f32 to vector<16xf32>
        %mul3A_173 = arith.mulf %bitcast3A_166, %mul3A_172 : vector<16xf32>
        %swap3A_174 = arith.index_cast %add3A_140 : i32 to index
        %swap3A_175 = arith.constant 48 : index
        %swap3A_176 = tpu.vector_load %arg12[%swap3A_174, %swap3A_175] {strides = array<i32>} : memref<128x64xf32, #tpu.memory_space<vmem>>, vector<16xf32>,
        tpu.vector_store %arg12[%swap3A_174, %swap3A_175], %mul3A_173 {strides = array<i32>} : memref<128x64xf32, #tpu.memory_space<vmem>>, vector<16xf32>,
        %slice3A_177 = vector.extract_strided_slice %get3A_136 {offsets = [1], sizes = [1], strides = [1]} : vector<16xf32> to vector<1xf32>
        %squeeze3A_178 = vector.extract %slice3A_177[0] : f32 from vector<1xf32>
        %mul3A_179 = arith.constant 16 : i32
        %mul3A_180 = arith.muli %scan3A_132, %mul3A_179 : i32
        %add3A_181 = arith.constant 1 : i32
        %add3A_182 = arith.addi %mul3A_180, %add3A_181 : i32
        %get3A_183 = arith.index_cast %add3A_182 : i32 to index
        %get3A_184 = arith.constant 0 : index
        %get3A_185 = tpu.vector_load %arg10[%get3A_183, %get3A_184] {strides = array<i32>} : memref<128x64xbf16, #tpu.memory_space<vmem>>, vector<32xbf16>,
        %bitcast3A_186 = vector.bitcast %get3A_185 : vector<32xbf16> to vector<16xi32>
        %shift_left3A_187 = arith.constant 16 : i32
        %shift_left3A_188 = vector.broadcast %shift_left3A_187 : i32 to vector<16xi32>
        %shift_left3A_189 = arith.shli %bitcast3A_186, %shift_left3A_188 : vector<16xi32>
        %bitcast3A_190 = vector.bitcast %shift_left3A_189 : vector<16xi32> to vector<16xf32>
        %and3A_191 = arith.andi %bitcast3A_186, %broadcast_in_dim3A_33 : vector<16xi32>
        %bitcast3A_192 = vector.bitcast %and3A_191 : vector<16xi32> to vector<16xf32>
        %mul3A_193 = vector.broadcast %squeeze3A_178 : f32 to vector<16xf32>
        %mul3A_194 = arith.mulf %bitcast3A_190, %mul3A_193 : vector<16xf32>
        %swap3A_195 = arith.index_cast %add3A_182 : i32 to index
        %swap3A_196 = arith.constant 0 : index
        %swap3A_197 = tpu.vector_load %arg12[%swap3A_195, %swap3A_196] {strides = array<i32>} : memref<128x64xf32, #tpu.memory_space<vmem>>, vector<16xf32>,
        tpu.vector_store %arg12[%swap3A_195, %swap3A_196], %mul3A_194 {strides = array<i32>} : memref<128x64xf32, #tpu.memory_space<vmem>>, vector<16xf32>,
        %mul3A_198 = vector.broadcast %squeeze3A_178 : f32 to vector<16xf32>
        %mul3A_199 = arith.mulf %bitcast3A_192, %mul3A_198 : vector<16xf32>
        %swap3A_200 = arith.index_cast %add3A_182 : i32 to index
        %swap3A_201 = arith.constant 16 : index
        %swap3A_202 = tpu.vector_load %arg12[%swap3A_200, %swap3A_201] {strides = array<i32>} : memref<128x64xf32, #tpu.memory_space<vmem>>, vector<16xf32>,
        tpu.vector_store %arg12[%swap3A_200, %swap3A_201], %mul3A_199 {strides = array<i32>} : memref<128x64xf32, #tpu.memory_space<vmem>>, vector<16xf32>,
        %get3A_203 = arith.index_cast %add3A_182 : i32 to index
        %get3A_204 = arith.constant 32 : index
        %get3A_205 = tpu.vector_load %arg10[%get3A_203, %get3A_204] {strides = array<i32>} : memref<128x64xbf16, #tpu.memory_space<vmem>>, vector<32xbf16>,
        %bitcast3A_206 = vector.bitcast %get3A_205 : vector<32xbf16> to vector<16xi32>
        %shift_left3A_207 = arith.constant 16 : i32
        %shift_left3A_208 = vector.broadcast %shift_left3A_207 : i32 to vector<16xi32>
        %shift_left3A_209 = arith.shli %bitcast3A_206, %shift_left3A_208 : vector<16xi32>
        %bitcast3A_210 = vector.bitcast %shift_left3A_209 : vector<16xi32> to vector<16xf32>
        %and3A_211 = arith.andi %bitcast3A_206, %broadcast_in_dim3A_33 : vector<16xi32>
        %bitcast3A_212 = vector.bitcast %and3A_211 : vector<16xi32> to vector<16xf32>
        %mul3A_213 = vector.broadcast %squeeze3A_178 : f32 to vector<16xf32>
        %mul3A_214 = arith.mulf %bitcast3A_210, %mul3A_213 : vector<16xf32>
        %swap3A_215 = arith.index_cast %add3A_182 : i32 to index
        %swap3A_216 = arith.constant 32 : index
        %swap3A_217 = tpu.vector_load %arg12[%swap3A_215, %swap3A_216] {strides = array<i32>} : memref<128x64xf32, #tpu.memory_space<vmem>>, vector<16xf32>,
        tpu.vector_store %arg12[%swap3A_215, %swap3A_216], %mul3A_214 {strides = array<i32>} : memref<128x64xf32, #tpu.memory_space<vmem>>, vector<16xf32>,
        %mul3A_218 = vector.broadcast %squeeze3A_178 : f32 to vector<16xf32>
        %mul3A_219 = arith.mulf %bitcast3A_212, %mul3A_218 : vector<16xf32>
        %swap3A_220 = arith.index_cast %add3A_182 : i32 to index
        %swap3A_221 = arith.constant 48 : index
        %swap3A_222 = tpu.vector_load %arg12[%swap3A_220, %swap3A_221] {strides = array<i32>} : memref<128x64xf32, #tpu.memory_space<vmem>>, vector<16xf32>,
        tpu.vector_store %arg12[%swap3A_220, %swap3A_221], %mul3A_219 {strides = array<i32>} : memref<128x64xf32, #tpu.memory_space<vmem>>, vector<16xf32>,
        %slice3A_223 = vector.extract_strided_slice %get3A_136 {offsets = [2], sizes = [1], strides = [1]} : vector<16xf32> to vector<1xf32>
        %squeeze3A_224 = vector.extract %slice3A_223[0] : f32 from vector<1xf32>
        %mul3A_225 = arith.constant 16 : i32
        %mul3A_226 = arith.muli %scan3A_132, %mul3A_225 : i32
        %add3A_227 = arith.constant 2 : i32
        %add3A_228 = arith.addi %mul3A_226, %add3A_227 : i32
        %get3A_229 = arith.index_cast %add3A_228 : i32 to index
        %get3A_230 = arith.constant 0 : index
        %get3A_231 = tpu.vector_load %arg10[%get3A_229, %get3A_230] {strides = array<i32>} : memref<128x64xbf16, #tpu.memory_space<vmem>>, vector<32xbf16>,
        %bitcast3A_232 = vector.bitcast %get3A_231 : vector<32xbf16> to vector<16xi32>
        %shift_left3A_233 = arith.constant 16 : i32
        %shift_left3A_234 = vector.broadcast %shift_left3A_233 : i32 to vector<16xi32>
        %shift_left3A_235 = arith.shli %bitcast3A_232, %shift_left3A_234 : vector<16xi32>
        %bitcast3A_236 = vector.bitcast %shift_left3A_235 : vector<16xi32> to vector<16xf32>
        %and3A_237 = arith.andi %bitcast3A_232, %broadcast_in_dim3A_33 : vector<16xi32>
        %bitcast3A_238 = vector.bitcast %and3A_237 : vector<16xi32> to vector<16xf32>
        %mul3A_239 = vector.broadcast %squeeze3A_224 : f32 to vector<16xf32>
        %mul3A_240 = arith.mulf %bitcast3A_236, %mul3A_239 : vector<16xf32>
        %swap3A_241 = arith.index_cast %add3A_228 : i32 to index
        %swap3A_242 = arith.constant 0 : index
        %swap3A_243 = tpu.vector_load %arg12[%swap3A_241, %swap3A_242] {strides = array<i32>} : memref<128x64xf32, #tpu.memory_space<vmem>>, vector<16xf32>,
        tpu.vector_store %arg12[%swap3A_241, %swap3A_242], %mul3A_240 {strides = array<i32>} : memref<128x64xf32, #tpu.memory_space<vmem>>, vector<16xf32>,
        %mul3A_244 = vector.broadcast %squeeze3A_224 : f32 to vector<16xf32>
        %mul3A_245 = arith.mulf %bitcast3A_238, %mul3A_244 : vector<16xf32>
        %swap3A_246 = arith.index_cast %add3A_228 : i32 to index
        %swap3A_247 = arith.constant 16 : index
        %swap3A_248 = tpu.vector_load %arg12[%swap3A_246, %swap3A_247] {strides = array<i32>} : memref<128x64xf32, #tpu.memory_space<vmem>>, vector<16xf32>,
        tpu.vector_store %arg12[%swap3A_246, %swap3A_247], %mul3A_245 {strides = array<i32>} : memref<128x64xf32, #tpu.memory_space<vmem>>, vector<16xf32>,
        %get3A_249 = arith.index_cast %add3A_228 : i32 to index
        %get3A_250 = arith.constant 32 : index
        %get3A_251 = tpu.vector_load %arg10[%get3A_249, %get3A_250] {strides = array<i32>} : memref<128x64xbf16, #tpu.memory_space<vmem>>, vector<32xbf16>,
        %bitcast3A_252 = vector.bitcast %get3A_251 : vector<32xbf16> to vector<16xi32>
        %shift_left3A_253 = arith.constant 16 : i32
        %shift_left3A_254 = vector.broadcast %shift_left3A_253 : i32 to vector<16xi32>
        %shift_left3A_255 = arith.shli %bitcast3A_252, %shift_left3A_254 : vector<16xi32>
        %bitcast3A_256 = vector.bitcast %shift_left3A_255 : vector<16xi32> to vector<16xf32>
        %and3A_257 = arith.andi %bitcast3A_252, %broadcast_in_dim3A_33 : vector<16xi32>
        %bitcast3A_258 = vector.bitcast %and3A_257 : vector<16xi32> to vector<16xf32>
        %mul3A_259 = vector.broadcast %squeeze3A_224 : f32 to vector<16xf32>
        %mul3A_260 = arith.mulf %bitcast3A_256, %mul3A_259 : vector<16xf32>
        %swap3A_261 = arith.index_cast %add3A_228 : i32 to index
        %swap3A_262 = arith.constant 32 : index
        %swap3A_263 = tpu.vector_load %arg12[%swap3A_261, %swap3A_262] {strides = array<i32>} : memref<128x64xf32, #tpu.memory_space<vmem>>, vector<16xf32>,
        tpu.vector_store %arg12[%swap3A_261, %swap3A_262], %mul3A_260 {strides = array<i32>} : memref<128x64xf32, #tpu.memory_space<vmem>>, vector<16xf32>,
        %mul3A_264 = vector.broadcast %squeeze3A_224 : f32 to vector<16xf32>
        %mul3A_265 = arith.mulf %bitcast3A_258, %mul3A_264 : vector<16xf32>
        %swap3A_266 = arith.index_cast %add3A_228 : i32 to index
        %swap3A_267 = arith.constant 48 : index
        %swap3A_268 = tpu.vector_load %arg12[%swap3A_266, %swap3A_267] {strides = array<i32>} : memref<128x64xf32, #tpu.memory_space<vmem>>, vector<16xf32>,
        tpu.vector_store %arg12[%swap3A_266, %swap3A_267], %mul3A_265 {strides = array<i32>} : memref<128x64xf32, #tpu.memory_space<vmem>>, vector<16xf32>,
        %slice3A_269 = vector.extract_strided_slice %get3A_136 {offsets = [3], sizes = [1], strides = [1]} : vector<16xf32> to vector<1xf32>
        %squeeze3A_270 = vector.extract %slice3A_269[0] : f32 from vector<1xf32>
        %mul3A_271 = arith.constant 16 : i32
        %mul3A_272 = arith.muli %scan3A_132, %mul3A_271 : i32
        %add3A_273 = arith.constant 3 : i32
        %add3A_274 = arith.addi %mul3A_272, %add3A_273 : i32
        %get3A_275 = arith.index_cast %add3A_274 : i32 to index
        %get3A_276 = arith.constant 0 : index
        %get3A_277 = tpu.vector_load %arg10[%get3A_275, %get3A_276] {strides = array<i32>} : memref<128x64xbf16, #tpu.memory_space<vmem>>, vector<32xbf16>,
        %bitcast3A_278 = vector.bitcast %get3A_277 : vector<32xbf16> to vector<16xi32>
        %shift_left3A_279 = arith.constant 16 : i32
        %shift_left3A_280 = vector.broadcast %shift_left3A_279 : i32 to vector<16xi32>
        %shift_left3A_281 = arith.shli %bitcast3A_278, %shift_left3A_280 : vector<16xi32>
        %bitcast3A_282 = vector.bitcast %shift_left3A_281 : vector<16xi32> to vector<16xf32>
        %and3A_283 = arith.andi %bitcast3A_278, %broadcast_in_dim3A_33 : vector<16xi32>
        %bitcast3A_284 = vector.bitcast %and3A_283 : vector<16xi32> to vector<16xf32>
        %mul3A_285 = vector.broadcast %squeeze3A_270 : f32 to vector<16xf32>
        %mul3A_286 = arith.mulf %bitcast3A_282, %mul3A_285 : vector<16xf32>
        %swap3A_287 = arith.index_cast %add3A_274 : i32 to index
        %swap3A_288 = arith.constant 0 : index
        %swap3A_289 = tpu.vector_load %arg12[%swap3A_287, %swap3A_288] {strides = array<i32>} : memref<128x64xf32, #tpu.memory_space<vmem>>, vector<16xf32>,
        tpu.vector_store %arg12[%swap3A_287, %swap3A_288], %mul3A_286 {strides = array<i32>} : memref<128x64xf32, #tpu.memory_space<vmem>>, vector<16xf32>,
        %mul3A_290 = vector.broadcast %squeeze3A_270 : f32 to vector<16xf32>
        %mul3A_291 = arith.mulf %bitcast3A_284, %mul3A_290 : vector<16xf32>
        %swap3A_292 = arith.index_cast %add3A_274 : i32 to index
        %swap3A_293 = arith.constant 16 : index
        %swap3A_294 = tpu.vector_load %arg12[%swap3A_292, %swap3A_293] {strides = array<i32>} : memref<128x64xf32, #tpu.memory_space<vmem>>, vector<16xf32>,
        tpu.vector_store %arg12[%swap3A_292, %swap3A_293], %mul3A_291 {strides = array<i32>} : memref<128x64xf32, #tpu.memory_space<vmem>>, vector<16xf32>,
        %get3A_295 = arith.index_cast %add3A_274 : i32 to index
        %get3A_296 = arith.constant 32 : index
        %get3A_297 = tpu.vector_load %arg10[%get3A_295, %get3A_296] {strides = array<i32>} : memref<128x64xbf16, #tpu.memory_space<vmem>>, vector<32xbf16>,
        %bitcast3A_298 = vector.bitcast %get3A_297 : vector<32xbf16> to vector<16xi32>
        %shift_left3A_299 = arith.constant 16 : i32
        %shift_left3A_300 = vector.broadcast %shift_left3A_299 : i32 to vector<16xi32>
        %shift_left3A_301 = arith.shli %bitcast3A_298, %shift_left3A_300 : vector<16xi32>
        %bitcast3A_302 = vector.bitcast %shift_left3A_301 : vector<16xi32> to vector<16xf32>
        %and3A_303 = arith.andi %bitcast3A_298, %broadcast_in_dim3A_33 : vector<16xi32>
        %bitcast3A_304 = vector.bitcast %and3A_303 : vector<16xi32> to vector<16xf32>
        %mul3A_305 = vector.broadcast %squeeze3A_270 : f32 to vector<16xf32>
        %mul3A_306 = arith.mulf %bitcast3A_302, %mul3A_305 : vector<16xf32>
        %swap3A_307 = arith.index_cast %add3A_274 : i32 to index
        %swap3A_308 = arith.constant 32 : index
        %swap3A_309 = tpu.vector_load %arg12[%swap3A_307, %swap3A_308] {strides = array<i32>} : memref<128x64xf32, #tpu.memory_space<vmem>>, vector<16xf32>,
        tpu.vector_store %arg12[%swap3A_307, %swap3A_308], %mul3A_306 {strides = array<i32>} : memref<128x64xf32, #tpu.memory_space<vmem>>, vector<16xf32>,
        %mul3A_310 = vector.broadcast %squeeze3A_270 : f32 to vector<16xf32>
        %mul3A_311 = arith.mulf %bitcast3A_304, %mul3A_310 : vector<16xf32>
        %swap3A_312 = arith.index_cast %add3A_274 : i32 to index
        %swap3A_313 = arith.constant 48 : index
        %swap3A_314 = tpu.vector_load %arg12[%swap3A_312, %swap3A_313] {strides = array<i32>} : memref<128x64xf32, #tpu.memory_space<vmem>>, vector<16xf32>,
        tpu.vector_store %arg12[%swap3A_312, %swap3A_313], %mul3A_311 {strides = array<i32>} : memref<128x64xf32, #tpu.memory_space<vmem>>, vector<16xf32>,
        %slice3A_315 = vector.extract_strided_slice %get3A_136 {offsets = [4], sizes = [1], strides = [1]} : vector<16xf32> to vector<1xf32>
        %squeeze3A_316 = vector.extract %slice3A_315[0] : f32 from vector<1xf32>
        %mul3A_317 = arith.constant 16 : i32
        %mul3A_318 = arith.muli %scan3A_132, %mul3A_317 : i32
        %add3A_319 = arith.constant 4 : i32
        %add3A_320 = arith.addi %mul3A_318, %add3A_319 : i32
        %get3A_321 = arith.index_cast %add3A_320 : i32 to index
        %get3A_322 = arith.constant 0 : index
        %get3A_323 = tpu.vector_load %arg10[%get3A_321, %get3A_322] {strides = array<i32>} : memref<128x64xbf16, #tpu.memory_space<vmem>>, vector<32xbf16>,
        %bitcast3A_324 = vector.bitcast %get3A_323 : vector<32xbf16> to vector<16xi32>
        %shift_left3A_325 = arith.constant 16 : i32
        %shift_left3A_326 = vector.broadcast %shift_left3A_325 : i32 to vector<16xi32>
        %shift_left3A_327 = arith.shli %bitcast3A_324, %shift_left3A_326 : vector<16xi32>
        %bitcast3A_328 = vector.bitcast %shift_left3A_327 : vector<16xi32> to vector<16xf32>
        %and3A_329 = arith.andi %bitcast3A_324, %broadcast_in_dim3A_33 : vector<16xi32>
        %bitcast3A_330 = vector.bitcast %and3A_329 : vector<16xi32> to vector<16xf32>
        %mul3A_331 = vector.broadcast %squeeze3A_316 : f32 to vector<16xf32>
        %mul3A_332 = arith.mulf %bitcast3A_328, %mul3A_331 : vector<16xf32>
        %swap3A_333 = arith.index_cast %add3A_320 : i32 to index
        %swap3A_334 = arith.constant 0 : index
        %swap3A_335 = tpu.vector_load %arg12[%swap3A_333, %swap3A_334] {strides = array<i32>} : memref<128x64xf32, #tpu.memory_space<vmem>>, vector<16xf32>,
        tpu.vector_store %arg12[%swap3A_333, %swap3A_334], %mul3A_332 {strides = array<i32>} : memref<128x64xf32, #tpu.memory_space<vmem>>, vector<16xf32>,
        %mul3A_336 = vector.broadcast %squeeze3A_316 : f32 to vector<16xf32>
        %mul3A_337 = arith.mulf %bitcast3A_330, %mul3A_336 : vector<16xf32>
        %swap3A_338 = arith.index_cast %add3A_320 : i32 to index
        %swap3A_339 = arith.constant 16 : index
        %swap3A_340 = tpu.vector_load %arg12[%swap3A_338, %swap3A_339] {strides = array<i32>} : memref<128x64xf32, #tpu.memory_space<vmem>>, vector<16xf32>,
        tpu.vector_store %arg12[%swap3A_338, %swap3A_339], %mul3A_337 {strides = array<i32>} : memref<128x64xf32, #tpu.memory_space<vmem>>, vector<16xf32>,
        %get3A_341 = arith.index_cast %add3A_320 : i32 to index
        %get3A_342 = arith.constant 32 : index
        %get3A_343 = tpu.vector_load %arg10[%get3A_341, %get3A_342] {strides = array<i32>} : memref<128x64xbf16, #tpu.memory_space<vmem>>, vector<32xbf16>,
        %bitcast3A_344 = vector.bitcast %get3A_343 : vector<32xbf16> to vector<16xi32>
        %shift_left3A_345 = arith.constant 16 : i32
        %shift_left3A_346 = vector.broadcast %shift_left3A_345 : i32 to vector<16xi32>
        %shift_left3A_347 = arith.shli %bitcast3A_344, %shift_left3A_346 : vector<16xi32>
        %bitcast3A_348 = vector.bitcast %shift_left3A_347 : vector<16xi32> to vector<16xf32>
        %and3A_349 = arith.andi %bitcast3A_344, %broadcast_in_dim3A_33 : vector<16xi32>
        %bitcast3A_350 = vector.bitcast %and3A_349 : vector<16xi32> to vector<16xf32>
        %mul3A_351 = vector.broadcast %squeeze3A_316 : f32 to vector<16xf32>
        %mul3A_352 = arith.mulf %bitcast3A_348, %mul3A_351 : vector<16xf32>
        %swap3A_353 = arith.index_cast %add3A_320 : i32 to index
        %swap3A_354 = arith.constant 32 : index
        %swap3A_355 = tpu.vector_load %arg12[%swap3A_353, %swap3A_354] {strides = array<i32>} : memref<128x64xf32, #tpu.memory_space<vmem>>, vector<16xf32>,
        tpu.vector_store %arg12[%swap3A_353, %swap3A_354], %mul3A_352 {strides = array<i32>} : memref<128x64xf32, #tpu.memory_space<vmem>>, vector<16xf32>,
        %mul3A_356 = vector.broadcast %squeeze3A_316 : f32 to vector<16xf32>
        %mul3A_357 = arith.mulf %bitcast3A_350, %mul3A_356 : vector<16xf32>
        %swap3A_358 = arith.index_cast %add3A_320 : i32 to index
        %swap3A_359 = arith.constant 48 : index
        %swap3A_360 = tpu.vector_load %arg12[%swap3A_358, %swap3A_359] {strides = array<i32>} : memref<128x64xf32, #tpu.memory_space<vmem>>, vector<16xf32>,
        tpu.vector_store %arg12[%swap3A_358, %swap3A_359], %mul3A_357 {strides = array<i32>} : memref<128x64xf32, #tpu.memory_space<vmem>>, vector<16xf32>,
        %slice3A_361 = vector.extract_strided_slice %get3A_136 {offsets = [5], sizes = [1], strides = [1]} : vector<16xf32> to vector<1xf32>
        %squeeze3A_362 = vector.extract %slice3A_361[0] : f32 from vector<1xf32>
        %mul3A_363 = arith.constant 16 : i32
        %mul3A_364 = arith.muli %scan3A_132, %mul3A_363 : i32
        %add3A_365 = arith.constant 5 : i32
        %add3A_366 = arith.addi %mul3A_364, %add3A_365 : i32
        %get3A_367 = arith.index_cast %add3A_366 : i32 to index
        %get3A_368 = arith.constant 0 : index
        %get3A_369 = tpu.vector_load %arg10[%get3A_367, %get3A_368] {strides = array<i32>} : memref<128x64xbf16, #tpu.memory_space<vmem>>, vector<32xbf16>,
        %bitcast3A_370 = vector.bitcast %get3A_369 : vector<32xbf16> to vector<16xi32>
        %shift_left3A_371 = arith.constant 16 : i32
        %shift_left3A_372 = vector.broadcast %shift_left3A_371 : i32 to vector<16xi32>
        %shift_left3A_373 = arith.shli %bitcast3A_370, %shift_left3A_372 : vector<16xi32>
        %bitcast3A_374 = vector.bitcast %shift_left3A_373 : vector<16xi32> to vector<16xf32>
        %and3A_375 = arith.andi %bitcast3A_370, %broadcast_in_dim3A_33 : vector<16xi32>
        %bitcast3A_376 = vector.bitcast %and3A_375 : vector<16xi32> to vector<16xf32>
        %mul3A_377 = vector.broadcast %squeeze3A_362 : f32 to vector<16xf32>
        %mul3A_378 = arith.mulf %bitcast3A_374, %mul3A_377 : vector<16xf32>
        %swap3A_379 = arith.index_cast %add3A_366 : i32 to index
        %swap3A_380 = arith.constant 0 : index
        %swap3A_381 = tpu.vector_load %arg12[%swap3A_379, %swap3A_380] {strides = array<i32>} : memref<128x64xf32, #tpu.memory_space<vmem>>, vector<16xf32>,
        tpu.vector_store %arg12[%swap3A_379, %swap3A_380], %mul3A_378 {strides = array<i32>} : memref<128x64xf32, #tpu.memory_space<vmem>>, vector<16xf32>,
        %mul3A_382 = vector.broadcast %squeeze3A_362 : f32 to vector<16xf32>
        %mul3A_383 = arith.mulf %bitcast3A_376, %mul3A_382 : vector<16xf32>
        %swap3A_384 = arith.index_cast %add3A_366 : i32 to index
        %swap3A_385 = arith.constant 16 : index
        %swap3A_386 = tpu.vector_load %arg12[%swap3A_384, %swap3A_385] {strides = array<i32>} : memref<128x64xf32, #tpu.memory_space<vmem>>, vector<16xf32>,
        tpu.vector_store %arg12[%swap3A_384, %swap3A_385], %mul3A_383 {strides = array<i32>} : memref<128x64xf32, #tpu.memory_space<vmem>>, vector<16xf32>,
        %get3A_387 = arith.index_cast %add3A_366 : i32 to index
        %get3A_388 = arith.constant 32 : index
        %get3A_389 = tpu.vector_load %arg10[%get3A_387, %get3A_388] {strides = array<i32>} : memref<128x64xbf16, #tpu.memory_space<vmem>>, vector<32xbf16>,
        %bitcast3A_390 = vector.bitcast %get3A_389 : vector<32xbf16> to vector<16xi32>
        %shift_left3A_391 = arith.constant 16 : i32
        %shift_left3A_392 = vector.broadcast %shift_left3A_391 : i32 to vector<16xi32>
        %shift_left3A_393 = arith.shli %bitcast3A_390, %shift_left3A_392 : vector<16xi32>
        %bitcast3A_394 = vector.bitcast %shift_left3A_393 : vector<16xi32> to vector<16xf32>
        %and3A_395 = arith.andi %bitcast3A_390, %broadcast_in_dim3A_33 : vector<16xi32>
        %bitcast3A_396 = vector.bitcast %and3A_395 : vector<16xi32> to vector<16xf32>
        %mul3A_397 = vector.broadcast %squeeze3A_362 : f32 to vector<16xf32>
        %mul3A_398 = arith.mulf %bitcast3A_394, %mul3A_397 : vector<16xf32>
        %swap3A_399 = arith.index_cast %add3A_366 : i32 to index
        %swap3A_400 = arith.constant 32 : index
        %swap3A_401 = tpu.vector_load %arg12[%swap3A_399, %swap3A_400] {strides = array<i32>} : memref<128x64xf32, #tpu.memory_space<vmem>>, vector<16xf32>,
        tpu.vector_store %arg12[%swap3A_399, %swap3A_400], %mul3A_398 {strides = array<i32>} : memref<128x64xf32, #tpu.memory_space<vmem>>, vector<16xf32>,
        %mul3A_402 = vector.broadcast %squeeze3A_362 : f32 to vector<16xf32>
        %mul3A_403 = arith.mulf %bitcast3A_396, %mul3A_402 : vector<16xf32>
        %swap3A_404 = arith.index_cast %add3A_366 : i32 to index
        %swap3A_405 = arith.constant 48 : index
        %swap3A_406 = tpu.vector_load %arg12[%swap3A_404, %swap3A_405] {strides = array<i32>} : memref<128x64xf32, #tpu.memory_space<vmem>>, vector<16xf32>,
        tpu.vector_store %arg12[%swap3A_404, %swap3A_405], %mul3A_403 {strides = array<i32>} : memref<128x64xf32, #tpu.memory_space<vmem>>, vector<16xf32>,
        %slice3A_407 = vector.extract_strided_slice %get3A_136 {offsets = [6], sizes = [1], strides = [1]} : vector<16xf32> to vector<1xf32>
        %squeeze3A_408 = vector.extract %slice3A_407[0] : f32 from vector<1xf32>
        %mul3A_409 = arith.constant 16 : i32
        %mul3A_410 = arith.muli %scan3A_132, %mul3A_409 : i32
        %add3A_411 = arith.constant 6 : i32
        %add3A_412 = arith.addi %mul3A_410, %add3A_411 : i32
        %get3A_413 = arith.index_cast %add3A_412 : i32 to index
        %get3A_414 = arith.constant 0 : index
        %get3A_415 = tpu.vector_load %arg10[%get3A_413, %get3A_414] {strides = array<i32>} : memref<128x64xbf16, #tpu.memory_space<vmem>>, vector<32xbf16>,
        %bitcast3A_416 = vector.bitcast %get3A_415 : vector<32xbf16> to vector<16xi32>
        %shift_left3A_417 = arith.constant 16 : i32
        %shift_left3A_418 = vector.broadcast %shift_left3A_417 : i32 to vector<16xi32>
        %shift_left3A_419 = arith.shli %bitcast3A_416, %shift_left3A_418 : vector<16xi32>
        %bitcast3A_420 = vector.bitcast %shift_left3A_419 : vector<16xi32> to vector<16xf32>
        %and3A_421 = arith.andi %bitcast3A_416, %broadcast_in_dim3A_33 : vector<16xi32>
        %bitcast3A_422 = vector.bitcast %and3A_421 : vector<16xi32> to vector<16xf32>
        %mul3A_423 = vector.broadcast %squeeze3A_408 : f32 to vector<16xf32>
        %mul3A_424 = arith.mulf %bitcast3A_420, %mul3A_423 : vector<16xf32>
        %swap3A_425 = arith.index_cast %add3A_412 : i32 to index
        %swap3A_426 = arith.constant 0 : index
        %swap3A_427 = tpu.vector_load %arg12[%swap3A_425, %swap3A_426] {strides = array<i32>} : memref<128x64xf32, #tpu.memory_space<vmem>>, vector<16xf32>,
        tpu.vector_store %arg12[%swap3A_425, %swap3A_426], %mul3A_424 {strides = array<i32>} : memref<128x64xf32, #tpu.memory_space<vmem>>, vector<16xf32>,
        %mul3A_428 = vector.broadcast %squeeze3A_408 : f32 to vector<16xf32>
        %mul3A_429 = arith.mulf %bitcast3A_422, %mul3A_428 : vector<16xf32>
        %swap3A_430 = arith.index_cast %add3A_412 : i32 to index
        %swap3A_431 = arith.constant 16 : index
        %swap3A_432 = tpu.vector_load %arg12[%swap3A_430, %swap3A_431] {strides = array<i32>} : memref<128x64xf32, #tpu.memory_space<vmem>>, vector<16xf32>,
        tpu.vector_store %arg12[%swap3A_430, %swap3A_431], %mul3A_429 {strides = array<i32>} : memref<128x64xf32, #tpu.memory_space<vmem>>, vector<16xf32>,
        %get3A_433 = arith.index_cast %add3A_412 : i32 to index
        %get3A_434 = arith.constant 32 : index
        %get3A_435 = tpu.vector_load %arg10[%get3A_433, %get3A_434] {strides = array<i32>} : memref<128x64xbf16, #tpu.memory_space<vmem>>, vector<32xbf16>,
        %bitcast3A_436 = vector.bitcast %get3A_435 : vector<32xbf16> to vector<16xi32>
        %shift_left3A_437 = arith.constant 16 : i32
        %shift_left3A_438 = vector.broadcast %shift_left3A_437 : i32 to vector<16xi32>
        %shift_left3A_439 = arith.shli %bitcast3A_436, %shift_left3A_438 : vector<16xi32>
        %bitcast3A_440 = vector.bitcast %shift_left3A_439 : vector<16xi32> to vector<16xf32>
        %and3A_441 = arith.andi %bitcast3A_436, %broadcast_in_dim3A_33 : vector<16xi32>
        %bitcast3A_442 = vector.bitcast %and3A_441 : vector<16xi32> to vector<16xf32>
        %mul3A_443 = vector.broadcast %squeeze3A_408 : f32 to vector<16xf32>
        %mul3A_444 = arith.mulf %bitcast3A_440, %mul3A_443 : vector<16xf32>
        %swap3A_445 = arith.index_cast %add3A_412 : i32 to index
        %swap3A_446 = arith.constant 32 : index
        %swap3A_447 = tpu.vector_load %arg12[%swap3A_445, %swap3A_446] {strides = array<i32>} : memref<128x64xf32, #tpu.memory_space<vmem>>, vector<16xf32>,
        tpu.vector_store %arg12[%swap3A_445, %swap3A_446], %mul3A_444 {strides = array<i32>} : memref<128x64xf32, #tpu.memory_space<vmem>>, vector<16xf32>,
        %mul3A_448 = vector.broadcast %squeeze3A_408 : f32 to vector<16xf32>
        %mul3A_449 = arith.mulf %bitcast3A_442, %mul3A_448 : vector<16xf32>
        %swap3A_450 = arith.index_cast %add3A_412 : i32 to index
        %swap3A_451 = arith.constant 48 : index
        %swap3A_452 = tpu.vector_load %arg12[%swap3A_450, %swap3A_451] {strides = array<i32>} : memref<128x64xf32, #tpu.memory_space<vmem>>, vector<16xf32>,
        tpu.vector_store %arg12[%swap3A_450, %swap3A_451], %mul3A_449 {strides = array<i32>} : memref<128x64xf32, #tpu.memory_space<vmem>>, vector<16xf32>,
        %slice3A_453 = vector.extract_strided_slice %get3A_136 {offsets = [7], sizes = [1], strides = [1]} : vector<16xf32> to vector<1xf32>
        %squeeze3A_454 = vector.extract %slice3A_453[0] : f32 from vector<1xf32>
        %mul3A_455 = arith.constant 16 : i32
        %mul3A_456 = arith.muli %scan3A_132, %mul3A_455 : i32
        %add3A_457 = arith.constant 7 : i32
        %add3A_458 = arith.addi %mul3A_456, %add3A_457 : i32
        %get3A_459 = arith.index_cast %add3A_458 : i32 to index
        %get3A_460 = arith.constant 0 : index
        %get3A_461 = tpu.vector_load %arg10[%get3A_459, %get3A_460] {strides = array<i32>} : memref<128x64xbf16, #tpu.memory_space<vmem>>, vector<32xbf16>,
        %bitcast3A_462 = vector.bitcast %get3A_461 : vector<32xbf16> to vector<16xi32>
        %shift_left3A_463 = arith.constant 16 : i32
        %shift_left3A_464 = vector.broadcast %shift_left3A_463 : i32 to vector<16xi32>
        %shift_left3A_465 = arith.shli %bitcast3A_462, %shift_left3A_464 : vector<16xi32>
        %bitcast3A_466 = vector.bitcast %shift_left3A_465 : vector<16xi32> to vector<16xf32>
        %and3A_467 = arith.andi %bitcast3A_462, %broadcast_in_dim3A_33 : vector<16xi32>
        %bitcast3A_468 = vector.bitcast %and3A_467 : vector<16xi32> to vector<16xf32>
        %mul3A_469 = vector.broadcast %squeeze3A_454 : f32 to vector<16xf32>
        %mul3A_470 = arith.mulf %bitcast3A_466, %mul3A_469 : vector<16xf32>
        %swap3A_471 = arith.index_cast %add3A_458 : i32 to index
        %swap3A_472 = arith.constant 0 : index
        %swap3A_473 = tpu.vector_load %arg12[%swap3A_471, %swap3A_472] {strides = array<i32>} : memref<128x64xf32, #tpu.memory_space<vmem>>, vector<16xf32>,
        tpu.vector_store %arg12[%swap3A_471, %swap3A_472], %mul3A_470 {strides = array<i32>} : memref<128x64xf32, #tpu.memory_space<vmem>>, vector<16xf32>,
        %mul3A_474 = vector.broadcast %squeeze3A_454 : f32 to vector<16xf32>
        %mul3A_475 = arith.mulf %bitcast3A_468, %mul3A_474 : vector<16xf32>
        %swap3A_476 = arith.index_cast %add3A_458 : i32 to index
        %swap3A_477 = arith.constant 16 : index
        %swap3A_478 = tpu.vector_load %arg12[%swap3A_476, %swap3A_477] {strides = array<i32>} : memref<128x64xf32, #tpu.memory_space<vmem>>, vector<16xf32>,
        tpu.vector_store %arg12[%swap3A_476, %swap3A_477], %mul3A_475 {strides = array<i32>} : memref<128x64xf32, #tpu.memory_space<vmem>>, vector<16xf32>,
        %get3A_479 = arith.index_cast %add3A_458 : i32 to index
        %get3A_480 = arith.constant 32 : index
        %get3A_481 = tpu.vector_load %arg10[%get3A_479, %get3A_480] {strides = array<i32>} : memref<128x64xbf16, #tpu.memory_space<vmem>>, vector<32xbf16>,
        %bitcast3A_482 = vector.bitcast %get3A_481 : vector<32xbf16> to vector<16xi32>
        %shift_left3A_483 = arith.constant 16 : i32
        %shift_left3A_484 = vector.broadcast %shift_left3A_483 : i32 to vector<16xi32>
        %shift_left3A_485 = arith.shli %bitcast3A_482, %shift_left3A_484 : vector<16xi32>
        %bitcast3A_486 = vector.bitcast %shift_left3A_485 : vector<16xi32> to vector<16xf32>
        %and3A_487 = arith.andi %bitcast3A_482, %broadcast_in_dim3A_33 : vector<16xi32>
        %bitcast3A_488 = vector.bitcast %and3A_487 : vector<16xi32> to vector<16xf32>
        %mul3A_489 = vector.broadcast %squeeze3A_454 : f32 to vector<16xf32>
        %mul3A_490 = arith.mulf %bitcast3A_486, %mul3A_489 : vector<16xf32>
        %swap3A_491 = arith.index_cast %add3A_458 : i32 to index
        %swap3A_492 = arith.constant 32 : index
        %swap3A_493 = tpu.vector_load %arg12[%swap3A_491, %swap3A_492] {strides = array<i32>} : memref<128x64xf32, #tpu.memory_space<vmem>>, vector<16xf32>,
        tpu.vector_store %arg12[%swap3A_491, %swap3A_492], %mul3A_490 {strides = array<i32>} : memref<128x64xf32, #tpu.memory_space<vmem>>, vector<16xf32>,
        %mul3A_494 = vector.broadcast %squeeze3A_454 : f32 to vector<16xf32>
        %mul3A_495 = arith.mulf %bitcast3A_488, %mul3A_494 : vector<16xf32>
        %swap3A_496 = arith.index_cast %add3A_458 : i32 to index
        %swap3A_497 = arith.constant 48 : index
        %swap3A_498 = tpu.vector_load %arg12[%swap3A_496, %swap3A_497] {strides = array<i32>} : memref<128x64xf32, #tpu.memory_space<vmem>>, vector<16xf32>,
        tpu.vector_store %arg12[%swap3A_496, %swap3A_497], %mul3A_495 {strides = array<i32>} : memref<128x64xf32, #tpu.memory_space<vmem>>, vector<16xf32>,
        %slice3A_499 = vector.extract_strided_slice %get3A_136 {offsets = [8], sizes = [1], strides = [1]} : vector<16xf32> to vector<1xf32>
        %squeeze3A_500 = vector.extract %slice3A_499[0] : f32 from vector<1xf32>
        %mul3A_501 = arith.constant 16 : i32
        %mul3A_502 = arith.muli %scan3A_132, %mul3A_501 : i32
        %add3A_503 = arith.constant 8 : i32
        %add3A_504 = arith.addi %mul3A_502, %add3A_503 : i32
        %get3A_505 = arith.index_cast %add3A_504 : i32 to index
        %get3A_506 = arith.constant 0 : index
        %get3A_507 = tpu.vector_load %arg10[%get3A_505, %get3A_506] {strides = array<i32>} : memref<128x64xbf16, #tpu.memory_space<vmem>>, vector<32xbf16>,
        %bitcast3A_508 = vector.bitcast %get3A_507 : vector<32xbf16> to vector<16xi32>
        %shift_left3A_509 = arith.constant 16 : i32
        %shift_left3A_510 = vector.broadcast %shift_left3A_509 : i32 to vector<16xi32>
        %shift_left3A_511 = arith.shli %bitcast3A_508, %shift_left3A_510 : vector<16xi32>
        %bitcast3A_512 = vector.bitcast %shift_left3A_511 : vector<16xi32> to vector<16xf32>
        %and3A_513 = arith.andi %bitcast3A_508, %broadcast_in_dim3A_33 : vector<16xi32>
        %bitcast3A_514 = vector.bitcast %and3A_513 : vector<16xi32> to vector<16xf32>
        %mul3A_515 = vector.broadcast %squeeze3A_500 : f32 to vector<16xf32>
        %mul3A_516 = arith.mulf %bitcast3A_512, %mul3A_515 : vector<16xf32>
        %swap3A_517 = arith.index_cast %add3A_504 : i32 to index
        %swap3A_518 = arith.constant 0 : index
        %swap3A_519 = tpu.vector_load %arg12[%swap3A_517, %swap3A_518] {strides = array<i32>} : memref<128x64xf32, #tpu.memory_space<vmem>>, vector<16xf32>,
        tpu.vector_store %arg12[%swap3A_517, %swap3A_518], %mul3A_516 {strides = array<i32>} : memref<128x64xf32, #tpu.memory_space<vmem>>, vector<16xf32>,
        %mul3A_520 = vector.broadcast %squeeze3A_500 : f32 to vector<16xf32>
        %mul3A_521 = arith.mulf %bitcast3A_514, %mul3A_520 : vector<16xf32>
        %swap3A_522 = arith.index_cast %add3A_504 : i32 to index
        %swap3A_523 = arith.constant 16 : index
        %swap3A_524 = tpu.vector_load %arg12[%swap3A_522, %swap3A_523] {strides = array<i32>} : memref<128x64xf32, #tpu.memory_space<vmem>>, vector<16xf32>,
        tpu.vector_store %arg12[%swap3A_522, %swap3A_523], %mul3A_521 {strides = array<i32>} : memref<128x64xf32, #tpu.memory_space<vmem>>, vector<16xf32>,
        %get3A_525 = arith.index_cast %add3A_504 : i32 to index
        %get3A_526 = arith.constant 32 : index
        %get3A_527 = tpu.vector_load %arg10[%get3A_525, %get3A_526] {strides = array<i32>} : memref<128x64xbf16, #tpu.memory_space<vmem>>, vector<32xbf16>,
        %bitcast3A_528 = vector.bitcast %get3A_527 : vector<32xbf16> to vector<16xi32>
        %shift_left3A_529 = arith.constant 16 : i32
        %shift_left3A_530 = vector.broadcast %shift_left3A_529 : i32 to vector<16xi32>
        %shift_left3A_531 = arith.shli %bitcast3A_528, %shift_left3A_530 : vector<16xi32>
        %bitcast3A_532 = vector.bitcast %shift_left3A_531 : vector<16xi32> to vector<16xf32>
        %and3A_533 = arith.andi %bitcast3A_528, %broadcast_in_dim3A_33 : vector<16xi32>
        %bitcast3A_534 = vector.bitcast %and3A_533 : vector<16xi32> to vector<16xf32>
        %mul3A_535 = vector.broadcast %squeeze3A_500 : f32 to vector<16xf32>
        %mul3A_536 = arith.mulf %bitcast3A_532, %mul3A_535 : vector<16xf32>
        %swap3A_537 = arith.index_cast %add3A_504 : i32 to index
        %swap3A_538 = arith.constant 32 : index
        %swap3A_539 = tpu.vector_load %arg12[%swap3A_537, %swap3A_538] {strides = array<i32>} : memref<128x64xf32, #tpu.memory_space<vmem>>, vector<16xf32>,
        tpu.vector_store %arg12[%swap3A_537, %swap3A_538], %mul3A_536 {strides = array<i32>} : memref<128x64xf32, #tpu.memory_space<vmem>>, vector<16xf32>,
        %mul3A_540 = vector.broadcast %squeeze3A_500 : f32 to vector<16xf32>
        %mul3A_541 = arith.mulf %bitcast3A_534, %mul3A_540 : vector<16xf32>
        %swap3A_542 = arith.index_cast %add3A_504 : i32 to index
        %swap3A_543 = arith.constant 48 : index
        %swap3A_544 = tpu.vector_load %arg12[%swap3A_542, %swap3A_543] {strides = array<i32>} : memref<128x64xf32, #tpu.memory_space<vmem>>, vector<16xf32>,
        tpu.vector_store %arg12[%swap3A_542, %swap3A_543], %mul3A_541 {strides = array<i32>} : memref<128x64xf32, #tpu.memory_space<vmem>>, vector<16xf32>,
        %slice3A_545 = vector.extract_strided_slice %get3A_136 {offsets = [9], sizes = [1], strides = [1]} : vector<16xf32> to vector<1xf32>
        %squeeze3A_546 = vector.extract %slice3A_545[0] : f32 from vector<1xf32>
        %mul3A_547 = arith.constant 16 : i32
        %mul3A_548 = arith.muli %scan3A_132, %mul3A_547 : i32
        %add3A_549 = arith.constant 9 : i32
        %add3A_550 = arith.addi %mul3A_548, %add3A_549 : i32
        %get3A_551 = arith.index_cast %add3A_550 : i32 to index
        %get3A_552 = arith.constant 0 : index
        %get3A_553 = tpu.vector_load %arg10[%get3A_551, %get3A_552] {strides = array<i32>} : memref<128x64xbf16, #tpu.memory_space<vmem>>, vector<32xbf16>,
        %bitcast3A_554 = vector.bitcast %get3A_553 : vector<32xbf16> to vector<16xi32>
        %shift_left3A_555 = arith.constant 16 : i32
        %shift_left3A_556 = vector.broadcast %shift_left3A_555 : i32 to vector<16xi32>
        %shift_left3A_557 = arith.shli %bitcast3A_554, %shift_left3A_556 : vector<16xi32>
        %bitcast3A_558 = vector.bitcast %shift_left3A_557 : vector<16xi32> to vector<16xf32>
        %and3A_559 = arith.andi %bitcast3A_554, %broadcast_in_dim3A_33 : vector<16xi32>
        %bitcast3A_560 = vector.bitcast %and3A_559 : vector<16xi32> to vector<16xf32>
        %mul3A_561 = vector.broadcast %squeeze3A_546 : f32 to vector<16xf32>
        %mul3A_562 = arith.mulf %bitcast3A_558, %mul3A_561 : vector<16xf32>
        %swap3A_563 = arith.index_cast %add3A_550 : i32 to index
        %swap3A_564 = arith.constant 0 : index
        %swap3A_565 = tpu.vector_load %arg12[%swap3A_563, %swap3A_564] {strides = array<i32>} : memref<128x64xf32, #tpu.memory_space<vmem>>, vector<16xf32>,
        tpu.vector_store %arg12[%swap3A_563, %swap3A_564], %mul3A_562 {strides = array<i32>} : memref<128x64xf32, #tpu.memory_space<vmem>>, vector<16xf32>,
        %mul3A_566 = vector.broadcast %squeeze3A_546 : f32 to vector<16xf32>
        %mul3A_567 = arith.mulf %bitcast3A_560, %mul3A_566 : vector<16xf32>
        %swap3A_568 = arith.index_cast %add3A_550 : i32 to index
        %swap3A_569 = arith.constant 16 : index
        %swap3A_570 = tpu.vector_load %arg12[%swap3A_568, %swap3A_569] {strides = array<i32>} : memref<128x64xf32, #tpu.memory_space<vmem>>, vector<16xf32>,
        tpu.vector_store %arg12[%swap3A_568, %swap3A_569], %mul3A_567 {strides = array<i32>} : memref<128x64xf32, #tpu.memory_space<vmem>>, vector<16xf32>,
        %get3A_571 = arith.index_cast %add3A_550 : i32 to index
        %get3A_572 = arith.constant 32 : index
        %get3A_573 = tpu.vector_load %arg10[%get3A_571, %get3A_572] {strides = array<i32>} : memref<128x64xbf16, #tpu.memory_space<vmem>>, vector<32xbf16>,
        %bitcast3A_574 = vector.bitcast %get3A_573 : vector<32xbf16> to vector<16xi32>
        %shift_left3A_575 = arith.constant 16 : i32
        %shift_left3A_576 = vector.broadcast %shift_left3A_575 : i32 to vector<16xi32>
        %shift_left3A_577 = arith.shli %bitcast3A_574, %shift_left3A_576 : vector<16xi32>
        %bitcast3A_578 = vector.bitcast %shift_left3A_577 : vector<16xi32> to vector<16xf32>
        %and3A_579 = arith.andi %bitcast3A_574, %broadcast_in_dim3A_33 : vector<16xi32>
        %bitcast3A_580 = vector.bitcast %and3A_579 : vector<16xi32> to vector<16xf32>
        %mul3A_581 = vector.broadcast %squeeze3A_546 : f32 to vector<16xf32>
        %mul3A_582 = arith.mulf %bitcast3A_578, %mul3A_581 : vector<16xf32>
        %swap3A_583 = arith.index_cast %add3A_550 : i32 to index
        %swap3A_584 = arith.constant 32 : index
        %swap3A_585 = tpu.vector_load %arg12[%swap3A_583, %swap3A_584] {strides = array<i32>} : memref<128x64xf32, #tpu.memory_space<vmem>>, vector<16xf32>,
        tpu.vector_store %arg12[%swap3A_583, %swap3A_584], %mul3A_582 {strides = array<i32>} : memref<128x64xf32, #tpu.memory_space<vmem>>, vector<16xf32>,
        %mul3A_586 = vector.broadcast %squeeze3A_546 : f32 to vector<16xf32>
        %mul3A_587 = arith.mulf %bitcast3A_580, %mul3A_586 : vector<16xf32>
        %swap3A_588 = arith.index_cast %add3A_550 : i32 to index
        %swap3A_589 = arith.constant 48 : index
        %swap3A_590 = tpu.vector_load %arg12[%swap3A_588, %swap3A_589] {strides = array<i32>} : memref<128x64xf32, #tpu.memory_space<vmem>>, vector<16xf32>,
        tpu.vector_store %arg12[%swap3A_588, %swap3A_589], %mul3A_587 {strides = array<i32>} : memref<128x64xf32, #tpu.memory_space<vmem>>, vector<16xf32>,
        %slice3A_591 = vector.extract_strided_slice %get3A_136 {offsets = [10], sizes = [1], strides = [1]} : vector<16xf32> to vector<1xf32>
        %squeeze3A_592 = vector.extract %slice3A_591[0] : f32 from vector<1xf32>
        %mul3A_593 = arith.constant 16 : i32
        %mul3A_594 = arith.muli %scan3A_132, %mul3A_593 : i32
        %add3A_595 = arith.constant 10 : i32
        %add3A_596 = arith.addi %mul3A_594, %add3A_595 : i32
        %get3A_597 = arith.index_cast %add3A_596 : i32 to index
        %get3A_598 = arith.constant 0 : index
        %get3A_599 = tpu.vector_load %arg10[%get3A_597, %get3A_598] {strides = array<i32>} : memref<128x64xbf16, #tpu.memory_space<vmem>>, vector<32xbf16>,
        %bitcast3A_600 = vector.bitcast %get3A_599 : vector<32xbf16> to vector<16xi32>
        %shift_left3A_601 = arith.constant 16 : i32
        %shift_left3A_602 = vector.broadcast %shift_left3A_601 : i32 to vector<16xi32>
        %shift_left3A_603 = arith.shli %bitcast3A_600, %shift_left3A_602 : vector<16xi32>
        %bitcast3A_604 = vector.bitcast %shift_left3A_603 : vector<16xi32> to vector<16xf32>
        %and3A_605 = arith.andi %bitcast3A_600, %broadcast_in_dim3A_33 : vector<16xi32>
        %bitcast3A_606 = vector.bitcast %and3A_605 : vector<16xi32> to vector<16xf32>
        %mul3A_607 = vector.broadcast %squeeze3A_592 : f32 to vector<16xf32>
        %mul3A_608 = arith.mulf %bitcast3A_604, %mul3A_607 : vector<16xf32>
        %swap3A_609 = arith.index_cast %add3A_596 : i32 to index
        %swap3A_610 = arith.constant 0 : index
        %swap3A_611 = tpu.vector_load %arg12[%swap3A_609, %swap3A_610] {strides = array<i32>} : memref<128x64xf32, #tpu.memory_space<vmem>>, vector<16xf32>,
        tpu.vector_store %arg12[%swap3A_609, %swap3A_610], %mul3A_608 {strides = array<i32>} : memref<128x64xf32, #tpu.memory_space<vmem>>, vector<16xf32>,
        %mul3A_612 = vector.broadcast %squeeze3A_592 : f32 to vector<16xf32>
        %mul3A_613 = arith.mulf %bitcast3A_606, %mul3A_612 : vector<16xf32>
        %swap3A_614 = arith.index_cast %add3A_596 : i32 to index
        %swap3A_615 = arith.constant 16 : index
        %swap3A_616 = tpu.vector_load %arg12[%swap3A_614, %swap3A_615] {strides = array<i32>} : memref<128x64xf32, #tpu.memory_space<vmem>>, vector<16xf32>,
        tpu.vector_store %arg12[%swap3A_614, %swap3A_615], %mul3A_613 {strides = array<i32>} : memref<128x64xf32, #tpu.memory_space<vmem>>, vector<16xf32>,
        %get3A_617 = arith.index_cast %add3A_596 : i32 to index
        %get3A_618 = arith.constant 32 : index
        %get3A_619 = tpu.vector_load %arg10[%get3A_617, %get3A_618] {strides = array<i32>} : memref<128x64xbf16, #tpu.memory_space<vmem>>, vector<32xbf16>,
        %bitcast3A_620 = vector.bitcast %get3A_619 : vector<32xbf16> to vector<16xi32>
        %shift_left3A_621 = arith.constant 16 : i32
        %shift_left3A_622 = vector.broadcast %shift_left3A_621 : i32 to vector<16xi32>
        %shift_left3A_623 = arith.shli %bitcast3A_620, %shift_left3A_622 : vector<16xi32>
        %bitcast3A_624 = vector.bitcast %shift_left3A_623 : vector<16xi32> to vector<16xf32>
        %and3A_625 = arith.andi %bitcast3A_620, %broadcast_in_dim3A_33 : vector<16xi32>
        %bitcast3A_626 = vector.bitcast %and3A_625 : vector<16xi32> to vector<16xf32>
        %mul3A_627 = vector.broadcast %squeeze3A_592 : f32 to vector<16xf32>
        %mul3A_628 = arith.mulf %bitcast3A_624, %mul3A_627 : vector<16xf32>
        %swap3A_629 = arith.index_cast %add3A_596 : i32 to index
        %swap3A_630 = arith.constant 32 : index
        %swap3A_631 = tpu.vector_load %arg12[%swap3A_629, %swap3A_630] {strides = array<i32>} : memref<128x64xf32, #tpu.memory_space<vmem>>, vector<16xf32>,
        tpu.vector_store %arg12[%swap3A_629, %swap3A_630], %mul3A_628 {strides = array<i32>} : memref<128x64xf32, #tpu.memory_space<vmem>>, vector<16xf32>,
        %mul3A_632 = vector.broadcast %squeeze3A_592 : f32 to vector<16xf32>
        %mul3A_633 = arith.mulf %bitcast3A_626, %mul3A_632 : vector<16xf32>
        %swap3A_634 = arith.index_cast %add3A_596 : i32 to index
        %swap3A_635 = arith.constant 48 : index
        %swap3A_636 = tpu.vector_load %arg12[%swap3A_634, %swap3A_635] {strides = array<i32>} : memref<128x64xf32, #tpu.memory_space<vmem>>, vector<16xf32>,
        tpu.vector_store %arg12[%swap3A_634, %swap3A_635], %mul3A_633 {strides = array<i32>} : memref<128x64xf32, #tpu.memory_space<vmem>>, vector<16xf32>,
        %slice3A_637 = vector.extract_strided_slice %get3A_136 {offsets = [11], sizes = [1], strides = [1]} : vector<16xf32> to vector<1xf32>
        %squeeze3A_638 = vector.extract %slice3A_637[0] : f32 from vector<1xf32>
        %mul3A_639 = arith.constant 16 : i32
        %mul3A_640 = arith.muli %scan3A_132, %mul3A_639 : i32
        %add3A_641 = arith.constant 11 : i32
        %add3A_642 = arith.addi %mul3A_640, %add3A_641 : i32
        %get3A_643 = arith.index_cast %add3A_642 : i32 to index
        %get3A_644 = arith.constant 0 : index
        %get3A_645 = tpu.vector_load %arg10[%get3A_643, %get3A_644] {strides = array<i32>} : memref<128x64xbf16, #tpu.memory_space<vmem>>, vector<32xbf16>,
        %bitcast3A_646 = vector.bitcast %get3A_645 : vector<32xbf16> to vector<16xi32>
        %shift_left3A_647 = arith.constant 16 : i32
        %shift_left3A_648 = vector.broadcast %shift_left3A_647 : i32 to vector<16xi32>
        %shift_left3A_649 = arith.shli %bitcast3A_646, %shift_left3A_648 : vector<16xi32>
        %bitcast3A_650 = vector.bitcast %shift_left3A_649 : vector<16xi32> to vector<16xf32>
        %and3A_651 = arith.andi %bitcast3A_646, %broadcast_in_dim3A_33 : vector<16xi32>
        %bitcast3A_652 = vector.bitcast %and3A_651 : vector<16xi32> to vector<16xf32>
        %mul3A_653 = vector.broadcast %squeeze3A_638 : f32 to vector<16xf32>
        %mul3A_654 = arith.mulf %bitcast3A_650, %mul3A_653 : vector<16xf32>
        %swap3A_655 = arith.index_cast %add3A_642 : i32 to index
        %swap3A_656 = arith.constant 0 : index
        %swap3A_657 = tpu.vector_load %arg12[%swap3A_655, %swap3A_656] {strides = array<i32>} : memref<128x64xf32, #tpu.memory_space<vmem>>, vector<16xf32>,
        tpu.vector_store %arg12[%swap3A_655, %swap3A_656], %mul3A_654 {strides = array<i32>} : memref<128x64xf32, #tpu.memory_space<vmem>>, vector<16xf32>,
        %mul3A_658 = vector.broadcast %squeeze3A_638 : f32 to vector<16xf32>
        %mul3A_659 = arith.mulf %bitcast3A_652, %mul3A_658 : vector<16xf32>
        %swap3A_660 = arith.index_cast %add3A_642 : i32 to index
        %swap3A_661 = arith.constant 16 : index
        %swap3A_662 = tpu.vector_load %arg12[%swap3A_660, %swap3A_661] {strides = array<i32>} : memref<128x64xf32, #tpu.memory_space<vmem>>, vector<16xf32>,
        tpu.vector_store %arg12[%swap3A_660, %swap3A_661], %mul3A_659 {strides = array<i32>} : memref<128x64xf32, #tpu.memory_space<vmem>>, vector<16xf32>,
        %get3A_663 = arith.index_cast %add3A_642 : i32 to index
        %get3A_664 = arith.constant 32 : index
        %get3A_665 = tpu.vector_load %arg10[%get3A_663, %get3A_664] {strides = array<i32>} : memref<128x64xbf16, #tpu.memory_space<vmem>>, vector<32xbf16>,
        %bitcast3A_666 = vector.bitcast %get3A_665 : vector<32xbf16> to vector<16xi32>
        %shift_left3A_667 = arith.constant 16 : i32
        %shift_left3A_668 = vector.broadcast %shift_left3A_667 : i32 to vector<16xi32>
        %shift_left3A_669 = arith.shli %bitcast3A_666, %shift_left3A_668 : vector<16xi32>
        %bitcast3A_670 = vector.bitcast %shift_left3A_669 : vector<16xi32> to vector<16xf32>
        %and3A_671 = arith.andi %bitcast3A_666, %broadcast_in_dim3A_33 : vector<16xi32>
        %bitcast3A_672 = vector.bitcast %and3A_671 : vector<16xi32> to vector<16xf32>
        %mul3A_673 = vector.broadcast %squeeze3A_638 : f32 to vector<16xf32>
        %mul3A_674 = arith.mulf %bitcast3A_670, %mul3A_673 : vector<16xf32>
        %swap3A_675 = arith.index_cast %add3A_642 : i32 to index
        %swap3A_676 = arith.constant 32 : index
        %swap3A_677 = tpu.vector_load %arg12[%swap3A_675, %swap3A_676] {strides = array<i32>} : memref<128x64xf32, #tpu.memory_space<vmem>>, vector<16xf32>,
        tpu.vector_store %arg12[%swap3A_675, %swap3A_676], %mul3A_674 {strides = array<i32>} : memref<128x64xf32, #tpu.memory_space<vmem>>, vector<16xf32>,
        %mul3A_678 = vector.broadcast %squeeze3A_638 : f32 to vector<16xf32>
        %mul3A_679 = arith.mulf %bitcast3A_672, %mul3A_678 : vector<16xf32>
        %swap3A_680 = arith.index_cast %add3A_642 : i32 to index
        %swap3A_681 = arith.constant 48 : index
        %swap3A_682 = tpu.vector_load %arg12[%swap3A_680, %swap3A_681] {strides = array<i32>} : memref<128x64xf32, #tpu.memory_space<vmem>>, vector<16xf32>,
        tpu.vector_store %arg12[%swap3A_680, %swap3A_681], %mul3A_679 {strides = array<i32>} : memref<128x64xf32, #tpu.memory_space<vmem>>, vector<16xf32>,
        %slice3A_683 = vector.extract_strided_slice %get3A_136 {offsets = [12], sizes = [1], strides = [1]} : vector<16xf32> to vector<1xf32>
        %squeeze3A_684 = vector.extract %slice3A_683[0] : f32 from vector<1xf32>
        %mul3A_685 = arith.constant 16 : i32
        %mul3A_686 = arith.muli %scan3A_132, %mul3A_685 : i32
        %add3A_687 = arith.constant 12 : i32
        %add3A_688 = arith.addi %mul3A_686, %add3A_687 : i32
        %get3A_689 = arith.index_cast %add3A_688 : i32 to index
        %get3A_690 = arith.constant 0 : index
        %get3A_691 = tpu.vector_load %arg10[%get3A_689, %get3A_690] {strides = array<i32>} : memref<128x64xbf16, #tpu.memory_space<vmem>>, vector<32xbf16>,
        %bitcast3A_692 = vector.bitcast %get3A_691 : vector<32xbf16> to vector<16xi32>
        %shift_left3A_693 = arith.constant 16 : i32
        %shift_left3A_694 = vector.broadcast %shift_left3A_693 : i32 to vector<16xi32>
        %shift_left3A_695 = arith.shli %bitcast3A_692, %shift_left3A_694 : vector<16xi32>
        %bitcast3A_696 = vector.bitcast %shift_left3A_695 : vector<16xi32> to vector<16xf32>
        %and3A_697 = arith.andi %bitcast3A_692, %broadcast_in_dim3A_33 : vector<16xi32>
        %bitcast3A_698 = vector.bitcast %and3A_697 : vector<16xi32> to vector<16xf32>
        %mul3A_699 = vector.broadcast %squeeze3A_684 : f32 to vector<16xf32>
        %mul3A_700 = arith.mulf %bitcast3A_696, %mul3A_699 : vector<16xf32>
        %swap3A_701 = arith.index_cast %add3A_688 : i32 to index
        %swap3A_702 = arith.constant 0 : index
        %swap3A_703 = tpu.vector_load %arg12[%swap3A_701, %swap3A_702] {strides = array<i32>} : memref<128x64xf32, #tpu.memory_space<vmem>>, vector<16xf32>,
        tpu.vector_store %arg12[%swap3A_701, %swap3A_702], %mul3A_700 {strides = array<i32>} : memref<128x64xf32, #tpu.memory_space<vmem>>, vector<16xf32>,
        %mul3A_704 = vector.broadcast %squeeze3A_684 : f32 to vector<16xf32>
        %mul3A_705 = arith.mulf %bitcast3A_698, %mul3A_704 : vector<16xf32>
        %swap3A_706 = arith.index_cast %add3A_688 : i32 to index
        %swap3A_707 = arith.constant 16 : index
        %swap3A_708 = tpu.vector_load %arg12[%swap3A_706, %swap3A_707] {strides = array<i32>} : memref<128x64xf32, #tpu.memory_space<vmem>>, vector<16xf32>,
        tpu.vector_store %arg12[%swap3A_706, %swap3A_707], %mul3A_705 {strides = array<i32>} : memref<128x64xf32, #tpu.memory_space<vmem>>, vector<16xf32>,
        %get3A_709 = arith.index_cast %add3A_688 : i32 to index
        %get3A_710 = arith.constant 32 : index
        %get3A_711 = tpu.vector_load %arg10[%get3A_709, %get3A_710] {strides = array<i32>} : memref<128x64xbf16, #tpu.memory_space<vmem>>, vector<32xbf16>,
        %bitcast3A_712 = vector.bitcast %get3A_711 : vector<32xbf16> to vector<16xi32>
        %shift_left3A_713 = arith.constant 16 : i32
        %shift_left3A_714 = vector.broadcast %shift_left3A_713 : i32 to vector<16xi32>
        %shift_left3A_715 = arith.shli %bitcast3A_712, %shift_left3A_714 : vector<16xi32>
        %bitcast3A_716 = vector.bitcast %shift_left3A_715 : vector<16xi32> to vector<16xf32>
        %and3A_717 = arith.andi %bitcast3A_712, %broadcast_in_dim3A_33 : vector<16xi32>
        %bitcast3A_718 = vector.bitcast %and3A_717 : vector<16xi32> to vector<16xf32>
        %mul3A_719 = vector.broadcast %squeeze3A_684 : f32 to vector<16xf32>
        %mul3A_720 = arith.mulf %bitcast3A_716, %mul3A_719 : vector<16xf32>
        %swap3A_721 = arith.index_cast %add3A_688 : i32 to index
        %swap3A_722 = arith.constant 32 : index
        %swap3A_723 = tpu.vector_load %arg12[%swap3A_721, %swap3A_722] {strides = array<i32>} : memref<128x64xf32, #tpu.memory_space<vmem>>, vector<16xf32>,
        tpu.vector_store %arg12[%swap3A_721, %swap3A_722], %mul3A_720 {strides = array<i32>} : memref<128x64xf32, #tpu.memory_space<vmem>>, vector<16xf32>,
        %mul3A_724 = vector.broadcast %squeeze3A_684 : f32 to vector<16xf32>
        %mul3A_725 = arith.mulf %bitcast3A_718, %mul3A_724 : vector<16xf32>
        %swap3A_726 = arith.index_cast %add3A_688 : i32 to index
        %swap3A_727 = arith.constant 48 : index
        %swap3A_728 = tpu.vector_load %arg12[%swap3A_726, %swap3A_727] {strides = array<i32>} : memref<128x64xf32, #tpu.memory_space<vmem>>, vector<16xf32>,
        tpu.vector_store %arg12[%swap3A_726, %swap3A_727], %mul3A_725 {strides = array<i32>} : memref<128x64xf32, #tpu.memory_space<vmem>>, vector<16xf32>,
        %slice3A_729 = vector.extract_strided_slice %get3A_136 {offsets = [13], sizes = [1], strides = [1]} : vector<16xf32> to vector<1xf32>
        %squeeze3A_730 = vector.extract %slice3A_729[0] : f32 from vector<1xf32>
        %mul3A_731 = arith.constant 16 : i32
        %mul3A_732 = arith.muli %scan3A_132, %mul3A_731 : i32
        %add3A_733 = arith.constant 13 : i32
        %add3A_734 = arith.addi %mul3A_732, %add3A_733 : i32
        %get3A_735 = arith.index_cast %add3A_734 : i32 to index
        %get3A_736 = arith.constant 0 : index
        %get3A_737 = tpu.vector_load %arg10[%get3A_735, %get3A_736] {strides = array<i32>} : memref<128x64xbf16, #tpu.memory_space<vmem>>, vector<32xbf16>,
        %bitcast3A_738 = vector.bitcast %get3A_737 : vector<32xbf16> to vector<16xi32>
        %shift_left3A_739 = arith.constant 16 : i32
        %shift_left3A_740 = vector.broadcast %shift_left3A_739 : i32 to vector<16xi32>
        %shift_left3A_741 = arith.shli %bitcast3A_738, %shift_left3A_740 : vector<16xi32>
        %bitcast3A_742 = vector.bitcast %shift_left3A_741 : vector<16xi32> to vector<16xf32>
        %and3A_743 = arith.andi %bitcast3A_738, %broadcast_in_dim3A_33 : vector<16xi32>
        %bitcast3A_744 = vector.bitcast %and3A_743 : vector<16xi32> to vector<16xf32>
        %mul3A_745 = vector.broadcast %squeeze3A_730 : f32 to vector<16xf32>
        %mul3A_746 = arith.mulf %bitcast3A_742, %mul3A_745 : vector<16xf32>
        %swap3A_747 = arith.index_cast %add3A_734 : i32 to index
        %swap3A_748 = arith.constant 0 : index
        %swap3A_749 = tpu.vector_load %arg12[%swap3A_747, %swap3A_748] {strides = array<i32>} : memref<128x64xf32, #tpu.memory_space<vmem>>, vector<16xf32>,
        tpu.vector_store %arg12[%swap3A_747, %swap3A_748], %mul3A_746 {strides = array<i32>} : memref<128x64xf32, #tpu.memory_space<vmem>>, vector<16xf32>,
        %mul3A_750 = vector.broadcast %squeeze3A_730 : f32 to vector<16xf32>
        %mul3A_751 = arith.mulf %bitcast3A_744, %mul3A_750 : vector<16xf32>
        %swap3A_752 = arith.index_cast %add3A_734 : i32 to index
        %swap3A_753 = arith.constant 16 : index
        %swap3A_754 = tpu.vector_load %arg12[%swap3A_752, %swap3A_753] {strides = array<i32>} : memref<128x64xf32, #tpu.memory_space<vmem>>, vector<16xf32>,
        tpu.vector_store %arg12[%swap3A_752, %swap3A_753], %mul3A_751 {strides = array<i32>} : memref<128x64xf32, #tpu.memory_space<vmem>>, vector<16xf32>,
        %get3A_755 = arith.index_cast %add3A_734 : i32 to index
        %get3A_756 = arith.constant 32 : index
        %get3A_757 = tpu.vector_load %arg10[%get3A_755, %get3A_756] {strides = array<i32>} : memref<128x64xbf16, #tpu.memory_space<vmem>>, vector<32xbf16>,
        %bitcast3A_758 = vector.bitcast %get3A_757 : vector<32xbf16> to vector<16xi32>
        %shift_left3A_759 = arith.constant 16 : i32
        %shift_left3A_760 = vector.broadcast %shift_left3A_759 : i32 to vector<16xi32>
        %shift_left3A_761 = arith.shli %bitcast3A_758, %shift_left3A_760 : vector<16xi32>
        %bitcast3A_762 = vector.bitcast %shift_left3A_761 : vector<16xi32> to vector<16xf32>
        %and3A_763 = arith.andi %bitcast3A_758, %broadcast_in_dim3A_33 : vector<16xi32>
        %bitcast3A_764 = vector.bitcast %and3A_763 : vector<16xi32> to vector<16xf32>
        %mul3A_765 = vector.broadcast %squeeze3A_730 : f32 to vector<16xf32>
        %mul3A_766 = arith.mulf %bitcast3A_762, %mul3A_765 : vector<16xf32>
        %swap3A_767 = arith.index_cast %add3A_734 : i32 to index
        %swap3A_768 = arith.constant 32 : index
        %swap3A_769 = tpu.vector_load %arg12[%swap3A_767, %swap3A_768] {strides = array<i32>} : memref<128x64xf32, #tpu.memory_space<vmem>>, vector<16xf32>,
        tpu.vector_store %arg12[%swap3A_767, %swap3A_768], %mul3A_766 {strides = array<i32>} : memref<128x64xf32, #tpu.memory_space<vmem>>, vector<16xf32>,
        %mul3A_770 = vector.broadcast %squeeze3A_730 : f32 to vector<16xf32>
        %mul3A_771 = arith.mulf %bitcast3A_764, %mul3A_770 : vector<16xf32>
        %swap3A_772 = arith.index_cast %add3A_734 : i32 to index
        %swap3A_773 = arith.constant 48 : index
        %swap3A_774 = tpu.vector_load %arg12[%swap3A_772, %swap3A_773] {strides = array<i32>} : memref<128x64xf32, #tpu.memory_space<vmem>>, vector<16xf32>,
        tpu.vector_store %arg12[%swap3A_772, %swap3A_773], %mul3A_771 {strides = array<i32>} : memref<128x64xf32, #tpu.memory_space<vmem>>, vector<16xf32>,
        %slice3A_775 = vector.extract_strided_slice %get3A_136 {offsets = [14], sizes = [1], strides = [1]} : vector<16xf32> to vector<1xf32>
        %squeeze3A_776 = vector.extract %slice3A_775[0] : f32 from vector<1xf32>
        %mul3A_777 = arith.constant 16 : i32
        %mul3A_778 = arith.muli %scan3A_132, %mul3A_777 : i32
        %add3A_779 = arith.constant 14 : i32
        %add3A_780 = arith.addi %mul3A_778, %add3A_779 : i32
        %get3A_781 = arith.index_cast %add3A_780 : i32 to index
        %get3A_782 = arith.constant 0 : index
        %get3A_783 = tpu.vector_load %arg10[%get3A_781, %get3A_782] {strides = array<i32>} : memref<128x64xbf16, #tpu.memory_space<vmem>>, vector<32xbf16>,
        %bitcast3A_784 = vector.bitcast %get3A_783 : vector<32xbf16> to vector<16xi32>
        %shift_left3A_785 = arith.constant 16 : i32
        %shift_left3A_786 = vector.broadcast %shift_left3A_785 : i32 to vector<16xi32>
        %shift_left3A_787 = arith.shli %bitcast3A_784, %shift_left3A_786 : vector<16xi32>
        %bitcast3A_788 = vector.bitcast %shift_left3A_787 : vector<16xi32> to vector<16xf32>
        %and3A_789 = arith.andi %bitcast3A_784, %broadcast_in_dim3A_33 : vector<16xi32>
        %bitcast3A_790 = vector.bitcast %and3A_789 : vector<16xi32> to vector<16xf32>
        %mul3A_791 = vector.broadcast %squeeze3A_776 : f32 to vector<16xf32>
        %mul3A_792 = arith.mulf %bitcast3A_788, %mul3A_791 : vector<16xf32>
        %swap3A_793 = arith.index_cast %add3A_780 : i32 to index
        %swap3A_794 = arith.constant 0 : index
        %swap3A_795 = tpu.vector_load %arg12[%swap3A_793, %swap3A_794] {strides = array<i32>} : memref<128x64xf32, #tpu.memory_space<vmem>>, vector<16xf32>,
        tpu.vector_store %arg12[%swap3A_793, %swap3A_794], %mul3A_792 {strides = array<i32>} : memref<128x64xf32, #tpu.memory_space<vmem>>, vector<16xf32>,
        %mul3A_796 = vector.broadcast %squeeze3A_776 : f32 to vector<16xf32>
        %mul3A_797 = arith.mulf %bitcast3A_790, %mul3A_796 : vector<16xf32>
        %swap3A_798 = arith.index_cast %add3A_780 : i32 to index
        %swap3A_799 = arith.constant 16 : index
        %swap3A_800 = tpu.vector_load %arg12[%swap3A_798, %swap3A_799] {strides = array<i32>} : memref<128x64xf32, #tpu.memory_space<vmem>>, vector<16xf32>,
        tpu.vector_store %arg12[%swap3A_798, %swap3A_799], %mul3A_797 {strides = array<i32>} : memref<128x64xf32, #tpu.memory_space<vmem>>, vector<16xf32>,
        %get3A_801 = arith.index_cast %add3A_780 : i32 to index
        %get3A_802 = arith.constant 32 : index
        %get3A_803 = tpu.vector_load %arg10[%get3A_801, %get3A_802] {strides = array<i32>} : memref<128x64xbf16, #tpu.memory_space<vmem>>, vector<32xbf16>,
        %bitcast3A_804 = vector.bitcast %get3A_803 : vector<32xbf16> to vector<16xi32>
        %shift_left3A_805 = arith.constant 16 : i32
        %shift_left3A_806 = vector.broadcast %shift_left3A_805 : i32 to vector<16xi32>
        %shift_left3A_807 = arith.shli %bitcast3A_804, %shift_left3A_806 : vector<16xi32>
        %bitcast3A_808 = vector.bitcast %shift_left3A_807 : vector<16xi32> to vector<16xf32>
        %and3A_809 = arith.andi %bitcast3A_804, %broadcast_in_dim3A_33 : vector<16xi32>
        %bitcast3A_810 = vector.bitcast %and3A_809 : vector<16xi32> to vector<16xf32>
        %mul3A_811 = vector.broadcast %squeeze3A_776 : f32 to vector<16xf32>
        %mul3A_812 = arith.mulf %bitcast3A_808, %mul3A_811 : vector<16xf32>
        %swap3A_813 = arith.index_cast %add3A_780 : i32 to index
        %swap3A_814 = arith.constant 32 : index
        %swap3A_815 = tpu.vector_load %arg12[%swap3A_813, %swap3A_814] {strides = array<i32>} : memref<128x64xf32, #tpu.memory_space<vmem>>, vector<16xf32>,
        tpu.vector_store %arg12[%swap3A_813, %swap3A_814], %mul3A_812 {strides = array<i32>} : memref<128x64xf32, #tpu.memory_space<vmem>>, vector<16xf32>,
        %mul3A_816 = vector.broadcast %squeeze3A_776 : f32 to vector<16xf32>
        %mul3A_817 = arith.mulf %bitcast3A_810, %mul3A_816 : vector<16xf32>
        %swap3A_818 = arith.index_cast %add3A_780 : i32 to index
        %swap3A_819 = arith.constant 48 : index
        %swap3A_820 = tpu.vector_load %arg12[%swap3A_818, %swap3A_819] {strides = array<i32>} : memref<128x64xf32, #tpu.memory_space<vmem>>, vector<16xf32>,
        tpu.vector_store %arg12[%swap3A_818, %swap3A_819], %mul3A_817 {strides = array<i32>} : memref<128x64xf32, #tpu.memory_space<vmem>>, vector<16xf32>,
        %slice3A_821 = vector.extract_strided_slice %get3A_136 {offsets = [15], sizes = [1], strides = [1]} : vector<16xf32> to vector<1xf32>
        %squeeze3A_822 = vector.extract %slice3A_821[0] : f32 from vector<1xf32>
        %mul3A_823 = arith.constant 16 : i32
        %mul3A_824 = arith.muli %scan3A_132, %mul3A_823 : i32
        %add3A_825 = arith.constant 15 : i32
        %add3A_826 = arith.addi %mul3A_824, %add3A_825 : i32
        %get3A_827 = arith.index_cast %add3A_826 : i32 to index
        %get3A_828 = arith.constant 0 : index
        %get3A_829 = tpu.vector_load %arg10[%get3A_827, %get3A_828] {strides = array<i32>} : memref<128x64xbf16, #tpu.memory_space<vmem>>, vector<32xbf16>,
        %bitcast3A_830 = vector.bitcast %get3A_829 : vector<32xbf16> to vector<16xi32>
        %shift_left3A_831 = arith.constant 16 : i32
        %shift_left3A_832 = vector.broadcast %shift_left3A_831 : i32 to vector<16xi32>
        %shift_left3A_833 = arith.shli %bitcast3A_830, %shift_left3A_832 : vector<16xi32>
        %bitcast3A_834 = vector.bitcast %shift_left3A_833 : vector<16xi32> to vector<16xf32>
        %and3A_835 = arith.andi %bitcast3A_830, %broadcast_in_dim3A_33 : vector<16xi32>
        %bitcast3A_836 = vector.bitcast %and3A_835 : vector<16xi32> to vector<16xf32>
        %mul3A_837 = vector.broadcast %squeeze3A_822 : f32 to vector<16xf32>
        %mul3A_838 = arith.mulf %bitcast3A_834, %mul3A_837 : vector<16xf32>
        %swap3A_839 = arith.index_cast %add3A_826 : i32 to index
        %swap3A_840 = arith.constant 0 : index
        %swap3A_841 = tpu.vector_load %arg12[%swap3A_839, %swap3A_840] {strides = array<i32>} : memref<128x64xf32, #tpu.memory_space<vmem>>, vector<16xf32>,
        tpu.vector_store %arg12[%swap3A_839, %swap3A_840], %mul3A_838 {strides = array<i32>} : memref<128x64xf32, #tpu.memory_space<vmem>>, vector<16xf32>,
        %mul3A_842 = vector.broadcast %squeeze3A_822 : f32 to vector<16xf32>
        %mul3A_843 = arith.mulf %bitcast3A_836, %mul3A_842 : vector<16xf32>
        %swap3A_844 = arith.index_cast %add3A_826 : i32 to index
        %swap3A_845 = arith.constant 16 : index
        %swap3A_846 = tpu.vector_load %arg12[%swap3A_844, %swap3A_845] {strides = array<i32>} : memref<128x64xf32, #tpu.memory_space<vmem>>, vector<16xf32>,
        tpu.vector_store %arg12[%swap3A_844, %swap3A_845], %mul3A_843 {strides = array<i32>} : memref<128x64xf32, #tpu.memory_space<vmem>>, vector<16xf32>,
        %get3A_847 = arith.index_cast %add3A_826 : i32 to index
        %get3A_848 = arith.constant 32 : index
        %get3A_849 = tpu.vector_load %arg10[%get3A_847, %get3A_848] {strides = array<i32>} : memref<128x64xbf16, #tpu.memory_space<vmem>>, vector<32xbf16>,
        %bitcast3A_850 = vector.bitcast %get3A_849 : vector<32xbf16> to vector<16xi32>
        %shift_left3A_851 = arith.constant 16 : i32
        %shift_left3A_852 = vector.broadcast %shift_left3A_851 : i32 to vector<16xi32>
        %shift_left3A_853 = arith.shli %bitcast3A_850, %shift_left3A_852 : vector<16xi32>
        %bitcast3A_854 = vector.bitcast %shift_left3A_853 : vector<16xi32> to vector<16xf32>
        %and3A_855 = arith.andi %bitcast3A_850, %broadcast_in_dim3A_33 : vector<16xi32>
        %bitcast3A_856 = vector.bitcast %and3A_855 : vector<16xi32> to vector<16xf32>
        %mul3A_857 = vector.broadcast %squeeze3A_822 : f32 to vector<16xf32>
        %mul3A_858 = arith.mulf %bitcast3A_854, %mul3A_857 : vector<16xf32>
        %swap3A_859 = arith.index_cast %add3A_826 : i32 to index
        %swap3A_860 = arith.constant 32 : index
        %swap3A_861 = tpu.vector_load %arg12[%swap3A_859, %swap3A_860] {strides = array<i32>} : memref<128x64xf32, #tpu.memory_space<vmem>>, vector<16xf32>,
        tpu.vector_store %arg12[%swap3A_859, %swap3A_860], %mul3A_858 {strides = array<i32>} : memref<128x64xf32, #tpu.memory_space<vmem>>, vector<16xf32>,
        %mul3A_862 = vector.broadcast %squeeze3A_822 : f32 to vector<16xf32>
        %mul3A_863 = arith.mulf %bitcast3A_856, %mul3A_862 : vector<16xf32>
        %swap3A_864 = arith.index_cast %add3A_826 : i32 to index
        %swap3A_865 = arith.constant 48 : index
        %swap3A_866 = tpu.vector_load %arg12[%swap3A_864, %swap3A_865] {strides = array<i32>} : memref<128x64xf32, #tpu.memory_space<vmem>>, vector<16xf32>,
        tpu.vector_store %arg12[%swap3A_864, %swap3A_865], %mul3A_863 {strides = array<i32>} : memref<128x64xf32, #tpu.memory_space<vmem>>, vector<16xf32>,
      }
      %scan3A_89 = arith.constant 8 : i32
      %lt3A = arith.constant 78 : i32
      %lt3A_90 = arith.cmpi slt, %scan3A_71, %lt3A : i32
      %convert_element_type3A_91 = arith.extui %lt3A_90 : i1 to i32
      %cond3A_92 = arith.constant 0 : i32
      %cond3A_93 = arith.cmpi ne, %convert_element_type3A_91, %cond3A_92 : i32
      scf.if %cond3A_93 {
        %add3A_132 = arith.constant 2 : i32
        %add3A_133 = arith.addi %add3A_75, %add3A_132 : i32
        %dma_start3A_134 = arith.constant 0 : i32
        %dma_start3A_135 = tpu.memref_slice %arg7[%add3A_133, %dma_start3A_134] : memref<158x128xi32, #tpu.memory_space<vmem>> -> memref<1x128xi32, #tpu.memory_space<vmem>>
        %dma_start3A_136 = tpu.memref_squeeze %dma_start3A_135 : memref<1x128xi32, #tpu.memory_space<vmem>> -> memref<128xi32, #tpu.memory_space<vmem>>
        %dma_start3A_137 = arith.constant 0 : i32
        %dma_start3A_138 = arith.constant 0 : i32
        %dma_start3A_139 = tpu.memref_slice %arg2[%dma_start3A_137, %dma_start3A_138] : memref<20000x64xbf16, #tpu.memory_space<hbm>> -> memref<20000x64xbf16, #tpu.memory_space<hbm>>
        tpu.enqueue_indirect_dma source(%dma_start3A_139 : memref<20000x64xbf16, #tpu.memory_space<hbm>>) target(%arg10 : memref<128x64xbf16, #tpu.memory_space<vmem>>) offsets(%dma_start3A_136 : memref<128xi32, #tpu.memory_space<vmem>>) semaphore(%arg15 : memref<!tpu.dma_semaphore, #tpu.memory_space<semaphore_mem>>)
      } else {
      }
      %dma_start3A_94 = arith.constant 0 : i32
      %dma_start3A_95 = tpu.memref_slice %arg8[%add3A_75, %dma_start3A_94] : memref<158x128xi32, #tpu.memory_space<vmem>> -> memref<1x128xi32, #tpu.memory_space<vmem>>
      %dma_start3A_96 = tpu.memref_squeeze %dma_start3A_95 : memref<1x128xi32, #tpu.memory_space<vmem>> -> memref<128xi32, #tpu.memory_space<vmem>>
      %dma_start3A_97 = arith.constant 0 : i32
      %dma_start3A_98 = arith.constant 0 : i32
      %dma_start3A_99 = tpu.memref_slice %arg14[%dma_start3A_97, %dma_start3A_98] : memref<10240x64xf32, #tpu.memory_space<vmem_shared>> -> memref<10240x64xf32, #tpu.memory_space<vmem_shared>>
      tpu.enqueue_indirect_dma source(%arg12 : memref<128x64xf32, #tpu.memory_space<vmem>>) target(%dma_start3A_99 : memref<10240x64xf32, #tpu.memory_space<vmem_shared>>) offsets(%dma_start3A_96 : memref<128xi32, #tpu.memory_space<vmem>>) semaphore(%arg17 : memref<!tpu.dma_semaphore, #tpu.memory_space<semaphore_mem>>) {add = true}
      %mul3A_100 = arith.constant 2 : i32
      %mul3A_101 = arith.muli %mul3A_100, %scan3A_71 : i32
      %add3A_102 = arith.constant 1 : i32
      %add3A_103 = arith.addi %mul3A_101, %add3A_102 : i32
      %dma_wait3A_104 = arith.constant 0 : i32
      %dma_wait3A_105 = tpu.memref_slice %arg7[%add3A_103, %dma_wait3A_104] : memref<158x128xi32, #tpu.memory_space<vmem>> -> memref<1x128xi32, #tpu.memory_space<vmem>>
      %dma_wait3A_106 = tpu.memref_squeeze %dma_wait3A_105 : memref<1x128xi32, #tpu.memory_space<vmem>> -> memref<128xi32, #tpu.memory_space<vmem>>
      %dma_wait3A_107 = arith.constant 0 : i32
      %dma_wait3A_108 = arith.constant 0 : i32
      %dma_wait3A_109 = tpu.memref_slice %arg2[%dma_wait3A_107, %dma_wait3A_108] : memref<20000x64xbf16, #tpu.memory_space<hbm>> -> memref<20000x64xbf16, #tpu.memory_space<hbm>>
      tpu.wait_indirect_dma semaphore(%arg16 : memref<!tpu.dma_semaphore, #tpu.memory_space<semaphore_mem>>) src(%dma_wait3A_109 : memref<20000x64xbf16, #tpu.memory_space<hbm>>) dst(%arg11 : memref<128x64xbf16, #tpu.memory_space<vmem>>)
      %ge3A_110 = arith.constant 1 : i32
      %ge3A_111 = arith.cmpi sge, %scan3A_71, %ge3A_110 : i32
      %convert_element_type3A_112 = arith.extui %ge3A_111 : i1 to i32
      %cond3A_113 = arith.constant 0 : i32
      %cond3A_114 = arith.cmpi ne, %convert_element_type3A_112, %cond3A_113 : i32
      scf.if %cond3A_114 {
        %sub3A = arith.constant 2 : i32
        %sub3A_132 = arith.subi %add3A_103, %sub3A : i32
        %dma_wait3A_133 = arith.constant 0 : i32
        %dma_wait3A_134 = tpu.memref_slice %arg8[%sub3A_132, %dma_wait3A_133] : memref<158x128xi32, #tpu.memory_space<vmem>> -> memref<1x128xi32, #tpu.memory_space<vmem>>
        %dma_wait3A_135 = tpu.memref_squeeze %dma_wait3A_134 : memref<1x128xi32, #tpu.memory_space<vmem>> -> memref<128xi32, #tpu.memory_space<vmem>>
        %dma_wait3A_136 = arith.constant 0 : i32
        %dma_wait3A_137 = arith.constant 0 : i32
        %dma_wait3A_138 = tpu.memref_slice %arg14[%dma_wait3A_136, %dma_wait3A_137] : memref<10240x64xf32, #tpu.memory_space<vmem_shared>> -> memref<10240x64xf32, #tpu.memory_space<vmem_shared>>
        tpu.wait_indirect_dma semaphore(%arg18 : memref<!tpu.dma_semaphore, #tpu.memory_space<semaphore_mem>>) src(%arg13 : memref<128x64xf32, #tpu.memory_space<vmem>>) dst(%dma_wait3A_138 : memref<10240x64xf32, #tpu.memory_space<vmem_shared>>)
      } else {
      }
      %scan3A_115 = arith.constant 0 : i32
      %scan3A_116 = arith.constant 0 : i32
      %scan3A_117 = arith.constant 8 : i32
      %scan3A_118 = arith.addi %scan3A_116, %scan3A_117 : i32
      %scan3A_119 = arith.constant 1 : i32
      scf.for %scan3A_132 = %scan3A_116 to %scan3A_118 step %scan3A_119  : i32 {
        %mul3A_133 = arith.constant 16 : i32
        %mul3A_134 = arith.muli %scan3A_132, %mul3A_133 : i32
        %get3A = arith.index_cast %add3A_103 : i32 to index
        %get3A_135 = arith.index_cast %mul3A_134 : i32 to index
        %get3A_136 = tpu.vector_load %arg9[%get3A, %get3A_135] {strides = array<i32>} : memref<158x128xf32, #tpu.memory_space<vmem>>, vector<16xf32>,
        %slice3A = vector.extract_strided_slice %get3A_136 {offsets = [0], sizes = [1], strides = [1]} : vector<16xf32> to vector<1xf32>
        %squeeze3A = vector.extract %slice3A[0] : f32 from vector<1xf32>
        %mul3A_137 = arith.constant 16 : i32
        %mul3A_138 = arith.muli %scan3A_132, %mul3A_137 : i32
        %add3A_139 = arith.constant 0 : i32
        %add3A_140 = arith.addi %mul3A_138, %add3A_139 : i32
        %get3A_141 = arith.index_cast %add3A_140 : i32 to index
        %get3A_142 = arith.constant 0 : index
        %get3A_143 = tpu.vector_load %arg11[%get3A_141, %get3A_142] {strides = array<i32>} : memref<128x64xbf16, #tpu.memory_space<vmem>>, vector<32xbf16>,
        %bitcast3A = vector.bitcast %get3A_143 : vector<32xbf16> to vector<16xi32>
        %shift_left3A = arith.constant 16 : i32
        %shift_left3A_144 = vector.broadcast %shift_left3A : i32 to vector<16xi32>
        %shift_left3A_145 = arith.shli %bitcast3A, %shift_left3A_144 : vector<16xi32>
        %bitcast3A_146 = vector.bitcast %shift_left3A_145 : vector<16xi32> to vector<16xf32>
        %and3A = arith.andi %bitcast3A, %broadcast_in_dim3A_33 : vector<16xi32>
        %bitcast3A_147 = vector.bitcast %and3A : vector<16xi32> to vector<16xf32>
        %mul3A_148 = vector.broadcast %squeeze3A : f32 to vector<16xf32>
        %mul3A_149 = arith.mulf %bitcast3A_146, %mul3A_148 : vector<16xf32>
        %swap3A = arith.index_cast %add3A_140 : i32 to index
        %swap3A_150 = arith.constant 0 : index
        %swap3A_151 = tpu.vector_load %arg13[%swap3A, %swap3A_150] {strides = array<i32>} : memref<128x64xf32, #tpu.memory_space<vmem>>, vector<16xf32>,
        tpu.vector_store %arg13[%swap3A, %swap3A_150], %mul3A_149 {strides = array<i32>} : memref<128x64xf32, #tpu.memory_space<vmem>>, vector<16xf32>,
        %mul3A_152 = vector.broadcast %squeeze3A : f32 to vector<16xf32>
        %mul3A_153 = arith.mulf %bitcast3A_147, %mul3A_152 : vector<16xf32>
        %swap3A_154 = arith.index_cast %add3A_140 : i32 to index
        %swap3A_155 = arith.constant 16 : index
        %swap3A_156 = tpu.vector_load %arg13[%swap3A_154, %swap3A_155] {strides = array<i32>} : memref<128x64xf32, #tpu.memory_space<vmem>>, vector<16xf32>,
        tpu.vector_store %arg13[%swap3A_154, %swap3A_155], %mul3A_153 {strides = array<i32>} : memref<128x64xf32, #tpu.memory_space<vmem>>, vector<16xf32>,
        %get3A_157 = arith.index_cast %add3A_140 : i32 to index
        %get3A_158 = arith.constant 32 : index
        %get3A_159 = tpu.vector_load %arg11[%get3A_157, %get3A_158] {strides = array<i32>} : memref<128x64xbf16, #tpu.memory_space<vmem>>, vector<32xbf16>,
        %bitcast3A_160 = vector.bitcast %get3A_159 : vector<32xbf16> to vector<16xi32>
        %shift_left3A_161 = arith.constant 16 : i32
        %shift_left3A_162 = vector.broadcast %shift_left3A_161 : i32 to vector<16xi32>
        %shift_left3A_163 = arith.shli %bitcast3A_160, %shift_left3A_162 : vector<16xi32>
        %bitcast3A_164 = vector.bitcast %shift_left3A_163 : vector<16xi32> to vector<16xf32>
        %and3A_165 = arith.andi %bitcast3A_160, %broadcast_in_dim3A_33 : vector<16xi32>
        %bitcast3A_166 = vector.bitcast %and3A_165 : vector<16xi32> to vector<16xf32>
        %mul3A_167 = vector.broadcast %squeeze3A : f32 to vector<16xf32>
        %mul3A_168 = arith.mulf %bitcast3A_164, %mul3A_167 : vector<16xf32>
        %swap3A_169 = arith.index_cast %add3A_140 : i32 to index
        %swap3A_170 = arith.constant 32 : index
        %swap3A_171 = tpu.vector_load %arg13[%swap3A_169, %swap3A_170] {strides = array<i32>} : memref<128x64xf32, #tpu.memory_space<vmem>>, vector<16xf32>,
        tpu.vector_store %arg13[%swap3A_169, %swap3A_170], %mul3A_168 {strides = array<i32>} : memref<128x64xf32, #tpu.memory_space<vmem>>, vector<16xf32>,
        %mul3A_172 = vector.broadcast %squeeze3A : f32 to vector<16xf32>
        %mul3A_173 = arith.mulf %bitcast3A_166, %mul3A_172 : vector<16xf32>
        %swap3A_174 = arith.index_cast %add3A_140 : i32 to index
        %swap3A_175 = arith.constant 48 : index
        %swap3A_176 = tpu.vector_load %arg13[%swap3A_174, %swap3A_175] {strides = array<i32>} : memref<128x64xf32, #tpu.memory_space<vmem>>, vector<16xf32>,
        tpu.vector_store %arg13[%swap3A_174, %swap3A_175], %mul3A_173 {strides = array<i32>} : memref<128x64xf32, #tpu.memory_space<vmem>>, vector<16xf32>,
        %slice3A_177 = vector.extract_strided_slice %get3A_136 {offsets = [1], sizes = [1], strides = [1]} : vector<16xf32> to vector<1xf32>
        %squeeze3A_178 = vector.extract %slice3A_177[0] : f32 from vector<1xf32>
        %mul3A_179 = arith.constant 16 : i32
        %mul3A_180 = arith.muli %scan3A_132, %mul3A_179 : i32
        %add3A_181 = arith.constant 1 : i32
        %add3A_182 = arith.addi %mul3A_180, %add3A_181 : i32
        %get3A_183 = arith.index_cast %add3A_182 : i32 to index
        %get3A_184 = arith.constant 0 : index
        %get3A_185 = tpu.vector_load %arg11[%get3A_183, %get3A_184] {strides = array<i32>} : memref<128x64xbf16, #tpu.memory_space<vmem>>, vector<32xbf16>,
        %bitcast3A_186 = vector.bitcast %get3A_185 : vector<32xbf16> to vector<16xi32>
        %shift_left3A_187 = arith.constant 16 : i32
        %shift_left3A_188 = vector.broadcast %shift_left3A_187 : i32 to vector<16xi32>
        %shift_left3A_189 = arith.shli %bitcast3A_186, %shift_left3A_188 : vector<16xi32>
        %bitcast3A_190 = vector.bitcast %shift_left3A_189 : vector<16xi32> to vector<16xf32>
        %and3A_191 = arith.andi %bitcast3A_186, %broadcast_in_dim3A_33 : vector<16xi32>
        %bitcast3A_192 = vector.bitcast %and3A_191 : vector<16xi32> to vector<16xf32>
        %mul3A_193 = vector.broadcast %squeeze3A_178 : f32 to vector<16xf32>
        %mul3A_194 = arith.mulf %bitcast3A_190, %mul3A_193 : vector<16xf32>
        %swap3A_195 = arith.index_cast %add3A_182 : i32 to index
        %swap3A_196 = arith.constant 0 : index
        %swap3A_197 = tpu.vector_load %arg13[%swap3A_195, %swap3A_196] {strides = array<i32>} : memref<128x64xf32, #tpu.memory_space<vmem>>, vector<16xf32>,
        tpu.vector_store %arg13[%swap3A_195, %swap3A_196], %mul3A_194 {strides = array<i32>} : memref<128x64xf32, #tpu.memory_space<vmem>>, vector<16xf32>,
        %mul3A_198 = vector.broadcast %squeeze3A_178 : f32 to vector<16xf32>
        %mul3A_199 = arith.mulf %bitcast3A_192, %mul3A_198 : vector<16xf32>
        %swap3A_200 = arith.index_cast %add3A_182 : i32 to index
        %swap3A_201 = arith.constant 16 : index
        %swap3A_202 = tpu.vector_load %arg13[%swap3A_200, %swap3A_201] {strides = array<i32>} : memref<128x64xf32, #tpu.memory_space<vmem>>, vector<16xf32>,
        tpu.vector_store %arg13[%swap3A_200, %swap3A_201], %mul3A_199 {strides = array<i32>} : memref<128x64xf32, #tpu.memory_space<vmem>>, vector<16xf32>,
        %get3A_203 = arith.index_cast %add3A_182 : i32 to index
        %get3A_204 = arith.constant 32 : index
        %get3A_205 = tpu.vector_load %arg11[%get3A_203, %get3A_204] {strides = array<i32>} : memref<128x64xbf16, #tpu.memory_space<vmem>>, vector<32xbf16>,
        %bitcast3A_206 = vector.bitcast %get3A_205 : vector<32xbf16> to vector<16xi32>
        %shift_left3A_207 = arith.constant 16 : i32
        %shift_left3A_208 = vector.broadcast %shift_left3A_207 : i32 to vector<16xi32>
        %shift_left3A_209 = arith.shli %bitcast3A_206, %shift_left3A_208 : vector<16xi32>
        %bitcast3A_210 = vector.bitcast %shift_left3A_209 : vector<16xi32> to vector<16xf32>
        %and3A_211 = arith.andi %bitcast3A_206, %broadcast_in_dim3A_33 : vector<16xi32>
        %bitcast3A_212 = vector.bitcast %and3A_211 : vector<16xi32> to vector<16xf32>
        %mul3A_213 = vector.broadcast %squeeze3A_178 : f32 to vector<16xf32>
        %mul3A_214 = arith.mulf %bitcast3A_210, %mul3A_213 : vector<16xf32>
        %swap3A_215 = arith.index_cast %add3A_182 : i32 to index
        %swap3A_216 = arith.constant 32 : index
        %swap3A_217 = tpu.vector_load %arg13[%swap3A_215, %swap3A_216] {strides = array<i32>} : memref<128x64xf32, #tpu.memory_space<vmem>>, vector<16xf32>,
        tpu.vector_store %arg13[%swap3A_215, %swap3A_216], %mul3A_214 {strides = array<i32>} : memref<128x64xf32, #tpu.memory_space<vmem>>, vector<16xf32>,
        %mul3A_218 = vector.broadcast %squeeze3A_178 : f32 to vector<16xf32>
        %mul3A_219 = arith.mulf %bitcast3A_212, %mul3A_218 : vector<16xf32>
        %swap3A_220 = arith.index_cast %add3A_182 : i32 to index
        %swap3A_221 = arith.constant 48 : index
        %swap3A_222 = tpu.vector_load %arg13[%swap3A_220, %swap3A_221] {strides = array<i32>} : memref<128x64xf32, #tpu.memory_space<vmem>>, vector<16xf32>,
        tpu.vector_store %arg13[%swap3A_220, %swap3A_221], %mul3A_219 {strides = array<i32>} : memref<128x64xf32, #tpu.memory_space<vmem>>, vector<16xf32>,
        %slice3A_223 = vector.extract_strided_slice %get3A_136 {offsets = [2], sizes = [1], strides = [1]} : vector<16xf32> to vector<1xf32>
        %squeeze3A_224 = vector.extract %slice3A_223[0] : f32 from vector<1xf32>
        %mul3A_225 = arith.constant 16 : i32
        %mul3A_226 = arith.muli %scan3A_132, %mul3A_225 : i32
        %add3A_227 = arith.constant 2 : i32
        %add3A_228 = arith.addi %mul3A_226, %add3A_227 : i32
        %get3A_229 = arith.index_cast %add3A_228 : i32 to index
        %get3A_230 = arith.constant 0 : index
        %get3A_231 = tpu.vector_load %arg11[%get3A_229, %get3A_230] {strides = array<i32>} : memref<128x64xbf16, #tpu.memory_space<vmem>>, vector<32xbf16>,
        %bitcast3A_232 = vector.bitcast %get3A_231 : vector<32xbf16> to vector<16xi32>
        %shift_left3A_233 = arith.constant 16 : i32
        %shift_left3A_234 = vector.broadcast %shift_left3A_233 : i32 to vector<16xi32>
        %shift_left3A_235 = arith.shli %bitcast3A_232, %shift_left3A_234 : vector<16xi32>
        %bitcast3A_236 = vector.bitcast %shift_left3A_235 : vector<16xi32> to vector<16xf32>
        %and3A_237 = arith.andi %bitcast3A_232, %broadcast_in_dim3A_33 : vector<16xi32>
        %bitcast3A_238 = vector.bitcast %and3A_237 : vector<16xi32> to vector<16xf32>
        %mul3A_239 = vector.broadcast %squeeze3A_224 : f32 to vector<16xf32>
        %mul3A_240 = arith.mulf %bitcast3A_236, %mul3A_239 : vector<16xf32>
        %swap3A_241 = arith.index_cast %add3A_228 : i32 to index
        %swap3A_242 = arith.constant 0 : index
        %swap3A_243 = tpu.vector_load %arg13[%swap3A_241, %swap3A_242] {strides = array<i32>} : memref<128x64xf32, #tpu.memory_space<vmem>>, vector<16xf32>,
        tpu.vector_store %arg13[%swap3A_241, %swap3A_242], %mul3A_240 {strides = array<i32>} : memref<128x64xf32, #tpu.memory_space<vmem>>, vector<16xf32>,
        %mul3A_244 = vector.broadcast %squeeze3A_224 : f32 to vector<16xf32>
        %mul3A_245 = arith.mulf %bitcast3A_238, %mul3A_244 : vector<16xf32>
        %swap3A_246 = arith.index_cast %add3A_228 : i32 to index
        %swap3A_247 = arith.constant 16 : index
        %swap3A_248 = tpu.vector_load %arg13[%swap3A_246, %swap3A_247] {strides = array<i32>} : memref<128x64xf32, #tpu.memory_space<vmem>>, vector<16xf32>,
        tpu.vector_store %arg13[%swap3A_246, %swap3A_247], %mul3A_245 {strides = array<i32>} : memref<128x64xf32, #tpu.memory_space<vmem>>, vector<16xf32>,
        %get3A_249 = arith.index_cast %add3A_228 : i32 to index
        %get3A_250 = arith.constant 32 : index
        %get3A_251 = tpu.vector_load %arg11[%get3A_249, %get3A_250] {strides = array<i32>} : memref<128x64xbf16, #tpu.memory_space<vmem>>, vector<32xbf16>,
        %bitcast3A_252 = vector.bitcast %get3A_251 : vector<32xbf16> to vector<16xi32>
        %shift_left3A_253 = arith.constant 16 : i32
        %shift_left3A_254 = vector.broadcast %shift_left3A_253 : i32 to vector<16xi32>
        %shift_left3A_255 = arith.shli %bitcast3A_252, %shift_left3A_254 : vector<16xi32>
        %bitcast3A_256 = vector.bitcast %shift_left3A_255 : vector<16xi32> to vector<16xf32>
        %and3A_257 = arith.andi %bitcast3A_252, %broadcast_in_dim3A_33 : vector<16xi32>
        %bitcast3A_258 = vector.bitcast %and3A_257 : vector<16xi32> to vector<16xf32>
        %mul3A_259 = vector.broadcast %squeeze3A_224 : f32 to vector<16xf32>
        %mul3A_260 = arith.mulf %bitcast3A_256, %mul3A_259 : vector<16xf32>
        %swap3A_261 = arith.index_cast %add3A_228 : i32 to index
        %swap3A_262 = arith.constant 32 : index
        %swap3A_263 = tpu.vector_load %arg13[%swap3A_261, %swap3A_262] {strides = array<i32>} : memref<128x64xf32, #tpu.memory_space<vmem>>, vector<16xf32>,
        tpu.vector_store %arg13[%swap3A_261, %swap3A_262], %mul3A_260 {strides = array<i32>} : memref<128x64xf32, #tpu.memory_space<vmem>>, vector<16xf32>,
        %mul3A_264 = vector.broadcast %squeeze3A_224 : f32 to vector<16xf32>
        %mul3A_265 = arith.mulf %bitcast3A_258, %mul3A_264 : vector<16xf32>
        %swap3A_266 = arith.index_cast %add3A_228 : i32 to index
        %swap3A_267 = arith.constant 48 : index
        %swap3A_268 = tpu.vector_load %arg13[%swap3A_266, %swap3A_267] {strides = array<i32>} : memref<128x64xf32, #tpu.memory_space<vmem>>, vector<16xf32>,
        tpu.vector_store %arg13[%swap3A_266, %swap3A_267], %mul3A_265 {strides = array<i32>} : memref<128x64xf32, #tpu.memory_space<vmem>>, vector<16xf32>,
        %slice3A_269 = vector.extract_strided_slice %get3A_136 {offsets = [3], sizes = [1], strides = [1]} : vector<16xf32> to vector<1xf32>
        %squeeze3A_270 = vector.extract %slice3A_269[0] : f32 from vector<1xf32>
        %mul3A_271 = arith.constant 16 : i32
        %mul3A_272 = arith.muli %scan3A_132, %mul3A_271 : i32
        %add3A_273 = arith.constant 3 : i32
        %add3A_274 = arith.addi %mul3A_272, %add3A_273 : i32
        %get3A_275 = arith.index_cast %add3A_274 : i32 to index
        %get3A_276 = arith.constant 0 : index
        %get3A_277 = tpu.vector_load %arg11[%get3A_275, %get3A_276] {strides = array<i32>} : memref<128x64xbf16, #tpu.memory_space<vmem>>, vector<32xbf16>,
        %bitcast3A_278 = vector.bitcast %get3A_277 : vector<32xbf16> to vector<16xi32>
        %shift_left3A_279 = arith.constant 16 : i32
        %shift_left3A_280 = vector.broadcast %shift_left3A_279 : i32 to vector<16xi32>
        %shift_left3A_281 = arith.shli %bitcast3A_278, %shift_left3A_280 : vector<16xi32>
        %bitcast3A_282 = vector.bitcast %shift_left3A_281 : vector<16xi32> to vector<16xf32>
        %and3A_283 = arith.andi %bitcast3A_278, %broadcast_in_dim3A_33 : vector<16xi32>
        %bitcast3A_284 = vector.bitcast %and3A_283 : vector<16xi32> to vector<16xf32>
        %mul3A_285 = vector.broadcast %squeeze3A_270 : f32 to vector<16xf32>
        %mul3A_286 = arith.mulf %bitcast3A_282, %mul3A_285 : vector<16xf32>
        %swap3A_287 = arith.index_cast %add3A_274 : i32 to index
        %swap3A_288 = arith.constant 0 : index
        %swap3A_289 = tpu.vector_load %arg13[%swap3A_287, %swap3A_288] {strides = array<i32>} : memref<128x64xf32, #tpu.memory_space<vmem>>, vector<16xf32>,
        tpu.vector_store %arg13[%swap3A_287, %swap3A_288], %mul3A_286 {strides = array<i32>} : memref<128x64xf32, #tpu.memory_space<vmem>>, vector<16xf32>,
        %mul3A_290 = vector.broadcast %squeeze3A_270 : f32 to vector<16xf32>
        %mul3A_291 = arith.mulf %bitcast3A_284, %mul3A_290 : vector<16xf32>
        %swap3A_292 = arith.index_cast %add3A_274 : i32 to index
        %swap3A_293 = arith.constant 16 : index
        %swap3A_294 = tpu.vector_load %arg13[%swap3A_292, %swap3A_293] {strides = array<i32>} : memref<128x64xf32, #tpu.memory_space<vmem>>, vector<16xf32>,
        tpu.vector_store %arg13[%swap3A_292, %swap3A_293], %mul3A_291 {strides = array<i32>} : memref<128x64xf32, #tpu.memory_space<vmem>>, vector<16xf32>,
        %get3A_295 = arith.index_cast %add3A_274 : i32 to index
        %get3A_296 = arith.constant 32 : index
        %get3A_297 = tpu.vector_load %arg11[%get3A_295, %get3A_296] {strides = array<i32>} : memref<128x64xbf16, #tpu.memory_space<vmem>>, vector<32xbf16>,
        %bitcast3A_298 = vector.bitcast %get3A_297 : vector<32xbf16> to vector<16xi32>
        %shift_left3A_299 = arith.constant 16 : i32
        %shift_left3A_300 = vector.broadcast %shift_left3A_299 : i32 to vector<16xi32>
        %shift_left3A_301 = arith.shli %bitcast3A_298, %shift_left3A_300 : vector<16xi32>
        %bitcast3A_302 = vector.bitcast %shift_left3A_301 : vector<16xi32> to vector<16xf32>
        %and3A_303 = arith.andi %bitcast3A_298, %broadcast_in_dim3A_33 : vector<16xi32>
        %bitcast3A_304 = vector.bitcast %and3A_303 : vector<16xi32> to vector<16xf32>
        %mul3A_305 = vector.broadcast %squeeze3A_270 : f32 to vector<16xf32>
        %mul3A_306 = arith.mulf %bitcast3A_302, %mul3A_305 : vector<16xf32>
        %swap3A_307 = arith.index_cast %add3A_274 : i32 to index
        %swap3A_308 = arith.constant 32 : index
        %swap3A_309 = tpu.vector_load %arg13[%swap3A_307, %swap3A_308] {strides = array<i32>} : memref<128x64xf32, #tpu.memory_space<vmem>>, vector<16xf32>,
        tpu.vector_store %arg13[%swap3A_307, %swap3A_308], %mul3A_306 {strides = array<i32>} : memref<128x64xf32, #tpu.memory_space<vmem>>, vector<16xf32>,
        %mul3A_310 = vector.broadcast %squeeze3A_270 : f32 to vector<16xf32>
        %mul3A_311 = arith.mulf %bitcast3A_304, %mul3A_310 : vector<16xf32>
        %swap3A_312 = arith.index_cast %add3A_274 : i32 to index
        %swap3A_313 = arith.constant 48 : index
        %swap3A_314 = tpu.vector_load %arg13[%swap3A_312, %swap3A_313] {strides = array<i32>} : memref<128x64xf32, #tpu.memory_space<vmem>>, vector<16xf32>,
        tpu.vector_store %arg13[%swap3A_312, %swap3A_313], %mul3A_311 {strides = array<i32>} : memref<128x64xf32, #tpu.memory_space<vmem>>, vector<16xf32>,
        %slice3A_315 = vector.extract_strided_slice %get3A_136 {offsets = [4], sizes = [1], strides = [1]} : vector<16xf32> to vector<1xf32>
        %squeeze3A_316 = vector.extract %slice3A_315[0] : f32 from vector<1xf32>
        %mul3A_317 = arith.constant 16 : i32
        %mul3A_318 = arith.muli %scan3A_132, %mul3A_317 : i32
        %add3A_319 = arith.constant 4 : i32
        %add3A_320 = arith.addi %mul3A_318, %add3A_319 : i32
        %get3A_321 = arith.index_cast %add3A_320 : i32 to index
        %get3A_322 = arith.constant 0 : index
        %get3A_323 = tpu.vector_load %arg11[%get3A_321, %get3A_322] {strides = array<i32>} : memref<128x64xbf16, #tpu.memory_space<vmem>>, vector<32xbf16>,
        %bitcast3A_324 = vector.bitcast %get3A_323 : vector<32xbf16> to vector<16xi32>
        %shift_left3A_325 = arith.constant 16 : i32
        %shift_left3A_326 = vector.broadcast %shift_left3A_325 : i32 to vector<16xi32>
        %shift_left3A_327 = arith.shli %bitcast3A_324, %shift_left3A_326 : vector<16xi32>
        %bitcast3A_328 = vector.bitcast %shift_left3A_327 : vector<16xi32> to vector<16xf32>
        %and3A_329 = arith.andi %bitcast3A_324, %broadcast_in_dim3A_33 : vector<16xi32>
        %bitcast3A_330 = vector.bitcast %and3A_329 : vector<16xi32> to vector<16xf32>
        %mul3A_331 = vector.broadcast %squeeze3A_316 : f32 to vector<16xf32>
        %mul3A_332 = arith.mulf %bitcast3A_328, %mul3A_331 : vector<16xf32>
        %swap3A_333 = arith.index_cast %add3A_320 : i32 to index
        %swap3A_334 = arith.constant 0 : index
        %swap3A_335 = tpu.vector_load %arg13[%swap3A_333, %swap3A_334] {strides = array<i32>} : memref<128x64xf32, #tpu.memory_space<vmem>>, vector<16xf32>,
        tpu.vector_store %arg13[%swap3A_333, %swap3A_334], %mul3A_332 {strides = array<i32>} : memref<128x64xf32, #tpu.memory_space<vmem>>, vector<16xf32>,
        %mul3A_336 = vector.broadcast %squeeze3A_316 : f32 to vector<16xf32>
        %mul3A_337 = arith.mulf %bitcast3A_330, %mul3A_336 : vector<16xf32>
        %swap3A_338 = arith.index_cast %add3A_320 : i32 to index
        %swap3A_339 = arith.constant 16 : index
        %swap3A_340 = tpu.vector_load %arg13[%swap3A_338, %swap3A_339] {strides = array<i32>} : memref<128x64xf32, #tpu.memory_space<vmem>>, vector<16xf32>,
        tpu.vector_store %arg13[%swap3A_338, %swap3A_339], %mul3A_337 {strides = array<i32>} : memref<128x64xf32, #tpu.memory_space<vmem>>, vector<16xf32>,
        %get3A_341 = arith.index_cast %add3A_320 : i32 to index
        %get3A_342 = arith.constant 32 : index
        %get3A_343 = tpu.vector_load %arg11[%get3A_341, %get3A_342] {strides = array<i32>} : memref<128x64xbf16, #tpu.memory_space<vmem>>, vector<32xbf16>,
        %bitcast3A_344 = vector.bitcast %get3A_343 : vector<32xbf16> to vector<16xi32>
        %shift_left3A_345 = arith.constant 16 : i32
        %shift_left3A_346 = vector.broadcast %shift_left3A_345 : i32 to vector<16xi32>
        %shift_left3A_347 = arith.shli %bitcast3A_344, %shift_left3A_346 : vector<16xi32>
        %bitcast3A_348 = vector.bitcast %shift_left3A_347 : vector<16xi32> to vector<16xf32>
        %and3A_349 = arith.andi %bitcast3A_344, %broadcast_in_dim3A_33 : vector<16xi32>
        %bitcast3A_350 = vector.bitcast %and3A_349 : vector<16xi32> to vector<16xf32>
        %mul3A_351 = vector.broadcast %squeeze3A_316 : f32 to vector<16xf32>
        %mul3A_352 = arith.mulf %bitcast3A_348, %mul3A_351 : vector<16xf32>
        %swap3A_353 = arith.index_cast %add3A_320 : i32 to index
        %swap3A_354 = arith.constant 32 : index
        %swap3A_355 = tpu.vector_load %arg13[%swap3A_353, %swap3A_354] {strides = array<i32>} : memref<128x64xf32, #tpu.memory_space<vmem>>, vector<16xf32>,
        tpu.vector_store %arg13[%swap3A_353, %swap3A_354], %mul3A_352 {strides = array<i32>} : memref<128x64xf32, #tpu.memory_space<vmem>>, vector<16xf32>,
        %mul3A_356 = vector.broadcast %squeeze3A_316 : f32 to vector<16xf32>
        %mul3A_357 = arith.mulf %bitcast3A_350, %mul3A_356 : vector<16xf32>
        %swap3A_358 = arith.index_cast %add3A_320 : i32 to index
        %swap3A_359 = arith.constant 48 : index
        %swap3A_360 = tpu.vector_load %arg13[%swap3A_358, %swap3A_359] {strides = array<i32>} : memref<128x64xf32, #tpu.memory_space<vmem>>, vector<16xf32>,
        tpu.vector_store %arg13[%swap3A_358, %swap3A_359], %mul3A_357 {strides = array<i32>} : memref<128x64xf32, #tpu.memory_space<vmem>>, vector<16xf32>,
        %slice3A_361 = vector.extract_strided_slice %get3A_136 {offsets = [5], sizes = [1], strides = [1]} : vector<16xf32> to vector<1xf32>
        %squeeze3A_362 = vector.extract %slice3A_361[0] : f32 from vector<1xf32>
        %mul3A_363 = arith.constant 16 : i32
        %mul3A_364 = arith.muli %scan3A_132, %mul3A_363 : i32
        %add3A_365 = arith.constant 5 : i32
        %add3A_366 = arith.addi %mul3A_364, %add3A_365 : i32
        %get3A_367 = arith.index_cast %add3A_366 : i32 to index
        %get3A_368 = arith.constant 0 : index
        %get3A_369 = tpu.vector_load %arg11[%get3A_367, %get3A_368] {strides = array<i32>} : memref<128x64xbf16, #tpu.memory_space<vmem>>, vector<32xbf16>,
        %bitcast3A_370 = vector.bitcast %get3A_369 : vector<32xbf16> to vector<16xi32>
        %shift_left3A_371 = arith.constant 16 : i32
        %shift_left3A_372 = vector.broadcast %shift_left3A_371 : i32 to vector<16xi32>
        %shift_left3A_373 = arith.shli %bitcast3A_370, %shift_left3A_372 : vector<16xi32>
        %bitcast3A_374 = vector.bitcast %shift_left3A_373 : vector<16xi32> to vector<16xf32>
        %and3A_375 = arith.andi %bitcast3A_370, %broadcast_in_dim3A_33 : vector<16xi32>
        %bitcast3A_376 = vector.bitcast %and3A_375 : vector<16xi32> to vector<16xf32>
        %mul3A_377 = vector.broadcast %squeeze3A_362 : f32 to vector<16xf32>
        %mul3A_378 = arith.mulf %bitcast3A_374, %mul3A_377 : vector<16xf32>
        %swap3A_379 = arith.index_cast %add3A_366 : i32 to index
        %swap3A_380 = arith.constant 0 : index
        %swap3A_381 = tpu.vector_load %arg13[%swap3A_379, %swap3A_380] {strides = array<i32>} : memref<128x64xf32, #tpu.memory_space<vmem>>, vector<16xf32>,
        tpu.vector_store %arg13[%swap3A_379, %swap3A_380], %mul3A_378 {strides = array<i32>} : memref<128x64xf32, #tpu.memory_space<vmem>>, vector<16xf32>,
        %mul3A_382 = vector.broadcast %squeeze3A_362 : f32 to vector<16xf32>
        %mul3A_383 = arith.mulf %bitcast3A_376, %mul3A_382 : vector<16xf32>
        %swap3A_384 = arith.index_cast %add3A_366 : i32 to index
        %swap3A_385 = arith.constant 16 : index
        %swap3A_386 = tpu.vector_load %arg13[%swap3A_384, %swap3A_385] {strides = array<i32>} : memref<128x64xf32, #tpu.memory_space<vmem>>, vector<16xf32>,
        tpu.vector_store %arg13[%swap3A_384, %swap3A_385], %mul3A_383 {strides = array<i32>} : memref<128x64xf32, #tpu.memory_space<vmem>>, vector<16xf32>,
        %get3A_387 = arith.index_cast %add3A_366 : i32 to index
        %get3A_388 = arith.constant 32 : index
        %get3A_389 = tpu.vector_load %arg11[%get3A_387, %get3A_388] {strides = array<i32>} : memref<128x64xbf16, #tpu.memory_space<vmem>>, vector<32xbf16>,
        %bitcast3A_390 = vector.bitcast %get3A_389 : vector<32xbf16> to vector<16xi32>
        %shift_left3A_391 = arith.constant 16 : i32
        %shift_left3A_392 = vector.broadcast %shift_left3A_391 : i32 to vector<16xi32>
        %shift_left3A_393 = arith.shli %bitcast3A_390, %shift_left3A_392 : vector<16xi32>
        %bitcast3A_394 = vector.bitcast %shift_left3A_393 : vector<16xi32> to vector<16xf32>
        %and3A_395 = arith.andi %bitcast3A_390, %broadcast_in_dim3A_33 : vector<16xi32>
        %bitcast3A_396 = vector.bitcast %and3A_395 : vector<16xi32> to vector<16xf32>
        %mul3A_397 = vector.broadcast %squeeze3A_362 : f32 to vector<16xf32>
        %mul3A_398 = arith.mulf %bitcast3A_394, %mul3A_397 : vector<16xf32>
        %swap3A_399 = arith.index_cast %add3A_366 : i32 to index
        %swap3A_400 = arith.constant 32 : index
        %swap3A_401 = tpu.vector_load %arg13[%swap3A_399, %swap3A_400] {strides = array<i32>} : memref<128x64xf32, #tpu.memory_space<vmem>>, vector<16xf32>,
        tpu.vector_store %arg13[%swap3A_399, %swap3A_400], %mul3A_398 {strides = array<i32>} : memref<128x64xf32, #tpu.memory_space<vmem>>, vector<16xf32>,
        %mul3A_402 = vector.broadcast %squeeze3A_362 : f32 to vector<16xf32>
        %mul3A_403 = arith.mulf %bitcast3A_396, %mul3A_402 : vector<16xf32>
        %swap3A_404 = arith.index_cast %add3A_366 : i32 to index
        %swap3A_405 = arith.constant 48 : index
        %swap3A_406 = tpu.vector_load %arg13[%swap3A_404, %swap3A_405] {strides = array<i32>} : memref<128x64xf32, #tpu.memory_space<vmem>>, vector<16xf32>,
        tpu.vector_store %arg13[%swap3A_404, %swap3A_405], %mul3A_403 {strides = array<i32>} : memref<128x64xf32, #tpu.memory_space<vmem>>, vector<16xf32>,
        %slice3A_407 = vector.extract_strided_slice %get3A_136 {offsets = [6], sizes = [1], strides = [1]} : vector<16xf32> to vector<1xf32>
        %squeeze3A_408 = vector.extract %slice3A_407[0] : f32 from vector<1xf32>
        %mul3A_409 = arith.constant 16 : i32
        %mul3A_410 = arith.muli %scan3A_132, %mul3A_409 : i32
        %add3A_411 = arith.constant 6 : i32
        %add3A_412 = arith.addi %mul3A_410, %add3A_411 : i32
        %get3A_413 = arith.index_cast %add3A_412 : i32 to index
        %get3A_414 = arith.constant 0 : index
        %get3A_415 = tpu.vector_load %arg11[%get3A_413, %get3A_414] {strides = array<i32>} : memref<128x64xbf16, #tpu.memory_space<vmem>>, vector<32xbf16>,
        %bitcast3A_416 = vector.bitcast %get3A_415 : vector<32xbf16> to vector<16xi32>
        %shift_left3A_417 = arith.constant 16 : i32
        %shift_left3A_418 = vector.broadcast %shift_left3A_417 : i32 to vector<16xi32>
        %shift_left3A_419 = arith.shli %bitcast3A_416, %shift_left3A_418 : vector<16xi32>
        %bitcast3A_420 = vector.bitcast %shift_left3A_419 : vector<16xi32> to vector<16xf32>
        %and3A_421 = arith.andi %bitcast3A_416, %broadcast_in_dim3A_33 : vector<16xi32>
        %bitcast3A_422 = vector.bitcast %and3A_421 : vector<16xi32> to vector<16xf32>
        %mul3A_423 = vector.broadcast %squeeze3A_408 : f32 to vector<16xf32>
        %mul3A_424 = arith.mulf %bitcast3A_420, %mul3A_423 : vector<16xf32>
        %swap3A_425 = arith.index_cast %add3A_412 : i32 to index
        %swap3A_426 = arith.constant 0 : index
        %swap3A_427 = tpu.vector_load %arg13[%swap3A_425, %swap3A_426] {strides = array<i32>} : memref<128x64xf32, #tpu.memory_space<vmem>>, vector<16xf32>,
        tpu.vector_store %arg13[%swap3A_425, %swap3A_426], %mul3A_424 {strides = array<i32>} : memref<128x64xf32, #tpu.memory_space<vmem>>, vector<16xf32>,
        %mul3A_428 = vector.broadcast %squeeze3A_408 : f32 to vector<16xf32>
        %mul3A_429 = arith.mulf %bitcast3A_422, %mul3A_428 : vector<16xf32>
        %swap3A_430 = arith.index_cast %add3A_412 : i32 to index
        %swap3A_431 = arith.constant 16 : index
        %swap3A_432 = tpu.vector_load %arg13[%swap3A_430, %swap3A_431] {strides = array<i32>} : memref<128x64xf32, #tpu.memory_space<vmem>>, vector<16xf32>,
        tpu.vector_store %arg13[%swap3A_430, %swap3A_431], %mul3A_429 {strides = array<i32>} : memref<128x64xf32, #tpu.memory_space<vmem>>, vector<16xf32>,
        %get3A_433 = arith.index_cast %add3A_412 : i32 to index
        %get3A_434 = arith.constant 32 : index
        %get3A_435 = tpu.vector_load %arg11[%get3A_433, %get3A_434] {strides = array<i32>} : memref<128x64xbf16, #tpu.memory_space<vmem>>, vector<32xbf16>,
        %bitcast3A_436 = vector.bitcast %get3A_435 : vector<32xbf16> to vector<16xi32>
        %shift_left3A_437 = arith.constant 16 : i32
        %shift_left3A_438 = vector.broadcast %shift_left3A_437 : i32 to vector<16xi32>
        %shift_left3A_439 = arith.shli %bitcast3A_436, %shift_left3A_438 : vector<16xi32>
        %bitcast3A_440 = vector.bitcast %shift_left3A_439 : vector<16xi32> to vector<16xf32>
        %and3A_441 = arith.andi %bitcast3A_436, %broadcast_in_dim3A_33 : vector<16xi32>
        %bitcast3A_442 = vector.bitcast %and3A_441 : vector<16xi32> to vector<16xf32>
        %mul3A_443 = vector.broadcast %squeeze3A_408 : f32 to vector<16xf32>
        %mul3A_444 = arith.mulf %bitcast3A_440, %mul3A_443 : vector<16xf32>
        %swap3A_445 = arith.index_cast %add3A_412 : i32 to index
        %swap3A_446 = arith.constant 32 : index
        %swap3A_447 = tpu.vector_load %arg13[%swap3A_445, %swap3A_446] {strides = array<i32>} : memref<128x64xf32, #tpu.memory_space<vmem>>, vector<16xf32>,
        tpu.vector_store %arg13[%swap3A_445, %swap3A_446], %mul3A_444 {strides = array<i32>} : memref<128x64xf32, #tpu.memory_space<vmem>>, vector<16xf32>,
        %mul3A_448 = vector.broadcast %squeeze3A_408 : f32 to vector<16xf32>
        %mul3A_449 = arith.mulf %bitcast3A_442, %mul3A_448 : vector<16xf32>
        %swap3A_450 = arith.index_cast %add3A_412 : i32 to index
        %swap3A_451 = arith.constant 48 : index
        %swap3A_452 = tpu.vector_load %arg13[%swap3A_450, %swap3A_451] {strides = array<i32>} : memref<128x64xf32, #tpu.memory_space<vmem>>, vector<16xf32>,
        tpu.vector_store %arg13[%swap3A_450, %swap3A_451], %mul3A_449 {strides = array<i32>} : memref<128x64xf32, #tpu.memory_space<vmem>>, vector<16xf32>,
        %slice3A_453 = vector.extract_strided_slice %get3A_136 {offsets = [7], sizes = [1], strides = [1]} : vector<16xf32> to vector<1xf32>
        %squeeze3A_454 = vector.extract %slice3A_453[0] : f32 from vector<1xf32>
        %mul3A_455 = arith.constant 16 : i32
        %mul3A_456 = arith.muli %scan3A_132, %mul3A_455 : i32
        %add3A_457 = arith.constant 7 : i32
        %add3A_458 = arith.addi %mul3A_456, %add3A_457 : i32
        %get3A_459 = arith.index_cast %add3A_458 : i32 to index
        %get3A_460 = arith.constant 0 : index
        %get3A_461 = tpu.vector_load %arg11[%get3A_459, %get3A_460] {strides = array<i32>} : memref<128x64xbf16, #tpu.memory_space<vmem>>, vector<32xbf16>,
        %bitcast3A_462 = vector.bitcast %get3A_461 : vector<32xbf16> to vector<16xi32>
        %shift_left3A_463 = arith.constant 16 : i32
        %shift_left3A_464 = vector.broadcast %shift_left3A_463 : i32 to vector<16xi32>
        %shift_left3A_465 = arith.shli %bitcast3A_462, %shift_left3A_464 : vector<16xi32>
        %bitcast3A_466 = vector.bitcast %shift_left3A_465 : vector<16xi32> to vector<16xf32>
        %and3A_467 = arith.andi %bitcast3A_462, %broadcast_in_dim3A_33 : vector<16xi32>
        %bitcast3A_468 = vector.bitcast %and3A_467 : vector<16xi32> to vector<16xf32>
        %mul3A_469 = vector.broadcast %squeeze3A_454 : f32 to vector<16xf32>
        %mul3A_470 = arith.mulf %bitcast3A_466, %mul3A_469 : vector<16xf32>
        %swap3A_471 = arith.index_cast %add3A_458 : i32 to index
        %swap3A_472 = arith.constant 0 : index
        %swap3A_473 = tpu.vector_load %arg13[%swap3A_471, %swap3A_472] {strides = array<i32>} : memref<128x64xf32, #tpu.memory_space<vmem>>, vector<16xf32>,
        tpu.vector_store %arg13[%swap3A_471, %swap3A_472], %mul3A_470 {strides = array<i32>} : memref<128x64xf32, #tpu.memory_space<vmem>>, vector<16xf32>,
        %mul3A_474 = vector.broadcast %squeeze3A_454 : f32 to vector<16xf32>
        %mul3A_475 = arith.mulf %bitcast3A_468, %mul3A_474 : vector<16xf32>
        %swap3A_476 = arith.index_cast %add3A_458 : i32 to index
        %swap3A_477 = arith.constant 16 : index
        %swap3A_478 = tpu.vector_load %arg13[%swap3A_476, %swap3A_477] {strides = array<i32>} : memref<128x64xf32, #tpu.memory_space<vmem>>, vector<16xf32>,
        tpu.vector_store %arg13[%swap3A_476, %swap3A_477], %mul3A_475 {strides = array<i32>} : memref<128x64xf32, #tpu.memory_space<vmem>>, vector<16xf32>,
        %get3A_479 = arith.index_cast %add3A_458 : i32 to index
        %get3A_480 = arith.constant 32 : index
        %get3A_481 = tpu.vector_load %arg11[%get3A_479, %get3A_480] {strides = array<i32>} : memref<128x64xbf16, #tpu.memory_space<vmem>>, vector<32xbf16>,
        %bitcast3A_482 = vector.bitcast %get3A_481 : vector<32xbf16> to vector<16xi32>
        %shift_left3A_483 = arith.constant 16 : i32
        %shift_left3A_484 = vector.broadcast %shift_left3A_483 : i32 to vector<16xi32>
        %shift_left3A_485 = arith.shli %bitcast3A_482, %shift_left3A_484 : vector<16xi32>
        %bitcast3A_486 = vector.bitcast %shift_left3A_485 : vector<16xi32> to vector<16xf32>
        %and3A_487 = arith.andi %bitcast3A_482, %broadcast_in_dim3A_33 : vector<16xi32>
        %bitcast3A_488 = vector.bitcast %and3A_487 : vector<16xi32> to vector<16xf32>
        %mul3A_489 = vector.broadcast %squeeze3A_454 : f32 to vector<16xf32>
        %mul3A_490 = arith.mulf %bitcast3A_486, %mul3A_489 : vector<16xf32>
        %swap3A_491 = arith.index_cast %add3A_458 : i32 to index
        %swap3A_492 = arith.constant 32 : index
        %swap3A_493 = tpu.vector_load %arg13[%swap3A_491, %swap3A_492] {strides = array<i32>} : memref<128x64xf32, #tpu.memory_space<vmem>>, vector<16xf32>,
        tpu.vector_store %arg13[%swap3A_491, %swap3A_492], %mul3A_490 {strides = array<i32>} : memref<128x64xf32, #tpu.memory_space<vmem>>, vector<16xf32>,
        %mul3A_494 = vector.broadcast %squeeze3A_454 : f32 to vector<16xf32>
        %mul3A_495 = arith.mulf %bitcast3A_488, %mul3A_494 : vector<16xf32>
        %swap3A_496 = arith.index_cast %add3A_458 : i32 to index
        %swap3A_497 = arith.constant 48 : index
        %swap3A_498 = tpu.vector_load %arg13[%swap3A_496, %swap3A_497] {strides = array<i32>} : memref<128x64xf32, #tpu.memory_space<vmem>>, vector<16xf32>,
        tpu.vector_store %arg13[%swap3A_496, %swap3A_497], %mul3A_495 {strides = array<i32>} : memref<128x64xf32, #tpu.memory_space<vmem>>, vector<16xf32>,
        %slice3A_499 = vector.extract_strided_slice %get3A_136 {offsets = [8], sizes = [1], strides = [1]} : vector<16xf32> to vector<1xf32>
        %squeeze3A_500 = vector.extract %slice3A_499[0] : f32 from vector<1xf32>
        %mul3A_501 = arith.constant 16 : i32
        %mul3A_502 = arith.muli %scan3A_132, %mul3A_501 : i32
        %add3A_503 = arith.constant 8 : i32
        %add3A_504 = arith.addi %mul3A_502, %add3A_503 : i32
        %get3A_505 = arith.index_cast %add3A_504 : i32 to index
        %get3A_506 = arith.constant 0 : index
        %get3A_507 = tpu.vector_load %arg11[%get3A_505, %get3A_506] {strides = array<i32>} : memref<128x64xbf16, #tpu.memory_space<vmem>>, vector<32xbf16>,
        %bitcast3A_508 = vector.bitcast %get3A_507 : vector<32xbf16> to vector<16xi32>
        %shift_left3A_509 = arith.constant 16 : i32
        %shift_left3A_510 = vector.broadcast %shift_left3A_509 : i32 to vector<16xi32>
        %shift_left3A_511 = arith.shli %bitcast3A_508, %shift_left3A_510 : vector<16xi32>
        %bitcast3A_512 = vector.bitcast %shift_left3A_511 : vector<16xi32> to vector<16xf32>
        %and3A_513 = arith.andi %bitcast3A_508, %broadcast_in_dim3A_33 : vector<16xi32>
        %bitcast3A_514 = vector.bitcast %and3A_513 : vector<16xi32> to vector<16xf32>
        %mul3A_515 = vector.broadcast %squeeze3A_500 : f32 to vector<16xf32>
        %mul3A_516 = arith.mulf %bitcast3A_512, %mul3A_515 : vector<16xf32>
        %swap3A_517 = arith.index_cast %add3A_504 : i32 to index
        %swap3A_518 = arith.constant 0 : index
        %swap3A_519 = tpu.vector_load %arg13[%swap3A_517, %swap3A_518] {strides = array<i32>} : memref<128x64xf32, #tpu.memory_space<vmem>>, vector<16xf32>,
        tpu.vector_store %arg13[%swap3A_517, %swap3A_518], %mul3A_516 {strides = array<i32>} : memref<128x64xf32, #tpu.memory_space<vmem>>, vector<16xf32>,
        %mul3A_520 = vector.broadcast %squeeze3A_500 : f32 to vector<16xf32>
        %mul3A_521 = arith.mulf %bitcast3A_514, %mul3A_520 : vector<16xf32>
        %swap3A_522 = arith.index_cast %add3A_504 : i32 to index
        %swap3A_523 = arith.constant 16 : index
        %swap3A_524 = tpu.vector_load %arg13[%swap3A_522, %swap3A_523] {strides = array<i32>} : memref<128x64xf32, #tpu.memory_space<vmem>>, vector<16xf32>,
        tpu.vector_store %arg13[%swap3A_522, %swap3A_523], %mul3A_521 {strides = array<i32>} : memref<128x64xf32, #tpu.memory_space<vmem>>, vector<16xf32>,
        %get3A_525 = arith.index_cast %add3A_504 : i32 to index
        %get3A_526 = arith.constant 32 : index
        %get3A_527 = tpu.vector_load %arg11[%get3A_525, %get3A_526] {strides = array<i32>} : memref<128x64xbf16, #tpu.memory_space<vmem>>, vector<32xbf16>,
        %bitcast3A_528 = vector.bitcast %get3A_527 : vector<32xbf16> to vector<16xi32>
        %shift_left3A_529 = arith.constant 16 : i32
        %shift_left3A_530 = vector.broadcast %shift_left3A_529 : i32 to vector<16xi32>
        %shift_left3A_531 = arith.shli %bitcast3A_528, %shift_left3A_530 : vector<16xi32>
        %bitcast3A_532 = vector.bitcast %shift_left3A_531 : vector<16xi32> to vector<16xf32>
        %and3A_533 = arith.andi %bitcast3A_528, %broadcast_in_dim3A_33 : vector<16xi32>
        %bitcast3A_534 = vector.bitcast %and3A_533 : vector<16xi32> to vector<16xf32>
        %mul3A_535 = vector.broadcast %squeeze3A_500 : f32 to vector<16xf32>
        %mul3A_536 = arith.mulf %bitcast3A_532, %mul3A_535 : vector<16xf32>
        %swap3A_537 = arith.index_cast %add3A_504 : i32 to index
        %swap3A_538 = arith.constant 32 : index
        %swap3A_539 = tpu.vector_load %arg13[%swap3A_537, %swap3A_538] {strides = array<i32>} : memref<128x64xf32, #tpu.memory_space<vmem>>, vector<16xf32>,
        tpu.vector_store %arg13[%swap3A_537, %swap3A_538], %mul3A_536 {strides = array<i32>} : memref<128x64xf32, #tpu.memory_space<vmem>>, vector<16xf32>,
        %mul3A_540 = vector.broadcast %squeeze3A_500 : f32 to vector<16xf32>
        %mul3A_541 = arith.mulf %bitcast3A_534, %mul3A_540 : vector<16xf32>
        %swap3A_542 = arith.index_cast %add3A_504 : i32 to index
        %swap3A_543 = arith.constant 48 : index
        %swap3A_544 = tpu.vector_load %arg13[%swap3A_542, %swap3A_543] {strides = array<i32>} : memref<128x64xf32, #tpu.memory_space<vmem>>, vector<16xf32>,
        tpu.vector_store %arg13[%swap3A_542, %swap3A_543], %mul3A_541 {strides = array<i32>} : memref<128x64xf32, #tpu.memory_space<vmem>>, vector<16xf32>,
        %slice3A_545 = vector.extract_strided_slice %get3A_136 {offsets = [9], sizes = [1], strides = [1]} : vector<16xf32> to vector<1xf32>
        %squeeze3A_546 = vector.extract %slice3A_545[0] : f32 from vector<1xf32>
        %mul3A_547 = arith.constant 16 : i32
        %mul3A_548 = arith.muli %scan3A_132, %mul3A_547 : i32
        %add3A_549 = arith.constant 9 : i32
        %add3A_550 = arith.addi %mul3A_548, %add3A_549 : i32
        %get3A_551 = arith.index_cast %add3A_550 : i32 to index
        %get3A_552 = arith.constant 0 : index
        %get3A_553 = tpu.vector_load %arg11[%get3A_551, %get3A_552] {strides = array<i32>} : memref<128x64xbf16, #tpu.memory_space<vmem>>, vector<32xbf16>,
        %bitcast3A_554 = vector.bitcast %get3A_553 : vector<32xbf16> to vector<16xi32>
        %shift_left3A_555 = arith.constant 16 : i32
        %shift_left3A_556 = vector.broadcast %shift_left3A_555 : i32 to vector<16xi32>
        %shift_left3A_557 = arith.shli %bitcast3A_554, %shift_left3A_556 : vector<16xi32>
        %bitcast3A_558 = vector.bitcast %shift_left3A_557 : vector<16xi32> to vector<16xf32>
        %and3A_559 = arith.andi %bitcast3A_554, %broadcast_in_dim3A_33 : vector<16xi32>
        %bitcast3A_560 = vector.bitcast %and3A_559 : vector<16xi32> to vector<16xf32>
        %mul3A_561 = vector.broadcast %squeeze3A_546 : f32 to vector<16xf32>
        %mul3A_562 = arith.mulf %bitcast3A_558, %mul3A_561 : vector<16xf32>
        %swap3A_563 = arith.index_cast %add3A_550 : i32 to index
        %swap3A_564 = arith.constant 0 : index
        %swap3A_565 = tpu.vector_load %arg13[%swap3A_563, %swap3A_564] {strides = array<i32>} : memref<128x64xf32, #tpu.memory_space<vmem>>, vector<16xf32>,
        tpu.vector_store %arg13[%swap3A_563, %swap3A_564], %mul3A_562 {strides = array<i32>} : memref<128x64xf32, #tpu.memory_space<vmem>>, vector<16xf32>,
        %mul3A_566 = vector.broadcast %squeeze3A_546 : f32 to vector<16xf32>
        %mul3A_567 = arith.mulf %bitcast3A_560, %mul3A_566 : vector<16xf32>
        %swap3A_568 = arith.index_cast %add3A_550 : i32 to index
        %swap3A_569 = arith.constant 16 : index
        %swap3A_570 = tpu.vector_load %arg13[%swap3A_568, %swap3A_569] {strides = array<i32>} : memref<128x64xf32, #tpu.memory_space<vmem>>, vector<16xf32>,
        tpu.vector_store %arg13[%swap3A_568, %swap3A_569], %mul3A_567 {strides = array<i32>} : memref<128x64xf32, #tpu.memory_space<vmem>>, vector<16xf32>,
        %get3A_571 = arith.index_cast %add3A_550 : i32 to index
        %get3A_572 = arith.constant 32 : index
        %get3A_573 = tpu.vector_load %arg11[%get3A_571, %get3A_572] {strides = array<i32>} : memref<128x64xbf16, #tpu.memory_space<vmem>>, vector<32xbf16>,
        %bitcast3A_574 = vector.bitcast %get3A_573 : vector<32xbf16> to vector<16xi32>
        %shift_left3A_575 = arith.constant 16 : i32
        %shift_left3A_576 = vector.broadcast %shift_left3A_575 : i32 to vector<16xi32>
        %shift_left3A_577 = arith.shli %bitcast3A_574, %shift_left3A_576 : vector<16xi32>
        %bitcast3A_578 = vector.bitcast %shift_left3A_577 : vector<16xi32> to vector<16xf32>
        %and3A_579 = arith.andi %bitcast3A_574, %broadcast_in_dim3A_33 : vector<16xi32>
        %bitcast3A_580 = vector.bitcast %and3A_579 : vector<16xi32> to vector<16xf32>
        %mul3A_581 = vector.broadcast %squeeze3A_546 : f32 to vector<16xf32>
        %mul3A_582 = arith.mulf %bitcast3A_578, %mul3A_581 : vector<16xf32>
        %swap3A_583 = arith.index_cast %add3A_550 : i32 to index
        %swap3A_584 = arith.constant 32 : index
        %swap3A_585 = tpu.vector_load %arg13[%swap3A_583, %swap3A_584] {strides = array<i32>} : memref<128x64xf32, #tpu.memory_space<vmem>>, vector<16xf32>,
        tpu.vector_store %arg13[%swap3A_583, %swap3A_584], %mul3A_582 {strides = array<i32>} : memref<128x64xf32, #tpu.memory_space<vmem>>, vector<16xf32>,
        %mul3A_586 = vector.broadcast %squeeze3A_546 : f32 to vector<16xf32>
        %mul3A_587 = arith.mulf %bitcast3A_580, %mul3A_586 : vector<16xf32>
        %swap3A_588 = arith.index_cast %add3A_550 : i32 to index
        %swap3A_589 = arith.constant 48 : index
        %swap3A_590 = tpu.vector_load %arg13[%swap3A_588, %swap3A_589] {strides = array<i32>} : memref<128x64xf32, #tpu.memory_space<vmem>>, vector<16xf32>,
        tpu.vector_store %arg13[%swap3A_588, %swap3A_589], %mul3A_587 {strides = array<i32>} : memref<128x64xf32, #tpu.memory_space<vmem>>, vector<16xf32>,
        %slice3A_591 = vector.extract_strided_slice %get3A_136 {offsets = [10], sizes = [1], strides = [1]} : vector<16xf32> to vector<1xf32>
        %squeeze3A_592 = vector.extract %slice3A_591[0] : f32 from vector<1xf32>
        %mul3A_593 = arith.constant 16 : i32
        %mul3A_594 = arith.muli %scan3A_132, %mul3A_593 : i32
        %add3A_595 = arith.constant 10 : i32
        %add3A_596 = arith.addi %mul3A_594, %add3A_595 : i32
        %get3A_597 = arith.index_cast %add3A_596 : i32 to index
        %get3A_598 = arith.constant 0 : index
        %get3A_599 = tpu.vector_load %arg11[%get3A_597, %get3A_598] {strides = array<i32>} : memref<128x64xbf16, #tpu.memory_space<vmem>>, vector<32xbf16>,
        %bitcast3A_600 = vector.bitcast %get3A_599 : vector<32xbf16> to vector<16xi32>
        %shift_left3A_601 = arith.constant 16 : i32
        %shift_left3A_602 = vector.broadcast %shift_left3A_601 : i32 to vector<16xi32>
        %shift_left3A_603 = arith.shli %bitcast3A_600, %shift_left3A_602 : vector<16xi32>
        %bitcast3A_604 = vector.bitcast %shift_left3A_603 : vector<16xi32> to vector<16xf32>
        %and3A_605 = arith.andi %bitcast3A_600, %broadcast_in_dim3A_33 : vector<16xi32>
        %bitcast3A_606 = vector.bitcast %and3A_605 : vector<16xi32> to vector<16xf32>
        %mul3A_607 = vector.broadcast %squeeze3A_592 : f32 to vector<16xf32>
        %mul3A_608 = arith.mulf %bitcast3A_604, %mul3A_607 : vector<16xf32>
        %swap3A_609 = arith.index_cast %add3A_596 : i32 to index
        %swap3A_610 = arith.constant 0 : index
        %swap3A_611 = tpu.vector_load %arg13[%swap3A_609, %swap3A_610] {strides = array<i32>} : memref<128x64xf32, #tpu.memory_space<vmem>>, vector<16xf32>,
        tpu.vector_store %arg13[%swap3A_609, %swap3A_610], %mul3A_608 {strides = array<i32>} : memref<128x64xf32, #tpu.memory_space<vmem>>, vector<16xf32>,
        %mul3A_612 = vector.broadcast %squeeze3A_592 : f32 to vector<16xf32>
        %mul3A_613 = arith.mulf %bitcast3A_606, %mul3A_612 : vector<16xf32>
        %swap3A_614 = arith.index_cast %add3A_596 : i32 to index
        %swap3A_615 = arith.constant 16 : index
        %swap3A_616 = tpu.vector_load %arg13[%swap3A_614, %swap3A_615] {strides = array<i32>} : memref<128x64xf32, #tpu.memory_space<vmem>>, vector<16xf32>,
        tpu.vector_store %arg13[%swap3A_614, %swap3A_615], %mul3A_613 {strides = array<i32>} : memref<128x64xf32, #tpu.memory_space<vmem>>, vector<16xf32>,
        %get3A_617 = arith.index_cast %add3A_596 : i32 to index
        %get3A_618 = arith.constant 32 : index
        %get3A_619 = tpu.vector_load %arg11[%get3A_617, %get3A_618] {strides = array<i32>} : memref<128x64xbf16, #tpu.memory_space<vmem>>, vector<32xbf16>,
        %bitcast3A_620 = vector.bitcast %get3A_619 : vector<32xbf16> to vector<16xi32>
        %shift_left3A_621 = arith.constant 16 : i32
        %shift_left3A_622 = vector.broadcast %shift_left3A_621 : i32 to vector<16xi32>
        %shift_left3A_623 = arith.shli %bitcast3A_620, %shift_left3A_622 : vector<16xi32>
        %bitcast3A_624 = vector.bitcast %shift_left3A_623 : vector<16xi32> to vector<16xf32>
        %and3A_625 = arith.andi %bitcast3A_620, %broadcast_in_dim3A_33 : vector<16xi32>
        %bitcast3A_626 = vector.bitcast %and3A_625 : vector<16xi32> to vector<16xf32>
        %mul3A_627 = vector.broadcast %squeeze3A_592 : f32 to vector<16xf32>
        %mul3A_628 = arith.mulf %bitcast3A_624, %mul3A_627 : vector<16xf32>
        %swap3A_629 = arith.index_cast %add3A_596 : i32 to index
        %swap3A_630 = arith.constant 32 : index
        %swap3A_631 = tpu.vector_load %arg13[%swap3A_629, %swap3A_630] {strides = array<i32>} : memref<128x64xf32, #tpu.memory_space<vmem>>, vector<16xf32>,
        tpu.vector_store %arg13[%swap3A_629, %swap3A_630], %mul3A_628 {strides = array<i32>} : memref<128x64xf32, #tpu.memory_space<vmem>>, vector<16xf32>,
        %mul3A_632 = vector.broadcast %squeeze3A_592 : f32 to vector<16xf32>
        %mul3A_633 = arith.mulf %bitcast3A_626, %mul3A_632 : vector<16xf32>
        %swap3A_634 = arith.index_cast %add3A_596 : i32 to index
        %swap3A_635 = arith.constant 48 : index
        %swap3A_636 = tpu.vector_load %arg13[%swap3A_634, %swap3A_635] {strides = array<i32>} : memref<128x64xf32, #tpu.memory_space<vmem>>, vector<16xf32>,
        tpu.vector_store %arg13[%swap3A_634, %swap3A_635], %mul3A_633 {strides = array<i32>} : memref<128x64xf32, #tpu.memory_space<vmem>>, vector<16xf32>,
        %slice3A_637 = vector.extract_strided_slice %get3A_136 {offsets = [11], sizes = [1], strides = [1]} : vector<16xf32> to vector<1xf32>
        %squeeze3A_638 = vector.extract %slice3A_637[0] : f32 from vector<1xf32>
        %mul3A_639 = arith.constant 16 : i32
        %mul3A_640 = arith.muli %scan3A_132, %mul3A_639 : i32
        %add3A_641 = arith.constant 11 : i32
        %add3A_642 = arith.addi %mul3A_640, %add3A_641 : i32
        %get3A_643 = arith.index_cast %add3A_642 : i32 to index
        %get3A_644 = arith.constant 0 : index
        %get3A_645 = tpu.vector_load %arg11[%get3A_643, %get3A_644] {strides = array<i32>} : memref<128x64xbf16, #tpu.memory_space<vmem>>, vector<32xbf16>,
        %bitcast3A_646 = vector.bitcast %get3A_645 : vector<32xbf16> to vector<16xi32>
        %shift_left3A_647 = arith.constant 16 : i32
        %shift_left3A_648 = vector.broadcast %shift_left3A_647 : i32 to vector<16xi32>
        %shift_left3A_649 = arith.shli %bitcast3A_646, %shift_left3A_648 : vector<16xi32>
        %bitcast3A_650 = vector.bitcast %shift_left3A_649 : vector<16xi32> to vector<16xf32>
        %and3A_651 = arith.andi %bitcast3A_646, %broadcast_in_dim3A_33 : vector<16xi32>
        %bitcast3A_652 = vector.bitcast %and3A_651 : vector<16xi32> to vector<16xf32>
        %mul3A_653 = vector.broadcast %squeeze3A_638 : f32 to vector<16xf32>
        %mul3A_654 = arith.mulf %bitcast3A_650, %mul3A_653 : vector<16xf32>
        %swap3A_655 = arith.index_cast %add3A_642 : i32 to index
        %swap3A_656 = arith.constant 0 : index
        %swap3A_657 = tpu.vector_load %arg13[%swap3A_655, %swap3A_656] {strides = array<i32>} : memref<128x64xf32, #tpu.memory_space<vmem>>, vector<16xf32>,
        tpu.vector_store %arg13[%swap3A_655, %swap3A_656], %mul3A_654 {strides = array<i32>} : memref<128x64xf32, #tpu.memory_space<vmem>>, vector<16xf32>,
        %mul3A_658 = vector.broadcast %squeeze3A_638 : f32 to vector<16xf32>
        %mul3A_659 = arith.mulf %bitcast3A_652, %mul3A_658 : vector<16xf32>
        %swap3A_660 = arith.index_cast %add3A_642 : i32 to index
        %swap3A_661 = arith.constant 16 : index
        %swap3A_662 = tpu.vector_load %arg13[%swap3A_660, %swap3A_661] {strides = array<i32>} : memref<128x64xf32, #tpu.memory_space<vmem>>, vector<16xf32>,
        tpu.vector_store %arg13[%swap3A_660, %swap3A_661], %mul3A_659 {strides = array<i32>} : memref<128x64xf32, #tpu.memory_space<vmem>>, vector<16xf32>,
        %get3A_663 = arith.index_cast %add3A_642 : i32 to index
        %get3A_664 = arith.constant 32 : index
        %get3A_665 = tpu.vector_load %arg11[%get3A_663, %get3A_664] {strides = array<i32>} : memref<128x64xbf16, #tpu.memory_space<vmem>>, vector<32xbf16>,
        %bitcast3A_666 = vector.bitcast %get3A_665 : vector<32xbf16> to vector<16xi32>
        %shift_left3A_667 = arith.constant 16 : i32
        %shift_left3A_668 = vector.broadcast %shift_left3A_667 : i32 to vector<16xi32>
        %shift_left3A_669 = arith.shli %bitcast3A_666, %shift_left3A_668 : vector<16xi32>
        %bitcast3A_670 = vector.bitcast %shift_left3A_669 : vector<16xi32> to vector<16xf32>
        %and3A_671 = arith.andi %bitcast3A_666, %broadcast_in_dim3A_33 : vector<16xi32>
        %bitcast3A_672 = vector.bitcast %and3A_671 : vector<16xi32> to vector<16xf32>
        %mul3A_673 = vector.broadcast %squeeze3A_638 : f32 to vector<16xf32>
        %mul3A_674 = arith.mulf %bitcast3A_670, %mul3A_673 : vector<16xf32>
        %swap3A_675 = arith.index_cast %add3A_642 : i32 to index
        %swap3A_676 = arith.constant 32 : index
        %swap3A_677 = tpu.vector_load %arg13[%swap3A_675, %swap3A_676] {strides = array<i32>} : memref<128x64xf32, #tpu.memory_space<vmem>>, vector<16xf32>,
        tpu.vector_store %arg13[%swap3A_675, %swap3A_676], %mul3A_674 {strides = array<i32>} : memref<128x64xf32, #tpu.memory_space<vmem>>, vector<16xf32>,
        %mul3A_678 = vector.broadcast %squeeze3A_638 : f32 to vector<16xf32>
        %mul3A_679 = arith.mulf %bitcast3A_672, %mul3A_678 : vector<16xf32>
        %swap3A_680 = arith.index_cast %add3A_642 : i32 to index
        %swap3A_681 = arith.constant 48 : index
        %swap3A_682 = tpu.vector_load %arg13[%swap3A_680, %swap3A_681] {strides = array<i32>} : memref<128x64xf32, #tpu.memory_space<vmem>>, vector<16xf32>,
        tpu.vector_store %arg13[%swap3A_680, %swap3A_681], %mul3A_679 {strides = array<i32>} : memref<128x64xf32, #tpu.memory_space<vmem>>, vector<16xf32>,
        %slice3A_683 = vector.extract_strided_slice %get3A_136 {offsets = [12], sizes = [1], strides = [1]} : vector<16xf32> to vector<1xf32>
        %squeeze3A_684 = vector.extract %slice3A_683[0] : f32 from vector<1xf32>
        %mul3A_685 = arith.constant 16 : i32
        %mul3A_686 = arith.muli %scan3A_132, %mul3A_685 : i32
        %add3A_687 = arith.constant 12 : i32
        %add3A_688 = arith.addi %mul3A_686, %add3A_687 : i32
        %get3A_689 = arith.index_cast %add3A_688 : i32 to index
        %get3A_690 = arith.constant 0 : index
        %get3A_691 = tpu.vector_load %arg11[%get3A_689, %get3A_690] {strides = array<i32>} : memref<128x64xbf16, #tpu.memory_space<vmem>>, vector<32xbf16>,
        %bitcast3A_692 = vector.bitcast %get3A_691 : vector<32xbf16> to vector<16xi32>
        %shift_left3A_693 = arith.constant 16 : i32
        %shift_left3A_694 = vector.broadcast %shift_left3A_693 : i32 to vector<16xi32>
        %shift_left3A_695 = arith.shli %bitcast3A_692, %shift_left3A_694 : vector<16xi32>
        %bitcast3A_696 = vector.bitcast %shift_left3A_695 : vector<16xi32> to vector<16xf32>
        %and3A_697 = arith.andi %bitcast3A_692, %broadcast_in_dim3A_33 : vector<16xi32>
        %bitcast3A_698 = vector.bitcast %and3A_697 : vector<16xi32> to vector<16xf32>
        %mul3A_699 = vector.broadcast %squeeze3A_684 : f32 to vector<16xf32>
        %mul3A_700 = arith.mulf %bitcast3A_696, %mul3A_699 : vector<16xf32>
        %swap3A_701 = arith.index_cast %add3A_688 : i32 to index
        %swap3A_702 = arith.constant 0 : index
        %swap3A_703 = tpu.vector_load %arg13[%swap3A_701, %swap3A_702] {strides = array<i32>} : memref<128x64xf32, #tpu.memory_space<vmem>>, vector<16xf32>,
        tpu.vector_store %arg13[%swap3A_701, %swap3A_702], %mul3A_700 {strides = array<i32>} : memref<128x64xf32, #tpu.memory_space<vmem>>, vector<16xf32>,
        %mul3A_704 = vector.broadcast %squeeze3A_684 : f32 to vector<16xf32>
        %mul3A_705 = arith.mulf %bitcast3A_698, %mul3A_704 : vector<16xf32>
        %swap3A_706 = arith.index_cast %add3A_688 : i32 to index
        %swap3A_707 = arith.constant 16 : index
        %swap3A_708 = tpu.vector_load %arg13[%swap3A_706, %swap3A_707] {strides = array<i32>} : memref<128x64xf32, #tpu.memory_space<vmem>>, vector<16xf32>,
        tpu.vector_store %arg13[%swap3A_706, %swap3A_707], %mul3A_705 {strides = array<i32>} : memref<128x64xf32, #tpu.memory_space<vmem>>, vector<16xf32>,
        %get3A_709 = arith.index_cast %add3A_688 : i32 to index
        %get3A_710 = arith.constant 32 : index
        %get3A_711 = tpu.vector_load %arg11[%get3A_709, %get3A_710] {strides = array<i32>} : memref<128x64xbf16, #tpu.memory_space<vmem>>, vector<32xbf16>,
        %bitcast3A_712 = vector.bitcast %get3A_711 : vector<32xbf16> to vector<16xi32>
        %shift_left3A_713 = arith.constant 16 : i32
        %shift_left3A_714 = vector.broadcast %shift_left3A_713 : i32 to vector<16xi32>
        %shift_left3A_715 = arith.shli %bitcast3A_712, %shift_left3A_714 : vector<16xi32>
        %bitcast3A_716 = vector.bitcast %shift_left3A_715 : vector<16xi32> to vector<16xf32>
        %and3A_717 = arith.andi %bitcast3A_712, %broadcast_in_dim3A_33 : vector<16xi32>
        %bitcast3A_718 = vector.bitcast %and3A_717 : vector<16xi32> to vector<16xf32>
        %mul3A_719 = vector.broadcast %squeeze3A_684 : f32 to vector<16xf32>
        %mul3A_720 = arith.mulf %bitcast3A_716, %mul3A_719 : vector<16xf32>
        %swap3A_721 = arith.index_cast %add3A_688 : i32 to index
        %swap3A_722 = arith.constant 32 : index
        %swap3A_723 = tpu.vector_load %arg13[%swap3A_721, %swap3A_722] {strides = array<i32>} : memref<128x64xf32, #tpu.memory_space<vmem>>, vector<16xf32>,
        tpu.vector_store %arg13[%swap3A_721, %swap3A_722], %mul3A_720 {strides = array<i32>} : memref<128x64xf32, #tpu.memory_space<vmem>>, vector<16xf32>,
        %mul3A_724 = vector.broadcast %squeeze3A_684 : f32 to vector<16xf32>
        %mul3A_725 = arith.mulf %bitcast3A_718, %mul3A_724 : vector<16xf32>
        %swap3A_726 = arith.index_cast %add3A_688 : i32 to index
        %swap3A_727 = arith.constant 48 : index
        %swap3A_728 = tpu.vector_load %arg13[%swap3A_726, %swap3A_727] {strides = array<i32>} : memref<128x64xf32, #tpu.memory_space<vmem>>, vector<16xf32>,
        tpu.vector_store %arg13[%swap3A_726, %swap3A_727], %mul3A_725 {strides = array<i32>} : memref<128x64xf32, #tpu.memory_space<vmem>>, vector<16xf32>,
        %slice3A_729 = vector.extract_strided_slice %get3A_136 {offsets = [13], sizes = [1], strides = [1]} : vector<16xf32> to vector<1xf32>
        %squeeze3A_730 = vector.extract %slice3A_729[0] : f32 from vector<1xf32>
        %mul3A_731 = arith.constant 16 : i32
        %mul3A_732 = arith.muli %scan3A_132, %mul3A_731 : i32
        %add3A_733 = arith.constant 13 : i32
        %add3A_734 = arith.addi %mul3A_732, %add3A_733 : i32
        %get3A_735 = arith.index_cast %add3A_734 : i32 to index
        %get3A_736 = arith.constant 0 : index
        %get3A_737 = tpu.vector_load %arg11[%get3A_735, %get3A_736] {strides = array<i32>} : memref<128x64xbf16, #tpu.memory_space<vmem>>, vector<32xbf16>,
        %bitcast3A_738 = vector.bitcast %get3A_737 : vector<32xbf16> to vector<16xi32>
        %shift_left3A_739 = arith.constant 16 : i32
        %shift_left3A_740 = vector.broadcast %shift_left3A_739 : i32 to vector<16xi32>
        %shift_left3A_741 = arith.shli %bitcast3A_738, %shift_left3A_740 : vector<16xi32>
        %bitcast3A_742 = vector.bitcast %shift_left3A_741 : vector<16xi32> to vector<16xf32>
        %and3A_743 = arith.andi %bitcast3A_738, %broadcast_in_dim3A_33 : vector<16xi32>
        %bitcast3A_744 = vector.bitcast %and3A_743 : vector<16xi32> to vector<16xf32>
        %mul3A_745 = vector.broadcast %squeeze3A_730 : f32 to vector<16xf32>
        %mul3A_746 = arith.mulf %bitcast3A_742, %mul3A_745 : vector<16xf32>
        %swap3A_747 = arith.index_cast %add3A_734 : i32 to index
        %swap3A_748 = arith.constant 0 : index
        %swap3A_749 = tpu.vector_load %arg13[%swap3A_747, %swap3A_748] {strides = array<i32>} : memref<128x64xf32, #tpu.memory_space<vmem>>, vector<16xf32>,
        tpu.vector_store %arg13[%swap3A_747, %swap3A_748], %mul3A_746 {strides = array<i32>} : memref<128x64xf32, #tpu.memory_space<vmem>>, vector<16xf32>,
        %mul3A_750 = vector.broadcast %squeeze3A_730 : f32 to vector<16xf32>
        %mul3A_751 = arith.mulf %bitcast3A_744, %mul3A_750 : vector<16xf32>
        %swap3A_752 = arith.index_cast %add3A_734 : i32 to index
        %swap3A_753 = arith.constant 16 : index
        %swap3A_754 = tpu.vector_load %arg13[%swap3A_752, %swap3A_753] {strides = array<i32>} : memref<128x64xf32, #tpu.memory_space<vmem>>, vector<16xf32>,
        tpu.vector_store %arg13[%swap3A_752, %swap3A_753], %mul3A_751 {strides = array<i32>} : memref<128x64xf32, #tpu.memory_space<vmem>>, vector<16xf32>,
        %get3A_755 = arith.index_cast %add3A_734 : i32 to index
        %get3A_756 = arith.constant 32 : index
        %get3A_757 = tpu.vector_load %arg11[%get3A_755, %get3A_756] {strides = array<i32>} : memref<128x64xbf16, #tpu.memory_space<vmem>>, vector<32xbf16>,
        %bitcast3A_758 = vector.bitcast %get3A_757 : vector<32xbf16> to vector<16xi32>
        %shift_left3A_759 = arith.constant 16 : i32
        %shift_left3A_760 = vector.broadcast %shift_left3A_759 : i32 to vector<16xi32>
        %shift_left3A_761 = arith.shli %bitcast3A_758, %shift_left3A_760 : vector<16xi32>
        %bitcast3A_762 = vector.bitcast %shift_left3A_761 : vector<16xi32> to vector<16xf32>
        %and3A_763 = arith.andi %bitcast3A_758, %broadcast_in_dim3A_33 : vector<16xi32>
        %bitcast3A_764 = vector.bitcast %and3A_763 : vector<16xi32> to vector<16xf32>
        %mul3A_765 = vector.broadcast %squeeze3A_730 : f32 to vector<16xf32>
        %mul3A_766 = arith.mulf %bitcast3A_762, %mul3A_765 : vector<16xf32>
        %swap3A_767 = arith.index_cast %add3A_734 : i32 to index
        %swap3A_768 = arith.constant 32 : index
        %swap3A_769 = tpu.vector_load %arg13[%swap3A_767, %swap3A_768] {strides = array<i32>} : memref<128x64xf32, #tpu.memory_space<vmem>>, vector<16xf32>,
        tpu.vector_store %arg13[%swap3A_767, %swap3A_768], %mul3A_766 {strides = array<i32>} : memref<128x64xf32, #tpu.memory_space<vmem>>, vector<16xf32>,
        %mul3A_770 = vector.broadcast %squeeze3A_730 : f32 to vector<16xf32>
        %mul3A_771 = arith.mulf %bitcast3A_764, %mul3A_770 : vector<16xf32>
        %swap3A_772 = arith.index_cast %add3A_734 : i32 to index
        %swap3A_773 = arith.constant 48 : index
        %swap3A_774 = tpu.vector_load %arg13[%swap3A_772, %swap3A_773] {strides = array<i32>} : memref<128x64xf32, #tpu.memory_space<vmem>>, vector<16xf32>,
        tpu.vector_store %arg13[%swap3A_772, %swap3A_773], %mul3A_771 {strides = array<i32>} : memref<128x64xf32, #tpu.memory_space<vmem>>, vector<16xf32>,
        %slice3A_775 = vector.extract_strided_slice %get3A_136 {offsets = [14], sizes = [1], strides = [1]} : vector<16xf32> to vector<1xf32>
        %squeeze3A_776 = vector.extract %slice3A_775[0] : f32 from vector<1xf32>
        %mul3A_777 = arith.constant 16 : i32
        %mul3A_778 = arith.muli %scan3A_132, %mul3A_777 : i32
        %add3A_779 = arith.constant 14 : i32
        %add3A_780 = arith.addi %mul3A_778, %add3A_779 : i32
        %get3A_781 = arith.index_cast %add3A_780 : i32 to index
        %get3A_782 = arith.constant 0 : index
        %get3A_783 = tpu.vector_load %arg11[%get3A_781, %get3A_782] {strides = array<i32>} : memref<128x64xbf16, #tpu.memory_space<vmem>>, vector<32xbf16>,
        %bitcast3A_784 = vector.bitcast %get3A_783 : vector<32xbf16> to vector<16xi32>
        %shift_left3A_785 = arith.constant 16 : i32
        %shift_left3A_786 = vector.broadcast %shift_left3A_785 : i32 to vector<16xi32>
        %shift_left3A_787 = arith.shli %bitcast3A_784, %shift_left3A_786 : vector<16xi32>
        %bitcast3A_788 = vector.bitcast %shift_left3A_787 : vector<16xi32> to vector<16xf32>
        %and3A_789 = arith.andi %bitcast3A_784, %broadcast_in_dim3A_33 : vector<16xi32>
        %bitcast3A_790 = vector.bitcast %and3A_789 : vector<16xi32> to vector<16xf32>
        %mul3A_791 = vector.broadcast %squeeze3A_776 : f32 to vector<16xf32>
        %mul3A_792 = arith.mulf %bitcast3A_788, %mul3A_791 : vector<16xf32>
        %swap3A_793 = arith.index_cast %add3A_780 : i32 to index
        %swap3A_794 = arith.constant 0 : index
        %swap3A_795 = tpu.vector_load %arg13[%swap3A_793, %swap3A_794] {strides = array<i32>} : memref<128x64xf32, #tpu.memory_space<vmem>>, vector<16xf32>,
        tpu.vector_store %arg13[%swap3A_793, %swap3A_794], %mul3A_792 {strides = array<i32>} : memref<128x64xf32, #tpu.memory_space<vmem>>, vector<16xf32>,
        %mul3A_796 = vector.broadcast %squeeze3A_776 : f32 to vector<16xf32>
        %mul3A_797 = arith.mulf %bitcast3A_790, %mul3A_796 : vector<16xf32>
        %swap3A_798 = arith.index_cast %add3A_780 : i32 to index
        %swap3A_799 = arith.constant 16 : index
        %swap3A_800 = tpu.vector_load %arg13[%swap3A_798, %swap3A_799] {strides = array<i32>} : memref<128x64xf32, #tpu.memory_space<vmem>>, vector<16xf32>,
        tpu.vector_store %arg13[%swap3A_798, %swap3A_799], %mul3A_797 {strides = array<i32>} : memref<128x64xf32, #tpu.memory_space<vmem>>, vector<16xf32>,
        %get3A_801 = arith.index_cast %add3A_780 : i32 to index
        %get3A_802 = arith.constant 32 : index
        %get3A_803 = tpu.vector_load %arg11[%get3A_801, %get3A_802] {strides = array<i32>} : memref<128x64xbf16, #tpu.memory_space<vmem>>, vector<32xbf16>,
        %bitcast3A_804 = vector.bitcast %get3A_803 : vector<32xbf16> to vector<16xi32>
        %shift_left3A_805 = arith.constant 16 : i32
        %shift_left3A_806 = vector.broadcast %shift_left3A_805 : i32 to vector<16xi32>
        %shift_left3A_807 = arith.shli %bitcast3A_804, %shift_left3A_806 : vector<16xi32>
        %bitcast3A_808 = vector.bitcast %shift_left3A_807 : vector<16xi32> to vector<16xf32>
        %and3A_809 = arith.andi %bitcast3A_804, %broadcast_in_dim3A_33 : vector<16xi32>
        %bitcast3A_810 = vector.bitcast %and3A_809 : vector<16xi32> to vector<16xf32>
        %mul3A_811 = vector.broadcast %squeeze3A_776 : f32 to vector<16xf32>
        %mul3A_812 = arith.mulf %bitcast3A_808, %mul3A_811 : vector<16xf32>
        %swap3A_813 = arith.index_cast %add3A_780 : i32 to index
        %swap3A_814 = arith.constant 32 : index
        %swap3A_815 = tpu.vector_load %arg13[%swap3A_813, %swap3A_814] {strides = array<i32>} : memref<128x64xf32, #tpu.memory_space<vmem>>, vector<16xf32>,
        tpu.vector_store %arg13[%swap3A_813, %swap3A_814], %mul3A_812 {strides = array<i32>} : memref<128x64xf32, #tpu.memory_space<vmem>>, vector<16xf32>,
        %mul3A_816 = vector.broadcast %squeeze3A_776 : f32 to vector<16xf32>
        %mul3A_817 = arith.mulf %bitcast3A_810, %mul3A_816 : vector<16xf32>
        %swap3A_818 = arith.index_cast %add3A_780 : i32 to index
        %swap3A_819 = arith.constant 48 : index
        %swap3A_820 = tpu.vector_load %arg13[%swap3A_818, %swap3A_819] {strides = array<i32>} : memref<128x64xf32, #tpu.memory_space<vmem>>, vector<16xf32>,
        tpu.vector_store %arg13[%swap3A_818, %swap3A_819], %mul3A_817 {strides = array<i32>} : memref<128x64xf32, #tpu.memory_space<vmem>>, vector<16xf32>,
        %slice3A_821 = vector.extract_strided_slice %get3A_136 {offsets = [15], sizes = [1], strides = [1]} : vector<16xf32> to vector<1xf32>
        %squeeze3A_822 = vector.extract %slice3A_821[0] : f32 from vector<1xf32>
        %mul3A_823 = arith.constant 16 : i32
        %mul3A_824 = arith.muli %scan3A_132, %mul3A_823 : i32
        %add3A_825 = arith.constant 15 : i32
        %add3A_826 = arith.addi %mul3A_824, %add3A_825 : i32
        %get3A_827 = arith.index_cast %add3A_826 : i32 to index
        %get3A_828 = arith.constant 0 : index
        %get3A_829 = tpu.vector_load %arg11[%get3A_827, %get3A_828] {strides = array<i32>} : memref<128x64xbf16, #tpu.memory_space<vmem>>, vector<32xbf16>,
        %bitcast3A_830 = vector.bitcast %get3A_829 : vector<32xbf16> to vector<16xi32>
        %shift_left3A_831 = arith.constant 16 : i32
        %shift_left3A_832 = vector.broadcast %shift_left3A_831 : i32 to vector<16xi32>
        %shift_left3A_833 = arith.shli %bitcast3A_830, %shift_left3A_832 : vector<16xi32>
        %bitcast3A_834 = vector.bitcast %shift_left3A_833 : vector<16xi32> to vector<16xf32>
        %and3A_835 = arith.andi %bitcast3A_830, %broadcast_in_dim3A_33 : vector<16xi32>
        %bitcast3A_836 = vector.bitcast %and3A_835 : vector<16xi32> to vector<16xf32>
        %mul3A_837 = vector.broadcast %squeeze3A_822 : f32 to vector<16xf32>
        %mul3A_838 = arith.mulf %bitcast3A_834, %mul3A_837 : vector<16xf32>
        %swap3A_839 = arith.index_cast %add3A_826 : i32 to index
        %swap3A_840 = arith.constant 0 : index
        %swap3A_841 = tpu.vector_load %arg13[%swap3A_839, %swap3A_840] {strides = array<i32>} : memref<128x64xf32, #tpu.memory_space<vmem>>, vector<16xf32>,
        tpu.vector_store %arg13[%swap3A_839, %swap3A_840], %mul3A_838 {strides = array<i32>} : memref<128x64xf32, #tpu.memory_space<vmem>>, vector<16xf32>,
        %mul3A_842 = vector.broadcast %squeeze3A_822 : f32 to vector<16xf32>
        %mul3A_843 = arith.mulf %bitcast3A_836, %mul3A_842 : vector<16xf32>
        %swap3A_844 = arith.index_cast %add3A_826 : i32 to index
        %swap3A_845 = arith.constant 16 : index
        %swap3A_846 = tpu.vector_load %arg13[%swap3A_844, %swap3A_845] {strides = array<i32>} : memref<128x64xf32, #tpu.memory_space<vmem>>, vector<16xf32>,
        tpu.vector_store %arg13[%swap3A_844, %swap3A_845], %mul3A_843 {strides = array<i32>} : memref<128x64xf32, #tpu.memory_space<vmem>>, vector<16xf32>,
        %get3A_847 = arith.index_cast %add3A_826 : i32 to index
        %get3A_848 = arith.constant 32 : index
        %get3A_849 = tpu.vector_load %arg11[%get3A_847, %get3A_848] {strides = array<i32>} : memref<128x64xbf16, #tpu.memory_space<vmem>>, vector<32xbf16>,
        %bitcast3A_850 = vector.bitcast %get3A_849 : vector<32xbf16> to vector<16xi32>
        %shift_left3A_851 = arith.constant 16 : i32
        %shift_left3A_852 = vector.broadcast %shift_left3A_851 : i32 to vector<16xi32>
        %shift_left3A_853 = arith.shli %bitcast3A_850, %shift_left3A_852 : vector<16xi32>
        %bitcast3A_854 = vector.bitcast %shift_left3A_853 : vector<16xi32> to vector<16xf32>
        %and3A_855 = arith.andi %bitcast3A_850, %broadcast_in_dim3A_33 : vector<16xi32>
        %bitcast3A_856 = vector.bitcast %and3A_855 : vector<16xi32> to vector<16xf32>
        %mul3A_857 = vector.broadcast %squeeze3A_822 : f32 to vector<16xf32>
        %mul3A_858 = arith.mulf %bitcast3A_854, %mul3A_857 : vector<16xf32>
        %swap3A_859 = arith.index_cast %add3A_826 : i32 to index
        %swap3A_860 = arith.constant 32 : index
        %swap3A_861 = tpu.vector_load %arg13[%swap3A_859, %swap3A_860] {strides = array<i32>} : memref<128x64xf32, #tpu.memory_space<vmem>>, vector<16xf32>,
        tpu.vector_store %arg13[%swap3A_859, %swap3A_860], %mul3A_858 {strides = array<i32>} : memref<128x64xf32, #tpu.memory_space<vmem>>, vector<16xf32>,
        %mul3A_862 = vector.broadcast %squeeze3A_822 : f32 to vector<16xf32>
        %mul3A_863 = arith.mulf %bitcast3A_856, %mul3A_862 : vector<16xf32>
        %swap3A_864 = arith.index_cast %add3A_826 : i32 to index
        %swap3A_865 = arith.constant 48 : index
        %swap3A_866 = tpu.vector_load %arg13[%swap3A_864, %swap3A_865] {strides = array<i32>} : memref<128x64xf32, #tpu.memory_space<vmem>>, vector<16xf32>,
        tpu.vector_store %arg13[%swap3A_864, %swap3A_865], %mul3A_863 {strides = array<i32>} : memref<128x64xf32, #tpu.memory_space<vmem>>, vector<16xf32>,
      }
      %scan3A_120 = arith.constant 8 : i32
      %lt3A_121 = arith.constant 78 : i32
      %lt3A_122 = arith.cmpi slt, %scan3A_71, %lt3A_121 : i32
      %convert_element_type3A_123 = arith.extui %lt3A_122 : i1 to i32
      %cond3A_124 = arith.constant 0 : i32
      %cond3A_125 = arith.cmpi ne, %convert_element_type3A_123, %cond3A_124 : i32
      scf.if %cond3A_125 {
        %add3A_132 = arith.constant 2 : i32
        %add3A_133 = arith.addi %add3A_103, %add3A_132 : i32
        %dma_start3A_134 = arith.constant 0 : i32
        %dma_start3A_135 = tpu.memref_slice %arg7[%add3A_133, %dma_start3A_134] : memref<158x128xi32, #tpu.memory_space<vmem>> -> memref<1x128xi32, #tpu.memory_space<vmem>>
        %dma_start3A_136 = tpu.memref_squeeze %dma_start3A_135 : memref<1x128xi32, #tpu.memory_space<vmem>> -> memref<128xi32, #tpu.memory_space<vmem>>
        %dma_start3A_137 = arith.constant 0 : i32
        %dma_start3A_138 = arith.constant 0 : i32
        %dma_start3A_139 = tpu.memref_slice %arg2[%dma_start3A_137, %dma_start3A_138] : memref<20000x64xbf16, #tpu.memory_space<hbm>> -> memref<20000x64xbf16, #tpu.memory_space<hbm>>
        tpu.enqueue_indirect_dma source(%dma_start3A_139 : memref<20000x64xbf16, #tpu.memory_space<hbm>>) target(%arg11 : memref<128x64xbf16, #tpu.memory_space<vmem>>) offsets(%dma_start3A_136 : memref<128xi32, #tpu.memory_space<vmem>>) semaphore(%arg16 : memref<!tpu.dma_semaphore, #tpu.memory_space<semaphore_mem>>)
      } else {
      }
      %dma_start3A_126 = arith.constant 0 : i32
      %dma_start3A_127 = tpu.memref_slice %arg8[%add3A_103, %dma_start3A_126] : memref<158x128xi32, #tpu.memory_space<vmem>> -> memref<1x128xi32, #tpu.memory_space<vmem>>
      %dma_start3A_128 = tpu.memref_squeeze %dma_start3A_127 : memref<1x128xi32, #tpu.memory_space<vmem>> -> memref<128xi32, #tpu.memory_space<vmem>>
      %dma_start3A_129 = arith.constant 0 : i32
      %dma_start3A_130 = arith.constant 0 : i32
      %dma_start3A_131 = tpu.memref_slice %arg14[%dma_start3A_129, %dma_start3A_130] : memref<10240x64xf32, #tpu.memory_space<vmem_shared>> -> memref<10240x64xf32, #tpu.memory_space<vmem_shared>>
      tpu.enqueue_indirect_dma source(%arg13 : memref<128x64xf32, #tpu.memory_space<vmem>>) target(%dma_start3A_131 : memref<10240x64xf32, #tpu.memory_space<vmem_shared>>) offsets(%dma_start3A_128 : memref<128xi32, #tpu.memory_space<vmem>>) semaphore(%arg18 : memref<!tpu.dma_semaphore, #tpu.memory_space<semaphore_mem>>) {add = true}
    }
    %scan3A_52 = arith.constant 79 : i32
    %dma_wait3A = arith.constant 156 : i32
    %dma_wait3A_53 = arith.constant 0 : i32
    %dma_wait3A_54 = tpu.memref_slice %arg8[%dma_wait3A, %dma_wait3A_53] : memref<158x128xi32, #tpu.memory_space<vmem>> -> memref<1x128xi32, #tpu.memory_space<vmem>>
    %dma_wait3A_55 = tpu.memref_squeeze %dma_wait3A_54 : memref<1x128xi32, #tpu.memory_space<vmem>> -> memref<128xi32, #tpu.memory_space<vmem>>
    %dma_wait3A_56 = arith.constant 0 : i32
    %dma_wait3A_57 = arith.constant 0 : i32
    %dma_wait3A_58 = tpu.memref_slice %arg14[%dma_wait3A_56, %dma_wait3A_57] : memref<10240x64xf32, #tpu.memory_space<vmem_shared>> -> memref<10240x64xf32, #tpu.memory_space<vmem_shared>>
    tpu.wait_indirect_dma semaphore(%arg17 : memref<!tpu.dma_semaphore, #tpu.memory_space<semaphore_mem>>) src(%arg12 : memref<128x64xf32, #tpu.memory_space<vmem>>) dst(%dma_wait3A_58 : memref<10240x64xf32, #tpu.memory_space<vmem_shared>>)
    %dma_wait3A_59 = arith.constant 157 : i32
    %dma_wait3A_60 = arith.constant 0 : i32
    %dma_wait3A_61 = tpu.memref_slice %arg8[%dma_wait3A_59, %dma_wait3A_60] : memref<158x128xi32, #tpu.memory_space<vmem>> -> memref<1x128xi32, #tpu.memory_space<vmem>>
    %dma_wait3A_62 = tpu.memref_squeeze %dma_wait3A_61 : memref<1x128xi32, #tpu.memory_space<vmem>> -> memref<128xi32, #tpu.memory_space<vmem>>
    %dma_wait3A_63 = arith.constant 0 : i32
    %dma_wait3A_64 = arith.constant 0 : i32
    %dma_wait3A_65 = tpu.memref_slice %arg14[%dma_wait3A_63, %dma_wait3A_64] : memref<10240x64xf32, #tpu.memory_space<vmem_shared>> -> memref<10240x64xf32, #tpu.memory_space<vmem_shared>>
    tpu.wait_indirect_dma semaphore(%arg18 : memref<!tpu.dma_semaphore, #tpu.memory_space<semaphore_mem>>) src(%arg13 : memref<128x64xf32, #tpu.memory_space<vmem>>) dst(%dma_wait3A_65 : memref<10240x64xf32, #tpu.memory_space<vmem_shared>>)
    %barrier3A_66 = arith.constant 0 : index
    tpu.barrier barrier_id(%barrier3A_66)
    %mul3A_67 = arith.constant 640 : i32
    %mul3A_68 = arith.muli %arg1, %mul3A_67 : i32
    %mul3A_69 = arith.constant 640 : i32
    %mul3A_70 = arith.muli %arg1, %mul3A_69 : i32
    "tpu.region"() ({
      %run_scoped3A = tpu.sem_alloc : memref<!tpu.dma_semaphore, #tpu.memory_space<semaphore_mem>>
      %dma_start3A_71 = arith.constant 0 : i32
      %dma_start3A_72 = tpu.memref_slice %arg6[%arg0, %mul3A_70, %dma_start3A_71] : memref<2x10240x64xf32, #tpu.memory_space<hbm>> -> memref<1x640x64xf32, #tpu.memory_space<hbm>>
      %dma_start3A_73 = tpu.memref_squeeze %dma_start3A_72 : memref<1x640x64xf32, #tpu.memory_space<hbm>> -> memref<640x64xf32, #tpu.memory_space<hbm>>
      %dma_start3A_74 = arith.constant 0 : i32
      %dma_start3A_75 = tpu.memref_slice %arg14[%mul3A_68, %dma_start3A_74] : memref<10240x64xf32, #tpu.memory_space<vmem_shared>> -> memref<640x64xf32, #tpu.memory_space<vmem_shared>>
      tpu.enqueue_dma source(%dma_start3A_75 : memref<640x64xf32, #tpu.memory_space<vmem_shared>>) target(%dma_start3A_73 : memref<640x64xf32, #tpu.memory_space<hbm>>) target_semaphore(%run_scoped3A : memref<!tpu.dma_semaphore, #tpu.memory_space<semaphore_mem>>)
      %dma_wait3A_76 = arith.constant 0 : i32
      %dma_wait3A_77 = tpu.memref_slice %arg6[%arg0, %mul3A_70, %dma_wait3A_76] : memref<2x10240x64xf32, #tpu.memory_space<hbm>> -> memref<1x640x64xf32, #tpu.memory_space<hbm>>
      %dma_wait3A_78 = tpu.memref_squeeze %dma_wait3A_77 : memref<1x640x64xf32, #tpu.memory_space<hbm>> -> memref<640x64xf32, #tpu.memory_space<hbm>>
      %dma_wait3A_79 = arith.constant 0 : i32
      %dma_wait3A_80 = tpu.memref_slice %arg14[%mul3A_68, %dma_wait3A_79] : memref<10240x64xf32, #tpu.memory_space<vmem_shared>> -> memref<640x64xf32, #tpu.memory_space<vmem_shared>>
      tpu.wait_dma2 semaphore(%run_scoped3A : memref<!tpu.dma_semaphore, #tpu.memory_space<semaphore_mem>>) src(%dma_wait3A_80 : memref<640x64xf32, #tpu.memory_space<vmem_shared>>) dst(%dma_wait3A_78 : memref<640x64xf32, #tpu.memory_space<hbm>>)
      tpu.yield
    }) : () -> ()
    return
  }
}

module attributes {stable_mosaic.version = 14 : i64} {
  func.func @_mm_body(%arg0: i32, %arg1: i32, %arg2: memref<1000x128xf32, #tpu.memory_space<vmem>>, %arg3: memref<1x128x64xf32, #tpu.memory_space<vmem>>, %arg4: memref<1000x64xbf16, #tpu.memory_space<vmem>>) attributes {dimension_semantics = [#tpu.dimension_semantics<arbitrary>, #tpu.dimension_semantics<arbitrary>], iteration_bounds = array<i64: 2, 10>, scalar_prefetch = 0 : i64, scratch_operands = 0 : i64, tpu.core_type = #tpu.core_type<tc>, window_params = [{transform_indices = @transform_0, window_bounds = array<i64: 1000, 128>}, {transform_indices = @transform_1, window_bounds = array<i64: 1, 128, 64>}, {transform_indices = @transform_2, window_bounds = array<i64: 1000, 64>}]} {
    %get3A = arith.constant 0 : index
    %get3A_0 = arith.constant 0 : index
    %get3A_1 = vector.load %arg2[%get3A, %get3A_0] : memref<1000x128xf32, #tpu.memory_space<vmem>>, vector<1000x128xf32>
    %get3A_2 = arith.constant 0 : index
    %get3A_3 = arith.constant 0 : index
    %get3A_4 = arith.constant 0 : index
    %get3A_5 = vector.load %arg3[%get3A_2, %get3A_3, %get3A_4] : memref<1x128x64xf32, #tpu.memory_space<vmem>>, vector<1x128x64xf32>
    %get3A_6 = vector.shape_cast %get3A_5 : vector<1x128x64xf32> to vector<128x64xf32>
    %dot_general3A = arith.constant dense<0.000000e+00> : vector<1000x64xf32>
    %dot_general3A_7 = tpu.matmul %get3A_1, %get3A_6, %dot_general3A {dimension_numbers = #tpu.dot_dimension_numbers<[1], [0], [0], [1], [0, 0, 1, 1], [], []>, transpose_lhs_hint = false} : vector<1000x128xf32>, vector<128x64xf32>, vector<1000x64xf32> -> vector<1000x64xf32>
    %convert_element_type3A = arith.truncf %dot_general3A_7 : vector<1000x64xf32> to vector<1000x64xbf16>
    %swap3A = arith.constant 0 : index
    %swap3A_8 = arith.constant 0 : index
    %swap3A_9 = vector.load %arg4[%swap3A, %swap3A_8] : memref<1000x64xbf16, #tpu.memory_space<vmem>>, vector<1000x64xbf16>
    tpu.vector_store %arg4[%swap3A, %swap3A_8], %convert_element_type3A {strides = array<i32>} : memref<1000x64xbf16, #tpu.memory_space<vmem>>, vector<1000x64xbf16>,
    return
  }
  func.func @transform_0(%arg0: i32, %arg1: i32) -> (i32, i32) {
    %c0_i32 = arith.constant 0 : i32
    %c0_i32_0 = arith.constant 0 : i32
    return %arg1, %c0_i32 : i32, i32
  }
  func.func @transform_1(%arg0: i32, %arg1: i32) -> (i32, i32, i32) {
    %c0_i32 = arith.constant 0 : i32
    %c0_i32_0 = arith.constant 0 : i32
    %c0_i32_1 = arith.constant 0 : i32
    return %arg0, %c0_i32, %c0_i32_0 : i32, i32, i32
  }
  func.func @transform_2(%arg0: i32, %arg1: i32) -> (i32, i32) {
    %mul3A = arith.constant 10 : i32
    %mul3A_0 = arith.muli %arg0, %mul3A : i32
    %add3A = arith.addi %mul3A_0, %arg1 : i32
    %c0_i32 = arith.constant 0 : i32
    %c0_i32_1 = arith.constant 0 : i32
    return %add3A, %c0_i32 : i32, i32
  }
}

module attributes {stable_mosaic.version = 14 : i64} {
  func.func @_fuse2_body(%arg0: i32, %arg1: i32, %arg2: memref<2x1000x64xf32, #tpu.memory_space<vmem>>, %arg3: memref<1x128x32xf32, #tpu.memory_space<vmem>>, %arg4: memref<1000x32xbf16, #tpu.memory_space<vmem>>) attributes {dimension_semantics = [#tpu.dimension_semantics<arbitrary>, #tpu.dimension_semantics<arbitrary>], iteration_bounds = array<i64: 2, 10>, scalar_prefetch = 0 : i64, scratch_operands = 0 : i64, tpu.core_type = #tpu.core_type<tc>, window_params = [{transform_indices = @transform_0, window_bounds = array<i64: 2, 1000, 64>}, {transform_indices = @transform_1, window_bounds = array<i64: 1, 128, 32>}, {transform_indices = @transform_2, window_bounds = array<i64: 1000, 32>}]} {
    %get3A = arith.constant 0 : index
    %get3A_0 = arith.constant 0 : index
    %get3A_1 = arith.constant 0 : index
    %get3A_2 = vector.load %arg2[%get3A, %get3A_0, %get3A_1] : memref<2x1000x64xf32, #tpu.memory_space<vmem>>, vector<1x1000x64xf32>
    %get3A_3 = vector.shape_cast %get3A_2 : vector<1x1000x64xf32> to vector<1000x64xf32>
    %max3A = arith.constant 0.000000e+00 : f32
    %max3A_4 = vector.broadcast %max3A : f32 to vector<1000x64xf32>
    %max3A_5 = arith.maximumf %get3A_3, %max3A_4 : vector<1000x64xf32>
    %get3A_6 = arith.constant 1 : index
    %get3A_7 = arith.constant 0 : index
    %get3A_8 = arith.constant 0 : index
    %get3A_9 = vector.load %arg2[%get3A_6, %get3A_7, %get3A_8] : memref<2x1000x64xf32, #tpu.memory_space<vmem>>, vector<1x1000x64xf32>
    %get3A_10 = vector.shape_cast %get3A_9 : vector<1x1000x64xf32> to vector<1000x64xf32>
    %max3A_11 = arith.constant 0.000000e+00 : f32
    %max3A_12 = vector.broadcast %max3A_11 : f32 to vector<1000x64xf32>
    %max3A_13 = arith.maximumf %get3A_10, %max3A_12 : vector<1000x64xf32>
    %get3A_14 = arith.constant 0 : index
    %get3A_15 = arith.constant 0 : index
    %get3A_16 = arith.constant 0 : index
    %get3A_17 = vector.load %arg3[%get3A_14, %get3A_15, %get3A_16] : memref<1x128x32xf32, #tpu.memory_space<vmem>>, vector<1x128x32xf32>
    %get3A_18 = vector.shape_cast %get3A_17 : vector<1x128x32xf32> to vector<128x32xf32>
    %slice3A = vector.extract_strided_slice %get3A_18 {offsets = [0, 0], sizes = [64, 32], strides = [1, 1]} : vector<128x32xf32> to vector<64x32xf32>
    %dot_general3A = arith.constant dense<0.000000e+00> : vector<1000x32xf32>
    %dot_general3A_19 = tpu.matmul %max3A_5, %slice3A, %dot_general3A {dimension_numbers = #tpu.dot_dimension_numbers<[1], [0], [0], [1], [0, 0, 1, 1], [], []>, transpose_lhs_hint = false} : vector<1000x64xf32>, vector<64x32xf32>, vector<1000x32xf32> -> vector<1000x32xf32>
    %slice3A_20 = vector.extract_strided_slice %get3A_18 {offsets = [64, 0], sizes = [64, 32], strides = [1, 1]} : vector<128x32xf32> to vector<64x32xf32>
    %dot_general3A_21 = arith.constant dense<0.000000e+00> : vector<1000x32xf32>
    %dot_general3A_22 = tpu.matmul %max3A_13, %slice3A_20, %dot_general3A_21 {dimension_numbers = #tpu.dot_dimension_numbers<[1], [0], [0], [1], [0, 0, 1, 1], [], []>, transpose_lhs_hint = false} : vector<1000x64xf32>, vector<64x32xf32>, vector<1000x32xf32> -> vector<1000x32xf32>
    %add3A = arith.addf %dot_general3A_19, %dot_general3A_22 : vector<1000x32xf32>
    %convert_element_type3A = arith.truncf %add3A : vector<1000x32xf32> to vector<1000x32xbf16>
    %swap3A = arith.constant 0 : index
    %swap3A_23 = arith.constant 0 : index
    %swap3A_24 = vector.load %arg4[%swap3A, %swap3A_23] : memref<1000x32xbf16, #tpu.memory_space<vmem>>, vector<1000x32xbf16>
    tpu.vector_store %arg4[%swap3A, %swap3A_23], %convert_element_type3A {strides = array<i32>} : memref<1000x32xbf16, #tpu.memory_space<vmem>>, vector<1000x32xbf16>,
    return
  }
  func.func @transform_0(%arg0: i32, %arg1: i32) -> (i32, i32, i32) {
    %c0_i32 = arith.constant 0 : i32
    %c0_i32_0 = arith.constant 0 : i32
    %c0_i32_1 = arith.constant 0 : i32
    return %c0_i32, %arg1, %c0_i32_0 : i32, i32, i32
  }
  func.func @transform_1(%arg0: i32, %arg1: i32) -> (i32, i32, i32) {
    %c0_i32 = arith.constant 0 : i32
    %c0_i32_0 = arith.constant 0 : i32
    %c0_i32_1 = arith.constant 0 : i32
    return %arg0, %c0_i32, %c0_i32_0 : i32, i32, i32
  }
  func.func @transform_2(%arg0: i32, %arg1: i32) -> (i32, i32) {
    %mul3A = arith.constant 10 : i32
    %mul3A_0 = arith.muli %arg0, %mul3A : i32
    %add3A = arith.addi %mul3A_0, %arg1 : i32
    %c0_i32 = arith.constant 0 : i32
    %c0_i32_1 = arith.constant 0 : i32
    return %add3A, %c0_i32 : i32, i32
  }
}

module attributes {stable_mosaic.version = 14 : i64} {
  func.func @_lsm_body(%arg0: i32, %arg1: memref<2x1000x32xf32, #tpu.memory_space<vmem>>, %arg2: memref<1000x64xf32, #tpu.memory_space<vmem>>) attributes {dimension_semantics = [#tpu.dimension_semantics<arbitrary>], iteration_bounds = array<i64: 10>, scalar_prefetch = 0 : i64, scratch_operands = 0 : i64, tpu.core_type = #tpu.core_type<tc>, window_params = [{transform_indices = @transform_0, window_bounds = array<i64: 2, 1000, 32>}, {transform_indices = @transform_1, window_bounds = array<i64: 1000, 64>}]} {
    %get3A = arith.constant 0 : index
    %get3A_0 = arith.constant 0 : index
    %get3A_1 = arith.constant 0 : index
    %get3A_2 = vector.load %arg1[%get3A, %get3A_0, %get3A_1] : memref<2x1000x32xf32, #tpu.memory_space<vmem>>, vector<1x1000x32xf32>
    %get3A_3 = vector.shape_cast %get3A_2 : vector<1x1000x32xf32> to vector<1000x32xf32>
    %get3A_4 = arith.constant 1 : index
    %get3A_5 = arith.constant 0 : index
    %get3A_6 = arith.constant 0 : index
    %get3A_7 = vector.load %arg1[%get3A_4, %get3A_5, %get3A_6] : memref<2x1000x32xf32, #tpu.memory_space<vmem>>, vector<1x1000x32xf32>
    %get3A_8 = vector.shape_cast %get3A_7 : vector<1x1000x32xf32> to vector<1000x32xf32>
    %reduce_max3A = arith.constant dense<0xFF800000> : vector<1000xf32>
    %reduce_max3A_9 = vector.multi_reduction <maximumf>, %get3A_3, %reduce_max3A [1] : vector<1000x32xf32> to vector<1000xf32>
    %broadcast_in_dim3A = vector.shape_cast %reduce_max3A_9 : vector<1000xf32> to vector<1000x1xf32>
    %reduce_max3A_10 = arith.constant dense<0xFF800000> : vector<1000xf32>
    %reduce_max3A_11 = vector.multi_reduction <maximumf>, %get3A_8, %reduce_max3A_10 [1] : vector<1000x32xf32> to vector<1000xf32>
    %broadcast_in_dim3A_12 = vector.shape_cast %reduce_max3A_11 : vector<1000xf32> to vector<1000x1xf32>
    %max3A = arith.maximumf %broadcast_in_dim3A, %broadcast_in_dim3A_12 : vector<1000x1xf32>
    %sub3A = vector.broadcast %max3A : vector<1000x1xf32> to vector<1000x32xf32>
    %sub3A_13 = arith.subf %get3A_3, %sub3A : vector<1000x32xf32>
    %exp3A = math.exp %sub3A_13 : vector<1000x32xf32>
    %reduce_sum3A = arith.constant dense<0.000000e+00> : vector<1000xf32>
    %reduce_sum3A_14 = vector.multi_reduction <add>, %exp3A, %reduce_sum3A [1] : vector<1000x32xf32> to vector<1000xf32>
    %broadcast_in_dim3A_15 = vector.shape_cast %reduce_sum3A_14 : vector<1000xf32> to vector<1000x1xf32>
    %sub3A_16 = vector.broadcast %max3A : vector<1000x1xf32> to vector<1000x32xf32>
    %sub3A_17 = arith.subf %get3A_8, %sub3A_16 : vector<1000x32xf32>
    %exp3A_18 = math.exp %sub3A_17 : vector<1000x32xf32>
    %reduce_sum3A_19 = arith.constant dense<0.000000e+00> : vector<1000xf32>
    %reduce_sum3A_20 = vector.multi_reduction <add>, %exp3A_18, %reduce_sum3A_19 [1] : vector<1000x32xf32> to vector<1000xf32>
    %broadcast_in_dim3A_21 = vector.shape_cast %reduce_sum3A_20 : vector<1000xf32> to vector<1000x1xf32>
    %add3A = arith.addf %broadcast_in_dim3A_15, %broadcast_in_dim3A_21 : vector<1000x1xf32>
    %log3A = math.log %add3A : vector<1000x1xf32>
    %add3A_22 = arith.addf %log3A, %max3A : vector<1000x1xf32>
    %sub3A_23 = vector.broadcast %add3A_22 : vector<1000x1xf32> to vector<1000x32xf32>
    %sub3A_24 = arith.subf %get3A_3, %sub3A_23 : vector<1000x32xf32>
    %swap3A = arith.constant 0 : index
    %swap3A_25 = arith.constant 0 : index
    %swap3A_26 = vector.load %arg2[%swap3A, %swap3A_25] : memref<1000x64xf32, #tpu.memory_space<vmem>>, vector<1000x32xf32>
    tpu.vector_store %arg2[%swap3A, %swap3A_25], %sub3A_24 {strides = array<i32>} : memref<1000x64xf32, #tpu.memory_space<vmem>>, vector<1000x32xf32>,
    %sub3A_27 = vector.broadcast %add3A_22 : vector<1000x1xf32> to vector<1000x32xf32>
    %sub3A_28 = arith.subf %get3A_8, %sub3A_27 : vector<1000x32xf32>
    %swap3A_29 = arith.constant 0 : index
    %swap3A_30 = arith.constant 32 : index
    %swap3A_31 = vector.load %arg2[%swap3A_29, %swap3A_30] : memref<1000x64xf32, #tpu.memory_space<vmem>>, vector<1000x32xf32>
    tpu.vector_store %arg2[%swap3A_29, %swap3A_30], %sub3A_28 {strides = array<i32>} : memref<1000x64xf32, #tpu.memory_space<vmem>>, vector<1000x32xf32>,
    return
  }
  func.func @transform_0(%arg0: i32) -> (i32, i32, i32) {
    %c0_i32 = arith.constant 0 : i32
    %c0_i32_0 = arith.constant 0 : i32
    %c0_i32_1 = arith.constant 0 : i32
    return %c0_i32, %arg0, %c0_i32_0 : i32, i32, i32
  }
  func.func @transform_1(%arg0: i32) -> (i32, i32) {
    %c0_i32 = arith.constant 0 : i32
    %c0_i32_0 = arith.constant 0 : i32
    return %arg0, %c0_i32 : i32, i32
  }
}

</mosaic_0001>

<sc_bundles>
// kernel: kernel.10.cloned.1.call-start
scs
__scs_entry_jumppad:
0x0: {  	(pc) =	sbr.rel $0x88, $3  }
0x1: {  	(tag) =	ssettag $0x0;
	lr =	simm.s32 $0x1  }
0x2: {  	[smem:$0x3F9C] =	sst lr;
	_ =	strace $0xD0000000  }
0x3: {  	_ = 	snop  }
0x4: {  	_ = 	snop  }
0x5: {  	_ = 	snop  }
0x6: {  	_ = 	snop  }
0x7: {  	_ = 	snop  }
__scs_overlays_trampoline_lowered:
0x8: {  	[smem:$0x3FAB] =	sst s0  }
0x9: {  	[smem:$0x3FAC] =	sst s1  }
0xa: {  	[smem:$0x3FAD] =	sst s2  }
0xb: {  	[smem:$0x3FAE] =	sst s3  }
0xc: {  	[smem:$0x3FAF] =	sst s4  }
0xd: {  	[smem:$0x3FB0] =	sst s5  }
0xe: {  	[smem:$0x3FB1] =	sst s6  }
0xf: {  	[smem:$0x3FB2] =	sst s7  }
0x10: {  	[smem:$0x3FB3] =	sst s8  }
0x11: {  	[smem:$0x3FB4] =	sst s9;
	s0 =	simm.s32 @!p0 $0x0  }
0x12: {  	s1 =	sld [smem:$0x3F9A];
	s0 =	simm.s32 @p0 $0x1  }
0x13: {  	[smem:$0x3FB5] =	sst s0;
	s0 =	simm.s32 @!p1 $0x0  }
0x14: {  	s2 =	sld [smem:$0x3F99];
	s0 =	simm.s32 @p1 $0x1  }
0x15: {  	[smem:$0x3FB6] =	sst s0;
	s0 =	simm.s32 @!p2 $0x0  }
0x16: {  	s3 =	sld [smem:$0x3FDB];
	s0 =	simm.s32 @p2 $0x1  }
0x17: {  	s4 =	simm.s32 $0x1BF5;
	[smem:$0x3FB8] =	sst s0  }
0x18: {  	s0 =	sld [smem:$0x3F9B];
	_ =	swait.ge [sflag:s4], $0x0  }
0x19: {  	s7 =	sld [smem:$0x3F9C]  }
0x1a: {  	s8 =	sadd.s32 $0xFFFFE003, lr  }
0x1b: {  	s9 =	sadd.s32 $0xFFFFFEF7, lr;
	s5 =	simm.s32 $0xFFFFFFFF;
	p2 =	slt.u32 s8, $0xFFFFF086  }
0x1c: {  	p1 =	slt.u32 s9, $0xF7A;
	s5 =	simm.s32 @!p2 $0x0  }
0x1d: {  	s5 =	simm.s32 @p1 $0x1;
	p0 =	seq.s32 s7, s2  }
0x1e: {  	s7 =	smul.u32 @!p0 $0xF7A, s2;
	p2 =	seq.s32 @!p0 s5, $0x0  }
0x1f: {  	s9 =	smul.u32 $0xF7A, s1;
	s8 =	simm.s32 @!p0 $0x1BF5;
	p2 =	por !p2, p0  }
0x20: {  	[sflag:s8] =	ssyncset.s32 @!p0 $0xFFFFF086;
	s6 =	sadd.s32 @!p0 s3, s7;
	s7 =	simm.s32 @!p0 $0x108  }
0x21: {  	s3 =	sadd.s32 s3, s9;
	s6 =	sadd.s32 @!p0 $0x88, s6;
	s7 =	simm.s32 @p2 $0x1082  }
0x22: {  	[simem:s7], [sflag:s8] =	dma.local @!p0 [hbm:s6], $0xF7A  }
0x23: {  	s9 =	sor.u32 $0xD0000000, s2;
	s6 =	simm.s32 $0x108;
	_ =	swait.ge @!p0 [sflag:s8], $0x0  }
0x24: {  	s3 =	sadd.s32 $0x88, s3;
	s6 =	simm.s32 @!p1 $0x1082;
	[sflag:s4] =	ssyncset.s32 $0xFFFFF086  }
0x25: {  	[simem:s6], [sflag:s4] =	dma.local [hbm:s3], $0xF7A  }
0x26: {  	[smem:$0x3F9C] =	sst s1;
	(tag) =	ssettag s2;
	_ =	strace s9  }
0x27: {  	s1 =	sld [smem:$0x3FAC]  }
0x28: {  	s2 =	sld [smem:$0x3FAD]  }
0x29: {  	s4 =	sld [smem:$0x3FAF]  }
0x2a: {  	p0 =	seq.s32 s5, $0x0;
	s5 =	sld [smem:$0x3FB0]  }
0x2b: {  	s6 =	sld [smem:$0x3FB1]  }
0x2c: {  	s7 =	sld [smem:$0x3FB2]  }
0x2d: {  	s3 =	simm.s32 $0x108;
	s8 =	sld [smem:$0x3FB3]  }
0x2e: {  	s3 =	simm.s32 @!p0 $0x1082;
	s9 =	sld [smem:$0x3FB4]  }
0x2f: {  	lr =	sadd.s32 s0, s3;
	s0 =	sld [smem:$0x3FAB]  }
0x30: {  	s3 =	sld [smem:$0x3FAE]  }
0x31: {  	[smem:$0x3FB7] =	sst s10  }
0x32: {  	s10 =	sld [smem:$0x3FB5];
	_ =	sdelay $0x3  }
0x33: {  	p0 =	seq.s32 s10, $0x1;
	s10 =	sld [smem:$0x3FB7];
	_ =	sdelay $0x3  }
0x34: {  	[smem:$0x3FB7] =	sst s10  }
0x35: {  	s10 =	sld [smem:$0x3FB6];
	_ =	sdelay $0x3  }
0x36: {  	p1 =	seq.s32 s10, $0x1;
	s10 =	sld [smem:$0x3FB7];
	_ =	sdelay $0x3  }
0x37: {  	[smem:$0x3FB7] =	sst s10  }
0x38: {  	s10 =	sld [smem:$0x3FB8]  }
0x39: {  	_ = 	snop;
	(pc) =	sbr.ind lr, $3  }
0x3a: {  	_ = 	snop  }
0x3b: {  	_ = 	snop  }
0x3c: {  	p2 =	seq.s32 s10, $0x1;
	s10 =	sld [smem:$0x3FB7]  }
0x3d: {  	_ =	shalt  }
0x3e: {  	_ =	shalt  }
0x3f: {  	_ =	shalt  }
0x40: {  	_ =	shalt  }
0x41: {  	_ =	shalt  }
0x42: {  	_ =	shalt  }
0x43: {  	_ =	shalt  }
0x44: {  	_ =	shalt  }
0x45: {  	_ =	shalt  }
0x46: {  	_ =	shalt  }
0x47: {  	_ =	shalt  }
0x48: {  	_ =	shalt  }
0x49: {  	_ =	shalt  }
0x4a: {  	_ =	shalt  }
0x4b: {  	_ =	shalt  }
0x4c: {  	_ =	shalt  }
0x4d: {  	_ =	shalt  }
0x4e: {  	_ =	shalt  }
0x4f: {  	_ =	shalt  }
0x50: {  	_ =	shalt  }
0x51: {  	_ =	shalt  }
0x52: {  	_ =	shalt  }
0x53: {  	_ =	shalt  }
0x54: {  	_ =	shalt  }
0x55: {  	_ =	shalt  }
0x56: {  	_ =	shalt  }
0x57: {  	_ =	shalt  }
0x58: {  	_ =	shalt  }
0x59: {  	_ =	shalt  }
0x5a: {  	_ =	shalt  }
0x5b: {  	_ =	shalt  }
0x5c: {  	_ =	shalt  }
0x5d: {  	_ =	shalt  }
0x5e: {  	_ =	shalt  }
0x5f: {  	_ =	shalt  }
0x60: {  	_ =	shalt  }
0x61: {  	_ =	shalt  }
0x62: {  	_ =	shalt  }
0x63: {  	_ =	shalt  }
0x64: {  	_ =	shalt  }
0x65: {  	_ =	shalt  }
0x66: {  	_ =	shalt  }
0x67: {  	_ =	shalt  }
0x68: {  	_ =	shalt  }
0x69: {  	_ =	shalt  }
0x6a: {  	_ =	shalt  }
0x6b: {  	_ =	shalt  }
0x6c: {  	_ =	shalt  }
0x6d: {  	_ =	shalt  }
0x6e: {  	_ =	shalt  }
0x6f: {  	_ =	shalt  }
0x70: {  	_ =	shalt  }
0x71: {  	_ =	shalt  }
0x72: {  	_ =	shalt  }
0x73: {  	_ =	shalt  }
0x74: {  	_ =	shalt  }
0x75: {  	_ =	shalt  }
0x76: {  	_ =	shalt  }
0x77: {  	_ =	shalt  }
0x78: {  	_ =	shalt  }
0x79: {  	_ =	shalt  }
0x7a: {  	_ =	shalt  }
0x7b: {  	_ =	shalt  }
0x7c: {  	_ =	shalt  }
0x7d: {  	_ =	shalt  }
0x7e: {  	_ =	shalt  }
0x7f: {  	_ =	shalt  }
0x80: {  	_ =	shalt  }
0x81: {  	_ =	shalt  }
0x82: {  	_ =	shalt  }
0x83: {  	_ =	shalt  }
0x84: {  	_ =	shalt  }
0x85: {  	_ =	shalt  }
0x86: {  	_ =	shalt  }
0x87: {  	_ =	shalt  }
.Lfunc_end0:
.L_simem_size_0:
called_computation.1_lowered:
.L_overlay_start_0:
0x88: {  	s2 =	sld [smem:$0x3FD9]  }
0x89: {  	s3 =	sld [smem:$0x3FFE];
	_ =	sdelay $0x1  }
0x8a: {  	s1 =	srdreg.scid  }
0x8b: {  	s0 =	sand.u32 $0x1, s1  }
0x8c: {  	s17 =	sshll.u32 s0, $0xA;
	s2 =	sadd.s32 s3, s2  }
0x8d: {  	s2 =	sadd.s32 s2, s17  }
0x8e: {  	[smem:$0x3FC3] =	sst s2  }
0x8f: {  	_ = 	snop  }
0x90: {  	s2 =	sld [smem:$0x3FD0];
	(tm) =	ssettm $0x1  }
0x91: {  	s18 =	sld [smem:$0x3FFB];
	_ =	sdelay $0x3  }
0x92: {  	_ =	strace s18  }
0x93: {  	s3 =	sld [smem:$0x3FFC];
	_ =	sdelay $0x3  }
0x94: {  	_ =	strace s3  }
0x95: {  	s3 =	sld [smem:$0x3FFD];
	_ =	sdelay $0x3  }
0x96: {  	_ =	strace s3  }
0x97: {  	_ =	strace $0x8FFFFFFF  }
0x98: {  	s19 =	sld [smem:$0x3FDB];
	_ =	sdelay $0x1  }
0x99: {  	s4 =	simm.s32 $_scs_section_size  }
0x9a: {  	s5 =	simm.s32 $_size__tile_overlayer_lowered;
	s6 =	simm.s32 $_tile_overlayer_lowered  }
0x9b: {  	s22 =	simm.s32 $0x1BFF;
	s21 =	sshll.u32 s6, $0x1;
	s3 =	sadd.s32 s4, s19  }
0x9c: {  	s7 =	simm.s32 $0x0;
	s20 =	sshll.u32 s5, $0x1;
	s5 =	sadd.s32 s21, s3  }
0x9d: {  	[timem:s7], [sflag:s22] =	dma.local [hbm:s5], s20  }
0x9e: {  	_ =	swait.ge [sflag:s22], s20  }
0x9f: {  	s4 =	ssub.s32 $0x0, s20;
	[sflag:s22] =	ssyncset.done $0x0  }
0xa0: {  	[sflag:s22] =	ssyncadd.s32 s4;
	_ =	sdelay $0x1  }
0xa1: {  	s23 =	simm.s32 $0x1B8B  }
0xa2: {  	_ =	swait.ge [sflag:s23], $0x1  }
0xa3: {  	[sflag:s23] =	ssyncset.done $0x0  }
0xa4: {  	s25 =	simm.s32 $0x1B8E;
	s24 =	sld [smem:$0x3FFE];
	[sflag:s23] =	ssyncadd.s32 $0xFFFFFFFF  }
0xa5: {  	s26 =	simm.s32 $execute0_lowered;
	[smem:$0x3FD2] =	sst s25  }
0xa6: {  	s5 =	sshll.u32 s26, $0x1;
	_ =	strace $0x80000049;
	[dreg:$0x1] =	wrdreg $0xFFFFFFFF  }
0xa7: {  	s28 =	simm.s32 $_size_execute0_lowered;
	s3 =	sadd.s32 s3, s5;
	[dreg:$0x0] =	wrdreg $0x0  }
0xa8: {  	s5 =	sshll.u32 s28, $0x1;
	[dreg:$0x2] =	wrdreg s3  }
0xa9: {  	[dreg:$0x3] =	wrdreg s5  }
0xaa: {  	[dreg:$0x4] =	wrdreg $0xC0  }
0xab: {  	_ =	task [dreg:s7], $0x5FFFF  }
0xac: {  	[dreg:$0x1] =	wrdreg $0xFFFFFFFF  }
0xad: {  	[dreg:$0x0] =	wrdreg $0x60  }
0xae: {  	[dreg:$0x2] =	wrdreg s2  }
0xaf: {  	[dreg:$0x3] =	wrdreg s24  }
0xb0: {  	[dreg:$0x4] =	wrdreg $0x11D000  }
0xb1: {  	[dreg:$0x5] =	wrdreg $0x9  }
0xb2: {  	_ =	task.clear_ibuf [dreg:s7], $0x6FFFF;
	_ =	strace $0x90000049  }
0xb3: {  	s29 =	simm.s32 $0x9;
	_ =	strace $0x8000004B  }
0xb4: {  	_ =	swait.ge [sflag:s29], $0x1  }
0xb5: {  	[sflag:s29] =	ssyncadd.s32 $0xFFFFFFFF  }
0xb6: {  	_ =	strace $0x9000004B  }
0xb7: {  	_ =	sfence  }
0xb8: {  	s30 =	sld [smem:$0x0];
	_ =	sdelay $0x2  }
0xb9: {  	s31 =	sshll.u32 s1, $0xD;
	s1 =	sshrl.u32 s1, $0x2  }
0xba: {  	s3 =	sand.u32 $0x4000, s31;
	s1 =	sadd.s32 s1, s30  }
0xbb: {  	s0 =	sor.u32 s3, s0;
	s1 =	sshll.u32 s1, $0x11  }
0xbc: {  	s0 =	sor.u32 s1, s0  }
0xbd: {  	s0 =	sadd.s32 $0x8F2B, s0  }
0xbe: {  	[sflag:s0] =	ssyncadd.remote.s32 $0x1  }
0xbf: {  	_ =	sfence.sel $0xFFFF  }
0xc0: {  	[dreg:$0x0] =	wrdreg $0xFFFFFFFF;
	(pc) =	sbr.abs _section_cstart, $3  }
0xc1: {  	[dreg:$0x1] =	wrdreg $0xFFFFFFFF  }
0xc2: {  	_ =	task.clear_ibuf [dreg:s7], $0x2FFFF;
	_ =	strace $0x9FFFFFFF  }
0xc3: {  	(tm) =	ssettm $0x7FFFFFFF  }
tec
execute0_lowered:
.L_overlay_start_1:
0x0: {  	(tag) =	ssettag $0x1  }
0x1: {  	s1 =	rddreg [dreg:$0x0]  }
0x2: {  	s0 =	rddreg [dreg:$0x1];
	s9 =	stileid.u32  }
0x3: {  	s2 =	srdreg.scid;
	s3 =	rddreg [dreg:$0x2]  }
0x4: {  	s4 =	simm.s32 $0x0;
	s15 =	simm.s32 $0x5;
	s18 =	simm.s32 $0xFD00  }
0x5: {  	s19 =	simm.s32 $0x80;
	s21 =	simm.s32 $0xF500;
	s22 =	simm.s32 $0x1  }
0x6: {  	s23 =	simm.s32 $0x2;
	s24 =	simm.s32 $0x10D00;
	s5 =	smul.u32 $0x5000, s9  }
0x7: {  	s25 =	simm.s32 $0x3;
	s28 =	simm.s32 $0x0;
	s7 =	smul.u32 $0x9E0, s9  }
0x8: {  	s2 =	sand.u32 $0x1, s2;
	[smem:$0x7FF] =	sst s4;
	s9 =	smul.u32 $0x14000, s9  }
0x9: {  	s6 =	smul.u32 $0x50000, s2;
	_ =	strace $0x8000004A;
	s8 =	ssub.s32 $0x2, s2  }
0xa: {  	s2 =	smul.u32 $0x2710, s2;
	s7 =	sadd.s32 s7, s0;
	s26 =	sshrl.u32 s8, $0x1  }
0xb: {  	s30 =	sshrl.u32 s9, $0x2;
	s6 =	sadd.s32 s5, s6;
	s29 =	sadd.s32 $0xE00, s7  }
0xc: {  	s31 =	sadd.s32 $0xAC00, s7;
	s7 =	sadd.s32 $0x14A00, s7;
	[dreg:$0x4] =	wrdreg s29  }
.Ltmp0:
0xd: {  	s12 =	sadd.s32 s30, s3;
	[dreg:$0x5] =	wrdreg s31;
	(pc) =	sbr.rel .LBB2_1-.Ltmp0, $4  }
0xe: {  	s6 =	sshrl.u32 s6, $0x3;
	[dreg:$0x6] =	wrdreg s7;
	s9 =	sadd.s32 $0x1000, s12  }
0xf: {  	s10 =	sadd.s32 $0x2000, s12;
	s11 =	sadd.s32 $0x3000, s12;
	s12 =	sadd.s32 $0x4000, s12  }
0x10: {  	s0 =	sadd.s32 s6, s0;
	s6 =	ssub.s32 s8, s26;
	s8 =	sadd.s32 s5, s3  }
0x11: {  	v1 =	vimm.f32 $0.0e+00;
	v0 =	vmov s2;
	s26 =	simm.s32 $0x4;
	s13 =	sadd.s32 $0x1E800, s0;
	s14 =	smax.u32 s6, $0x1  }
.LBB2_12:
0x12: {  	[spmem:s3] =	stream.indirect.scatter.add.f32 [tilespmem:s24], [sflag:$0x4], $0x20, s0, s19, $0xb8;
	[tilespmem:$0x16D00] =	vst v63  }
0x13: {  	_ =	swait.ge [sflag:s25], $0x1000  }
0x14: {  	[sflag:s25] =	ssyncset.done $0x0  }
0x15: {  	[sflag:s25] =	ssyncadd.s32 $0xFFFFF000  }
0x16: {  	s31 =	stileid.u32;
	_ =	swait.ge [sflag:s26], $0x1000  }
0x17: {  	s2 =	sshrl.u32 s8, $0x3;
	s28 =	sadd.s32 $0x1, s28;
	[sflag:s26] =	ssyncset.done $0x0  }
0x18: {  	s0 =	sshll.u32 s31, $0x6;
	p0 =	sne.s32 s28, s14;
	[sflag:s26] =	ssyncadd.s32 $0xFFFFF000  }
.Ltmp1:
0x19: {  	s0 =	sor.u32 $0x1C05, s0;
	[bflag:$0x0] =	sbarrier.arrive $0xFFFF;
	(pc) =	sbr.rel @!p0 .LBB2_13-.Ltmp1, $4  }
0x1a: {  	[hbm:s13], [sflag:s0] =	dma.local [spmem:s2], $0xA00  }
0x1b: {  	_ =	swait.ge [sflag:s15], $0xA00  }
0x1c: {  	[sflag:s15] =	ssyncset.done $0x0  }
0x1d: {  	[sflag:s15] =	ssyncadd.s32 $0xFFFFF600  }
.LBB2_1:
0x1e: {  	s0 =	rddreg [dreg:$0x4]  }
0x1f: {  	[tilespmem:s4], [sflag:$0x5] =	stream.linear.gather [hbm4b:s0+s4], $0x4F00, $0x38;
	[tilespmem:$0x16D00] =	vst v63  }
0x20: {  	_ =	swait.ge [sflag:s15], $0x4F00  }
0x21: {  	[sflag:s15] =	ssyncset.done $0x0  }
0x22: {  	s2 =	simm.s32 $0x4F00;
	s29 =	rddreg [dreg:$0x5];
	[sflag:s15] =	ssyncadd.s32 $0xFFFFB100  }
0x23: {  	[tilespmem:s2], [sflag:$0x5] =	stream.linear.gather [hbm4b:s29+s4], $0x4F00, $0x38;
	[tilespmem:$0x16D00] =	vst v63  }
0x24: {  	_ =	swait.ge [sflag:s15], $0x4F00  }
0x25: {  	[sflag:s15] =	ssyncset.done $0x0  }
0x26: {  	s31 =	simm.s32 $0x9E00;
	s30 =	rddreg [dreg:$0x6];
	[sflag:s15] =	ssyncadd.s32 $0xFFFFB100  }
0x27: {  	[tilespmem:s31], [sflag:$0x5] =	stream.linear.gather [hbm4b:s30+s4], $0x4F00, $0x38;
	[tilespmem:$0x16D00] =	vst v63  }
0x28: {  	_ =	swait.ge [sflag:s15], $0x4F00  }
0x29: {  	[sflag:s15] =	ssyncset.done $0x0  }
0x2a: {  	s0 =	simm.s32 $0x0;
	[sflag:s15] =	ssyncadd.s32 $0xFFFFB100  }
0x2b: {  	v4 =	vld [tilespmem:s0+$0x0]  }
0x2c: {  	v6 =	vld [tilespmem:s0+$0x10]  }
0x2d: {  	v5 =	vld [tilespmem:s0+$0x20]  }
0x2e: {  	v3 =	vld [tilespmem:s0+$0x30]  }
0x2f: {  	v2 =	vld [tilespmem:s0+$0x40]  }
0x30: {  	v7 =	vadd.s32 v0, v4;
	v4 =	vld [tilespmem:s0+$0x50]  }
0x31: {  	s2 =	simm.s32 $0x200;
	[tilespmem:s0+$0x0] =	vst v7;
	v7 =	vadd.s32 v0, v6;
	v6 =	vld [tilespmem:s0+$0x60]  }
.LBB2_2:
0x32: {  	s5 =	sshra.s32 s2, $0x2;
	p0 =	sne.s32 s2, $0x13A00;
	[tilespmem:s0+$0x10] =	vst v7;
	v5 =	vadd.s32 v0, v5;
	v7 =	vld [tilespmem:s0+$0x70]  }
0x33: {  	v8 =	vld [tilespmem:s5+$0x0];
	[tilespmem:s0+$0x20] =	vst v5;
	v3 =	vadd.s32 v0, v3  }
0x34: {  	v9 =	vld [tilespmem:s5+$0x10];
	[tilespmem:s0+$0x30] =	vst v3;
	v2 =	vadd.s32 v0, v2  }
.Ltmp2:
0x35: {  	v5 =	vld [tilespmem:s5+$0x20];
	[tilespmem:s0+$0x40] =	vst v2;
	v2 =	vadd.s32 v0, v4;
	(pc) =	sbr.rel @p0 .LBB2_2-.Ltmp2, $4  }
0x36: {  	v3 =	vld [tilespmem:s5+$0x30];
	[tilespmem:s0+$0x50] =	vst v2;
	v4 =	vadd.s32 v0, v6  }
0x37: {  	v2 =	vld [tilespmem:s5+$0x40];
	[tilespmem:s0+$0x60] =	vst v4;
	v6 =	vadd.s32 v0, v7  }
0x38: {  	v7 =	vadd.s32 v0, v8;
	v4 =	vld [tilespmem:s5+$0x50];
	[tilespmem:s0+$0x70] =	vst v6;
	s0 =	smov.u32 s5  }
0x39: {  	s2 =	sadd.s32 $0x200, s2;
	[tilespmem:s0+$0x0] =	vst v7;
	v7 =	vadd.s32 v0, v9;
	v6 =	vld [tilespmem:s0+$0x60]  }
0x3a: {  	[tilespmem:s0+$0x10] =	vst v7;
	v5 =	vadd.s32 v0, v5;
	v63 =	vld [tilespmem:s0+$0x70]  }
0x3b: {  	[tilespmem:s0+$0x20] =	vst v5;
	v3 =	vadd.s32 v0, v3  }
0x3c: {  	[tilespmem:s0+$0x30] =	vst v3;
	v2 =	vadd.s32 v0, v2  }
0x3d: {  	[tilespmem:s0+$0x40] =	vst v2;
	v2 =	vadd.s32 v0, v4  }
0x3e: {  	[tilespmem:s0+$0x50] =	vst v2;
	v2 =	vadd.s32 v0, v6  }
0x3f: {  	[tilespmem:s0+$0x60] =	vst v2;
	v2 =	vadd.s32 v0, v63  }
0x40: {  	s2 =	simm.s32 $0x0;
	[tilespmem:s0+$0x70] =	vst v2;
	s0 =	simm.s32 $0x80  }
.LBB2_4:
0x41: {  	p0 =	sne.s32 s0, $0x3F80;
	[tilespmem:s2+$0xFD00] =	vst v1;
	s5 =	smov.u32 s0;
	s0 =	sadd.s32 $0x80, s0  }
.Ltmp3:
0x42: {  	[tilespmem:s2+$0xFD10] =	vst v1;
	(pc) =	sbr.rel @p0 .LBB2_4-.Ltmp3, $2  }
0x43: {  	_ =	sdelay $0x2  }
0x44: {  	s2 =	sshra.s32 s5, $0x2  }
0x45: {  	[tilespmem:s2+$0xFD00] =	vst v1  }
0x46: {  	[tilespmem:s2+$0xFD10] =	vst v1  }
0x47: {  	[spmem:s8] =	stream.linear.scatter [tilespmem:s18], [sflag:$0x5], $0x1000, $0x38;
	[tilespmem:$0x16D00] =	vst v63  }
0x48: {  	_ =	swait.ge [sflag:s15], $0x1000  }
0x49: {  	[sflag:s15] =	ssyncset.done $0x0  }
0x4a: {  	[sflag:s15] =	ssyncadd.s32 $0xFFFFF000  }
0x4b: {  	[spmem:s9] =	stream.linear.scatter [tilespmem:s18], [sflag:$0x5], $0x1000, $0x38;
	[tilespmem:$0x16D00] =	vst v63  }
0x4c: {  	_ =	swait.ge [sflag:s15], $0x1000  }
0x4d: {  	[sflag:s15] =	ssyncset.done $0x0  }
0x4e: {  	[sflag:s15] =	ssyncadd.s32 $0xFFFFF000  }
0x4f: {  	[spmem:s10] =	stream.linear.scatter [tilespmem:s18], [sflag:$0x5], $0x1000, $0x38;
	[tilespmem:$0x16D00] =	vst v63  }
0x50: {  	_ =	swait.ge [sflag:s15], $0x1000  }
0x51: {  	[sflag:s15] =	ssyncset.done $0x0  }
0x52: {  	[sflag:s15] =	ssyncadd.s32 $0xFFFFF000  }
0x53: {  	[spmem:s11] =	stream.linear.scatter [tilespmem:s18], [sflag:$0x5], $0x1000, $0x38;
	[tilespmem:$0x16D00] =	vst v63  }
0x54: {  	_ =	swait.ge [sflag:s15], $0x1000  }
0x55: {  	[sflag:s15] =	ssyncset.done $0x0  }
0x56: {  	[sflag:s15] =	ssyncadd.s32 $0xFFFFF000  }
0x57: {  	[spmem:s12] =	stream.linear.scatter [tilespmem:s18], [sflag:$0x5], $0x1000, $0x38;
	[tilespmem:$0x16D00] =	vst v63  }
0x58: {  	_ =	swait.ge [sflag:s15], $0x1000  }
0x59: {  	[sflag:s15] =	ssyncset.done $0x0  }
0x5a: {  	[sflag:s15] =	ssyncadd.s32 $0xFFFFF000  }
0x5b: {  	s29 =	simm.s32 $0x0;
	s0 =	simm.s32 $0xED00;
	[bflag:$0x0] =	sbarrier.arrive $0xFFFF  }
0x5c: {  	[tilespmem:s0], [sflag:$0x1] =	stream.indirect.gather [hbm4b:s1+s19], $0x10, s29, s19, $0xb8;
	[tilespmem:$0x16D00] =	vst v63  }
0x5d: {  	s30 =	simm.s32 $0x9E00;
	s31 =	simm.s32 $0x9E80  }
0x5e: {  	[tilespmem:s21], [sflag:$0x2] =	stream.indirect.gather [hbm4b:s1+s19], $0x10, s19, s19, $0xb8;
	[tilespmem:$0x16D00] =	vst v63  }
.LBB2_6:
0x5f: {  	_ =	swait.ge [sflag:s22], $0x800  }
0x60: {  	p0 =	seq.s32 s29, $0x0;
	v2 =	vmov s30;
	[sflag:s22] =	ssyncset.done $0x0  }
0x61: {  	s0 =	simm.s32 @!p0 $0x3;
	[sflag:s22] =	ssyncadd.s32 $0xFFFFF800  }
0x62: {  	_ =	swait.ge @!p0 [sflag:s0], $0x1000  }
0x63: {  	[sflag:s0] =	ssyncset.done @!p0 $0x0  }
0x64: {  	s20 =	simm.s32 $0x0;
	[sflag:s0] =	ssyncadd.s32 @!p0 $0xFFFFF000  }
0x65: {  	s16 =	simm.s32 $0xED80;
	v3 =	vld.idx.msk [tilespmem:v2+s20+$0x0 ss:$0x1], $0xffff  }
0x66: {  	v4 =	vld [tilespmem:s16+$0xFFFFFF80];
	_ =	sdelay $0x3  }
0x67: {  	v5 =	vbroadcast v3, $0x0  }
0x68: {  	v6 =	vshll.u32 v4, $0x10  }
0x69: {  	v4 =	vand.u32 $0xFFFF0000, v4;
	v6 =	vmul.f32 v6, v5  }
0x6a: {  	s17 =	simm.s32 $0xFE00;
	v4 =	vmul.f32 v4, v5  }
0x6b: {  	[tilespmem:s17+$0xFFFFFF00] =	vst v6  }
0x6c: {  	[tilespmem:s17+$0xFFFFFF10] =	vst v4  }
0x6d: {  	v4 =	vld [tilespmem:s16+$0xFFFFFF90];
	_ =	sdelay $0x3  }
0x6e: {  	v5 =	vbroadcast v3, $0x1  }
0x6f: {  	v6 =	vshll.u32 v4, $0x10  }
0x70: {  	v4 =	vand.u32 $0xFFFF0000, v4;
	v6 =	vmul.f32 v6, v5  }
0x71: {  	v4 =	vmul.f32 v4, v5  }
0x72: {  	[tilespmem:s17+$0xFFFFFF20] =	vst v6  }
0x73: {  	[tilespmem:s17+$0xFFFFFF30] =	vst v4  }
0x74: {  	v4 =	vld [tilespmem:s16+$0xFFFFFFA0];
	_ =	sdelay $0x3  }
0x75: {  	v5 =	vbroadcast v3, $0x2  }
0x76: {  	v6 =	vshll.u32 v4, $0x10  }
0x77: {  	v4 =	vand.u32 $0xFFFF0000, v4;
	v6 =	vmul.f32 v6, v5  }
0x78: {  	v4 =	vmul.f32 v4, v5  }
0x79: {  	[tilespmem:s17+$0xFFFFFF40] =	vst v6  }
0x7a: {  	[tilespmem:s17+$0xFFFFFF50] =	vst v4  }
0x7b: {  	v4 =	vld [tilespmem:s16+$0xFFFFFFB0];
	_ =	sdelay $0x3  }
0x7c: {  	v5 =	vbroadcast v3, $0x3  }
0x7d: {  	v6 =	vshll.u32 v4, $0x10  }
0x7e: {  	v4 =	vand.u32 $0xFFFF0000, v4;
	v6 =	vmul.f32 v6, v5  }
0x7f: {  	v4 =	vmul.f32 v4, v5  }
0x80: {  	[tilespmem:s17+$0xFFFFFF60] =	vst v6  }
0x81: {  	[tilespmem:s17+$0xFFFFFF70] =	vst v4  }
0x82: {  	v4 =	vld [tilespmem:s16+$0xFFFFFFC0];
	_ =	sdelay $0x3  }
0x83: {  	v5 =	vbroadcast v3, $0x4  }
0x84: {  	v6 =	vshll.u32 v4, $0x10  }
0x85: {  	v4 =	vand.u32 $0xFFFF0000, v4;
	v6 =	vmul.f32 v6, v5  }
0x86: {  	v4 =	vmul.f32 v4, v5  }
0x87: {  	[tilespmem:s17+$0xFFFFFF80] =	vst v6  }
0x88: {  	[tilespmem:s17+$0xFFFFFF90] =	vst v4  }
0x89: {  	v4 =	vld [tilespmem:s16+$0xFFFFFFD0];
	_ =	sdelay $0x3  }
0x8a: {  	v5 =	vbroadcast v3, $0x5  }
0x8b: {  	v6 =	vshll.u32 v4, $0x10  }
0x8c: {  	v4 =	vand.u32 $0xFFFF0000, v4;
	v6 =	vmul.f32 v6, v5  }
0x8d: {  	v4 =	vmul.f32 v4, v5  }
0x8e: {  	[tilespmem:s17+$0xFFFFFFA0] =	vst v6  }
0x8f: {  	[tilespmem:s17+$0xFFFFFFB0] =	vst v4  }
0x90: {  	v4 =	vld [tilespmem:s16+$0xFFFFFFE0];
	_ =	sdelay $0x3  }
0x91: {  	v5 =	vbroadcast v3, $0x6  }
0x92: {  	v6 =	vshll.u32 v4, $0x10  }
0x93: {  	v4 =	vand.u32 $0xFFFF0000, v4;
	v6 =	vmul.f32 v6, v5  }
0x94: {  	v4 =	vmul.f32 v4, v5  }
0x95: {  	[tilespmem:s17+$0xFFFFFFC0] =	vst v6  }
0x96: {  	[tilespmem:s17+$0xFFFFFFD0] =	vst v4  }
0x97: {  	v4 =	vld [tilespmem:s16+$0xFFFFFFF0];
	_ =	sdelay $0x3  }
0x98: {  	v5 =	vbroadcast v3, $0x7  }
0x99: {  	v6 =	vshll.u32 v4, $0x10  }
0x9a: {  	v4 =	vand.u32 $0xFFFF0000, v4;
	v6 =	vmul.f32 v6, v5  }
0x9b: {  	v4 =	vmul.f32 v4, v5  }
0x9c: {  	[tilespmem:s17+$0xFFFFFFE0] =	vst v6  }
0x9d: {  	[tilespmem:s17+$0xFFFFFFF0] =	vst v4  }
0x9e: {  	v4 =	vld [tilespmem:s16+$0x0];
	_ =	sdelay $0x3  }
0x9f: {  	v5 =	vbroadcast v3, $0x8  }
0xa0: {  	v6 =	vshll.u32 v4, $0x10  }
0xa1: {  	v4 =	vand.u32 $0xFFFF0000, v4;
	v6 =	vmul.f32 v6, v5  }
0xa2: {  	v4 =	vmul.f32 v4, v5  }
0xa3: {  	[tilespmem:s17+$0x0] =	vst v6  }
0xa4: {  	[tilespmem:s17+$0x10] =	vst v4  }
0xa5: {  	v4 =	vld [tilespmem:s16+$0x10];
	_ =	sdelay $0x3  }
0xa6: {  	v5 =	vbroadcast v3, $0x9  }
0xa7: {  	v6 =	vshll.u32 v4, $0x10  }
0xa8: {  	v4 =	vand.u32 $0xFFFF0000, v4;
	v6 =	vmul.f32 v6, v5  }
0xa9: {  	v4 =	vmul.f32 v4, v5  }
0xaa: {  	[tilespmem:s17+$0x20] =	vst v6  }
0xab: {  	[tilespmem:s17+$0x30] =	vst v4  }
0xac: {  	v4 =	vld [tilespmem:s16+$0x20];
	_ =	sdelay $0x3  }
0xad: {  	v5 =	vbroadcast v3, $0xA  }
0xae: {  	v6 =	vshll.u32 v4, $0x10  }
0xaf: {  	v4 =	vand.u32 $0xFFFF0000, v4;
	v6 =	vmul.f32 v6, v5  }
0xb0: {  	v4 =	vmul.f32 v4, v5  }
0xb1: {  	[tilespmem:s17+$0x40] =	vst v6  }
0xb2: {  	[tilespmem:s17+$0x50] =	vst v4  }
0xb3: {  	v4 =	vld [tilespmem:s16+$0x30];
	_ =	sdelay $0x3  }
0xb4: {  	v5 =	vbroadcast v3, $0xB  }
0xb5: {  	v6 =	vshll.u32 v4, $0x10  }
0xb6: {  	v4 =	vand.u32 $0xFFFF0000, v4;
	v6 =	vmul.f32 v6, v5  }
0xb7: {  	v4 =	vmul.f32 v4, v5  }
0xb8: {  	[tilespmem:s17+$0x60] =	vst v6  }
0xb9: {  	[tilespmem:s17+$0x70] =	vst v4  }
0xba: {  	v4 =	vld [tilespmem:s16+$0x40];
	_ =	sdelay $0x3  }
0xbb: {  	v5 =	vbroadcast v3, $0xC  }
0xbc: {  	v6 =	vshll.u32 v4, $0x10  }
0xbd: {  	v4 =	vand.u32 $0xFFFF0000, v4;
	v6 =	vmul.f32 v6, v5  }
0xbe: {  	v4 =	vmul.f32 v4, v5  }
0xbf: {  	[tilespmem:s17+$0x80] =	vst v6  }
0xc0: {  	[tilespmem:s17+$0x90] =	vst v4  }
0xc1: {  	v4 =	vld [tilespmem:s16+$0x50];
	_ =	sdelay $0x3  }
0xc2: {  	v5 =	vbroadcast v3, $0xD  }
0xc3: {  	v6 =	vshll.u32 v4, $0x10  }
0xc4: {  	v4 =	vand.u32 $0xFFFF0000, v4;
	v6 =	vmul.f32 v6, v5  }
0xc5: {  	v4 =	vmul.f32 v4, v5  }
0xc6: {  	[tilespmem:s17+$0xA0] =	vst v6  }
0xc7: {  	s2 =	sshll.u32 s29, $0xA;
	[tilespmem:s17+$0xB0] =	vst v4  }
0xc8: {  	s5 =	simm.s32 $0x40;
	s0 =	simm.s32 $0xED80;
	s20 =	simm.s32 $0xFE00;
	v4 =	vbroadcast v3, $0xE;
	v3 =	vbroadcast v3, $0xF;
	v5 =	vld [tilespmem:s16+$0x60]  }
.LBB2_7:
0xc9: {  	_ =	sdelay $0x1  }
0xca: {  	p1 =	sne.s32 s5, $0x1C0;
	s16 =	sadd.s32 $0x100, s16;
	s17 =	sadd.s32 $0x200, s17  }
0xcb: {  	s6 =	smov.u32 s5;
	s5 =	sadd.s32 $0x40, s5  }
0xcc: {  	v6 =	vshll.u32 v5, $0x10;
	v5 =	vand.u32 $0xFFFF0000, v5  }
0xcd: {  	v6 =	vmul.f32 v6, v4;
	v4 =	vmul.f32 v5, v4;
	_ =	sdelay $0x1  }
0xce: {  	[tilespmem:s20+$0xC0] =	vst v6  }
0xcf: {  	[tilespmem:s20+$0xD0] =	vst v4  }
0xd0: {  	v4 =	vld [tilespmem:s0+$0x70];
	s0 =	smov.u32 s16;
	_ =	sdelay $0x4  }
0xd1: {  	v5 =	vshll.u32 v4, $0x10;
	v4 =	vand.u32 $0xFFFF0000, v4  }
0xd2: {  	v5 =	vmul.f32 v5, v3;
	v3 =	vmul.f32 v4, v3;
	_ =	sdelay $0x1  }
0xd3: {  	[tilespmem:s20+$0xE0] =	vst v5  }
0xd4: {  	s6 =	sshra.s32 s6, $0x2;
	[tilespmem:s20+$0xF0] =	vst v3;
	s20 =	smov.u32 s17  }
0xd5: {  	v3 =	vld.idx.msk [tilespmem:v2+s6+$0x0 ss:$0x1], $0xffff;
	_ =	sdelay $0x1  }
0xd6: {  	v4 =	vld [tilespmem:s16+$0xFFFFFF80];
	_ =	sdelay $0x3  }
0xd7: {  	v5 =	vbroadcast v3, $0x0  }
0xd8: {  	v6 =	vshll.u32 v4, $0x10;
	v4 =	vand.u32 $0xFFFF0000, v4  }
0xd9: {  	v6 =	vmul.f32 v6, v5;
	v4 =	vmul.f32 v4, v5;
	_ =	sdelay $0x1  }
0xda: {  	[tilespmem:s17+$0xFFFFFF00] =	vst v6  }
0xdb: {  	[tilespmem:s17+$0xFFFFFF10] =	vst v4  }
0xdc: {  	v4 =	vld [tilespmem:s16+$0xFFFFFF90];
	_ =	sdelay $0x2  }
0xdd: {  	v5 =	vbroadcast v3, $0x1;
	_ =	sdelay $0x1  }
0xde: {  	v6 =	vshll.u32 v4, $0x10;
	v4 =	vand.u32 $0xFFFF0000, v4  }
0xdf: {  	v6 =	vmul.f32 v6, v5;
	v4 =	vmul.f32 v4, v5;
	_ =	sdelay $0x1  }
0xe0: {  	[tilespmem:s17+$0xFFFFFF20] =	vst v6  }
0xe1: {  	[tilespmem:s17+$0xFFFFFF30] =	vst v4  }
0xe2: {  	v4 =	vld [tilespmem:s16+$0xFFFFFFA0];
	_ =	sdelay $0x1  }
0xe3: {  	v5 =	vbroadcast v3, $0x2;
	_ =	sdelay $0x2  }
0xe4: {  	v6 =	vshll.u32 v4, $0x10;
	v4 =	vand.u32 $0xFFFF0000, v4  }
0xe5: {  	v6 =	vmul.f32 v6, v5;
	v4 =	vmul.f32 v4, v5;
	_ =	sdelay $0x1  }
0xe6: {  	[tilespmem:s17+$0xFFFFFF40] =	vst v6  }
0xe7: {  	[tilespmem:s17+$0xFFFFFF50] =	vst v4  }
0xe8: {  	v4 =	vld [tilespmem:s16+$0xFFFFFFB0]  }
0xe9: {  	v5 =	vbroadcast v3, $0x3;
	_ =	sdelay $0x3  }
0xea: {  	v6 =	vshll.u32 v4, $0x10;
	v4 =	vand.u32 $0xFFFF0000, v4  }
0xeb: {  	v6 =	vmul.f32 v6, v5;
	v4 =	vmul.f32 v4, v5;
	_ =	sdelay $0x1  }
0xec: {  	[tilespmem:s17+$0xFFFFFF60] =	vst v6  }
0xed: {  	[tilespmem:s17+$0xFFFFFF70] =	vst v4  }
0xee: {  	v5 =	vbroadcast v3, $0x4;
	v4 =	vld [tilespmem:s16+$0xFFFFFFC0];
	_ =	sdelay $0x4  }
0xef: {  	v6 =	vshll.u32 v4, $0x10;
	v4 =	vand.u32 $0xFFFF0000, v4  }
0xf0: {  	v6 =	vmul.f32 v6, v5;
	v4 =	vmul.f32 v4, v5;
	_ =	sdelay $0x1  }
0xf1: {  	[tilespmem:s17+$0xFFFFFF80] =	vst v6  }
0xf2: {  	[tilespmem:s17+$0xFFFFFF90] =	vst v4;
	v4 =	vbroadcast v3, $0x5  }
0xf3: {  	v5 =	vld [tilespmem:s16+$0xFFFFFFD0];
	_ =	sdelay $0x4  }
0xf4: {  	v6 =	vshll.u32 v5, $0x10;
	v5 =	vand.u32 $0xFFFF0000, v5  }
0xf5: {  	v6 =	vmul.f32 v6, v4;
	v4 =	vmul.f32 v5, v4;
	_ =	sdelay $0x1  }
0xf6: {  	v5 =	vbroadcast v3, $0x6;
	[tilespmem:s17+$0xFFFFFFA0] =	vst v6  }
0xf7: {  	[tilespmem:s17+$0xFFFFFFB0] =	vst v4  }
0xf8: {  	v4 =	vld [tilespmem:s16+$0xFFFFFFE0];
	_ =	sdelay $0x4  }
0xf9: {  	v6 =	vshll.u32 v4, $0x10;
	v4 =	vand.u32 $0xFFFF0000, v4  }
0xfa: {  	v6 =	vmul.f32 v6, v5;
	v4 =	vmul.f32 v4, v5  }
0xfb: {  	v5 =	vbroadcast v3, $0x7  }
0xfc: {  	[tilespmem:s17+$0xFFFFFFC0] =	vst v6  }
0xfd: {  	[tilespmem:s17+$0xFFFFFFD0] =	vst v4  }
0xfe: {  	v4 =	vld [tilespmem:s16+$0xFFFFFFF0];
	_ =	sdelay $0x4  }
0xff: {  	v7 =	vbroadcast v3, $0x8;
	v6 =	vshll.u32 v4, $0x10;
	v4 =	vand.u32 $0xFFFF0000, v4  }
0x100: {  	v6 =	vmul.f32 v6, v5;
	v4 =	vmul.f32 v4, v5;
	_ =	sdelay $0x1  }
0x101: {  	[tilespmem:s17+$0xFFFFFFE0] =	vst v6  }
0x102: {  	[tilespmem:s17+$0xFFFFFFF0] =	vst v4  }
0x103: {  	v4 =	vld [tilespmem:s16+$0x0];
	_ =	sdelay $0x4  }
0x104: {  	v6 =	vbroadcast v3, $0x9;
	v5 =	vshll.u32 v4, $0x10;
	v4 =	vand.u32 $0xFFFF0000, v4  }
0x105: {  	v5 =	vmul.f32 v5, v7;
	v4 =	vmul.f32 v4, v7;
	_ =	sdelay $0x1  }
0x106: {  	[tilespmem:s17+$0x0] =	vst v5  }
0x107: {  	[tilespmem:s17+$0x10] =	vst v4  }
0x108: {  	v4 =	vld [tilespmem:s16+$0x10];
	_ =	sdelay $0x3  }
0x109: {  	v5 =	vbroadcast v3, $0xA  }
0x10a: {  	v7 =	vshll.u32 v4, $0x10;
	v4 =	vand.u32 $0xFFFF0000, v4  }
0x10b: {  	v7 =	vmul.f32 v7, v6;
	v4 =	vmul.f32 v4, v6;
	_ =	sdelay $0x1  }
0x10c: {  	[tilespmem:s17+$0x20] =	vst v7  }
0x10d: {  	[tilespmem:s17+$0x30] =	vst v4  }
0x10e: {  	v4 =	vld [tilespmem:s16+$0x20];
	_ =	sdelay $0x2  }
0x10f: {  	v6 =	vbroadcast v3, $0xB;
	_ =	sdelay $0x1  }
0x110: {  	v7 =	vshll.u32 v4, $0x10;
	v4 =	vand.u32 $0xFFFF0000, v4  }
0x111: {  	v7 =	vmul.f32 v7, v5;
	v4 =	vmul.f32 v4, v5;
	_ =	sdelay $0x1  }
0x112: {  	[tilespmem:s17+$0x40] =	vst v7  }
0x113: {  	[tilespmem:s17+$0x50] =	vst v4  }
0x114: {  	v4 =	vld [tilespmem:s16+$0x30];
	_ =	sdelay $0x1  }
0x115: {  	v5 =	vbroadcast v3, $0xC;
	_ =	sdelay $0x2  }
0x116: {  	v7 =	vshll.u32 v4, $0x10;
	v4 =	vand.u32 $0xFFFF0000, v4  }
0x117: {  	v7 =	vmul.f32 v7, v6;
	v4 =	vmul.f32 v4, v6;
	_ =	sdelay $0x1  }
0x118: {  	[tilespmem:s17+$0x60] =	vst v7  }
0x119: {  	[tilespmem:s17+$0x70] =	vst v4  }
0x11a: {  	v4 =	vld [tilespmem:s16+$0x40]  }
0x11b: {  	v6 =	vbroadcast v3, $0xD;
	_ =	sdelay $0x3  }
0x11c: {  	v7 =	vshll.u32 v4, $0x10;
	v4 =	vand.u32 $0xFFFF0000, v4  }
0x11d: {  	v7 =	vmul.f32 v7, v5;
	v4 =	vmul.f32 v4, v5;
	_ =	sdelay $0x1  }
0x11e: {  	[tilespmem:s17+$0x80] =	vst v7  }
0x11f: {  	[tilespmem:s17+$0x90] =	vst v4  }
0x120: {  	v4 =	vbroadcast v3, $0xE;
	v5 =	vld [tilespmem:s16+$0x50];
	_ =	sdelay $0x4  }
0x121: {  	v7 =	vshll.u32 v5, $0x10;
	v5 =	vand.u32 $0xFFFF0000, v5  }
.Ltmp4:
0x122: {  	v7 =	vmul.f32 v7, v6;
	v5 =	vmul.f32 v5, v6;
	(pc) =	sbr.rel @p1 .LBB2_7-.Ltmp4, $4  }
0x123: {  	_ = 	snop  }
0x124: {  	[tilespmem:s17+$0xA0] =	vst v7  }
0x125: {  	v3 =	vbroadcast v3, $0xF;
	[tilespmem:s17+$0xB0] =	vst v5  }
0x126: {  	v5 =	vld [tilespmem:s16+$0x60]  }
0x127: {  	_ =	sdelay $0x3  }
0x128: {  	v2 =	vshll.u32 v5, $0x10  }
0x129: {  	v5 =	vand.u32 $0xFFFF0000, v5;
	v2 =	vmul.f32 v2, v4  }
0x12a: {  	v4 =	vmul.f32 v5, v4  }
0x12b: {  	[tilespmem:s20+$0xC0] =	vst v2  }
0x12c: {  	[tilespmem:s20+$0xD0] =	vst v4  }
0x12d: {  	v2 =	vld [tilespmem:s0+$0x70];
	_ =	sdelay $0x4  }
0x12e: {  	v4 =	vshll.u32 v2, $0x10  }
0x12f: {  	v2 =	vand.u32 $0xFFFF0000, v2;
	v4 =	vmul.f32 v4, v3  }
0x130: {  	p1 =	seq.s32 s29, $0x4E;
	v2 =	vmul.f32 v2, v3  }
0x131: {  	s16 =	sshra.s32 s2, $0x2;
	s0 =	sshra.s32 @!p1 s2, $0x2;
	[tilespmem:s20+$0xE0] =	vst v4  }
0x132: {  	s5 =	simm.s32 @!p1 $0x80;
	s6 =	simm.s32 @!p1 $0xED00;
	s0 =	sadd.s32 @!p1 $0x100, s0;
	[tilespmem:s20+$0xF0] =	vst v2  }
0x133: {  	[tilespmem:s6], [sflag:$0x1] =	stream.indirect.gather @!p1 [hbm4b:s1+s5], $0x10, s0, s5, $0xb8;
	[tilespmem:$0x16D00] =	vst v63  }
0x134: {  	s17 =	sadd.s32 $0x4F00, s16  }
0x135: {  	[spmem:s3] =	stream.indirect.scatter.add.f32 [tilespmem:s18], [sflag:$0x3], $0x20, s17, s19, $0xb8;
	[tilespmem:$0x16D00] =	vst v63  }
0x136: {  	_ =	swait.ge [sflag:s23], $0x800  }
0x137: {  	v2 =	vmov s31;
	[sflag:s23] =	ssyncset.done $0x0  }
0x138: {  	s0 =	simm.s32 @!p0 $0x4;
	[sflag:s23] =	ssyncadd.s32 $0xFFFFF800  }
0x139: {  	_ =	swait.ge @!p0 [sflag:s0], $0x1000  }
0x13a: {  	[sflag:s0] =	ssyncset.done @!p0 $0x0  }
0x13b: {  	s20 =	simm.s32 $0x0;
	[sflag:s0] =	ssyncadd.s32 @!p0 $0xFFFFF000  }
0x13c: {  	s17 =	simm.s32 $0xF580;
	v3 =	vld.idx.msk [tilespmem:v2+s20+$0x0 ss:$0x1], $0xffff  }
0x13d: {  	v4 =	vld [tilespmem:s17+$0xFFFFFF80];
	_ =	sdelay $0x3  }
0x13e: {  	v5 =	vbroadcast v3, $0x0  }
0x13f: {  	v6 =	vshll.u32 v4, $0x10  }
0x140: {  	v4 =	vand.u32 $0xFFFF0000, v4;
	v6 =	vmul.f32 v6, v5  }
0x141: {  	s20 =	simm.s32 $0x10E00;
	v4 =	vmul.f32 v4, v5  }
0x142: {  	[tilespmem:s20+$0xFFFFFF00] =	vst v6  }
0x143: {  	[tilespmem:s20+$0xFFFFFF10] =	vst v4  }
0x144: {  	v4 =	vld [tilespmem:s17+$0xFFFFFF90];
	_ =	sdelay $0x3  }
0x145: {  	v5 =	vbroadcast v3, $0x1  }
0x146: {  	v6 =	vshll.u32 v4, $0x10  }
0x147: {  	v4 =	vand.u32 $0xFFFF0000, v4;
	v6 =	vmul.f32 v6, v5  }
0x148: {  	v4 =	vmul.f32 v4, v5  }
0x149: {  	[tilespmem:s20+$0xFFFFFF20] =	vst v6  }
0x14a: {  	[tilespmem:s20+$0xFFFFFF30] =	vst v4  }
0x14b: {  	v4 =	vld [tilespmem:s17+$0xFFFFFFA0];
	_ =	sdelay $0x3  }
0x14c: {  	v5 =	vbroadcast v3, $0x2  }
0x14d: {  	v6 =	vshll.u32 v4, $0x10  }
0x14e: {  	v4 =	vand.u32 $0xFFFF0000, v4;
	v6 =	vmul.f32 v6, v5  }
0x14f: {  	v4 =	vmul.f32 v4, v5  }
0x150: {  	[tilespmem:s20+$0xFFFFFF40] =	vst v6  }
0x151: {  	[tilespmem:s20+$0xFFFFFF50] =	vst v4  }
0x152: {  	v4 =	vld [tilespmem:s17+$0xFFFFFFB0];
	_ =	sdelay $0x3  }
0x153: {  	v5 =	vbroadcast v3, $0x3  }
0x154: {  	v6 =	vshll.u32 v4, $0x10  }
0x155: {  	v4 =	vand.u32 $0xFFFF0000, v4;
	v6 =	vmul.f32 v6, v5  }
0x156: {  	v4 =	vmul.f32 v4, v5  }
0x157: {  	[tilespmem:s20+$0xFFFFFF60] =	vst v6  }
0x158: {  	[tilespmem:s20+$0xFFFFFF70] =	vst v4  }
0x159: {  	v4 =	vld [tilespmem:s17+$0xFFFFFFC0];
	_ =	sdelay $0x3  }
0x15a: {  	v5 =	vbroadcast v3, $0x4  }
0x15b: {  	v6 =	vshll.u32 v4, $0x10  }
0x15c: {  	v4 =	vand.u32 $0xFFFF0000, v4;
	v6 =	vmul.f32 v6, v5  }
0x15d: {  	v4 =	vmul.f32 v4, v5  }
0x15e: {  	[tilespmem:s20+$0xFFFFFF80] =	vst v6  }
0x15f: {  	[tilespmem:s20+$0xFFFFFF90] =	vst v4  }
0x160: {  	v4 =	vld [tilespmem:s17+$0xFFFFFFD0];
	_ =	sdelay $0x3  }
0x161: {  	v5 =	vbroadcast v3, $0x5  }
0x162: {  	v6 =	vshll.u32 v4, $0x10  }
0x163: {  	v4 =	vand.u32 $0xFFFF0000, v4;
	v6 =	vmul.f32 v6, v5  }
0x164: {  	v4 =	vmul.f32 v4, v5  }
0x165: {  	[tilespmem:s20+$0xFFFFFFA0] =	vst v6  }
0x166: {  	[tilespmem:s20+$0xFFFFFFB0] =	vst v4  }
0x167: {  	v4 =	vld [tilespmem:s17+$0xFFFFFFE0];
	_ =	sdelay $0x3  }
0x168: {  	v5 =	vbroadcast v3, $0x6  }
0x169: {  	v6 =	vshll.u32 v4, $0x10  }
0x16a: {  	v4 =	vand.u32 $0xFFFF0000, v4;
	v6 =	vmul.f32 v6, v5  }
0x16b: {  	v4 =	vmul.f32 v4, v5  }
0x16c: {  	[tilespmem:s20+$0xFFFFFFC0] =	vst v6  }
0x16d: {  	[tilespmem:s20+$0xFFFFFFD0] =	vst v4  }
0x16e: {  	v4 =	vld [tilespmem:s17+$0xFFFFFFF0];
	_ =	sdelay $0x3  }
0x16f: {  	v5 =	vbroadcast v3, $0x7  }
0x170: {  	v6 =	vshll.u32 v4, $0x10  }
0x171: {  	v4 =	vand.u32 $0xFFFF0000, v4;
	v6 =	vmul.f32 v6, v5  }
0x172: {  	v4 =	vmul.f32 v4, v5  }
0x173: {  	[tilespmem:s20+$0xFFFFFFE0] =	vst v6  }
0x174: {  	[tilespmem:s20+$0xFFFFFFF0] =	vst v4  }
0x175: {  	v4 =	vld [tilespmem:s17+$0x0];
	_ =	sdelay $0x3  }
0x176: {  	v5 =	vbroadcast v3, $0x8  }
0x177: {  	v6 =	vshll.u32 v4, $0x10  }
0x178: {  	v4 =	vand.u32 $0xFFFF0000, v4;
	v6 =	vmul.f32 v6, v5  }
0x179: {  	v4 =	vmul.f32 v4, v5  }
0x17a: {  	[tilespmem:s20+$0x0] =	vst v6  }
0x17b: {  	[tilespmem:s20+$0x10] =	vst v4  }
0x17c: {  	v4 =	vld [tilespmem:s17+$0x10];
	_ =	sdelay $0x3  }
0x17d: {  	v5 =	vbroadcast v3, $0x9  }
0x17e: {  	v6 =	vshll.u32 v4, $0x10  }
0x17f: {  	v4 =	vand.u32 $0xFFFF0000, v4;
	v6 =	vmul.f32 v6, v5  }
0x180: {  	v4 =	vmul.f32 v4, v5  }
0x181: {  	[tilespmem:s20+$0x20] =	vst v6  }
0x182: {  	[tilespmem:s20+$0x30] =	vst v4  }
0x183: {  	v4 =	vld [tilespmem:s17+$0x20];
	_ =	sdelay $0x3  }
0x184: {  	v5 =	vbroadcast v3, $0xA  }
0x185: {  	v6 =	vshll.u32 v4, $0x10  }
0x186: {  	v4 =	vand.u32 $0xFFFF0000, v4;
	v6 =	vmul.f32 v6, v5  }
0x187: {  	v4 =	vmul.f32 v4, v5  }
0x188: {  	[tilespmem:s20+$0x40] =	vst v6  }
0x189: {  	[tilespmem:s20+$0x50] =	vst v4  }
0x18a: {  	v4 =	vld [tilespmem:s17+$0x30];
	_ =	sdelay $0x3  }
0x18b: {  	v5 =	vbroadcast v3, $0xB  }
0x18c: {  	v6 =	vshll.u32 v4, $0x10  }
0x18d: {  	v4 =	vand.u32 $0xFFFF0000, v4;
	v6 =	vmul.f32 v6, v5  }
0x18e: {  	v4 =	vmul.f32 v4, v5  }
0x18f: {  	[tilespmem:s20+$0x60] =	vst v6  }
0x190: {  	[tilespmem:s20+$0x70] =	vst v4  }
0x191: {  	v4 =	vld [tilespmem:s17+$0x40];
	_ =	sdelay $0x3  }
0x192: {  	v5 =	vbroadcast v3, $0xC  }
0x193: {  	v6 =	vshll.u32 v4, $0x10  }
0x194: {  	v4 =	vand.u32 $0xFFFF0000, v4;
	v6 =	vmul.f32 v6, v5  }
0x195: {  	v4 =	vmul.f32 v4, v5  }
0x196: {  	[tilespmem:s20+$0x80] =	vst v6  }
0x197: {  	[tilespmem:s20+$0x90] =	vst v4  }
0x198: {  	v4 =	vld [tilespmem:s17+$0x50];
	_ =	sdelay $0x3  }
0x199: {  	v5 =	vbroadcast v3, $0xD  }
0x19a: {  	v6 =	vshll.u32 v4, $0x10  }
0x19b: {  	v4 =	vand.u32 $0xFFFF0000, v4;
	v6 =	vmul.f32 v6, v5  }
0x19c: {  	v4 =	vmul.f32 v4, v5  }
0x19d: {  	[tilespmem:s20+$0xA0] =	vst v6  }
0x19e: {  	s2 =	sor.u32 $0x200, s2;
	[tilespmem:s20+$0xB0] =	vst v4  }
0x19f: {  	s6 =	simm.s32 $0x40;
	s5 =	simm.s32 $0xF580;
	s0 =	simm.s32 $0x10E00;
	v4 =	vbroadcast v3, $0xE;
	v3 =	vbroadcast v3, $0xF;
	v5 =	vld [tilespmem:s17+$0x60]  }
.LBB2_9:
0x1a0: {  	_ =	sdelay $0x1  }
0x1a1: {  	p0 =	sne.s32 s6, $0x1C0;
	s17 =	sadd.s32 $0x100, s17;
	s20 =	sadd.s32 $0x200, s20  }
0x1a2: {  	s7 =	smov.u32 s6;
	s6 =	sadd.s32 $0x40, s6  }
0x1a3: {  	v6 =	vshll.u32 v5, $0x10;
	v5 =	vand.u32 $0xFFFF0000, v5  }
0x1a4: {  	v6 =	vmul.f32 v6, v4;
	v4 =	vmul.f32 v5, v4;
	_ =	sdelay $0x1  }
0x1a5: {  	[tilespmem:s0+$0xC0] =	vst v6  }
0x1a6: {  	[tilespmem:s0+$0xD0] =	vst v4  }
0x1a7: {  	v4 =	vld [tilespmem:s5+$0x70];
	s5 =	smov.u32 s17;
	_ =	sdelay $0x4  }
0x1a8: {  	v5 =	vshll.u32 v4, $0x10;
	v4 =	vand.u32 $0xFFFF0000, v4  }
0x1a9: {  	v5 =	vmul.f32 v5, v3;
	v3 =	vmul.f32 v4, v3;
	_ =	sdelay $0x1  }
0x1aa: {  	[tilespmem:s0+$0xE0] =	vst v5  }
0x1ab: {  	s7 =	sshra.s32 s7, $0x2;
	[tilespmem:s0+$0xF0] =	vst v3;
	s0 =	smov.u32 s20  }
0x1ac: {  	v3 =	vld.idx.msk [tilespmem:v2+s7+$0x0 ss:$0x1], $0xffff;
	_ =	sdelay $0x1  }
0x1ad: {  	v4 =	vld [tilespmem:s17+$0xFFFFFF80];
	_ =	sdelay $0x3  }
0x1ae: {  	v5 =	vbroadcast v3, $0x0  }
0x1af: {  	v6 =	vshll.u32 v4, $0x10;
	v4 =	vand.u32 $0xFFFF0000, v4  }
0x1b0: {  	v6 =	vmul.f32 v6, v5;
	v4 =	vmul.f32 v4, v5;
	_ =	sdelay $0x1  }
0x1b1: {  	[tilespmem:s20+$0xFFFFFF00] =	vst v6  }
0x1b2: {  	[tilespmem:s20+$0xFFFFFF10] =	vst v4  }
0x1b3: {  	v4 =	vld [tilespmem:s17+$0xFFFFFF90];
	_ =	sdelay $0x2  }
0x1b4: {  	v5 =	vbroadcast v3, $0x1;
	_ =	sdelay $0x1  }
0x1b5: {  	v6 =	vshll.u32 v4, $0x10;
	v4 =	vand.u32 $0xFFFF0000, v4  }
0x1b6: {  	v6 =	vmul.f32 v6, v5;
	v4 =	vmul.f32 v4, v5;
	_ =	sdelay $0x1  }
0x1b7: {  	[tilespmem:s20+$0xFFFFFF20] =	vst v6  }
0x1b8: {  	[tilespmem:s20+$0xFFFFFF30] =	vst v4  }
0x1b9: {  	v4 =	vld [tilespmem:s17+$0xFFFFFFA0];
	_ =	sdelay $0x1  }
0x1ba: {  	v5 =	vbroadcast v3, $0x2;
	_ =	sdelay $0x2  }
0x1bb: {  	v6 =	vshll.u32 v4, $0x10;
	v4 =	vand.u32 $0xFFFF0000, v4  }
0x1bc: {  	v6 =	vmul.f32 v6, v5;
	v4 =	vmul.f32 v4, v5;
	_ =	sdelay $0x1  }
0x1bd: {  	[tilespmem:s20+$0xFFFFFF40] =	vst v6  }
0x1be: {  	[tilespmem:s20+$0xFFFFFF50] =	vst v4  }
0x1bf: {  	v4 =	vld [tilespmem:s17+$0xFFFFFFB0]  }
0x1c0: {  	v5 =	vbroadcast v3, $0x3;
	_ =	sdelay $0x3  }
0x1c1: {  	v6 =	vshll.u32 v4, $0x10;
	v4 =	vand.u32 $0xFFFF0000, v4  }
0x1c2: {  	v6 =	vmul.f32 v6, v5;
	v4 =	vmul.f32 v4, v5;
	_ =	sdelay $0x1  }
0x1c3: {  	[tilespmem:s20+$0xFFFFFF60] =	vst v6  }
0x1c4: {  	[tilespmem:s20+$0xFFFFFF70] =	vst v4  }
0x1c5: {  	v5 =	vbroadcast v3, $0x4;
	v4 =	vld [tilespmem:s17+$0xFFFFFFC0];
	_ =	sdelay $0x4  }
0x1c6: {  	v6 =	vshll.u32 v4, $0x10;
	v4 =	vand.u32 $0xFFFF0000, v4  }
0x1c7: {  	v6 =	vmul.f32 v6, v5;
	v4 =	vmul.f32 v4, v5;
	_ =	sdelay $0x1  }
0x1c8: {  	[tilespmem:s20+$0xFFFFFF80] =	vst v6  }
0x1c9: {  	[tilespmem:s20+$0xFFFFFF90] =	vst v4;
	v4 =	vbroadcast v3, $0x5  }
0x1ca: {  	v5 =	vld [tilespmem:s17+$0xFFFFFFD0];
	_ =	sdelay $0x4  }
0x1cb: {  	v6 =	vshll.u32 v5, $0x10;
	v5 =	vand.u32 $0xFFFF0000, v5  }
0x1cc: {  	v6 =	vmul.f32 v6, v4;
	v4 =	vmul.f32 v5, v4;
	_ =	sdelay $0x1  }
0x1cd: {  	v5 =	vbroadcast v3, $0x6;
	[tilespmem:s20+$0xFFFFFFA0] =	vst v6  }
0x1ce: {  	[tilespmem:s20+$0xFFFFFFB0] =	vst v4  }
0x1cf: {  	v4 =	vld [tilespmem:s17+$0xFFFFFFE0];
	_ =	sdelay $0x4  }
0x1d0: {  	v6 =	vshll.u32 v4, $0x10;
	v4 =	vand.u32 $0xFFFF0000, v4  }
0x1d1: {  	v6 =	vmul.f32 v6, v5;
	v4 =	vmul.f32 v4, v5  }
0x1d2: {  	v5 =	vbroadcast v3, $0x7  }
0x1d3: {  	[tilespmem:s20+$0xFFFFFFC0] =	vst v6  }
0x1d4: {  	[tilespmem:s20+$0xFFFFFFD0] =	vst v4  }
0x1d5: {  	v4 =	vld [tilespmem:s17+$0xFFFFFFF0];
	_ =	sdelay $0x4  }
0x1d6: {  	v7 =	vbroadcast v3, $0x8;
	v6 =	vshll.u32 v4, $0x10;
	v4 =	vand.u32 $0xFFFF0000, v4  }
0x1d7: {  	v6 =	vmul.f32 v6, v5;
	v4 =	vmul.f32 v4, v5;
	_ =	sdelay $0x1  }
0x1d8: {  	[tilespmem:s20+$0xFFFFFFE0] =	vst v6  }
0x1d9: {  	[tilespmem:s20+$0xFFFFFFF0] =	vst v4  }
0x1da: {  	v4 =	vld [tilespmem:s17+$0x0];
	_ =	sdelay $0x4  }
0x1db: {  	v6 =	vbroadcast v3, $0x9;
	v5 =	vshll.u32 v4, $0x10;
	v4 =	vand.u32 $0xFFFF0000, v4  }
0x1dc: {  	v5 =	vmul.f32 v5, v7;
	v4 =	vmul.f32 v4, v7;
	_ =	sdelay $0x1  }
0x1dd: {  	[tilespmem:s20+$0x0] =	vst v5  }
0x1de: {  	[tilespmem:s20+$0x10] =	vst v4  }
0x1df: {  	v4 =	vld [tilespmem:s17+$0x10];
	_ =	sdelay $0x3  }
0x1e0: {  	v5 =	vbroadcast v3, $0xA  }
0x1e1: {  	v7 =	vshll.u32 v4, $0x10;
	v4 =	vand.u32 $0xFFFF0000, v4  }
0x1e2: {  	v7 =	vmul.f32 v7, v6;
	v4 =	vmul.f32 v4, v6;
	_ =	sdelay $0x1  }
0x1e3: {  	[tilespmem:s20+$0x20] =	vst v7  }
0x1e4: {  	[tilespmem:s20+$0x30] =	vst v4  }
0x1e5: {  	v4 =	vld [tilespmem:s17+$0x20];
	_ =	sdelay $0x2  }
0x1e6: {  	v6 =	vbroadcast v3, $0xB;
	_ =	sdelay $0x1  }
0x1e7: {  	v7 =	vshll.u32 v4, $0x10;
	v4 =	vand.u32 $0xFFFF0000, v4  }
0x1e8: {  	v7 =	vmul.f32 v7, v5;
	v4 =	vmul.f32 v4, v5;
	_ =	sdelay $0x1  }
0x1e9: {  	[tilespmem:s20+$0x40] =	vst v7  }
0x1ea: {  	[tilespmem:s20+$0x50] =	vst v4  }
0x1eb: {  	v4 =	vld [tilespmem:s17+$0x30];
	_ =	sdelay $0x1  }
0x1ec: {  	v5 =	vbroadcast v3, $0xC;
	_ =	sdelay $0x2  }
0x1ed: {  	v7 =	vshll.u32 v4, $0x10;
	v4 =	vand.u32 $0xFFFF0000, v4  }
0x1ee: {  	v7 =	vmul.f32 v7, v6;
	v4 =	vmul.f32 v4, v6;
	_ =	sdelay $0x1  }
0x1ef: {  	[tilespmem:s20+$0x60] =	vst v7  }
0x1f0: {  	[tilespmem:s20+$0x70] =	vst v4  }
0x1f1: {  	v4 =	vld [tilespmem:s17+$0x40]  }
0x1f2: {  	v6 =	vbroadcast v3, $0xD;
	_ =	sdelay $0x3  }
0x1f3: {  	v7 =	vshll.u32 v4, $0x10;
	v4 =	vand.u32 $0xFFFF0000, v4  }
0x1f4: {  	v7 =	vmul.f32 v7, v5;
	v4 =	vmul.f32 v4, v5;
	_ =	sdelay $0x1  }
0x1f5: {  	[tilespmem:s20+$0x80] =	vst v7  }
0x1f6: {  	[tilespmem:s20+$0x90] =	vst v4  }
0x1f7: {  	v4 =	vbroadcast v3, $0xE;
	v5 =	vld [tilespmem:s17+$0x50];
	_ =	sdelay $0x4  }
0x1f8: {  	v7 =	vshll.u32 v5, $0x10;
	v5 =	vand.u32 $0xFFFF0000, v5  }
.Ltmp5:
0x1f9: {  	v7 =	vmul.f32 v7, v6;
	v5 =	vmul.f32 v5, v6;
	(pc) =	sbr.rel @p0 .LBB2_9-.Ltmp5, $4  }
0x1fa: {  	_ = 	snop  }
0x1fb: {  	[tilespmem:s20+$0xA0] =	vst v7  }
0x1fc: {  	v3 =	vbroadcast v3, $0xF;
	[tilespmem:s20+$0xB0] =	vst v5  }
0x1fd: {  	v5 =	vld [tilespmem:s17+$0x60]  }
0x1fe: {  	_ =	sdelay $0x3  }
0x1ff: {  	v2 =	vshll.u32 v5, $0x10  }
0x200: {  	v61 =	vand.u32 $0xFFFF0000, v5;
	v2 =	vmul.f32 v2, v4  }
0x201: {  	v62 =	vmul.f32 v61, v4  }
0x202: {  	[tilespmem:s0+$0xC0] =	vst v2  }
0x203: {  	[tilespmem:s0+$0xD0] =	vst v62  }
0x204: {  	v2 =	vld [tilespmem:s5+$0x70];
	_ =	sdelay $0x4  }
.Ltmp6:
0x205: {  	v63 =	vshll.u32 v2, $0x10;
	(pc) =	sbr.rel @p1 .LBB2_12-.Ltmp6, $4  }
0x206: {  	v2 =	vand.u32 $0xFFFF0000, v2;
	v4 =	vmul.f32 v63, v3  }
0x207: {  	v2 =	vmul.f32 v2, v3  }
0x208: {  	s2 =	sshra.s32 s2, $0x2;
	[tilespmem:s0+$0xE0] =	vst v4  }
0x209: {  	[tilespmem:s0+$0xF0] =	vst v2;
	s0 =	sadd.s32 $0x4F00, s2  }
.Ltmp7:
0x20a: {  	(pc) =	sbr.rel .LBB2_6-.Ltmp7, $4  }
0x20b: {  	s2 =	sadd.s32 $0x180, s16  }
0x20c: {  	[tilespmem:s21], [sflag:$0x2] =	stream.indirect.gather [hbm4b:s1+s19], $0x10, s2, s19, $0xb8;
	[tilespmem:$0x16D00] =	vst v63  }
0x20d: {  	s29 =	sadd.s32 $0x1, s29;
	s30 =	sadd.s32 $0x100, s30;
	s31 =	sadd.s32 $0x100, s31  }
0x20e: {  	[spmem:s3] =	stream.indirect.scatter.add.f32 [tilespmem:s24], [sflag:$0x4], $0x20, s0, s19, $0xb8;
	[tilespmem:$0x16D00] =	vst v63  }
.LBB2_13:
0x20f: {  	_ =	sfence.sel $0x180000  }
0x210: {  	[bflag:$0x0] =	sbarrier.arrive $0xFFFF  }
0x211: {  	_ =	strace $0x9000004A  }
0x212: {  	s0 =	stileid.u32;
	[bflag:$0x2] =	sbarrier.arrive $0xFFFF  }
0x213: {  	p0 =	sne.s32 s0, $0x0;
	s0 =	rddreg [dreg:$0x3]  }
0x214: {  	s0 =	sadd.s32 @!p0 $0x100000, s0  }
0x215: {  	[sflag:s0] =	ssyncadd.tile.s32 @!p0 $0x1;
	_ =	shalt  }
.Lfunc_end2:
_tile_overlayer_lowered:
.L_overlay_start_2:
0x216: {  	(tag) =	ssettag $0x2  }
0x217: {  	s0 =	rddreg [dreg:$0x0];
	s2 =	stileid.u32  }
0x218: {  	s1 =	rddreg [dreg:$0x1];
	p0 =	sne.s32 s2, $0x0  }
0x219: {  	s3 =	rddreg [dreg:$0x2];
	[bflag:$0x3] =	sbarrier.arrive $0xFFFF;
	s2 =	simm.s32 @!p0 $0x1C05  }
0x21a: {  	[timem:s3], [sflag:s2] =	dma.local @!p0 [hbm:s0], s1  }
0x21b: {  	s0 =	simm.s32 @!p0 $0x5  }
0x21c: {  	_ =	swait.ge @!p0 [sflag:s0], s1  }
0x21d: {  	s1 =	ssub.s32 @!p0 $0x0, s1;
	[sflag:s0] =	ssyncset.done @!p0 $0x0  }
0x21e: {  	[sflag:s0] =	ssyncadd.s32 @!p0 s1  }
0x21f: {  	[bflag:$0x3] =	sbarrier.arrive $0xFFFF  }
0x220: {  	_ =	shalt  }

// kernel: kernel.7.cloned.1.call-start
scs
__scs_entry_jumppad:
0x0: {  	(pc) =	sbr.rel $0x88, $3  }
0x1: {  	(tag) =	ssettag $0x0;
	lr =	simm.s32 $0x1  }
0x2: {  	[smem:$0x3F9C] =	sst lr;
	_ =	strace $0xD0000000  }
0x3: {  	_ = 	snop  }
0x4: {  	_ = 	snop  }
0x5: {  	_ = 	snop  }
0x6: {  	_ = 	snop  }
0x7: {  	_ = 	snop  }
__scs_overlays_trampoline_lowered:
0x8: {  	[smem:$0x3FAB] =	sst s0  }
0x9: {  	[smem:$0x3FAC] =	sst s1  }
0xa: {  	[smem:$0x3FAD] =	sst s2  }
0xb: {  	[smem:$0x3FAE] =	sst s3  }
0xc: {  	[smem:$0x3FAF] =	sst s4  }
0xd: {  	[smem:$0x3FB0] =	sst s5  }
0xe: {  	[smem:$0x3FB1] =	sst s6  }
0xf: {  	[smem:$0x3FB2] =	sst s7  }
0x10: {  	[smem:$0x3FB3] =	sst s8  }
0x11: {  	[smem:$0x3FB4] =	sst s9;
	s0 =	simm.s32 @!p0 $0x0  }
0x12: {  	s1 =	sld [smem:$0x3F9A];
	s0 =	simm.s32 @p0 $0x1  }
0x13: {  	[smem:$0x3FB5] =	sst s0;
	s0 =	simm.s32 @!p1 $0x0  }
0x14: {  	s2 =	sld [smem:$0x3F99];
	s0 =	simm.s32 @p1 $0x1  }
0x15: {  	[smem:$0x3FB6] =	sst s0;
	s0 =	simm.s32 @!p2 $0x0  }
0x16: {  	s3 =	sld [smem:$0x3FDB];
	s0 =	simm.s32 @p2 $0x1  }
0x17: {  	s4 =	simm.s32 $0x1BF5;
	[smem:$0x3FB8] =	sst s0  }
0x18: {  	s0 =	sld [smem:$0x3F9B];
	_ =	swait.ge [sflag:s4], $0x0  }
0x19: {  	s7 =	sld [smem:$0x3F9C]  }
0x1a: {  	s8 =	sadd.s32 $0xFFFFE003, lr  }
0x1b: {  	s9 =	sadd.s32 $0xFFFFFEF7, lr;
	s5 =	simm.s32 $0xFFFFFFFF;
	p2 =	slt.u32 s8, $0xFFFFF086  }
0x1c: {  	p1 =	slt.u32 s9, $0xF7A;
	s5 =	simm.s32 @!p2 $0x0  }
0x1d: {  	s5 =	simm.s32 @p1 $0x1;
	p0 =	seq.s32 s7, s2  }
0x1e: {  	s7 =	smul.u32 @!p0 $0xF7A, s2;
	p2 =	seq.s32 @!p0 s5, $0x0  }
0x1f: {  	s9 =	smul.u32 $0xF7A, s1;
	s8 =	simm.s32 @!p0 $0x1BF5;
	p2 =	por !p2, p0  }
0x20: {  	[sflag:s8] =	ssyncset.s32 @!p0 $0xFFFFF086;
	s6 =	sadd.s32 @!p0 s3, s7;
	s7 =	simm.s32 @!p0 $0x108  }
0x21: {  	s3 =	sadd.s32 s3, s9;
	s6 =	sadd.s32 @!p0 $0x88, s6;
	s7 =	simm.s32 @p2 $0x1082  }
0x22: {  	[simem:s7], [sflag:s8] =	dma.local @!p0 [hbm:s6], $0xF7A  }
0x23: {  	s9 =	sor.u32 $0xD0000000, s2;
	s6 =	simm.s32 $0x108;
	_ =	swait.ge @!p0 [sflag:s8], $0x0  }
0x24: {  	s3 =	sadd.s32 $0x88, s3;
	s6 =	simm.s32 @!p1 $0x1082;
	[sflag:s4] =	ssyncset.s32 $0xFFFFF086  }
0x25: {  	[simem:s6], [sflag:s4] =	dma.local [hbm:s3], $0xF7A  }
0x26: {  	[smem:$0x3F9C] =	sst s1;
	(tag) =	ssettag s2;
	_ =	strace s9  }
0x27: {  	s1 =	sld [smem:$0x3FAC]  }
0x28: {  	s2 =	sld [smem:$0x3FAD]  }
0x29: {  	s4 =	sld [smem:$0x3FAF]  }
0x2a: {  	p0 =	seq.s32 s5, $0x0;
	s5 =	sld [smem:$0x3FB0]  }
0x2b: {  	s6 =	sld [smem:$0x3FB1]  }
0x2c: {  	s7 =	sld [smem:$0x3FB2]  }
0x2d: {  	s3 =	simm.s32 $0x108;
	s8 =	sld [smem:$0x3FB3]  }
0x2e: {  	s3 =	simm.s32 @!p0 $0x1082;
	s9 =	sld [smem:$0x3FB4]  }
0x2f: {  	lr =	sadd.s32 s0, s3;
	s0 =	sld [smem:$0x3FAB]  }
0x30: {  	s3 =	sld [smem:$0x3FAE]  }
0x31: {  	[smem:$0x3FB7] =	sst s10  }
0x32: {  	s10 =	sld [smem:$0x3FB5];
	_ =	sdelay $0x3  }
0x33: {  	p0 =	seq.s32 s10, $0x1;
	s10 =	sld [smem:$0x3FB7];
	_ =	sdelay $0x3  }
0x34: {  	[smem:$0x3FB7] =	sst s10  }
0x35: {  	s10 =	sld [smem:$0x3FB6];
	_ =	sdelay $0x3  }
0x36: {  	p1 =	seq.s32 s10, $0x1;
	s10 =	sld [smem:$0x3FB7];
	_ =	sdelay $0x3  }
0x37: {  	[smem:$0x3FB7] =	sst s10  }
0x38: {  	s10 =	sld [smem:$0x3FB8]  }
0x39: {  	_ = 	snop;
	(pc) =	sbr.ind lr, $3  }
0x3a: {  	_ = 	snop  }
0x3b: {  	_ = 	snop  }
0x3c: {  	p2 =	seq.s32 s10, $0x1;
	s10 =	sld [smem:$0x3FB7]  }
0x3d: {  	_ =	shalt  }
0x3e: {  	_ =	shalt  }
0x3f: {  	_ =	shalt  }
0x40: {  	_ =	shalt  }
0x41: {  	_ =	shalt  }
0x42: {  	_ =	shalt  }
0x43: {  	_ =	shalt  }
0x44: {  	_ =	shalt  }
0x45: {  	_ =	shalt  }
0x46: {  	_ =	shalt  }
0x47: {  	_ =	shalt  }
0x48: {  	_ =	shalt  }
0x49: {  	_ =	shalt  }
0x4a: {  	_ =	shalt  }
0x4b: {  	_ =	shalt  }
0x4c: {  	_ =	shalt  }
0x4d: {  	_ =	shalt  }
0x4e: {  	_ =	shalt  }
0x4f: {  	_ =	shalt  }
0x50: {  	_ =	shalt  }
0x51: {  	_ =	shalt  }
0x52: {  	_ =	shalt  }
0x53: {  	_ =	shalt  }
0x54: {  	_ =	shalt  }
0x55: {  	_ =	shalt  }
0x56: {  	_ =	shalt  }
0x57: {  	_ =	shalt  }
0x58: {  	_ =	shalt  }
0x59: {  	_ =	shalt  }
0x5a: {  	_ =	shalt  }
0x5b: {  	_ =	shalt  }
0x5c: {  	_ =	shalt  }
0x5d: {  	_ =	shalt  }
0x5e: {  	_ =	shalt  }
0x5f: {  	_ =	shalt  }
0x60: {  	_ =	shalt  }
0x61: {  	_ =	shalt  }
0x62: {  	_ =	shalt  }
0x63: {  	_ =	shalt  }
0x64: {  	_ =	shalt  }
0x65: {  	_ =	shalt  }
0x66: {  	_ =	shalt  }
0x67: {  	_ =	shalt  }
0x68: {  	_ =	shalt  }
0x69: {  	_ =	shalt  }
0x6a: {  	_ =	shalt  }
0x6b: {  	_ =	shalt  }
0x6c: {  	_ =	shalt  }
0x6d: {  	_ =	shalt  }
0x6e: {  	_ =	shalt  }
0x6f: {  	_ =	shalt  }
0x70: {  	_ =	shalt  }
0x71: {  	_ =	shalt  }
0x72: {  	_ =	shalt  }
0x73: {  	_ =	shalt  }
0x74: {  	_ =	shalt  }
0x75: {  	_ =	shalt  }
0x76: {  	_ =	shalt  }
0x77: {  	_ =	shalt  }
0x78: {  	_ =	shalt  }
0x79: {  	_ =	shalt  }
0x7a: {  	_ =	shalt  }
0x7b: {  	_ =	shalt  }
0x7c: {  	_ =	shalt  }
0x7d: {  	_ =	shalt  }
0x7e: {  	_ =	shalt  }
0x7f: {  	_ =	shalt  }
0x80: {  	_ =	shalt  }
0x81: {  	_ =	shalt  }
0x82: {  	_ =	shalt  }
0x83: {  	_ =	shalt  }
0x84: {  	_ =	shalt  }
0x85: {  	_ =	shalt  }
0x86: {  	_ =	shalt  }
0x87: {  	_ =	shalt  }
.Lfunc_end0:
.L_simem_size_0:
called_computation_lowered:
.L_overlay_start_0:
0x88: {  	s2 =	sld [smem:$0x3FD9]  }
0x89: {  	s3 =	sld [smem:$0x3FFE];
	_ =	sdelay $0x1  }
0x8a: {  	s1 =	srdreg.scid  }
0x8b: {  	s0 =	sand.u32 $0x1, s1  }
0x8c: {  	s17 =	sshll.u32 s0, $0xA;
	s2 =	sadd.s32 s3, s2  }
0x8d: {  	s2 =	sadd.s32 s2, s17  }
0x8e: {  	[smem:$0x3FC3] =	sst s2  }
0x8f: {  	_ = 	snop  }
0x90: {  	s2 =	sld [smem:$0x3FD0];
	(tm) =	ssettm $0x1  }
0x91: {  	s18 =	sld [smem:$0x3FFB];
	_ =	sdelay $0x3  }
0x92: {  	_ =	strace s18  }
0x93: {  	s3 =	sld [smem:$0x3FFC];
	_ =	sdelay $0x3  }
0x94: {  	_ =	strace s3  }
0x95: {  	s3 =	sld [smem:$0x3FFD];
	_ =	sdelay $0x3  }
0x96: {  	_ =	strace s3  }
0x97: {  	_ =	strace $0x8FFFFFFF  }
0x98: {  	s19 =	sld [smem:$0x3FDB];
	_ =	sdelay $0x1  }
0x99: {  	s4 =	simm.s32 $_scs_section_size  }
0x9a: {  	s5 =	simm.s32 $_size__tile_overlayer_lowered;
	s6 =	simm.s32 $_tile_overlayer_lowered  }
0x9b: {  	s22 =	simm.s32 $0x1BFF;
	s21 =	sshll.u32 s6, $0x1;
	s3 =	sadd.s32 s4, s19  }
0x9c: {  	s7 =	simm.s32 $0x0;
	s20 =	sshll.u32 s5, $0x1;
	s5 =	sadd.s32 s21, s3  }
0x9d: {  	[timem:s7], [sflag:s22] =	dma.local [hbm:s5], s20  }
0x9e: {  	_ =	swait.ge [sflag:s22], s20  }
0x9f: {  	s4 =	ssub.s32 $0x0, s20;
	[sflag:s22] =	ssyncset.done $0x0  }
0xa0: {  	[sflag:s22] =	ssyncadd.s32 s4;
	_ =	sdelay $0x1  }
0xa1: {  	s23 =	simm.s32 $0x1B8B  }
0xa2: {  	_ =	swait.ge [sflag:s23], $0x1  }
0xa3: {  	[sflag:s23] =	ssyncset.done $0x0  }
0xa4: {  	s25 =	simm.s32 $0x1B8E;
	s24 =	sld [smem:$0x3FFE];
	[sflag:s23] =	ssyncadd.s32 $0xFFFFFFFF  }
0xa5: {  	s26 =	simm.s32 $execute0_lowered;
	[smem:$0x3FD2] =	sst s25  }
0xa6: {  	s5 =	sshll.u32 s26, $0x1;
	_ =	strace $0x80000046;
	[dreg:$0x1] =	wrdreg $0xFFFFFFFF  }
0xa7: {  	s28 =	simm.s32 $_size_execute0_lowered;
	s3 =	sadd.s32 s3, s5;
	[dreg:$0x0] =	wrdreg $0x0  }
0xa8: {  	s5 =	sshll.u32 s28, $0x1;
	[dreg:$0x2] =	wrdreg s3  }
0xa9: {  	[dreg:$0x3] =	wrdreg s5  }
0xaa: {  	[dreg:$0x4] =	wrdreg $0xC0  }
0xab: {  	_ =	task [dreg:s7], $0x5FFFF  }
0xac: {  	[dreg:$0x1] =	wrdreg $0xFFFFFFFF  }
0xad: {  	[dreg:$0x0] =	wrdreg $0x60  }
0xae: {  	[dreg:$0x2] =	wrdreg s2  }
0xaf: {  	[dreg:$0x3] =	wrdreg s24  }
0xb0: {  	[dreg:$0x4] =	wrdreg $0x14D000  }
0xb1: {  	[dreg:$0x5] =	wrdreg $0x9  }
0xb2: {  	_ =	task.clear_ibuf [dreg:s7], $0x6FFFF;
	_ =	strace $0x90000046  }
0xb3: {  	s29 =	simm.s32 $0x9;
	_ =	strace $0x80000048  }
0xb4: {  	_ =	swait.ge [sflag:s29], $0x1  }
0xb5: {  	[sflag:s29] =	ssyncadd.s32 $0xFFFFFFFF  }
0xb6: {  	_ =	strace $0x90000048  }
0xb7: {  	_ =	sfence  }
0xb8: {  	s30 =	sld [smem:$0x0];
	_ =	sdelay $0x2  }
0xb9: {  	s31 =	sshll.u32 s1, $0xD;
	s1 =	sshrl.u32 s1, $0x2  }
0xba: {  	s3 =	sand.u32 $0x4000, s31;
	s1 =	sadd.s32 s1, s30  }
0xbb: {  	s0 =	sor.u32 s3, s0;
	s1 =	sshll.u32 s1, $0x11  }
0xbc: {  	s0 =	sor.u32 s1, s0  }
0xbd: {  	s0 =	sadd.s32 $0x8F2B, s0  }
0xbe: {  	[sflag:s0] =	ssyncadd.remote.s32 $0x1  }
0xbf: {  	_ =	sfence.sel $0xFFFF  }
0xc0: {  	[dreg:$0x0] =	wrdreg $0xFFFFFFFF;
	(pc) =	sbr.abs _section_cstart, $3  }
0xc1: {  	[dreg:$0x1] =	wrdreg $0xFFFFFFFF  }
0xc2: {  	_ =	task.clear_ibuf [dreg:s7], $0x2FFFF;
	_ =	strace $0x9FFFFFFF  }
0xc3: {  	(tm) =	ssettm $0x7FFFFFFF  }
tec
execute0_lowered:
.L_overlay_start_1:
0x0: {  	(tag) =	ssettag $0x1  }
0x1: {  	s1 =	rddreg [dreg:$0x0]  }
0x2: {  	s0 =	rddreg [dreg:$0x1];
	s9 =	stileid.u32  }
0x3: {  	s2 =	srdreg.scid;
	s3 =	rddreg [dreg:$0x2];
	s4 =	simm.s32 $0x0  }
0x4: {  	s15 =	simm.s32 $0x5;
	s18 =	simm.s32 $0x10D00;
	s19 =	simm.s32 $0x80  }
0x5: {  	s21 =	simm.s32 $0xFD00;
	s22 =	simm.s32 $0x1;
	s23 =	simm.s32 $0x2  }
0x6: {  	s24 =	simm.s32 $0x12D00;
	s25 =	simm.s32 $0x3;
	s8 =	smul.u32 $0xA000, s9  }
0x7: {  	s26 =	simm.s32 $0x4;
	s28 =	simm.s32 $0x0;
	s6 =	smul.u32 $0x9E0, s9  }
0x8: {  	s2 =	sand.u32 $0x1, s2;
	[smem:$0x7FF] =	sst s4;
	s9 =	smul.u32 $0x28000, s9  }
0x9: {  	s5 =	smul.u32 $0xA0000, s2;
	_ =	strace $0x80000047;
	s7 =	ssub.s32 $0x2, s2  }
0xa: {  	s2 =	smul.u32 $0x2710, s2;
	s10 =	sadd.s32 s6, s0;
	s30 =	sshrl.u32 s7, $0x1  }
0xb: {  	s9 =	sshrl.u32 s9, $0x2;
	s5 =	sadd.s32 s8, s5;
	s14 =	ssub.s32 s7, s30  }
.Ltmp0:
0xc: {  	s31 =	sadd.s32 $0xE00, s10;
	s6 =	sadd.s32 $0xAC00, s10;
	(pc) =	sbr.rel .LBB2_1-.Ltmp0, $4  }
0xd: {  	s7 =	sadd.s32 $0x14A00, s10;
	s12 =	sadd.s32 s9, s3;
	s8 =	sadd.s32 s8, s3  }
0xe: {  	s5 =	sshrl.u32 s5, $0x3;
	[dreg:$0x4] =	wrdreg s31;
	s9 =	sadd.s32 $0x2000, s12  }
0xf: {  	s10 =	sadd.s32 $0x4000, s12;
	s11 =	sadd.s32 $0x6000, s12;
	s0 =	sadd.s32 s5, s0  }
0x10: {  	v1 =	vimm.f32 $0.0e+00;
	v0 =	vmov s2;
	s12 =	sadd.s32 $0x8000, s12;
	s14 =	smax.u32 s14, $0x1;
	s13 =	sadd.s32 $0x1E800, s0  }
.LBB2_12:
0x11: {  	[spmem:s3] =	stream.indirect.scatter.add.f32 [tilespmem:s24], [sflag:$0x4], $0x40, s0, s19, $0xb8;
	[tilespmem:$0x1ED00] =	vst v63  }
0x12: {  	_ =	swait.ge [sflag:s25], $0x2000  }
0x13: {  	[sflag:s25] =	ssyncset.done $0x0  }
0x14: {  	[sflag:s25] =	ssyncadd.s32 $0xFFFFE000  }
0x15: {  	s31 =	stileid.u32;
	_ =	swait.ge [sflag:s26], $0x2000  }
0x16: {  	s2 =	sshrl.u32 s8, $0x3;
	s28 =	sadd.s32 $0x1, s28;
	[sflag:s26] =	ssyncset.done $0x0  }
0x17: {  	s0 =	sshll.u32 s31, $0x6;
	p0 =	sne.s32 s28, s14;
	[sflag:s26] =	ssyncadd.s32 $0xFFFFE000  }
.Ltmp1:
0x18: {  	s0 =	sor.u32 $0x1C05, s0;
	[bflag:$0x0] =	sbarrier.arrive $0xFFFF;
	(pc) =	sbr.rel @!p0 .LBB2_13-.Ltmp1, $4  }
0x19: {  	[hbm:s13], [sflag:s0] =	dma.local [spmem:s2], $0x1400  }
0x1a: {  	_ =	swait.ge [sflag:s15], $0x1400  }
0x1b: {  	[sflag:s15] =	ssyncset.done $0x0  }
0x1c: {  	[sflag:s15] =	ssyncadd.s32 $0xFFFFEC00  }
.LBB2_1:
0x1d: {  	s0 =	rddreg [dreg:$0x4]  }
0x1e: {  	[tilespmem:s4], [sflag:$0x5] =	stream.linear.gather [hbm4b:s0+s4], $0x4F00, $0x38;
	[tilespmem:$0x1ED00] =	vst v63  }
0x1f: {  	_ =	swait.ge [sflag:s15], $0x4F00  }
0x20: {  	[sflag:s15] =	ssyncset.done $0x0  }
0x21: {  	s30 =	simm.s32 $0x4F00;
	[sflag:s15] =	ssyncadd.s32 $0xFFFFB100  }
0x22: {  	[tilespmem:s30], [sflag:$0x5] =	stream.linear.gather [hbm4b:s6+s4], $0x4F00, $0x38;
	[tilespmem:$0x1ED00] =	vst v63  }
0x23: {  	_ =	swait.ge [sflag:s15], $0x4F00  }
0x24: {  	[sflag:s15] =	ssyncset.done $0x0  }
0x25: {  	s31 =	simm.s32 $0x9E00;
	[sflag:s15] =	ssyncadd.s32 $0xFFFFB100  }
0x26: {  	[tilespmem:s31], [sflag:$0x5] =	stream.linear.gather [hbm4b:s7+s4], $0x4F00, $0x38;
	[tilespmem:$0x1ED00] =	vst v63  }
0x27: {  	_ =	swait.ge [sflag:s15], $0x4F00  }
0x28: {  	[sflag:s15] =	ssyncset.done $0x0  }
0x29: {  	s0 =	simm.s32 $0x0;
	[sflag:s15] =	ssyncadd.s32 $0xFFFFB100  }
0x2a: {  	v4 =	vld [tilespmem:s0+$0x0]  }
0x2b: {  	v6 =	vld [tilespmem:s0+$0x10]  }
0x2c: {  	v5 =	vld [tilespmem:s0+$0x20]  }
0x2d: {  	v3 =	vld [tilespmem:s0+$0x30]  }
0x2e: {  	v2 =	vld [tilespmem:s0+$0x40]  }
0x2f: {  	v7 =	vadd.s32 v0, v4;
	v4 =	vld [tilespmem:s0+$0x50]  }
0x30: {  	s2 =	simm.s32 $0x200;
	[tilespmem:s0+$0x0] =	vst v7;
	v7 =	vadd.s32 v0, v6;
	v6 =	vld [tilespmem:s0+$0x60]  }
.LBB2_2:
0x31: {  	s16 =	sshra.s32 s2, $0x2;
	p0 =	sne.s32 s2, $0x13A00;
	[tilespmem:s0+$0x10] =	vst v7;
	v5 =	vadd.s32 v0, v5;
	v7 =	vld [tilespmem:s0+$0x70]  }
0x32: {  	v8 =	vld [tilespmem:s16+$0x0];
	[tilespmem:s0+$0x20] =	vst v5;
	v3 =	vadd.s32 v0, v3  }
0x33: {  	v9 =	vld [tilespmem:s16+$0x10];
	[tilespmem:s0+$0x30] =	vst v3;
	v2 =	vadd.s32 v0, v2  }
.Ltmp2:
0x34: {  	v5 =	vld [tilespmem:s16+$0x20];
	[tilespmem:s0+$0x40] =	vst v2;
	v2 =	vadd.s32 v0, v4;
	(pc) =	sbr.rel @p0 .LBB2_2-.Ltmp2, $4  }
0x35: {  	v3 =	vld [tilespmem:s16+$0x30];
	[tilespmem:s0+$0x50] =	vst v2;
	v4 =	vadd.s32 v0, v6  }
0x36: {  	v2 =	vld [tilespmem:s16+$0x40];
	[tilespmem:s0+$0x60] =	vst v4;
	v6 =	vadd.s32 v0, v7  }
0x37: {  	v7 =	vadd.s32 v0, v8;
	v4 =	vld [tilespmem:s16+$0x50];
	[tilespmem:s0+$0x70] =	vst v6;
	s0 =	smov.u32 s16  }
0x38: {  	s2 =	sadd.s32 $0x200, s2;
	[tilespmem:s0+$0x0] =	vst v7;
	v7 =	vadd.s32 v0, v9;
	v6 =	vld [tilespmem:s0+$0x60]  }
0x39: {  	[tilespmem:s0+$0x10] =	vst v7;
	v5 =	vadd.s32 v0, v5;
	v63 =	vld [tilespmem:s0+$0x70]  }
0x3a: {  	[tilespmem:s0+$0x20] =	vst v5;
	v3 =	vadd.s32 v0, v3  }
0x3b: {  	[tilespmem:s0+$0x30] =	vst v3;
	v2 =	vadd.s32 v0, v2  }
0x3c: {  	[tilespmem:s0+$0x40] =	vst v2;
	v2 =	vadd.s32 v0, v4  }
0x3d: {  	[tilespmem:s0+$0x50] =	vst v2;
	v2 =	vadd.s32 v0, v6  }
0x3e: {  	[tilespmem:s0+$0x60] =	vst v2;
	v2 =	vadd.s32 v0, v63  }
0x3f: {  	s2 =	simm.s32 $0x100;
	[tilespmem:s0+$0x70] =	vst v2;
	s0 =	simm.s32 $0x0  }
.LBB2_4:
0x40: {  	p0 =	sne.s32 s2, $0x7F00;
	[tilespmem:s0+$0x10D30] =	vst v1;
	s16 =	smov.u32 s2;
	s2 =	sadd.s32 $0x100, s2  }
.Ltmp3:
0x41: {  	[tilespmem:s0+$0x10D20] =	vst v1;
	(pc) =	sbr.rel @p0 .LBB2_4-.Ltmp3, $3  }
0x42: {  	[tilespmem:s0+$0x10D00] =	vst v1  }
0x43: {  	[tilespmem:s0+$0x10D10] =	vst v1;
	_ =	sdelay $0x1  }
0x44: {  	s0 =	sshra.s32 s16, $0x2  }
0x45: {  	[tilespmem:s0+$0x10D30] =	vst v1  }
0x46: {  	[tilespmem:s0+$0x10D20] =	vst v1  }
0x47: {  	[tilespmem:s0+$0x10D00] =	vst v1  }
0x48: {  	[tilespmem:s0+$0x10D10] =	vst v1  }
0x49: {  	[spmem:s8] =	stream.linear.scatter [tilespmem:s18], [sflag:$0x5], $0x2000, $0x38;
	[tilespmem:$0x1ED00] =	vst v63  }
0x4a: {  	_ =	swait.ge [sflag:s15], $0x2000  }
0x4b: {  	[sflag:s15] =	ssyncset.done $0x0  }
0x4c: {  	[sflag:s15] =	ssyncadd.s32 $0xFFFFE000  }
0x4d: {  	[spmem:s9] =	stream.linear.scatter [tilespmem:s18], [sflag:$0x5], $0x2000, $0x38;
	[tilespmem:$0x1ED00] =	vst v63  }
0x4e: {  	_ =	swait.ge [sflag:s15], $0x2000  }
0x4f: {  	[sflag:s15] =	ssyncset.done $0x0  }
0x50: {  	[sflag:s15] =	ssyncadd.s32 $0xFFFFE000  }
0x51: {  	[spmem:s10] =	stream.linear.scatter [tilespmem:s18], [sflag:$0x5], $0x2000, $0x38;
	[tilespmem:$0x1ED00] =	vst v63  }
0x52: {  	_ =	swait.ge [sflag:s15], $0x2000  }
0x53: {  	[sflag:s15] =	ssyncset.done $0x0  }
0x54: {  	[sflag:s15] =	ssyncadd.s32 $0xFFFFE000  }
0x55: {  	[spmem:s11] =	stream.linear.scatter [tilespmem:s18], [sflag:$0x5], $0x2000, $0x38;
	[tilespmem:$0x1ED00] =	vst v63  }
0x56: {  	_ =	swait.ge [sflag:s15], $0x2000  }
0x57: {  	[sflag:s15] =	ssyncset.done $0x0  }
0x58: {  	[sflag:s15] =	ssyncadd.s32 $0xFFFFE000  }
0x59: {  	[spmem:s12] =	stream.linear.scatter [tilespmem:s18], [sflag:$0x5], $0x2000, $0x38;
	[tilespmem:$0x1ED00] =	vst v63  }
0x5a: {  	_ =	swait.ge [sflag:s15], $0x2000  }
0x5b: {  	[sflag:s15] =	ssyncset.done $0x0  }
0x5c: {  	[sflag:s15] =	ssyncadd.s32 $0xFFFFE000  }
0x5d: {  	s29 =	simm.s32 $0x0;
	s20 =	simm.s32 $0xED00;
	[bflag:$0x0] =	sbarrier.arrive $0xFFFF  }
0x5e: {  	[tilespmem:s20], [sflag:$0x1] =	stream.indirect.gather [hbm4b:s1+s19], $0x20, s29, s19, $0xb8;
	[tilespmem:$0x1ED00] =	vst v63  }
0x5f: {  	s30 =	simm.s32 $0x9E00;
	s31 =	simm.s32 $0x9E80  }
0x60: {  	[tilespmem:s21], [sflag:$0x2] =	stream.indirect.gather [hbm4b:s1+s19], $0x20, s19, s19, $0xb8;
	[tilespmem:$0x1ED00] =	vst v63  }
.LBB2_6:
0x61: {  	_ =	swait.ge [sflag:s22], $0x1000  }
0x62: {  	p0 =	seq.s32 s29, $0x0;
	[sflag:s22] =	ssyncset.done $0x0  }
0x63: {  	v2 =	vmov s30;
	s0 =	simm.s32 @!p0 $0x3;
	[sflag:s22] =	ssyncadd.s32 $0xFFFFF000  }
0x64: {  	_ =	swait.ge @!p0 [sflag:s0], $0x2000  }
0x65: {  	s2 =	sshll.u32 s29, $0xA;
	s16 =	simm.s32 $0x10F00;
	[sflag:s0] =	ssyncset.done @!p0 $0x0  }
0x66: {  	s17 =	simm.s32 $0xEE00;
	[sflag:s0] =	ssyncadd.s32 @!p0 $0xFFFFE000;
	s0 =	simm.s32 $0x0  }
.LBB2_7:
0x67: {  	s20 =	sshra.s32 s0, $0x2  }
0x68: {  	v3 =	vld.idx.msk [tilespmem:v2+s20+$0x0 ss:$0x1], $0xffff  }
0x69: {  	v4 =	vld [tilespmem:s17+$0xFFFFFF00];
	_ =	sdelay $0x3  }
0x6a: {  	v5 =	vbroadcast v3, $0x0  }
0x6b: {  	v6 =	vshll.u32 v4, $0x10  }
0x6c: {  	v4 =	vand.u32 $0xFFFF0000, v4;
	v6 =	vmul.f32 v6, v5  }
0x6d: {  	v4 =	vmul.f32 v4, v5  }
0x6e: {  	[tilespmem:s16+$0xFFFFFE00] =	vst v6  }
0x6f: {  	[tilespmem:s16+$0xFFFFFE10] =	vst v4  }
0x70: {  	v4 =	vld [tilespmem:s17+$0xFFFFFF10];
	_ =	sdelay $0x4  }
0x71: {  	v19 =	vshll.u32 v4, $0x10  }
0x72: {  	v4 =	vand.u32 $0xFFFF0000, v4;
	v6 =	vmul.f32 v19, v5  }
0x73: {  	v4 =	vmul.f32 v4, v5  }
0x74: {  	[tilespmem:s16+$0xFFFFFE20] =	vst v6  }
0x75: {  	[tilespmem:s16+$0xFFFFFE30] =	vst v4  }
0x76: {  	v4 =	vld [tilespmem:s17+$0xFFFFFF20];
	_ =	sdelay $0x3  }
0x77: {  	v20 =	vbroadcast v3, $0x1  }
0x78: {  	v21 =	vshll.u32 v4, $0x10  }
0x79: {  	v4 =	vand.u32 $0xFFFF0000, v4;
	v6 =	vmul.f32 v21, v20  }
0x7a: {  	v4 =	vmul.f32 v4, v20  }
0x7b: {  	[tilespmem:s16+$0xFFFFFE40] =	vst v6  }
0x7c: {  	[tilespmem:s16+$0xFFFFFE50] =	vst v4  }
0x7d: {  	v4 =	vld [tilespmem:s17+$0xFFFFFF30];
	_ =	sdelay $0x4  }
0x7e: {  	v22 =	vshll.u32 v4, $0x10  }
0x7f: {  	v4 =	vand.u32 $0xFFFF0000, v4;
	v6 =	vmul.f32 v22, v20  }
0x80: {  	v4 =	vmul.f32 v4, v20  }
0x81: {  	[tilespmem:s16+$0xFFFFFE60] =	vst v6  }
0x82: {  	[tilespmem:s16+$0xFFFFFE70] =	vst v4  }
0x83: {  	v4 =	vld [tilespmem:s17+$0xFFFFFF40];
	_ =	sdelay $0x3  }
0x84: {  	v23 =	vbroadcast v3, $0x2  }
0x85: {  	v24 =	vshll.u32 v4, $0x10  }
0x86: {  	v4 =	vand.u32 $0xFFFF0000, v4;
	v6 =	vmul.f32 v24, v23  }
0x87: {  	v4 =	vmul.f32 v4, v23  }
0x88: {  	[tilespmem:s16+$0xFFFFFE80] =	vst v6  }
0x89: {  	[tilespmem:s16+$0xFFFFFE90] =	vst v4  }
0x8a: {  	v4 =	vld [tilespmem:s17+$0xFFFFFF50];
	_ =	sdelay $0x4  }
0x8b: {  	v25 =	vshll.u32 v4, $0x10  }
0x8c: {  	v4 =	vand.u32 $0xFFFF0000, v4;
	v6 =	vmul.f32 v25, v23  }
0x8d: {  	v4 =	vmul.f32 v4, v23  }
0x8e: {  	[tilespmem:s16+$0xFFFFFEA0] =	vst v6  }
0x8f: {  	[tilespmem:s16+$0xFFFFFEB0] =	vst v4  }
0x90: {  	v4 =	vld [tilespmem:s17+$0xFFFFFF60];
	_ =	sdelay $0x3  }
0x91: {  	v26 =	vbroadcast v3, $0x3  }
0x92: {  	v27 =	vshll.u32 v4, $0x10  }
0x93: {  	v4 =	vand.u32 $0xFFFF0000, v4;
	v6 =	vmul.f32 v27, v26  }
0x94: {  	v4 =	vmul.f32 v4, v26  }
0x95: {  	[tilespmem:s16+$0xFFFFFEC0] =	vst v6  }
0x96: {  	[tilespmem:s16+$0xFFFFFED0] =	vst v4  }
0x97: {  	v4 =	vld [tilespmem:s17+$0xFFFFFF70];
	_ =	sdelay $0x4  }
0x98: {  	v28 =	vshll.u32 v4, $0x10  }
0x99: {  	v4 =	vand.u32 $0xFFFF0000, v4;
	v6 =	vmul.f32 v28, v26  }
0x9a: {  	v4 =	vmul.f32 v4, v26  }
0x9b: {  	[tilespmem:s16+$0xFFFFFEE0] =	vst v6  }
0x9c: {  	[tilespmem:s16+$0xFFFFFEF0] =	vst v4  }
0x9d: {  	v4 =	vld [tilespmem:s17+$0xFFFFFF80];
	_ =	sdelay $0x3  }
0x9e: {  	v29 =	vbroadcast v3, $0x4  }
0x9f: {  	v30 =	vshll.u32 v4, $0x10  }
0xa0: {  	v4 =	vand.u32 $0xFFFF0000, v4;
	v6 =	vmul.f32 v30, v29  }
0xa1: {  	v4 =	vmul.f32 v4, v29  }
0xa2: {  	[tilespmem:s16+$0xFFFFFF00] =	vst v6  }
0xa3: {  	[tilespmem:s16+$0xFFFFFF10] =	vst v4  }
0xa4: {  	v4 =	vld [tilespmem:s17+$0xFFFFFF90];
	_ =	sdelay $0x4  }
0xa5: {  	v31 =	vshll.u32 v4, $0x10  }
0xa6: {  	v4 =	vand.u32 $0xFFFF0000, v4;
	v6 =	vmul.f32 v31, v29  }
0xa7: {  	v4 =	vmul.f32 v4, v29  }
0xa8: {  	[tilespmem:s16+$0xFFFFFF20] =	vst v6  }
0xa9: {  	[tilespmem:s16+$0xFFFFFF30] =	vst v4  }
0xaa: {  	v4 =	vld [tilespmem:s17+$0xFFFFFFA0];
	_ =	sdelay $0x3  }
0xab: {  	v32 =	vbroadcast v3, $0x5  }
0xac: {  	v33 =	vshll.u32 v4, $0x10  }
0xad: {  	v4 =	vand.u32 $0xFFFF0000, v4;
	v6 =	vmul.f32 v33, v32  }
0xae: {  	v4 =	vmul.f32 v4, v32  }
0xaf: {  	[tilespmem:s16+$0xFFFFFF40] =	vst v6  }
0xb0: {  	[tilespmem:s16+$0xFFFFFF50] =	vst v4  }
0xb1: {  	v4 =	vld [tilespmem:s17+$0xFFFFFFB0];
	_ =	sdelay $0x4  }
0xb2: {  	v34 =	vshll.u32 v4, $0x10  }
0xb3: {  	v4 =	vand.u32 $0xFFFF0000, v4;
	v6 =	vmul.f32 v34, v32  }
0xb4: {  	v4 =	vmul.f32 v4, v32  }
0xb5: {  	[tilespmem:s16+$0xFFFFFF60] =	vst v6  }
0xb6: {  	[tilespmem:s16+$0xFFFFFF70] =	vst v4  }
0xb7: {  	v4 =	vld [tilespmem:s17+$0xFFFFFFC0];
	_ =	sdelay $0x3  }
0xb8: {  	v35 =	vbroadcast v3, $0x6  }
0xb9: {  	v36 =	vshll.u32 v4, $0x10  }
0xba: {  	v4 =	vand.u32 $0xFFFF0000, v4;
	v6 =	vmul.f32 v36, v35  }
0xbb: {  	v4 =	vmul.f32 v4, v35  }
0xbc: {  	[tilespmem:s16+$0xFFFFFF80] =	vst v6  }
0xbd: {  	[tilespmem:s16+$0xFFFFFF90] =	vst v4  }
0xbe: {  	v4 =	vld [tilespmem:s17+$0xFFFFFFD0];
	_ =	sdelay $0x4  }
0xbf: {  	v37 =	vshll.u32 v4, $0x10  }
0xc0: {  	v4 =	vand.u32 $0xFFFF0000, v4;
	v6 =	vmul.f32 v37, v35  }
0xc1: {  	v4 =	vmul.f32 v4, v35  }
0xc2: {  	[tilespmem:s16+$0xFFFFFFA0] =	vst v6  }
0xc3: {  	[tilespmem:s16+$0xFFFFFFB0] =	vst v4  }
0xc4: {  	v4 =	vld [tilespmem:s17+$0xFFFFFFE0];
	_ =	sdelay $0x3  }
0xc5: {  	v38 =	vbroadcast v3, $0x7  }
0xc6: {  	v39 =	vshll.u32 v4, $0x10  }
0xc7: {  	v4 =	vand.u32 $0xFFFF0000, v4;
	v6 =	vmul.f32 v39, v38  }
0xc8: {  	v4 =	vmul.f32 v4, v38  }
0xc9: {  	[tilespmem:s16+$0xFFFFFFC0] =	vst v6  }
0xca: {  	[tilespmem:s16+$0xFFFFFFD0] =	vst v4  }
0xcb: {  	v4 =	vld [tilespmem:s17+$0xFFFFFFF0];
	_ =	sdelay $0x4  }
0xcc: {  	v40 =	vshll.u32 v4, $0x10  }
0xcd: {  	v4 =	vand.u32 $0xFFFF0000, v4;
	v6 =	vmul.f32 v40, v38  }
0xce: {  	v4 =	vmul.f32 v4, v38  }
0xcf: {  	[tilespmem:s16+$0xFFFFFFE0] =	vst v6  }
0xd0: {  	[tilespmem:s16+$0xFFFFFFF0] =	vst v4  }
0xd1: {  	v4 =	vld [tilespmem:s17+$0x0];
	_ =	sdelay $0x3  }
0xd2: {  	v41 =	vbroadcast v3, $0x8  }
0xd3: {  	v42 =	vshll.u32 v4, $0x10  }
0xd4: {  	v4 =	vand.u32 $0xFFFF0000, v4;
	v6 =	vmul.f32 v42, v41  }
0xd5: {  	v4 =	vmul.f32 v4, v41  }
0xd6: {  	[tilespmem:s16+$0x0] =	vst v6  }
0xd7: {  	[tilespmem:s16+$0x10] =	vst v4  }
0xd8: {  	v4 =	vld [tilespmem:s17+$0x10];
	_ =	sdelay $0x4  }
0xd9: {  	v43 =	vshll.u32 v4, $0x10  }
0xda: {  	v4 =	vand.u32 $0xFFFF0000, v4;
	v6 =	vmul.f32 v43, v41  }
0xdb: {  	v4 =	vmul.f32 v4, v41  }
0xdc: {  	[tilespmem:s16+$0x20] =	vst v6  }
0xdd: {  	[tilespmem:s16+$0x30] =	vst v4  }
0xde: {  	v4 =	vld [tilespmem:s17+$0x20];
	_ =	sdelay $0x3  }
0xdf: {  	v44 =	vbroadcast v3, $0x9  }
0xe0: {  	v45 =	vshll.u32 v4, $0x10  }
0xe1: {  	v4 =	vand.u32 $0xFFFF0000, v4;
	v6 =	vmul.f32 v45, v44  }
0xe2: {  	v4 =	vmul.f32 v4, v44  }
0xe3: {  	[tilespmem:s16+$0x40] =	vst v6  }
0xe4: {  	[tilespmem:s16+$0x50] =	vst v4  }
0xe5: {  	v4 =	vld [tilespmem:s17+$0x30];
	_ =	sdelay $0x4  }
0xe6: {  	v46 =	vshll.u32 v4, $0x10  }
0xe7: {  	v4 =	vand.u32 $0xFFFF0000, v4;
	v6 =	vmul.f32 v46, v44  }
0xe8: {  	v4 =	vmul.f32 v4, v44  }
0xe9: {  	[tilespmem:s16+$0x60] =	vst v6  }
0xea: {  	[tilespmem:s16+$0x70] =	vst v4  }
0xeb: {  	v4 =	vld [tilespmem:s17+$0x40];
	_ =	sdelay $0x3  }
0xec: {  	v47 =	vbroadcast v3, $0xA  }
0xed: {  	v48 =	vshll.u32 v4, $0x10  }
0xee: {  	v4 =	vand.u32 $0xFFFF0000, v4;
	v6 =	vmul.f32 v48, v47  }
0xef: {  	v4 =	vmul.f32 v4, v47  }
0xf0: {  	[tilespmem:s16+$0x80] =	vst v6  }
0xf1: {  	[tilespmem:s16+$0x90] =	vst v4  }
0xf2: {  	v4 =	vld [tilespmem:s17+$0x50];
	_ =	sdelay $0x4  }
0xf3: {  	v49 =	vshll.u32 v4, $0x10  }
0xf4: {  	v4 =	vand.u32 $0xFFFF0000, v4;
	v6 =	vmul.f32 v49, v47  }
0xf5: {  	v4 =	vmul.f32 v4, v47  }
0xf6: {  	[tilespmem:s16+$0xA0] =	vst v6  }
0xf7: {  	[tilespmem:s16+$0xB0] =	vst v4  }
0xf8: {  	v4 =	vld [tilespmem:s17+$0x60];
	_ =	sdelay $0x3  }
0xf9: {  	v50 =	vbroadcast v3, $0xB  }
0xfa: {  	v51 =	vshll.u32 v4, $0x10  }
0xfb: {  	v4 =	vand.u32 $0xFFFF0000, v4;
	v6 =	vmul.f32 v51, v50  }
0xfc: {  	v4 =	vmul.f32 v4, v50  }
0xfd: {  	[tilespmem:s16+$0xC0] =	vst v6  }
0xfe: {  	[tilespmem:s16+$0xD0] =	vst v4  }
0xff: {  	v4 =	vld [tilespmem:s17+$0x70];
	_ =	sdelay $0x4  }
0x100: {  	v52 =	vshll.u32 v4, $0x10  }
0x101: {  	v4 =	vand.u32 $0xFFFF0000, v4;
	v6 =	vmul.f32 v52, v50  }
0x102: {  	v4 =	vmul.f32 v4, v50  }
0x103: {  	[tilespmem:s16+$0xE0] =	vst v6  }
0x104: {  	[tilespmem:s16+$0xF0] =	vst v4  }
0x105: {  	v4 =	vld [tilespmem:s17+$0x80];
	_ =	sdelay $0x3  }
0x106: {  	v53 =	vbroadcast v3, $0xC  }
0x107: {  	v54 =	vshll.u32 v4, $0x10  }
0x108: {  	v4 =	vand.u32 $0xFFFF0000, v4;
	v6 =	vmul.f32 v54, v53  }
0x109: {  	v4 =	vmul.f32 v4, v53  }
0x10a: {  	[tilespmem:s16+$0x100] =	vst v6  }
0x10b: {  	[tilespmem:s16+$0x110] =	vst v4  }
0x10c: {  	v4 =	vld [tilespmem:s17+$0x90];
	_ =	sdelay $0x4  }
0x10d: {  	v55 =	vshll.u32 v4, $0x10  }
0x10e: {  	v4 =	vand.u32 $0xFFFF0000, v4;
	v6 =	vmul.f32 v55, v53  }
0x10f: {  	v4 =	vmul.f32 v4, v53  }
0x110: {  	[tilespmem:s16+$0x120] =	vst v6  }
0x111: {  	[tilespmem:s16+$0x130] =	vst v4  }
0x112: {  	v4 =	vld [tilespmem:s17+$0xA0];
	_ =	sdelay $0x3  }
0x113: {  	v56 =	vbroadcast v3, $0xD  }
0x114: {  	v57 =	vshll.u32 v4, $0x10  }
0x115: {  	v4 =	vand.u32 $0xFFFF0000, v4;
	v6 =	vmul.f32 v57, v56  }
0x116: {  	v4 =	vmul.f32 v4, v56  }
0x117: {  	[tilespmem:s16+$0x140] =	vst v6  }
0x118: {  	[tilespmem:s16+$0x150] =	vst v4  }
0x119: {  	v4 =	vld [tilespmem:s17+$0xB0];
	_ =	sdelay $0x4  }
0x11a: {  	v58 =	vshll.u32 v4, $0x10  }
0x11b: {  	v4 =	vand.u32 $0xFFFF0000, v4;
	v6 =	vmul.f32 v58, v56  }
0x11c: {  	v4 =	vmul.f32 v4, v56  }
0x11d: {  	[tilespmem:s16+$0x160] =	vst v6  }
0x11e: {  	[tilespmem:s16+$0x170] =	vst v4  }
0x11f: {  	v4 =	vld [tilespmem:s17+$0xC0];
	_ =	sdelay $0x3  }
0x120: {  	v59 =	vbroadcast v3, $0xE  }
0x121: {  	v60 =	vshll.u32 v4, $0x10  }
0x122: {  	v4 =	vand.u32 $0xFFFF0000, v4;
	v6 =	vmul.f32 v60, v59  }
0x123: {  	v4 =	vmul.f32 v4, v59  }
0x124: {  	[tilespmem:s16+$0x180] =	vst v6  }
0x125: {  	[tilespmem:s16+$0x190] =	vst v4  }
0x126: {  	v4 =	vld [tilespmem:s17+$0xD0];
	_ =	sdelay $0x4  }
0x127: {  	v61 =	vshll.u32 v4, $0x10  }
0x128: {  	v4 =	vand.u32 $0xFFFF0000, v4;
	v6 =	vmul.f32 v61, v59  }
0x129: {  	v4 =	vmul.f32 v4, v59  }
0x12a: {  	[tilespmem:s16+$0x1A0] =	vst v6  }
0x12b: {  	[tilespmem:s16+$0x1B0] =	vst v4  }
0x12c: {  	v4 =	vld [tilespmem:s17+$0xE0];
	_ =	sdelay $0x3  }
0x12d: {  	v3 =	vbroadcast v3, $0xF  }
0x12e: {  	v62 =	vshll.u32 v4, $0x10  }
0x12f: {  	v4 =	vand.u32 $0xFFFF0000, v4;
	v5 =	vmul.f32 v62, v3  }
0x130: {  	v4 =	vmul.f32 v4, v3  }
0x131: {  	[tilespmem:s16+$0x1C0] =	vst v5  }
0x132: {  	[tilespmem:s16+$0x1D0] =	vst v4  }
0x133: {  	v4 =	vld [tilespmem:s17+$0xF0];
	_ =	sdelay $0x3  }
0x134: {  	p1 =	sne.s32 s0, $0x1C0  }
.Ltmp4:
0x135: {  	v63 =	vshll.u32 v4, $0x10;
	(pc) =	sbr.rel @p1 .LBB2_7-.Ltmp4, $4  }
0x136: {  	v4 =	vand.u32 $0xFFFF0000, v4;
	v5 =	vmul.f32 v63, v3  }
0x137: {  	v3 =	vmul.f32 v4, v3  }
0x138: {  	[tilespmem:s16+$0x1E0] =	vst v5  }
0x139: {  	s0 =	sadd.s32 $0x40, s0;
	s17 =	sadd.s32 $0x200, s17;
	[tilespmem:s16+$0x1F0] =	vst v3;
	s16 =	sadd.s32 $0x400, s16  }
0x13a: {  	p1 =	seq.s32 s29, $0x4E  }
0x13b: {  	s0 =	sshra.s32 @!p1 s2, $0x2  }
0x13c: {  	s16 =	simm.s32 @!p1 $0x80;
	s17 =	simm.s32 @!p1 $0xED00;
	s0 =	sadd.s32 @!p1 $0x100, s0  }
0x13d: {  	[tilespmem:s17], [sflag:$0x1] =	stream.indirect.gather @!p1 [hbm4b:s1+s16], $0x20, s0, s16, $0xb8;
	[tilespmem:$0x1ED00] =	vst v63  }
0x13e: {  	s16 =	sshra.s32 s2, $0x2  }
0x13f: {  	s20 =	sadd.s32 $0x4F00, s16  }
0x140: {  	[spmem:s3] =	stream.indirect.scatter.add.f32 [tilespmem:s18], [sflag:$0x3], $0x40, s20, s19, $0xb8;
	[tilespmem:$0x1ED00] =	vst v63  }
0x141: {  	_ =	swait.ge [sflag:s23], $0x1000  }
0x142: {  	[sflag:s23] =	ssyncset.done $0x0  }
0x143: {  	v2 =	vmov s31;
	s0 =	simm.s32 @!p0 $0x4;
	[sflag:s23] =	ssyncadd.s32 $0xFFFFF000  }
0x144: {  	_ =	swait.ge @!p0 [sflag:s0], $0x2000  }
0x145: {  	s2 =	sor.u32 $0x200, s2;
	s17 =	simm.s32 $0x0;
	[sflag:s0] =	ssyncset.done @!p0 $0x0  }
0x146: {  	s20 =	simm.s32 $0x12F00;
	[sflag:s0] =	ssyncadd.s32 @!p0 $0xFFFFE000;
	s0 =	simm.s32 $0xFE00  }
.LBB2_9:
0x147: {  	s5 =	sshra.s32 s17, $0x2  }
0x148: {  	v3 =	vld.idx.msk [tilespmem:v2+s5+$0x0 ss:$0x1], $0xffff  }
0x149: {  	v4 =	vld [tilespmem:s0+$0xFFFFFF00];
	_ =	sdelay $0x3  }
0x14a: {  	v5 =	vbroadcast v3, $0x0  }
0x14b: {  	v6 =	vshll.u32 v4, $0x10  }
0x14c: {  	v4 =	vand.u32 $0xFFFF0000, v4;
	v6 =	vmul.f32 v6, v5  }
0x14d: {  	v4 =	vmul.f32 v4, v5  }
0x14e: {  	[tilespmem:s20+$0xFFFFFE00] =	vst v6  }
0x14f: {  	[tilespmem:s20+$0xFFFFFE10] =	vst v4  }
0x150: {  	v4 =	vld [tilespmem:s0+$0xFFFFFF10];
	_ =	sdelay $0x4  }
0x151: {  	v19 =	vshll.u32 v4, $0x10  }
0x152: {  	v4 =	vand.u32 $0xFFFF0000, v4;
	v6 =	vmul.f32 v19, v5  }
0x153: {  	v4 =	vmul.f32 v4, v5  }
0x154: {  	[tilespmem:s20+$0xFFFFFE20] =	vst v6  }
0x155: {  	[tilespmem:s20+$0xFFFFFE30] =	vst v4  }
0x156: {  	v4 =	vld [tilespmem:s0+$0xFFFFFF20];
	_ =	sdelay $0x3  }
0x157: {  	v20 =	vbroadcast v3, $0x1  }
0x158: {  	v21 =	vshll.u32 v4, $0x10  }
0x159: {  	v4 =	vand.u32 $0xFFFF0000, v4;
	v6 =	vmul.f32 v21, v20  }
0x15a: {  	v4 =	vmul.f32 v4, v20  }
0x15b: {  	[tilespmem:s20+$0xFFFFFE40] =	vst v6  }
0x15c: {  	[tilespmem:s20+$0xFFFFFE50] =	vst v4  }
0x15d: {  	v4 =	vld [tilespmem:s0+$0xFFFFFF30];
	_ =	sdelay $0x4  }
0x15e: {  	v22 =	vshll.u32 v4, $0x10  }
0x15f: {  	v4 =	vand.u32 $0xFFFF0000, v4;
	v6 =	vmul.f32 v22, v20  }
0x160: {  	v4 =	vmul.f32 v4, v20  }
0x161: {  	[tilespmem:s20+$0xFFFFFE60] =	vst v6  }
0x162: {  	[tilespmem:s20+$0xFFFFFE70] =	vst v4  }
0x163: {  	v4 =	vld [tilespmem:s0+$0xFFFFFF40];
	_ =	sdelay $0x3  }
0x164: {  	v23 =	vbroadcast v3, $0x2  }
0x165: {  	v24 =	vshll.u32 v4, $0x10  }
0x166: {  	v4 =	vand.u32 $0xFFFF0000, v4;
	v6 =	vmul.f32 v24, v23  }
0x167: {  	v4 =	vmul.f32 v4, v23  }
0x168: {  	[tilespmem:s20+$0xFFFFFE80] =	vst v6  }
0x169: {  	[tilespmem:s20+$0xFFFFFE90] =	vst v4  }
0x16a: {  	v4 =	vld [tilespmem:s0+$0xFFFFFF50];
	_ =	sdelay $0x4  }
0x16b: {  	v25 =	vshll.u32 v4, $0x10  }
0x16c: {  	v4 =	vand.u32 $0xFFFF0000, v4;
	v6 =	vmul.f32 v25, v23  }
0x16d: {  	v4 =	vmul.f32 v4, v23  }
0x16e: {  	[tilespmem:s20+$0xFFFFFEA0] =	vst v6  }
0x16f: {  	[tilespmem:s20+$0xFFFFFEB0] =	vst v4  }
0x170: {  	v4 =	vld [tilespmem:s0+$0xFFFFFF60];
	_ =	sdelay $0x3  }
0x171: {  	v26 =	vbroadcast v3, $0x3  }
0x172: {  	v27 =	vshll.u32 v4, $0x10  }
0x173: {  	v4 =	vand.u32 $0xFFFF0000, v4;
	v6 =	vmul.f32 v27, v26  }
0x174: {  	v4 =	vmul.f32 v4, v26  }
0x175: {  	[tilespmem:s20+$0xFFFFFEC0] =	vst v6  }
0x176: {  	[tilespmem:s20+$0xFFFFFED0] =	vst v4  }
0x177: {  	v4 =	vld [tilespmem:s0+$0xFFFFFF70];
	_ =	sdelay $0x4  }
0x178: {  	v28 =	vshll.u32 v4, $0x10  }
0x179: {  	v4 =	vand.u32 $0xFFFF0000, v4;
	v6 =	vmul.f32 v28, v26  }
0x17a: {  	v4 =	vmul.f32 v4, v26  }
0x17b: {  	[tilespmem:s20+$0xFFFFFEE0] =	vst v6  }
0x17c: {  	[tilespmem:s20+$0xFFFFFEF0] =	vst v4  }
0x17d: {  	v4 =	vld [tilespmem:s0+$0xFFFFFF80];
	_ =	sdelay $0x3  }
0x17e: {  	v29 =	vbroadcast v3, $0x4  }
0x17f: {  	v30 =	vshll.u32 v4, $0x10  }
0x180: {  	v4 =	vand.u32 $0xFFFF0000, v4;
	v6 =	vmul.f32 v30, v29  }
0x181: {  	v4 =	vmul.f32 v4, v29  }
0x182: {  	[tilespmem:s20+$0xFFFFFF00] =	vst v6  }
0x183: {  	[tilespmem:s20+$0xFFFFFF10] =	vst v4  }
0x184: {  	v4 =	vld [tilespmem:s0+$0xFFFFFF90];
	_ =	sdelay $0x4  }
0x185: {  	v31 =	vshll.u32 v4, $0x10  }
0x186: {  	v4 =	vand.u32 $0xFFFF0000, v4;
	v6 =	vmul.f32 v31, v29  }
0x187: {  	v4 =	vmul.f32 v4, v29  }
0x188: {  	[tilespmem:s20+$0xFFFFFF20] =	vst v6  }
0x189: {  	[tilespmem:s20+$0xFFFFFF30] =	vst v4  }
0x18a: {  	v4 =	vld [tilespmem:s0+$0xFFFFFFA0];
	_ =	sdelay $0x3  }
0x18b: {  	v32 =	vbroadcast v3, $0x5  }
0x18c: {  	v33 =	vshll.u32 v4, $0x10  }
0x18d: {  	v4 =	vand.u32 $0xFFFF0000, v4;
	v6 =	vmul.f32 v33, v32  }
0x18e: {  	v4 =	vmul.f32 v4, v32  }
0x18f: {  	[tilespmem:s20+$0xFFFFFF40] =	vst v6  }
0x190: {  	[tilespmem:s20+$0xFFFFFF50] =	vst v4  }
0x191: {  	v4 =	vld [tilespmem:s0+$0xFFFFFFB0];
	_ =	sdelay $0x4  }
0x192: {  	v34 =	vshll.u32 v4, $0x10  }
0x193: {  	v4 =	vand.u32 $0xFFFF0000, v4;
	v6 =	vmul.f32 v34, v32  }
0x194: {  	v4 =	vmul.f32 v4, v32  }
0x195: {  	[tilespmem:s20+$0xFFFFFF60] =	vst v6  }
0x196: {  	[tilespmem:s20+$0xFFFFFF70] =	vst v4  }
0x197: {  	v4 =	vld [tilespmem:s0+$0xFFFFFFC0];
	_ =	sdelay $0x3  }
0x198: {  	v35 =	vbroadcast v3, $0x6  }
0x199: {  	v36 =	vshll.u32 v4, $0x10  }
0x19a: {  	v4 =	vand.u32 $0xFFFF0000, v4;
	v6 =	vmul.f32 v36, v35  }
0x19b: {  	v4 =	vmul.f32 v4, v35  }
0x19c: {  	[tilespmem:s20+$0xFFFFFF80] =	vst v6  }
0x19d: {  	[tilespmem:s20+$0xFFFFFF90] =	vst v4  }
0x19e: {  	v4 =	vld [tilespmem:s0+$0xFFFFFFD0];
	_ =	sdelay $0x4  }
0x19f: {  	v37 =	vshll.u32 v4, $0x10  }
0x1a0: {  	v4 =	vand.u32 $0xFFFF0000, v4;
	v6 =	vmul.f32 v37, v35  }
0x1a1: {  	v4 =	vmul.f32 v4, v35  }
0x1a2: {  	[tilespmem:s20+$0xFFFFFFA0] =	vst v6  }
0x1a3: {  	[tilespmem:s20+$0xFFFFFFB0] =	vst v4  }
0x1a4: {  	v4 =	vld [tilespmem:s0+$0xFFFFFFE0];
	_ =	sdelay $0x3  }
0x1a5: {  	v38 =	vbroadcast v3, $0x7  }
0x1a6: {  	v39 =	vshll.u32 v4, $0x10  }
0x1a7: {  	v4 =	vand.u32 $0xFFFF0000, v4;
	v6 =	vmul.f32 v39, v38  }
0x1a8: {  	v4 =	vmul.f32 v4, v38  }
0x1a9: {  	[tilespmem:s20+$0xFFFFFFC0] =	vst v6  }
0x1aa: {  	[tilespmem:s20+$0xFFFFFFD0] =	vst v4  }
0x1ab: {  	v4 =	vld [tilespmem:s0+$0xFFFFFFF0];
	_ =	sdelay $0x4  }
0x1ac: {  	v40 =	vshll.u32 v4, $0x10  }
0x1ad: {  	v4 =	vand.u32 $0xFFFF0000, v4;
	v6 =	vmul.f32 v40, v38  }
0x1ae: {  	v4 =	vmul.f32 v4, v38  }
0x1af: {  	[tilespmem:s20+$0xFFFFFFE0] =	vst v6  }
0x1b0: {  	[tilespmem:s20+$0xFFFFFFF0] =	vst v4  }
0x1b1: {  	v4 =	vld [tilespmem:s0+$0x0];
	_ =	sdelay $0x3  }
0x1b2: {  	v41 =	vbroadcast v3, $0x8  }
0x1b3: {  	v42 =	vshll.u32 v4, $0x10  }
0x1b4: {  	v4 =	vand.u32 $0xFFFF0000, v4;
	v6 =	vmul.f32 v42, v41  }
0x1b5: {  	v4 =	vmul.f32 v4, v41  }
0x1b6: {  	[tilespmem:s20+$0x0] =	vst v6  }
0x1b7: {  	[tilespmem:s20+$0x10] =	vst v4  }
0x1b8: {  	v4 =	vld [tilespmem:s0+$0x10];
	_ =	sdelay $0x4  }
0x1b9: {  	v43 =	vshll.u32 v4, $0x10  }
0x1ba: {  	v4 =	vand.u32 $0xFFFF0000, v4;
	v6 =	vmul.f32 v43, v41  }
0x1bb: {  	v4 =	vmul.f32 v4, v41  }
0x1bc: {  	[tilespmem:s20+$0x20] =	vst v6  }
0x1bd: {  	[tilespmem:s20+$0x30] =	vst v4  }
0x1be: {  	v4 =	vld [tilespmem:s0+$0x20];
	_ =	sdelay $0x3  }
0x1bf: {  	v44 =	vbroadcast v3, $0x9  }
0x1c0: {  	v45 =	vshll.u32 v4, $0x10  }
0x1c1: {  	v4 =	vand.u32 $0xFFFF0000, v4;
	v6 =	vmul.f32 v45, v44  }
0x1c2: {  	v4 =	vmul.f32 v4, v44  }
0x1c3: {  	[tilespmem:s20+$0x40] =	vst v6  }
0x1c4: {  	[tilespmem:s20+$0x50] =	vst v4  }
0x1c5: {  	v4 =	vld [tilespmem:s0+$0x30];
	_ =	sdelay $0x4  }
0x1c6: {  	v46 =	vshll.u32 v4, $0x10  }
0x1c7: {  	v4 =	vand.u32 $0xFFFF0000, v4;
	v6 =	vmul.f32 v46, v44  }
0x1c8: {  	v4 =	vmul.f32 v4, v44  }
0x1c9: {  	[tilespmem:s20+$0x60] =	vst v6  }
0x1ca: {  	[tilespmem:s20+$0x70] =	vst v4  }
0x1cb: {  	v4 =	vld [tilespmem:s0+$0x40];
	_ =	sdelay $0x3  }
0x1cc: {  	v47 =	vbroadcast v3, $0xA  }
0x1cd: {  	v48 =	vshll.u32 v4, $0x10  }
0x1ce: {  	v4 =	vand.u32 $0xFFFF0000, v4;
	v6 =	vmul.f32 v48, v47  }
0x1cf: {  	v4 =	vmul.f32 v4, v47  }
0x1d0: {  	[tilespmem:s20+$0x80] =	vst v6  }
0x1d1: {  	[tilespmem:s20+$0x90] =	vst v4  }
0x1d2: {  	v4 =	vld [tilespmem:s0+$0x50];
	_ =	sdelay $0x4  }
0x1d3: {  	v49 =	vshll.u32 v4, $0x10  }
0x1d4: {  	v4 =	vand.u32 $0xFFFF0000, v4;
	v6 =	vmul.f32 v49, v47  }
0x1d5: {  	v4 =	vmul.f32 v4, v47  }
0x1d6: {  	[tilespmem:s20+$0xA0] =	vst v6  }
0x1d7: {  	[tilespmem:s20+$0xB0] =	vst v4  }
0x1d8: {  	v4 =	vld [tilespmem:s0+$0x60];
	_ =	sdelay $0x3  }
0x1d9: {  	v50 =	vbroadcast v3, $0xB  }
0x1da: {  	v51 =	vshll.u32 v4, $0x10  }
0x1db: {  	v4 =	vand.u32 $0xFFFF0000, v4;
	v6 =	vmul.f32 v51, v50  }
0x1dc: {  	v4 =	vmul.f32 v4, v50  }
0x1dd: {  	[tilespmem:s20+$0xC0] =	vst v6  }
0x1de: {  	[tilespmem:s20+$0xD0] =	vst v4  }
0x1df: {  	v4 =	vld [tilespmem:s0+$0x70];
	_ =	sdelay $0x4  }
0x1e0: {  	v52 =	vshll.u32 v4, $0x10  }
0x1e1: {  	v4 =	vand.u32 $0xFFFF0000, v4;
	v6 =	vmul.f32 v52, v50  }
0x1e2: {  	v4 =	vmul.f32 v4, v50  }
0x1e3: {  	[tilespmem:s20+$0xE0] =	vst v6  }
0x1e4: {  	[tilespmem:s20+$0xF0] =	vst v4  }
0x1e5: {  	v4 =	vld [tilespmem:s0+$0x80];
	_ =	sdelay $0x3  }
0x1e6: {  	v53 =	vbroadcast v3, $0xC  }
0x1e7: {  	v54 =	vshll.u32 v4, $0x10  }
0x1e8: {  	v4 =	vand.u32 $0xFFFF0000, v4;
	v6 =	vmul.f32 v54, v53  }
0x1e9: {  	v4 =	vmul.f32 v4, v53  }
0x1ea: {  	[tilespmem:s20+$0x100] =	vst v6  }
0x1eb: {  	[tilespmem:s20+$0x110] =	vst v4  }
0x1ec: {  	v4 =	vld [tilespmem:s0+$0x90];
	_ =	sdelay $0x4  }
0x1ed: {  	v55 =	vshll.u32 v4, $0x10  }
0x1ee: {  	v4 =	vand.u32 $0xFFFF0000, v4;
	v6 =	vmul.f32 v55, v53  }
0x1ef: {  	v4 =	vmul.f32 v4, v53  }
0x1f0: {  	[tilespmem:s20+$0x120] =	vst v6  }
0x1f1: {  	[tilespmem:s20+$0x130] =	vst v4  }
0x1f2: {  	v4 =	vld [tilespmem:s0+$0xA0];
	_ =	sdelay $0x3  }
0x1f3: {  	v56 =	vbroadcast v3, $0xD  }
0x1f4: {  	v57 =	vshll.u32 v4, $0x10  }
0x1f5: {  	v4 =	vand.u32 $0xFFFF0000, v4;
	v6 =	vmul.f32 v57, v56  }
0x1f6: {  	v4 =	vmul.f32 v4, v56  }
0x1f7: {  	[tilespmem:s20+$0x140] =	vst v6  }
0x1f8: {  	[tilespmem:s20+$0x150] =	vst v4  }
0x1f9: {  	v4 =	vld [tilespmem:s0+$0xB0];
	_ =	sdelay $0x4  }
0x1fa: {  	v58 =	vshll.u32 v4, $0x10  }
0x1fb: {  	v4 =	vand.u32 $0xFFFF0000, v4;
	v6 =	vmul.f32 v58, v56  }
0x1fc: {  	v4 =	vmul.f32 v4, v56  }
0x1fd: {  	[tilespmem:s20+$0x160] =	vst v6  }
0x1fe: {  	[tilespmem:s20+$0x170] =	vst v4  }
0x1ff: {  	v4 =	vld [tilespmem:s0+$0xC0];
	_ =	sdelay $0x3  }
0x200: {  	v59 =	vbroadcast v3, $0xE  }
0x201: {  	v60 =	vshll.u32 v4, $0x10  }
0x202: {  	v4 =	vand.u32 $0xFFFF0000, v4;
	v6 =	vmul.f32 v60, v59  }
0x203: {  	v4 =	vmul.f32 v4, v59  }
0x204: {  	[tilespmem:s20+$0x180] =	vst v6  }
0x205: {  	[tilespmem:s20+$0x190] =	vst v4  }
0x206: {  	v4 =	vld [tilespmem:s0+$0xD0];
	_ =	sdelay $0x4  }
0x207: {  	v61 =	vshll.u32 v4, $0x10  }
0x208: {  	v4 =	vand.u32 $0xFFFF0000, v4;
	v6 =	vmul.f32 v61, v59  }
0x209: {  	v4 =	vmul.f32 v4, v59  }
0x20a: {  	[tilespmem:s20+$0x1A0] =	vst v6  }
0x20b: {  	[tilespmem:s20+$0x1B0] =	vst v4  }
0x20c: {  	v4 =	vld [tilespmem:s0+$0xE0];
	_ =	sdelay $0x3  }
0x20d: {  	v3 =	vbroadcast v3, $0xF  }
0x20e: {  	v62 =	vshll.u32 v4, $0x10  }
0x20f: {  	v4 =	vand.u32 $0xFFFF0000, v4;
	v5 =	vmul.f32 v62, v3  }
0x210: {  	v4 =	vmul.f32 v4, v3  }
0x211: {  	[tilespmem:s20+$0x1C0] =	vst v5  }
0x212: {  	[tilespmem:s20+$0x1D0] =	vst v4  }
0x213: {  	v4 =	vld [tilespmem:s0+$0xF0];
	_ =	sdelay $0x3  }
0x214: {  	p0 =	sne.s32 s17, $0x1C0  }
.Ltmp5:
0x215: {  	v63 =	vshll.u32 v4, $0x10;
	(pc) =	sbr.rel @p0 .LBB2_9-.Ltmp5, $4  }
0x216: {  	v4 =	vand.u32 $0xFFFF0000, v4;
	v5 =	vmul.f32 v63, v3  }
0x217: {  	v3 =	vmul.f32 v4, v3  }
0x218: {  	[tilespmem:s20+$0x1E0] =	vst v5  }
0x219: {  	s17 =	sadd.s32 $0x40, s17;
	s0 =	sadd.s32 $0x200, s0;
	[tilespmem:s20+$0x1F0] =	vst v3;
	s20 =	sadd.s32 $0x400, s20  }
.Ltmp6:
0x21a: {  	(pc) =	sbr.rel @p1 .LBB2_12-.Ltmp6, $3  }
0x21b: {  	_ =	sdelay $0x1  }
0x21c: {  	s0 =	sshra.s32 s2, $0x2  }
0x21d: {  	s0 =	sadd.s32 $0x4F00, s0  }
.Ltmp7:
0x21e: {  	(pc) =	sbr.rel .LBB2_6-.Ltmp7, $4  }
0x21f: {  	s2 =	sadd.s32 $0x180, s16  }
0x220: {  	[tilespmem:s21], [sflag:$0x2] =	stream.indirect.gather [hbm4b:s1+s19], $0x20, s2, s19, $0xb8;
	[tilespmem:$0x1ED00] =	vst v63  }
0x221: {  	s29 =	sadd.s32 $0x1, s29;
	s30 =	sadd.s32 $0x100, s30;
	s31 =	sadd.s32 $0x100, s31  }
0x222: {  	[spmem:s3] =	stream.indirect.scatter.add.f32 [tilespmem:s24], [sflag:$0x4], $0x40, s0, s19, $0xb8;
	[tilespmem:$0x1ED00] =	vst v63  }
.LBB2_13:
0x223: {  	_ =	sfence.sel $0x180000  }
0x224: {  	[bflag:$0x0] =	sbarrier.arrive $0xFFFF  }
0x225: {  	_ =	strace $0x90000047  }
0x226: {  	s0 =	stileid.u32;
	[bflag:$0x2] =	sbarrier.arrive $0xFFFF  }
0x227: {  	p0 =	sne.s32 s0, $0x0;
	s0 =	rddreg [dreg:$0x3]  }
0x228: {  	s0 =	sadd.s32 @!p0 $0x100000, s0  }
0x229: {  	[sflag:s0] =	ssyncadd.tile.s32 @!p0 $0x1;
	_ =	shalt  }
.Lfunc_end2:
_tile_overlayer_lowered:
.L_overlay_start_2:
0x22a: {  	(tag) =	ssettag $0x2  }
0x22b: {  	s0 =	rddreg [dreg:$0x0];
	s2 =	stileid.u32  }
0x22c: {  	s1 =	rddreg [dreg:$0x1];
	p0 =	sne.s32 s2, $0x0  }
0x22d: {  	s3 =	rddreg [dreg:$0x2];
	[bflag:$0x3] =	sbarrier.arrive $0xFFFF;
	s2 =	simm.s32 @!p0 $0x1C05  }
0x22e: {  	[timem:s3], [sflag:s2] =	dma.local @!p0 [hbm:s0], s1  }
0x22f: {  	s0 =	simm.s32 @!p0 $0x5  }
0x230: {  	_ =	swait.ge @!p0 [sflag:s0], s1  }
0x231: {  	s1 =	ssub.s32 @!p0 $0x0, s1;
	[sflag:s0] =	ssyncset.done @!p0 $0x0  }
0x232: {  	[sflag:s0] =	ssyncadd.s32 @!p0 s1  }
0x233: {  	[bflag:$0x3] =	sbarrier.arrive $0xFFFF  }
0x234: {  	_ =	shalt  }

</sc_bundles>
